<compile_context>
chip_gen: v7x
topology: tpu7x:2x2x1
jax: 0.10.2.dev20260603
libtpu: 0.0.44.dev20260713+nightly
codegen_flags: <defaults>
</compile_context>

<pallas_src>
import functools

import jax
import jax.numpy as jnp
from jax import lax
from jax.experimental import pallas as pl
from jax.experimental.pallas import tpu as pltpu
from jax.experimental.pallas import tpu_sc as plsc

_K = 64
_NS = 16
_NC = 2
_L = 16
_NB = 1024
_R0, _R1, _R2 = 0, _L * _NB, 2 * _L * _NB


def _find_bucket(merged, csum, rem):
    nchunk = _NB // _L

    def fc_body(t, carry):
        acc, sel, selacc = carry
        ci = nchunk - 1 - t
        sv = csum[ci]
        hit = (sel < 0) & (acc + sv >= rem)
        sel = jnp.where(hit, ci, sel)
        selacc = jnp.where(hit, acc, selacc)
        return acc + sv, sel, selacc

    _, sel, selacc = lax.fori_loop(
        0, nchunk, fc_body,
        (jnp.int32(0), jnp.int32(-1), jnp.int32(0)))

    chunkv = merged[pl.ds(sel * _L, _L)]
    b_star = jnp.int32(-1)
    above = jnp.int32(0)
    acc = selacc
    for l in range(_L - 1, -1, -1):
        sv = chunkv[l]
        hit = (b_star < 0) & (acc + sv >= rem)
        b_star = jnp.where(hit, sel * _L + l, b_star)
        above = jnp.where(hit, acc, above)
        acc = acc + sv
    return b_star, above


def _sc_body(x_hbm, out_hbm, ubuf, hist, merged, cand, csum,
             sh0, sh1, sh2, shcnt, dmasem, *, n, kk):
    seg = n // _NS
    half = seg // _NC
    nvec = seg // _L
    cid = lax.axis_index("c")
    sid = lax.axis_index("s")
    base = sid * seg
    lane = lax.iota(jnp.int32, _L)
    ones = jnp.ones((_L,), jnp.int32)
    zeros16 = jnp.zeros((_L,), jnp.int32)

    cp = pltpu.async_copy(x_hbm.at[pl.ds(base, seg)], ubuf, dmasem)

    @plsc.parallel_loop(0, 3 * _NB, unroll=8)
    def _(j):
        hist[pl.ds(j * _L, _L)] = zeros16

    cp.wait()

    def lane_reduce(region, with_sums=False):
        @plsc.parallel_loop(0, _NB // _L, unroll=4)
        def _(j):
            acc = hist[pl.ds(region + j * _L, _L)]
            for l in range(1, _L):
                acc = acc + hist[pl.ds(region + l * _NB + j * _L, _L)]
            merged[pl.ds(j * _L, _L)] = acc
            if with_sums:
                csum[j] = jnp.sum(acc)

    def merge_round(sh, region):
        lane_reduce(region)
        pltpu.sync_copy(merged.at[pl.ds(0, _NB)], sh.at[pl.ds(sid * _NB, _NB)])
        plsc.subcore_barrier()
        pltpu.sync_copy(sh, hist.at[pl.ds(region, _NS * _NB)])
        lane_reduce(region, with_sums=True)

    @plsc.parallel_loop(0, nvec, unroll=8)
    def _(i):
        w = ubuf[pl.ds(i * _L, _L)]
        u = jnp.maximum(w, 0)
        ubuf[pl.ds(i * _L, _L)] = u
        b = lax.shift_right_logical(u, 21)
        plsc.addupdate_scatter(hist, [_R0 + lane * _NB + b], ones)

    merge_round(sh0, _R0)
    b0, above0 = _find_bucket(merged, csum, jnp.int32(kk))
    rem1 = kk - above0

    neg1 = jnp.full((_L,), -1, jnp.int32)
    c1_base = half + _L

    def compact(lo, hi, o_init):
        @plsc.parallel_loop(lo, hi, unroll=8, carry=jnp.int32(o_init))
        def o_fin(i, o):
            u = ubuf[pl.ds(i * _L, _L)]
            m = lax.shift_right_logical(u, 21) == b0
            plsc.store_compressed(cand.at[pl.ds(o, _L)], u, mask=m)
            return o + plsc.all_reduce_population_count(m)[0]
        cand[pl.ds(o_fin, _L)] = neg1
        return o_fin

    o0 = compact(0, half // _L, 0)
    o1 = compact(half // _L, nvec, c1_base)
    nv0 = (o0 + _L - 1) // _L
    nv1 = (o1 - c1_base + _L - 1) // _L

    def cand_scan(nv, cbase, body):
        @plsc.parallel_loop(0, nv, unroll=2)
        def _(i):
            body(cand[pl.ds(cbase + i * _L, _L)])

    def r1_body(u):
        m = lax.shift_right_logical(u, 21) == b0
        b = lax.shift_right_logical(u, 11) & (_NB - 1)
        plsc.addupdate_scatter(hist, [_R1 + lane * _NB + b], ones, mask=m)

    cand_scan(nv0, 0, r1_body)
    cand_scan(nv1, c1_base, r1_body)
    merge_round(sh1, _R1)
    b1, above1 = _find_bucket(merged, csum, rem1)
    p2 = (b0 << 10) | b1
    rem2 = rem1 - above1

    def r2_body(u):
        m = lax.shift_right_logical(u, 11) == p2
        b = lax.shift_right_logical(u, 1) & (_NB - 1)
        plsc.addupdate_scatter(hist, [_R2 + lane * _NB + b], ones, mask=m)

    cand_scan(nv0, 0, r2_body)
    cand_scan(nv1, c1_base, r2_body)
    merge_round(sh2, _R2)
    b2, above2 = _find_bucket(merged, csum, rem2)
    t0_bits = (((p2 << 10) | b2) << 1)
    t1_bits = t0_bits | 1
    rem3 = rem2 - above2

    def cnt_body(nv, cbase):
        @plsc.parallel_loop(0, nv, unroll=2, carry=(zeros16, zeros16))
        def accs(i, carry):
            a0, a1 = carry
            u = cand[pl.ds(cbase + i * _L, _L)]
            return (a0 + (u == t0_bits).astype(jnp.int32),
                    a1 + (u == t1_bits).astype(jnp.int32))
        a0, a1 = accs
        return jnp.sum(a0), jnp.sum(a1)

    n0_t0, n0_t1 = cnt_body(nv0, 0)
    n1_t0, n1_t1 = cnt_body(nv1, c1_base)
    row = jnp.where(lane == 0, n0_t0,
                    jnp.where(lane == 1, n1_t0,
                              jnp.where(lane == 2, n0_t1,
                                        jnp.where(lane == 3, n1_t1, 0))))
    merged[pl.ds(0, _L)] = row
    pltpu.sync_copy(merged.at[pl.ds(0, _L)], shcnt.at[pl.ds(sid * _L, _L)])
    plsc.subcore_barrier()
    pltpu.sync_copy(shcnt, hist.at[pl.ds(0, _NS * _L)])

    c_t1 = jnp.int32(0)
    for sp in range(_NS):
        rowv = hist[pl.ds(sp * _L, _L)]
        c_t1 = c_t1 + rowv[2] + rowv[3]
    use_t1 = rem3 <= c_t1
    t_bits = jnp.where(use_t1, t1_bits, t0_bits)
    e_keep = jnp.where(use_t1, rem3, rem3 - c_t1)

    h_own = 2 * sid + cid
    pre = jnp.int32(0)
    for sp in range(_NS):
        rowv = hist[pl.ds(sp * _L, _L)]
        a = jnp.where(use_t1, rowv[2], rowv[0])
        b = jnp.where(use_t1, rowv[3], rowv[1])
        pre = pre + jnp.where(2 * sp < h_own, a, 0)
        pre = pre + jnp.where(2 * sp + 1 < h_own, b, 0)
    n_own = jnp.where(cid == 0,
                      jnp.where(use_t1, n0_t1, n0_t0),
                      jnp.where(use_t1, n1_t1, n1_t0))
    quota = jnp.clip(e_keep - pre, 0, n_own)

    off = cid * half

    @pl.when(quota == n_own)
    def _():
        @plsc.parallel_loop(0, half // _L, unroll=8)
        def _(i):
            u = ubuf[pl.ds(off + i * _L, _L)]
            ubuf[pl.ds(off + i * _L, _L)] = jnp.where(u >= t_bits, u, 0)

    @pl.when(jnp.logical_and(quota == 0, n_own > 0))
    def _():
        @plsc.parallel_loop(0, half // _L, unroll=8)
        def _(i):
            u = ubuf[pl.ds(off + i * _L, _L)]
            ubuf[pl.ds(off + i * _L, _L)] = jnp.where(u > t_bits, u, 0)

    @pl.when(jnp.logical_and(quota > 0, quota < n_own))
    def _():
        def sb(i, running):
            u = ubuf[pl.ds(off + i * _L, _L)]
            eq = (u == t_bits).astype(jnp.int32)
            csum_v = plsc.cumsum(eq)
            rank = running + csum_v - eq
            keep = (u > t_bits) | ((eq == 1) & (rank < quota))
            ubuf[pl.ds(off + i * _L, _L)] = jnp.where(keep, u, 0)
            return running + csum_v[_L - 1]
        lax.fori_loop(0, half // _L, sb, jnp.int32(0))

    pltpu.sync_copy(ubuf.at[pl.ds(off, half)],
                    out_hbm.at[pl.ds(base + off, half)])


def _make_sc_call(n, kk):
    seg = n // _NS
    mesh = plsc.VectorSubcoreMesh(core_axis_name="c", subcore_axis_name="s",
                                  num_cores=_NC, num_subcores=_NS)
    return pl.kernel(
        functools.partial(_sc_body, n=n, kk=kk),
        out_type=jax.ShapeDtypeStruct((n,), jnp.int32),
        mesh=mesh,
        compiler_params=pltpu.CompilerParams(needs_layout_passes=False),
        scratch_types=[
            pltpu.VMEM((seg,), jnp.int32),
            pltpu.VMEM((3 * _L * _NB,), jnp.int32),
            pltpu.VMEM((_NB,), jnp.int32),
            pltpu.VMEM((seg + 2 * _L,), jnp.int32),
            pltpu.SMEM((_NB // _L,), jnp.int32),
            pltpu.VMEM_SHARED((_NS * _NB,), jnp.int32),
            pltpu.VMEM_SHARED((_NS * _NB,), jnp.int32),
            pltpu.VMEM_SHARED((_NS * _NB,), jnp.int32),
            pltpu.VMEM_SHARED((_NS * _L,), jnp.int32),
            pltpu.SemaphoreType.DMA,
        ],
    )


def kernel(x):
    n = x.size
    kk = _K * x.shape[0]
    xi = lax.bitcast_convert_type(x.reshape(-1), jnp.int32)
    out = _make_sc_call(n, kk)(xi)
    return lax.bitcast_convert_type(out, jnp.float32).reshape(x.shape)

# --- scband reference (transcript-rebuilt; emitter-appended) ---
"""Pipeline reference for scband-batch-top-k-39771397161119 (READ-ONLY COPY).

The authoritative reference and input builder live on the scoring server;
editing this copy changes nothing except your own understanding.
"""

import jax, jax.numpy as jnp
import numpy as np

K = 64

def setup_inputs(seed: int = 0) -> dict:
    key = jax.random.key(seed)
    x = jax.random.normal(key, (64, 8192), dtype=jnp.float32)
    return {"x": x}

def reference(x):
    acts = jax.nn.relu(x)
    flat = acts.reshape(-1)
    kk = K * acts.shape[0]
    vals, idx = jax.lax.top_k(flat, kk)
    out = jnp.zeros_like(flat).at[idx].set(vals)
    return out.reshape(acts.shape)

if __name__ == "__main__":
    import jax
    _d = setup_inputs()
    print(jax.jit(kernel)(*tuple(_d.values())))

</pallas_src>

<mosaic_0001>
#map = affine_map<(d0, d1) -> (0)>
module attributes {stable_mosaic.version = 14 : i64} {
  func.func @_sc_body(%arg0: i32, %arg1: i32, %arg2: memref<524288xi32, #tpu.memory_space<hbm>>, %arg3: memref<524288xi32, #tpu.memory_space<hbm>>, %arg4: memref<32768xi32, #tpu.memory_space<vmem>>, %arg5: memref<49152xi32, #tpu.memory_space<vmem>>, %arg6: memref<1024xi32, #tpu.memory_space<vmem>>, %arg7: memref<32800xi32, #tpu.memory_space<vmem>>, %arg8: memref<64xi32, #tpu.memory_space<smem>>, %arg9: memref<16384xi32, #tpu.memory_space<vmem_shared>>, %arg10: memref<16384xi32, #tpu.memory_space<vmem_shared>>, %arg11: memref<16384xi32, #tpu.memory_space<vmem_shared>>, %arg12: memref<256xi32, #tpu.memory_space<vmem_shared>>, %arg13: memref<!tpu.dma_semaphore, #tpu.memory_space<semaphore_mem>>) attributes {dimension_semantics = [#tpu.dimension_semantics<core_parallel>, #tpu.dimension_semantics<subcore_parallel>], iteration_bounds = array<i64: 2, 16>, scalar_prefetch = 0 : i64, scratch_operands = 10 : i64, tpu.core_type = #tpu.core_type<sc_vector_subcore>, window_params = [{transform_indices = #map}, {transform_indices = #map}]} {
    %mul3A = arith.constant 32768 : i32
    %mul3A_0 = arith.muli %arg1, %mul3A : i32
    %iota3A = tpu.iota {dimensions = array<i32: 0>} : vector<16xi32>
    %broadcast_in_dim3A = arith.constant 1 : i32
    %broadcast_in_dim3A_1 = vector.broadcast %broadcast_in_dim3A : i32 to vector<16xi32>
    %broadcast_in_dim3A_2 = arith.constant 0 : i32
    %broadcast_in_dim3A_3 = vector.broadcast %broadcast_in_dim3A_2 : i32 to vector<16xi32>
    %dma_start3A = tpu.memref_slice %arg2[%mul3A_0] : memref<524288xi32, #tpu.memory_space<hbm>> -> memref<32768xi32, #tpu.memory_space<hbm>>
    %dma_start3A_4 = tpu.memref_slice %arg2[%mul3A_0] : memref<524288xi32, #tpu.memory_space<hbm>> -> memref<32768xi32, #tpu.memory_space<hbm>>
    tpu.enqueue_dma source(%dma_start3A_4 : memref<32768xi32, #tpu.memory_space<hbm>>) target(%arg4 : memref<32768xi32, #tpu.memory_space<vmem>>) target_semaphore(%arg13 : memref<!tpu.dma_semaphore, #tpu.memory_space<semaphore_mem>>)
    %parallel_loop3A = arith.constant 0 : i32
    %parallel_loop3A_5 = arith.constant 3072 : i32
    %parallel_loop3A_6 = arith.constant 1 : i32
    scf.for %parallel_loop3A_1413 = %parallel_loop3A to %parallel_loop3A_5 step %parallel_loop3A_6  : i32 {
      %parallel_loop3A_1414 = arith.constant 16 : i32
      %parallel_loop3A_1415 = arith.muli %parallel_loop3A_1413, %parallel_loop3A_1414 : i32
      %parallel_loop3A_1416 = arith.index_cast %parallel_loop3A_1415 : i32 to index
      %parallel_loop3A_1417 = tpu.vector_load %arg5[%parallel_loop3A_1416] {strides = array<i32>} : memref<49152xi32, #tpu.memory_space<vmem>>, vector<16xi32>,
      tpu.vector_store %arg5[%parallel_loop3A_1416], %broadcast_in_dim3A_3 {strides = array<i32>} : memref<49152xi32, #tpu.memory_space<vmem>>, vector<16xi32>,
    } {sc.loop_unroll_factor = 8 : i64, sc.parallel_access}
    %dma_wait3A = tpu.memref_slice %arg2[%mul3A_0] : memref<524288xi32, #tpu.memory_space<hbm>> -> memref<32768xi32, #tpu.memory_space<hbm>>
    %dma_wait3A_7 = tpu.memref_slice %arg2[%mul3A_0] : memref<524288xi32, #tpu.memory_space<hbm>> -> memref<32768xi32, #tpu.memory_space<hbm>>
    tpu.wait_dma2 semaphore(%arg13 : memref<!tpu.dma_semaphore, #tpu.memory_space<semaphore_mem>>) src(%dma_wait3A_7 : memref<32768xi32, #tpu.memory_space<hbm>>) dst(%arg4 : memref<32768xi32, #tpu.memory_space<vmem>>)
    %parallel_loop3A_8 = arith.constant 0 : i32
    %parallel_loop3A_9 = arith.constant 2048 : i32
    %parallel_loop3A_10 = arith.constant 1 : i32
    scf.for %parallel_loop3A_1413 = %parallel_loop3A_8 to %parallel_loop3A_9 step %parallel_loop3A_10  : i32 {
      %parallel_loop3A_1414 = arith.constant 16 : i32
      %parallel_loop3A_1415 = arith.muli %parallel_loop3A_1413, %parallel_loop3A_1414 : i32
      %parallel_loop3A_1416 = arith.index_cast %parallel_loop3A_1415 : i32 to index
      %parallel_loop3A_1417 = tpu.vector_load %arg4[%parallel_loop3A_1416] {strides = array<i32>} : memref<32768xi32, #tpu.memory_space<vmem>>, vector<16xi32>,
      %parallel_loop3A_1418 = arith.constant 0 : i32
      %parallel_loop3A_1419 = vector.broadcast %parallel_loop3A_1418 : i32 to vector<16xi32>
      %parallel_loop3A_1420 = arith.maxsi %parallel_loop3A_1417, %parallel_loop3A_1419 : vector<16xi32>
      %parallel_loop3A_1421 = arith.constant 16 : i32
      %parallel_loop3A_1422 = arith.muli %parallel_loop3A_1413, %parallel_loop3A_1421 : i32
      %parallel_loop3A_1423 = arith.index_cast %parallel_loop3A_1422 : i32 to index
      %parallel_loop3A_1424 = tpu.vector_load %arg4[%parallel_loop3A_1423] {strides = array<i32>} : memref<32768xi32, #tpu.memory_space<vmem>>, vector<16xi32>,
      tpu.vector_store %arg4[%parallel_loop3A_1423], %parallel_loop3A_1420 {strides = array<i32>} : memref<32768xi32, #tpu.memory_space<vmem>>, vector<16xi32>,
      %parallel_loop3A_1425 = arith.constant 21 : i32
      %parallel_loop3A_1426 = vector.broadcast %parallel_loop3A_1425 : i32 to vector<16xi32>
      %parallel_loop3A_1427 = arith.shrui %parallel_loop3A_1420, %parallel_loop3A_1426 : vector<16xi32>
      %parallel_loop3A_1428 = arith.constant 1024 : i32
      %parallel_loop3A_1429 = vector.broadcast %parallel_loop3A_1428 : i32 to vector<16xi32>
      %parallel_loop3A_1430 = arith.muli %iota3A, %parallel_loop3A_1429 : vector<16xi32>
      %parallel_loop3A_1431 = arith.constant 0 : i32
      %parallel_loop3A_1432 = vector.broadcast %parallel_loop3A_1431 : i32 to vector<16xi32>
      %parallel_loop3A_1433 = arith.addi %parallel_loop3A_1432, %parallel_loop3A_1430 : vector<16xi32>
      %parallel_loop3A_1434 = arith.addi %parallel_loop3A_1433, %parallel_loop3A_1427 : vector<16xi32>
      tpu.vector_store_idx %arg5[%parallel_loop3A_1434], %broadcast_in_dim3A_1 {add = true} : memref<49152xi32, #tpu.memory_space<vmem>>[vector<16xi32>], vector<16xi32>,
    } {sc.loop_unroll_factor = 8 : i64, sc.parallel_access}
    %parallel_loop3A_11 = arith.constant 0 : i32
    %parallel_loop3A_12 = arith.constant 64 : i32
    %parallel_loop3A_13 = arith.constant 1 : i32
    scf.for %parallel_loop3A_1413 = %parallel_loop3A_11 to %parallel_loop3A_12 step %parallel_loop3A_13  : i32 {
      %parallel_loop3A_1414 = arith.constant 16 : i32
      %parallel_loop3A_1415 = arith.muli %parallel_loop3A_1413, %parallel_loop3A_1414 : i32
      %parallel_loop3A_1416 = arith.constant 0 : i32
      %parallel_loop3A_1417 = arith.addi %parallel_loop3A_1416, %parallel_loop3A_1415 : i32
      %parallel_loop3A_1418 = arith.index_cast %parallel_loop3A_1417 : i32 to index
      %parallel_loop3A_1419 = tpu.vector_load %arg5[%parallel_loop3A_1418] {strides = array<i32>} : memref<49152xi32, #tpu.memory_space<vmem>>, vector<16xi32>,
      %parallel_loop3A_1420 = arith.constant 16 : i32
      %parallel_loop3A_1421 = arith.muli %parallel_loop3A_1413, %parallel_loop3A_1420 : i32
      %parallel_loop3A_1422 = arith.constant 1024 : i32
      %parallel_loop3A_1423 = arith.addi %parallel_loop3A_1422, %parallel_loop3A_1421 : i32
      %parallel_loop3A_1424 = arith.index_cast %parallel_loop3A_1423 : i32 to index
      %parallel_loop3A_1425 = tpu.vector_load %arg5[%parallel_loop3A_1424] {strides = array<i32>} : memref<49152xi32, #tpu.memory_space<vmem>>, vector<16xi32>,
      %parallel_loop3A_1426 = arith.addi %parallel_loop3A_1419, %parallel_loop3A_1425 : vector<16xi32>
      %parallel_loop3A_1427 = arith.constant 16 : i32
      %parallel_loop3A_1428 = arith.muli %parallel_loop3A_1413, %parallel_loop3A_1427 : i32
      %parallel_loop3A_1429 = arith.constant 2048 : i32
      %parallel_loop3A_1430 = arith.addi %parallel_loop3A_1429, %parallel_loop3A_1428 : i32
      %parallel_loop3A_1431 = arith.index_cast %parallel_loop3A_1430 : i32 to index
      %parallel_loop3A_1432 = tpu.vector_load %arg5[%parallel_loop3A_1431] {strides = array<i32>} : memref<49152xi32, #tpu.memory_space<vmem>>, vector<16xi32>,
      %parallel_loop3A_1433 = arith.addi %parallel_loop3A_1426, %parallel_loop3A_1432 : vector<16xi32>
      %parallel_loop3A_1434 = arith.constant 16 : i32
      %parallel_loop3A_1435 = arith.muli %parallel_loop3A_1413, %parallel_loop3A_1434 : i32
      %parallel_loop3A_1436 = arith.constant 3072 : i32
      %parallel_loop3A_1437 = arith.addi %parallel_loop3A_1436, %parallel_loop3A_1435 : i32
      %parallel_loop3A_1438 = arith.index_cast %parallel_loop3A_1437 : i32 to index
      %parallel_loop3A_1439 = tpu.vector_load %arg5[%parallel_loop3A_1438] {strides = array<i32>} : memref<49152xi32, #tpu.memory_space<vmem>>, vector<16xi32>,
      %parallel_loop3A_1440 = arith.addi %parallel_loop3A_1433, %parallel_loop3A_1439 : vector<16xi32>
      %parallel_loop3A_1441 = arith.constant 16 : i32
      %parallel_loop3A_1442 = arith.muli %parallel_loop3A_1413, %parallel_loop3A_1441 : i32
      %parallel_loop3A_1443 = arith.constant 4096 : i32
      %parallel_loop3A_1444 = arith.addi %parallel_loop3A_1443, %parallel_loop3A_1442 : i32
      %parallel_loop3A_1445 = arith.index_cast %parallel_loop3A_1444 : i32 to index
      %parallel_loop3A_1446 = tpu.vector_load %arg5[%parallel_loop3A_1445] {strides = array<i32>} : memref<49152xi32, #tpu.memory_space<vmem>>, vector<16xi32>,
      %parallel_loop3A_1447 = arith.addi %parallel_loop3A_1440, %parallel_loop3A_1446 : vector<16xi32>
      %parallel_loop3A_1448 = arith.constant 16 : i32
      %parallel_loop3A_1449 = arith.muli %parallel_loop3A_1413, %parallel_loop3A_1448 : i32
      %parallel_loop3A_1450 = arith.constant 5120 : i32
      %parallel_loop3A_1451 = arith.addi %parallel_loop3A_1450, %parallel_loop3A_1449 : i32
      %parallel_loop3A_1452 = arith.index_cast %parallel_loop3A_1451 : i32 to index
      %parallel_loop3A_1453 = tpu.vector_load %arg5[%parallel_loop3A_1452] {strides = array<i32>} : memref<49152xi32, #tpu.memory_space<vmem>>, vector<16xi32>,
      %parallel_loop3A_1454 = arith.addi %parallel_loop3A_1447, %parallel_loop3A_1453 : vector<16xi32>
      %parallel_loop3A_1455 = arith.constant 16 : i32
      %parallel_loop3A_1456 = arith.muli %parallel_loop3A_1413, %parallel_loop3A_1455 : i32
      %parallel_loop3A_1457 = arith.constant 6144 : i32
      %parallel_loop3A_1458 = arith.addi %parallel_loop3A_1457, %parallel_loop3A_1456 : i32
      %parallel_loop3A_1459 = arith.index_cast %parallel_loop3A_1458 : i32 to index
      %parallel_loop3A_1460 = tpu.vector_load %arg5[%parallel_loop3A_1459] {strides = array<i32>} : memref<49152xi32, #tpu.memory_space<vmem>>, vector<16xi32>,
      %parallel_loop3A_1461 = arith.addi %parallel_loop3A_1454, %parallel_loop3A_1460 : vector<16xi32>
      %parallel_loop3A_1462 = arith.constant 16 : i32
      %parallel_loop3A_1463 = arith.muli %parallel_loop3A_1413, %parallel_loop3A_1462 : i32
      %parallel_loop3A_1464 = arith.constant 7168 : i32
      %parallel_loop3A_1465 = arith.addi %parallel_loop3A_1464, %parallel_loop3A_1463 : i32
      %parallel_loop3A_1466 = arith.index_cast %parallel_loop3A_1465 : i32 to index
      %parallel_loop3A_1467 = tpu.vector_load %arg5[%parallel_loop3A_1466] {strides = array<i32>} : memref<49152xi32, #tpu.memory_space<vmem>>, vector<16xi32>,
      %parallel_loop3A_1468 = arith.addi %parallel_loop3A_1461, %parallel_loop3A_1467 : vector<16xi32>
      %parallel_loop3A_1469 = arith.constant 16 : i32
      %parallel_loop3A_1470 = arith.muli %parallel_loop3A_1413, %parallel_loop3A_1469 : i32
      %parallel_loop3A_1471 = arith.constant 8192 : i32
      %parallel_loop3A_1472 = arith.addi %parallel_loop3A_1471, %parallel_loop3A_1470 : i32
      %parallel_loop3A_1473 = arith.index_cast %parallel_loop3A_1472 : i32 to index
      %parallel_loop3A_1474 = tpu.vector_load %arg5[%parallel_loop3A_1473] {strides = array<i32>} : memref<49152xi32, #tpu.memory_space<vmem>>, vector<16xi32>,
      %parallel_loop3A_1475 = arith.addi %parallel_loop3A_1468, %parallel_loop3A_1474 : vector<16xi32>
      %parallel_loop3A_1476 = arith.constant 16 : i32
      %parallel_loop3A_1477 = arith.muli %parallel_loop3A_1413, %parallel_loop3A_1476 : i32
      %parallel_loop3A_1478 = arith.constant 9216 : i32
      %parallel_loop3A_1479 = arith.addi %parallel_loop3A_1478, %parallel_loop3A_1477 : i32
      %parallel_loop3A_1480 = arith.index_cast %parallel_loop3A_1479 : i32 to index
      %parallel_loop3A_1481 = tpu.vector_load %arg5[%parallel_loop3A_1480] {strides = array<i32>} : memref<49152xi32, #tpu.memory_space<vmem>>, vector<16xi32>,
      %parallel_loop3A_1482 = arith.addi %parallel_loop3A_1475, %parallel_loop3A_1481 : vector<16xi32>
      %parallel_loop3A_1483 = arith.constant 16 : i32
      %parallel_loop3A_1484 = arith.muli %parallel_loop3A_1413, %parallel_loop3A_1483 : i32
      %parallel_loop3A_1485 = arith.constant 10240 : i32
      %parallel_loop3A_1486 = arith.addi %parallel_loop3A_1485, %parallel_loop3A_1484 : i32
      %parallel_loop3A_1487 = arith.index_cast %parallel_loop3A_1486 : i32 to index
      %parallel_loop3A_1488 = tpu.vector_load %arg5[%parallel_loop3A_1487] {strides = array<i32>} : memref<49152xi32, #tpu.memory_space<vmem>>, vector<16xi32>,
      %parallel_loop3A_1489 = arith.addi %parallel_loop3A_1482, %parallel_loop3A_1488 : vector<16xi32>
      %parallel_loop3A_1490 = arith.constant 16 : i32
      %parallel_loop3A_1491 = arith.muli %parallel_loop3A_1413, %parallel_loop3A_1490 : i32
      %parallel_loop3A_1492 = arith.constant 11264 : i32
      %parallel_loop3A_1493 = arith.addi %parallel_loop3A_1492, %parallel_loop3A_1491 : i32
      %parallel_loop3A_1494 = arith.index_cast %parallel_loop3A_1493 : i32 to index
      %parallel_loop3A_1495 = tpu.vector_load %arg5[%parallel_loop3A_1494] {strides = array<i32>} : memref<49152xi32, #tpu.memory_space<vmem>>, vector<16xi32>,
      %parallel_loop3A_1496 = arith.addi %parallel_loop3A_1489, %parallel_loop3A_1495 : vector<16xi32>
      %parallel_loop3A_1497 = arith.constant 16 : i32
      %parallel_loop3A_1498 = arith.muli %parallel_loop3A_1413, %parallel_loop3A_1497 : i32
      %parallel_loop3A_1499 = arith.constant 12288 : i32
      %parallel_loop3A_1500 = arith.addi %parallel_loop3A_1499, %parallel_loop3A_1498 : i32
      %parallel_loop3A_1501 = arith.index_cast %parallel_loop3A_1500 : i32 to index
      %parallel_loop3A_1502 = tpu.vector_load %arg5[%parallel_loop3A_1501] {strides = array<i32>} : memref<49152xi32, #tpu.memory_space<vmem>>, vector<16xi32>,
      %parallel_loop3A_1503 = arith.addi %parallel_loop3A_1496, %parallel_loop3A_1502 : vector<16xi32>
      %parallel_loop3A_1504 = arith.constant 16 : i32
      %parallel_loop3A_1505 = arith.muli %parallel_loop3A_1413, %parallel_loop3A_1504 : i32
      %parallel_loop3A_1506 = arith.constant 13312 : i32
      %parallel_loop3A_1507 = arith.addi %parallel_loop3A_1506, %parallel_loop3A_1505 : i32
      %parallel_loop3A_1508 = arith.index_cast %parallel_loop3A_1507 : i32 to index
      %parallel_loop3A_1509 = tpu.vector_load %arg5[%parallel_loop3A_1508] {strides = array<i32>} : memref<49152xi32, #tpu.memory_space<vmem>>, vector<16xi32>,
      %parallel_loop3A_1510 = arith.addi %parallel_loop3A_1503, %parallel_loop3A_1509 : vector<16xi32>
      %parallel_loop3A_1511 = arith.constant 16 : i32
      %parallel_loop3A_1512 = arith.muli %parallel_loop3A_1413, %parallel_loop3A_1511 : i32
      %parallel_loop3A_1513 = arith.constant 14336 : i32
      %parallel_loop3A_1514 = arith.addi %parallel_loop3A_1513, %parallel_loop3A_1512 : i32
      %parallel_loop3A_1515 = arith.index_cast %parallel_loop3A_1514 : i32 to index
      %parallel_loop3A_1516 = tpu.vector_load %arg5[%parallel_loop3A_1515] {strides = array<i32>} : memref<49152xi32, #tpu.memory_space<vmem>>, vector<16xi32>,
      %parallel_loop3A_1517 = arith.addi %parallel_loop3A_1510, %parallel_loop3A_1516 : vector<16xi32>
      %parallel_loop3A_1518 = arith.constant 16 : i32
      %parallel_loop3A_1519 = arith.muli %parallel_loop3A_1413, %parallel_loop3A_1518 : i32
      %parallel_loop3A_1520 = arith.constant 15360 : i32
      %parallel_loop3A_1521 = arith.addi %parallel_loop3A_1520, %parallel_loop3A_1519 : i32
      %parallel_loop3A_1522 = arith.index_cast %parallel_loop3A_1521 : i32 to index
      %parallel_loop3A_1523 = tpu.vector_load %arg5[%parallel_loop3A_1522] {strides = array<i32>} : memref<49152xi32, #tpu.memory_space<vmem>>, vector<16xi32>,
      %parallel_loop3A_1524 = arith.addi %parallel_loop3A_1517, %parallel_loop3A_1523 : vector<16xi32>
      %parallel_loop3A_1525 = arith.constant 16 : i32
      %parallel_loop3A_1526 = arith.muli %parallel_loop3A_1413, %parallel_loop3A_1525 : i32
      %parallel_loop3A_1527 = arith.index_cast %parallel_loop3A_1526 : i32 to index
      %parallel_loop3A_1528 = tpu.vector_load %arg6[%parallel_loop3A_1527] {strides = array<i32>} : memref<1024xi32, #tpu.memory_space<vmem>>, vector<16xi32>,
      tpu.vector_store %arg6[%parallel_loop3A_1527], %parallel_loop3A_1524 {strides = array<i32>} : memref<1024xi32, #tpu.memory_space<vmem>>, vector<16xi32>,
    } {sc.loop_unroll_factor = 4 : i64, sc.parallel_access}
    %mul3A_14 = arith.constant 1024 : i32
    %mul3A_15 = arith.muli %arg1, %mul3A_14 : i32
    "tpu.region"() ({
      %run_scoped3A = tpu.sem_alloc : memref<!tpu.dma_semaphore, #tpu.memory_space<semaphore_mem>>
      %dma_start3A_1413 = arith.constant 0 : i32
      %dma_start3A_1414 = tpu.memref_slice %arg6[%dma_start3A_1413] : memref<1024xi32, #tpu.memory_space<vmem>> -> memref<1024xi32, #tpu.memory_space<vmem>>
      %dma_start3A_1415 = tpu.memref_slice %arg9[%mul3A_15] : memref<16384xi32, #tpu.memory_space<vmem_shared>> -> memref<1024xi32, #tpu.memory_space<vmem_shared>>
      %dma_start3A_1416 = tpu.memref_slice %arg9[%mul3A_15] : memref<16384xi32, #tpu.memory_space<vmem_shared>> -> memref<1024xi32, #tpu.memory_space<vmem_shared>>
      %dma_start3A_1417 = arith.constant 0 : i32
      %dma_start3A_1418 = tpu.memref_slice %arg6[%dma_start3A_1417] : memref<1024xi32, #tpu.memory_space<vmem>> -> memref<1024xi32, #tpu.memory_space<vmem>>
      tpu.enqueue_dma source(%dma_start3A_1418 : memref<1024xi32, #tpu.memory_space<vmem>>) target(%dma_start3A_1416 : memref<1024xi32, #tpu.memory_space<vmem_shared>>) target_semaphore(%run_scoped3A : memref<!tpu.dma_semaphore, #tpu.memory_space<semaphore_mem>>)
      %dma_wait3A_1419 = arith.constant 0 : i32
      %dma_wait3A_1420 = tpu.memref_slice %arg6[%dma_wait3A_1419] : memref<1024xi32, #tpu.memory_space<vmem>> -> memref<1024xi32, #tpu.memory_space<vmem>>
      %dma_wait3A_1421 = tpu.memref_slice %arg9[%mul3A_15] : memref<16384xi32, #tpu.memory_space<vmem_shared>> -> memref<1024xi32, #tpu.memory_space<vmem_shared>>
      %dma_wait3A_1422 = tpu.memref_slice %arg9[%mul3A_15] : memref<16384xi32, #tpu.memory_space<vmem_shared>> -> memref<1024xi32, #tpu.memory_space<vmem_shared>>
      %dma_wait3A_1423 = arith.constant 0 : i32
      %dma_wait3A_1424 = tpu.memref_slice %arg6[%dma_wait3A_1423] : memref<1024xi32, #tpu.memory_space<vmem>> -> memref<1024xi32, #tpu.memory_space<vmem>>
      tpu.wait_dma2 semaphore(%run_scoped3A : memref<!tpu.dma_semaphore, #tpu.memory_space<semaphore_mem>>) src(%dma_wait3A_1424 : memref<1024xi32, #tpu.memory_space<vmem>>) dst(%dma_wait3A_1422 : memref<1024xi32, #tpu.memory_space<vmem_shared>>)
      tpu.yield
    }) : () -> ()
    %barrier3A = arith.constant 0 : index
    tpu.barrier barrier_id(%barrier3A)
    "tpu.region"() ({
      %run_scoped3A = tpu.sem_alloc : memref<!tpu.dma_semaphore, #tpu.memory_space<semaphore_mem>>
      %dma_start3A_1413 = arith.constant 0 : i32
      %dma_start3A_1414 = tpu.memref_slice %arg5[%dma_start3A_1413] : memref<49152xi32, #tpu.memory_space<vmem>> -> memref<16384xi32, #tpu.memory_space<vmem>>
      %dma_start3A_1415 = arith.constant 0 : i32
      %dma_start3A_1416 = tpu.memref_slice %arg5[%dma_start3A_1415] : memref<49152xi32, #tpu.memory_space<vmem>> -> memref<16384xi32, #tpu.memory_space<vmem>>
      tpu.enqueue_dma source(%arg9 : memref<16384xi32, #tpu.memory_space<vmem_shared>>) target(%dma_start3A_1416 : memref<16384xi32, #tpu.memory_space<vmem>>) target_semaphore(%run_scoped3A : memref<!tpu.dma_semaphore, #tpu.memory_space<semaphore_mem>>)
      %dma_wait3A_1417 = arith.constant 0 : i32
      %dma_wait3A_1418 = tpu.memref_slice %arg5[%dma_wait3A_1417] : memref<49152xi32, #tpu.memory_space<vmem>> -> memref<16384xi32, #tpu.memory_space<vmem>>
      %dma_wait3A_1419 = arith.constant 0 : i32
      %dma_wait3A_1420 = tpu.memref_slice %arg5[%dma_wait3A_1419] : memref<49152xi32, #tpu.memory_space<vmem>> -> memref<16384xi32, #tpu.memory_space<vmem>>
      tpu.wait_dma2 semaphore(%run_scoped3A : memref<!tpu.dma_semaphore, #tpu.memory_space<semaphore_mem>>) src(%arg9 : memref<16384xi32, #tpu.memory_space<vmem_shared>>) dst(%dma_wait3A_1420 : memref<16384xi32, #tpu.memory_space<vmem>>)
      tpu.yield
    }) : () -> ()
    %parallel_loop3A_16 = arith.constant 0 : i32
    %parallel_loop3A_17 = arith.constant 64 : i32
    %parallel_loop3A_18 = arith.constant 1 : i32
    scf.for %parallel_loop3A_1413 = %parallel_loop3A_16 to %parallel_loop3A_17 step %parallel_loop3A_18  : i32 {
      %parallel_loop3A_1414 = arith.constant 16 : i32
      %parallel_loop3A_1415 = arith.muli %parallel_loop3A_1413, %parallel_loop3A_1414 : i32
      %parallel_loop3A_1416 = arith.constant 0 : i32
      %parallel_loop3A_1417 = arith.addi %parallel_loop3A_1416, %parallel_loop3A_1415 : i32
      %parallel_loop3A_1418 = arith.index_cast %parallel_loop3A_1417 : i32 to index
      %parallel_loop3A_1419 = tpu.vector_load %arg5[%parallel_loop3A_1418] {strides = array<i32>} : memref<49152xi32, #tpu.memory_space<vmem>>, vector<16xi32>,
      %parallel_loop3A_1420 = arith.constant 16 : i32
      %parallel_loop3A_1421 = arith.muli %parallel_loop3A_1413, %parallel_loop3A_1420 : i32
      %parallel_loop3A_1422 = arith.constant 1024 : i32
      %parallel_loop3A_1423 = arith.addi %parallel_loop3A_1422, %parallel_loop3A_1421 : i32
      %parallel_loop3A_1424 = arith.index_cast %parallel_loop3A_1423 : i32 to index
      %parallel_loop3A_1425 = tpu.vector_load %arg5[%parallel_loop3A_1424] {strides = array<i32>} : memref<49152xi32, #tpu.memory_space<vmem>>, vector<16xi32>,
      %parallel_loop3A_1426 = arith.addi %parallel_loop3A_1419, %parallel_loop3A_1425 : vector<16xi32>
      %parallel_loop3A_1427 = arith.constant 16 : i32
      %parallel_loop3A_1428 = arith.muli %parallel_loop3A_1413, %parallel_loop3A_1427 : i32
      %parallel_loop3A_1429 = arith.constant 2048 : i32
      %parallel_loop3A_1430 = arith.addi %parallel_loop3A_1429, %parallel_loop3A_1428 : i32
      %parallel_loop3A_1431 = arith.index_cast %parallel_loop3A_1430 : i32 to index
      %parallel_loop3A_1432 = tpu.vector_load %arg5[%parallel_loop3A_1431] {strides = array<i32>} : memref<49152xi32, #tpu.memory_space<vmem>>, vector<16xi32>,
      %parallel_loop3A_1433 = arith.addi %parallel_loop3A_1426, %parallel_loop3A_1432 : vector<16xi32>
      %parallel_loop3A_1434 = arith.constant 16 : i32
      %parallel_loop3A_1435 = arith.muli %parallel_loop3A_1413, %parallel_loop3A_1434 : i32
      %parallel_loop3A_1436 = arith.constant 3072 : i32
      %parallel_loop3A_1437 = arith.addi %parallel_loop3A_1436, %parallel_loop3A_1435 : i32
      %parallel_loop3A_1438 = arith.index_cast %parallel_loop3A_1437 : i32 to index
      %parallel_loop3A_1439 = tpu.vector_load %arg5[%parallel_loop3A_1438] {strides = array<i32>} : memref<49152xi32, #tpu.memory_space<vmem>>, vector<16xi32>,
      %parallel_loop3A_1440 = arith.addi %parallel_loop3A_1433, %parallel_loop3A_1439 : vector<16xi32>
      %parallel_loop3A_1441 = arith.constant 16 : i32
      %parallel_loop3A_1442 = arith.muli %parallel_loop3A_1413, %parallel_loop3A_1441 : i32
      %parallel_loop3A_1443 = arith.constant 4096 : i32
      %parallel_loop3A_1444 = arith.addi %parallel_loop3A_1443, %parallel_loop3A_1442 : i32
      %parallel_loop3A_1445 = arith.index_cast %parallel_loop3A_1444 : i32 to index
      %parallel_loop3A_1446 = tpu.vector_load %arg5[%parallel_loop3A_1445] {strides = array<i32>} : memref<49152xi32, #tpu.memory_space<vmem>>, vector<16xi32>,
      %parallel_loop3A_1447 = arith.addi %parallel_loop3A_1440, %parallel_loop3A_1446 : vector<16xi32>
      %parallel_loop3A_1448 = arith.constant 16 : i32
      %parallel_loop3A_1449 = arith.muli %parallel_loop3A_1413, %parallel_loop3A_1448 : i32
      %parallel_loop3A_1450 = arith.constant 5120 : i32
      %parallel_loop3A_1451 = arith.addi %parallel_loop3A_1450, %parallel_loop3A_1449 : i32
      %parallel_loop3A_1452 = arith.index_cast %parallel_loop3A_1451 : i32 to index
      %parallel_loop3A_1453 = tpu.vector_load %arg5[%parallel_loop3A_1452] {strides = array<i32>} : memref<49152xi32, #tpu.memory_space<vmem>>, vector<16xi32>,
      %parallel_loop3A_1454 = arith.addi %parallel_loop3A_1447, %parallel_loop3A_1453 : vector<16xi32>
      %parallel_loop3A_1455 = arith.constant 16 : i32
      %parallel_loop3A_1456 = arith.muli %parallel_loop3A_1413, %parallel_loop3A_1455 : i32
      %parallel_loop3A_1457 = arith.constant 6144 : i32
      %parallel_loop3A_1458 = arith.addi %parallel_loop3A_1457, %parallel_loop3A_1456 : i32
      %parallel_loop3A_1459 = arith.index_cast %parallel_loop3A_1458 : i32 to index
      %parallel_loop3A_1460 = tpu.vector_load %arg5[%parallel_loop3A_1459] {strides = array<i32>} : memref<49152xi32, #tpu.memory_space<vmem>>, vector<16xi32>,
      %parallel_loop3A_1461 = arith.addi %parallel_loop3A_1454, %parallel_loop3A_1460 : vector<16xi32>
      %parallel_loop3A_1462 = arith.constant 16 : i32
      %parallel_loop3A_1463 = arith.muli %parallel_loop3A_1413, %parallel_loop3A_1462 : i32
      %parallel_loop3A_1464 = arith.constant 7168 : i32
      %parallel_loop3A_1465 = arith.addi %parallel_loop3A_1464, %parallel_loop3A_1463 : i32
      %parallel_loop3A_1466 = arith.index_cast %parallel_loop3A_1465 : i32 to index
      %parallel_loop3A_1467 = tpu.vector_load %arg5[%parallel_loop3A_1466] {strides = array<i32>} : memref<49152xi32, #tpu.memory_space<vmem>>, vector<16xi32>,
      %parallel_loop3A_1468 = arith.addi %parallel_loop3A_1461, %parallel_loop3A_1467 : vector<16xi32>
      %parallel_loop3A_1469 = arith.constant 16 : i32
      %parallel_loop3A_1470 = arith.muli %parallel_loop3A_1413, %parallel_loop3A_1469 : i32
      %parallel_loop3A_1471 = arith.constant 8192 : i32
      %parallel_loop3A_1472 = arith.addi %parallel_loop3A_1471, %parallel_loop3A_1470 : i32
      %parallel_loop3A_1473 = arith.index_cast %parallel_loop3A_1472 : i32 to index
      %parallel_loop3A_1474 = tpu.vector_load %arg5[%parallel_loop3A_1473] {strides = array<i32>} : memref<49152xi32, #tpu.memory_space<vmem>>, vector<16xi32>,
      %parallel_loop3A_1475 = arith.addi %parallel_loop3A_1468, %parallel_loop3A_1474 : vector<16xi32>
      %parallel_loop3A_1476 = arith.constant 16 : i32
      %parallel_loop3A_1477 = arith.muli %parallel_loop3A_1413, %parallel_loop3A_1476 : i32
      %parallel_loop3A_1478 = arith.constant 9216 : i32
      %parallel_loop3A_1479 = arith.addi %parallel_loop3A_1478, %parallel_loop3A_1477 : i32
      %parallel_loop3A_1480 = arith.index_cast %parallel_loop3A_1479 : i32 to index
      %parallel_loop3A_1481 = tpu.vector_load %arg5[%parallel_loop3A_1480] {strides = array<i32>} : memref<49152xi32, #tpu.memory_space<vmem>>, vector<16xi32>,
      %parallel_loop3A_1482 = arith.addi %parallel_loop3A_1475, %parallel_loop3A_1481 : vector<16xi32>
      %parallel_loop3A_1483 = arith.constant 16 : i32
      %parallel_loop3A_1484 = arith.muli %parallel_loop3A_1413, %parallel_loop3A_1483 : i32
      %parallel_loop3A_1485 = arith.constant 10240 : i32
      %parallel_loop3A_1486 = arith.addi %parallel_loop3A_1485, %parallel_loop3A_1484 : i32
      %parallel_loop3A_1487 = arith.index_cast %parallel_loop3A_1486 : i32 to index
      %parallel_loop3A_1488 = tpu.vector_load %arg5[%parallel_loop3A_1487] {strides = array<i32>} : memref<49152xi32, #tpu.memory_space<vmem>>, vector<16xi32>,
      %parallel_loop3A_1489 = arith.addi %parallel_loop3A_1482, %parallel_loop3A_1488 : vector<16xi32>
      %parallel_loop3A_1490 = arith.constant 16 : i32
      %parallel_loop3A_1491 = arith.muli %parallel_loop3A_1413, %parallel_loop3A_1490 : i32
      %parallel_loop3A_1492 = arith.constant 11264 : i32
      %parallel_loop3A_1493 = arith.addi %parallel_loop3A_1492, %parallel_loop3A_1491 : i32
      %parallel_loop3A_1494 = arith.index_cast %parallel_loop3A_1493 : i32 to index
      %parallel_loop3A_1495 = tpu.vector_load %arg5[%parallel_loop3A_1494] {strides = array<i32>} : memref<49152xi32, #tpu.memory_space<vmem>>, vector<16xi32>,
      %parallel_loop3A_1496 = arith.addi %parallel_loop3A_1489, %parallel_loop3A_1495 : vector<16xi32>
      %parallel_loop3A_1497 = arith.constant 16 : i32
      %parallel_loop3A_1498 = arith.muli %parallel_loop3A_1413, %parallel_loop3A_1497 : i32
      %parallel_loop3A_1499 = arith.constant 12288 : i32
      %parallel_loop3A_1500 = arith.addi %parallel_loop3A_1499, %parallel_loop3A_1498 : i32
      %parallel_loop3A_1501 = arith.index_cast %parallel_loop3A_1500 : i32 to index
      %parallel_loop3A_1502 = tpu.vector_load %arg5[%parallel_loop3A_1501] {strides = array<i32>} : memref<49152xi32, #tpu.memory_space<vmem>>, vector<16xi32>,
      %parallel_loop3A_1503 = arith.addi %parallel_loop3A_1496, %parallel_loop3A_1502 : vector<16xi32>
      %parallel_loop3A_1504 = arith.constant 16 : i32
      %parallel_loop3A_1505 = arith.muli %parallel_loop3A_1413, %parallel_loop3A_1504 : i32
      %parallel_loop3A_1506 = arith.constant 13312 : i32
      %parallel_loop3A_1507 = arith.addi %parallel_loop3A_1506, %parallel_loop3A_1505 : i32
      %parallel_loop3A_1508 = arith.index_cast %parallel_loop3A_1507 : i32 to index
      %parallel_loop3A_1509 = tpu.vector_load %arg5[%parallel_loop3A_1508] {strides = array<i32>} : memref<49152xi32, #tpu.memory_space<vmem>>, vector<16xi32>,
      %parallel_loop3A_1510 = arith.addi %parallel_loop3A_1503, %parallel_loop3A_1509 : vector<16xi32>
      %parallel_loop3A_1511 = arith.constant 16 : i32
      %parallel_loop3A_1512 = arith.muli %parallel_loop3A_1413, %parallel_loop3A_1511 : i32
      %parallel_loop3A_1513 = arith.constant 14336 : i32
      %parallel_loop3A_1514 = arith.addi %parallel_loop3A_1513, %parallel_loop3A_1512 : i32
      %parallel_loop3A_1515 = arith.index_cast %parallel_loop3A_1514 : i32 to index
      %parallel_loop3A_1516 = tpu.vector_load %arg5[%parallel_loop3A_1515] {strides = array<i32>} : memref<49152xi32, #tpu.memory_space<vmem>>, vector<16xi32>,
      %parallel_loop3A_1517 = arith.addi %parallel_loop3A_1510, %parallel_loop3A_1516 : vector<16xi32>
      %parallel_loop3A_1518 = arith.constant 16 : i32
      %parallel_loop3A_1519 = arith.muli %parallel_loop3A_1413, %parallel_loop3A_1518 : i32
      %parallel_loop3A_1520 = arith.constant 15360 : i32
      %parallel_loop3A_1521 = arith.addi %parallel_loop3A_1520, %parallel_loop3A_1519 : i32
      %parallel_loop3A_1522 = arith.index_cast %parallel_loop3A_1521 : i32 to index
      %parallel_loop3A_1523 = tpu.vector_load %arg5[%parallel_loop3A_1522] {strides = array<i32>} : memref<49152xi32, #tpu.memory_space<vmem>>, vector<16xi32>,
      %parallel_loop3A_1524 = arith.addi %parallel_loop3A_1517, %parallel_loop3A_1523 : vector<16xi32>
      %parallel_loop3A_1525 = arith.constant 16 : i32
      %parallel_loop3A_1526 = arith.muli %parallel_loop3A_1413, %parallel_loop3A_1525 : i32
      %parallel_loop3A_1527 = arith.index_cast %parallel_loop3A_1526 : i32 to index
      %parallel_loop3A_1528 = tpu.vector_load %arg6[%parallel_loop3A_1527] {strides = array<i32>} : memref<1024xi32, #tpu.memory_space<vmem>>, vector<16xi32>,
      tpu.vector_store %arg6[%parallel_loop3A_1527], %parallel_loop3A_1524 {strides = array<i32>} : memref<1024xi32, #tpu.memory_space<vmem>>, vector<16xi32>,
      %parallel_loop3A_1529 = arith.constant true
      %parallel_loop3A_1530 = vector.broadcast %parallel_loop3A_1529 : i1 to vector<16xi1>
      %parallel_loop3A_1531 = tpu.scan <sum>, %parallel_loop3A_1524 masked %parallel_loop3A_1530 : vector<16xi32>, vector<16xi1> -> vector<16xi32>
      %parallel_loop3A_1532 = vector.extract %parallel_loop3A_1531[15] : i32 from vector<16xi32>
      %parallel_loop3A_1533 = arith.index_cast %parallel_loop3A_1413 : i32 to index
      %parallel_loop3A_1534 = memref.load %arg8[%parallel_loop3A_1533] : memref<64xi32, #tpu.memory_space<smem>>
      memref.store %parallel_loop3A_1532, %arg8[%parallel_loop3A_1533] : memref<64xi32, #tpu.memory_space<smem>>
    } {sc.loop_unroll_factor = 4 : i64, sc.parallel_access}
    %scan3A = arith.constant 4096 : i32
    %scan3A_19 = arith.constant 0 : i32
    %scan3A_20 = arith.constant -1 : i32
    %scan3A_21 = arith.constant 0 : i32
    %scan3A_22 = arith.constant 0 : i32
    %scan3A_23 = arith.constant 64 : i32
    %scan3A_24 = arith.addi %scan3A_22, %scan3A_23 : i32
    %scan3A_25 = arith.constant 1 : i32
    %scan3A_26:3 = scf.for %scan3A_1413 = %scan3A_22 to %scan3A_24 step %scan3A_25 iter_args(%scan3A_1414 = %scan3A_19, %scan3A_1415 = %scan3A_20, %scan3A_1416 = %scan3A_21) -> (i32, i32, i32)  : i32 {
      %sub3A_1417 = arith.constant 63 : i32
      %sub3A_1418 = arith.subi %sub3A_1417, %scan3A_1413 : i32
      %get3A_1419 = arith.index_cast %sub3A_1418 : i32 to index
      %get3A_1420 = memref.load %arg8[%get3A_1419] : memref<64xi32, #tpu.memory_space<smem>>
      %lt3A_1421 = arith.constant 0 : i32
      %lt3A_1422 = arith.cmpi slt, %scan3A_1415, %lt3A_1421 : i32
      %add3A_1423 = arith.addi %scan3A_1414, %get3A_1420 : i32
      %ge3A_1424 = arith.cmpi sge, %add3A_1423, %scan3A : i32
      %and3A_1425 = arith.andi %lt3A_1422, %ge3A_1424 : i1
      %select_n3A_1426 = arith.select %and3A_1425, %sub3A_1418, %scan3A_1415 : i32
      %select_n3A_1427 = arith.select %and3A_1425, %scan3A_1414, %scan3A_1416 : i32
      %add3A_1428 = arith.addi %scan3A_1414, %get3A_1420 : i32
      scf.yield %add3A_1428, %select_n3A_1426, %select_n3A_1427 : i32, i32, i32
    }
    %scan3A_27 = arith.constant 64 : i32
    %mul3A_28 = arith.constant 16 : i32
    %mul3A_29 = arith.muli %scan3A_26#1, %mul3A_28 : i32
    %get3A = arith.index_cast %mul3A_29 : i32 to index
    %get3A_30 = tpu.vector_load %arg6[%get3A] {strides = array<i32>} : memref<1024xi32, #tpu.memory_space<vmem>>, vector<16xi32>,
    %slice3A = vector.extract_strided_slice %get3A_30 {offsets = [15], sizes = [1], strides = [1]} : vector<16xi32> to vector<1xi32>
    %squeeze3A = vector.extract %slice3A[0] : i32 from vector<1xi32>
    %lt3A = arith.constant -1 : i32
    %lt3A_31 = arith.constant 0 : i32
    %lt3A_32 = arith.cmpi slt, %lt3A, %lt3A_31 : i32
    %add3A = arith.addi %scan3A_26#2, %squeeze3A : i32
    %ge3A = arith.constant 4096 : i32
    %ge3A_33 = arith.cmpi sge, %add3A, %ge3A : i32
    %and3A = arith.andi %lt3A_32, %ge3A_33 : i1
    %mul3A_34 = arith.constant 16 : i32
    %mul3A_35 = arith.muli %scan3A_26#1, %mul3A_34 : i32
    %add3A_36 = arith.constant 15 : i32
    %add3A_37 = arith.addi %mul3A_35, %add3A_36 : i32
    %jit3A = arith.constant -1 : i32
    %select_n3A = arith.select %and3A, %add3A_37, %jit3A : i32
    %jit3A_38 = arith.constant 0 : i32
    %select_n3A_39 = arith.select %and3A, %scan3A_26#2, %jit3A_38 : i32
    %add3A_40 = arith.addi %scan3A_26#2, %squeeze3A : i32
    %slice3A_41 = vector.extract_strided_slice %get3A_30 {offsets = [14], sizes = [1], strides = [1]} : vector<16xi32> to vector<1xi32>
    %squeeze3A_42 = vector.extract %slice3A_41[0] : i32 from vector<1xi32>
    %lt3A_43 = arith.constant 0 : i32
    %lt3A_44 = arith.cmpi slt, %select_n3A, %lt3A_43 : i32
    %add3A_45 = arith.addi %add3A_40, %squeeze3A_42 : i32
    %ge3A_46 = arith.constant 4096 : i32
    %ge3A_47 = arith.cmpi sge, %add3A_45, %ge3A_46 : i32
    %and3A_48 = arith.andi %lt3A_44, %ge3A_47 : i1
    %mul3A_49 = arith.constant 16 : i32
    %mul3A_50 = arith.muli %scan3A_26#1, %mul3A_49 : i32
    %add3A_51 = arith.constant 14 : i32
    %add3A_52 = arith.addi %mul3A_50, %add3A_51 : i32
    %select_n3A_53 = arith.select %and3A_48, %add3A_52, %select_n3A : i32
    %select_n3A_54 = arith.select %and3A_48, %add3A_40, %select_n3A_39 : i32
    %add3A_55 = arith.addi %add3A_40, %squeeze3A_42 : i32
    %slice3A_56 = vector.extract_strided_slice %get3A_30 {offsets = [13], sizes = [1], strides = [1]} : vector<16xi32> to vector<1xi32>
    %squeeze3A_57 = vector.extract %slice3A_56[0] : i32 from vector<1xi32>
    %lt3A_58 = arith.constant 0 : i32
    %lt3A_59 = arith.cmpi slt, %select_n3A_53, %lt3A_58 : i32
    %add3A_60 = arith.addi %add3A_55, %squeeze3A_57 : i32
    %ge3A_61 = arith.constant 4096 : i32
    %ge3A_62 = arith.cmpi sge, %add3A_60, %ge3A_61 : i32
    %and3A_63 = arith.andi %lt3A_59, %ge3A_62 : i1
    %mul3A_64 = arith.constant 16 : i32
    %mul3A_65 = arith.muli %scan3A_26#1, %mul3A_64 : i32
    %add3A_66 = arith.constant 13 : i32
    %add3A_67 = arith.addi %mul3A_65, %add3A_66 : i32
    %select_n3A_68 = arith.select %and3A_63, %add3A_67, %select_n3A_53 : i32
    %select_n3A_69 = arith.select %and3A_63, %add3A_55, %select_n3A_54 : i32
    %add3A_70 = arith.addi %add3A_55, %squeeze3A_57 : i32
    %slice3A_71 = vector.extract_strided_slice %get3A_30 {offsets = [12], sizes = [1], strides = [1]} : vector<16xi32> to vector<1xi32>
    %squeeze3A_72 = vector.extract %slice3A_71[0] : i32 from vector<1xi32>
    %lt3A_73 = arith.constant 0 : i32
    %lt3A_74 = arith.cmpi slt, %select_n3A_68, %lt3A_73 : i32
    %add3A_75 = arith.addi %add3A_70, %squeeze3A_72 : i32
    %ge3A_76 = arith.constant 4096 : i32
    %ge3A_77 = arith.cmpi sge, %add3A_75, %ge3A_76 : i32
    %and3A_78 = arith.andi %lt3A_74, %ge3A_77 : i1
    %mul3A_79 = arith.constant 16 : i32
    %mul3A_80 = arith.muli %scan3A_26#1, %mul3A_79 : i32
    %add3A_81 = arith.constant 12 : i32
    %add3A_82 = arith.addi %mul3A_80, %add3A_81 : i32
    %select_n3A_83 = arith.select %and3A_78, %add3A_82, %select_n3A_68 : i32
    %select_n3A_84 = arith.select %and3A_78, %add3A_70, %select_n3A_69 : i32
    %add3A_85 = arith.addi %add3A_70, %squeeze3A_72 : i32
    %slice3A_86 = vector.extract_strided_slice %get3A_30 {offsets = [11], sizes = [1], strides = [1]} : vector<16xi32> to vector<1xi32>
    %squeeze3A_87 = vector.extract %slice3A_86[0] : i32 from vector<1xi32>
    %lt3A_88 = arith.constant 0 : i32
    %lt3A_89 = arith.cmpi slt, %select_n3A_83, %lt3A_88 : i32
    %add3A_90 = arith.addi %add3A_85, %squeeze3A_87 : i32
    %ge3A_91 = arith.constant 4096 : i32
    %ge3A_92 = arith.cmpi sge, %add3A_90, %ge3A_91 : i32
    %and3A_93 = arith.andi %lt3A_89, %ge3A_92 : i1
    %mul3A_94 = arith.constant 16 : i32
    %mul3A_95 = arith.muli %scan3A_26#1, %mul3A_94 : i32
    %add3A_96 = arith.constant 11 : i32
    %add3A_97 = arith.addi %mul3A_95, %add3A_96 : i32
    %select_n3A_98 = arith.select %and3A_93, %add3A_97, %select_n3A_83 : i32
    %select_n3A_99 = arith.select %and3A_93, %add3A_85, %select_n3A_84 : i32
    %add3A_100 = arith.addi %add3A_85, %squeeze3A_87 : i32
    %slice3A_101 = vector.extract_strided_slice %get3A_30 {offsets = [10], sizes = [1], strides = [1]} : vector<16xi32> to vector<1xi32>
    %squeeze3A_102 = vector.extract %slice3A_101[0] : i32 from vector<1xi32>
    %lt3A_103 = arith.constant 0 : i32
    %lt3A_104 = arith.cmpi slt, %select_n3A_98, %lt3A_103 : i32
    %add3A_105 = arith.addi %add3A_100, %squeeze3A_102 : i32
    %ge3A_106 = arith.constant 4096 : i32
    %ge3A_107 = arith.cmpi sge, %add3A_105, %ge3A_106 : i32
    %and3A_108 = arith.andi %lt3A_104, %ge3A_107 : i1
    %mul3A_109 = arith.constant 16 : i32
    %mul3A_110 = arith.muli %scan3A_26#1, %mul3A_109 : i32
    %add3A_111 = arith.constant 10 : i32
    %add3A_112 = arith.addi %mul3A_110, %add3A_111 : i32
    %select_n3A_113 = arith.select %and3A_108, %add3A_112, %select_n3A_98 : i32
    %select_n3A_114 = arith.select %and3A_108, %add3A_100, %select_n3A_99 : i32
    %add3A_115 = arith.addi %add3A_100, %squeeze3A_102 : i32
    %slice3A_116 = vector.extract_strided_slice %get3A_30 {offsets = [9], sizes = [1], strides = [1]} : vector<16xi32> to vector<1xi32>
    %squeeze3A_117 = vector.extract %slice3A_116[0] : i32 from vector<1xi32>
    %lt3A_118 = arith.constant 0 : i32
    %lt3A_119 = arith.cmpi slt, %select_n3A_113, %lt3A_118 : i32
    %add3A_120 = arith.addi %add3A_115, %squeeze3A_117 : i32
    %ge3A_121 = arith.constant 4096 : i32
    %ge3A_122 = arith.cmpi sge, %add3A_120, %ge3A_121 : i32
    %and3A_123 = arith.andi %lt3A_119, %ge3A_122 : i1
    %mul3A_124 = arith.constant 16 : i32
    %mul3A_125 = arith.muli %scan3A_26#1, %mul3A_124 : i32
    %add3A_126 = arith.constant 9 : i32
    %add3A_127 = arith.addi %mul3A_125, %add3A_126 : i32
    %select_n3A_128 = arith.select %and3A_123, %add3A_127, %select_n3A_113 : i32
    %select_n3A_129 = arith.select %and3A_123, %add3A_115, %select_n3A_114 : i32
    %add3A_130 = arith.addi %add3A_115, %squeeze3A_117 : i32
    %slice3A_131 = vector.extract_strided_slice %get3A_30 {offsets = [8], sizes = [1], strides = [1]} : vector<16xi32> to vector<1xi32>
    %squeeze3A_132 = vector.extract %slice3A_131[0] : i32 from vector<1xi32>
    %lt3A_133 = arith.constant 0 : i32
    %lt3A_134 = arith.cmpi slt, %select_n3A_128, %lt3A_133 : i32
    %add3A_135 = arith.addi %add3A_130, %squeeze3A_132 : i32
    %ge3A_136 = arith.constant 4096 : i32
    %ge3A_137 = arith.cmpi sge, %add3A_135, %ge3A_136 : i32
    %and3A_138 = arith.andi %lt3A_134, %ge3A_137 : i1
    %mul3A_139 = arith.constant 16 : i32
    %mul3A_140 = arith.muli %scan3A_26#1, %mul3A_139 : i32
    %add3A_141 = arith.constant 8 : i32
    %add3A_142 = arith.addi %mul3A_140, %add3A_141 : i32
    %select_n3A_143 = arith.select %and3A_138, %add3A_142, %select_n3A_128 : i32
    %select_n3A_144 = arith.select %and3A_138, %add3A_130, %select_n3A_129 : i32
    %add3A_145 = arith.addi %add3A_130, %squeeze3A_132 : i32
    %slice3A_146 = vector.extract_strided_slice %get3A_30 {offsets = [7], sizes = [1], strides = [1]} : vector<16xi32> to vector<1xi32>
    %squeeze3A_147 = vector.extract %slice3A_146[0] : i32 from vector<1xi32>
    %lt3A_148 = arith.constant 0 : i32
    %lt3A_149 = arith.cmpi slt, %select_n3A_143, %lt3A_148 : i32
    %add3A_150 = arith.addi %add3A_145, %squeeze3A_147 : i32
    %ge3A_151 = arith.constant 4096 : i32
    %ge3A_152 = arith.cmpi sge, %add3A_150, %ge3A_151 : i32
    %and3A_153 = arith.andi %lt3A_149, %ge3A_152 : i1
    %mul3A_154 = arith.constant 16 : i32
    %mul3A_155 = arith.muli %scan3A_26#1, %mul3A_154 : i32
    %add3A_156 = arith.constant 7 : i32
    %add3A_157 = arith.addi %mul3A_155, %add3A_156 : i32
    %select_n3A_158 = arith.select %and3A_153, %add3A_157, %select_n3A_143 : i32
    %select_n3A_159 = arith.select %and3A_153, %add3A_145, %select_n3A_144 : i32
    %add3A_160 = arith.addi %add3A_145, %squeeze3A_147 : i32
    %slice3A_161 = vector.extract_strided_slice %get3A_30 {offsets = [6], sizes = [1], strides = [1]} : vector<16xi32> to vector<1xi32>
    %squeeze3A_162 = vector.extract %slice3A_161[0] : i32 from vector<1xi32>
    %lt3A_163 = arith.constant 0 : i32
    %lt3A_164 = arith.cmpi slt, %select_n3A_158, %lt3A_163 : i32
    %add3A_165 = arith.addi %add3A_160, %squeeze3A_162 : i32
    %ge3A_166 = arith.constant 4096 : i32
    %ge3A_167 = arith.cmpi sge, %add3A_165, %ge3A_166 : i32
    %and3A_168 = arith.andi %lt3A_164, %ge3A_167 : i1
    %mul3A_169 = arith.constant 16 : i32
    %mul3A_170 = arith.muli %scan3A_26#1, %mul3A_169 : i32
    %add3A_171 = arith.constant 6 : i32
    %add3A_172 = arith.addi %mul3A_170, %add3A_171 : i32
    %select_n3A_173 = arith.select %and3A_168, %add3A_172, %select_n3A_158 : i32
    %select_n3A_174 = arith.select %and3A_168, %add3A_160, %select_n3A_159 : i32
    %add3A_175 = arith.addi %add3A_160, %squeeze3A_162 : i32
    %slice3A_176 = vector.extract_strided_slice %get3A_30 {offsets = [5], sizes = [1], strides = [1]} : vector<16xi32> to vector<1xi32>
    %squeeze3A_177 = vector.extract %slice3A_176[0] : i32 from vector<1xi32>
    %lt3A_178 = arith.constant 0 : i32
    %lt3A_179 = arith.cmpi slt, %select_n3A_173, %lt3A_178 : i32
    %add3A_180 = arith.addi %add3A_175, %squeeze3A_177 : i32
    %ge3A_181 = arith.constant 4096 : i32
    %ge3A_182 = arith.cmpi sge, %add3A_180, %ge3A_181 : i32
    %and3A_183 = arith.andi %lt3A_179, %ge3A_182 : i1
    %mul3A_184 = arith.constant 16 : i32
    %mul3A_185 = arith.muli %scan3A_26#1, %mul3A_184 : i32
    %add3A_186 = arith.constant 5 : i32
    %add3A_187 = arith.addi %mul3A_185, %add3A_186 : i32
    %select_n3A_188 = arith.select %and3A_183, %add3A_187, %select_n3A_173 : i32
    %select_n3A_189 = arith.select %and3A_183, %add3A_175, %select_n3A_174 : i32
    %add3A_190 = arith.addi %add3A_175, %squeeze3A_177 : i32
    %slice3A_191 = vector.extract_strided_slice %get3A_30 {offsets = [4], sizes = [1], strides = [1]} : vector<16xi32> to vector<1xi32>
    %squeeze3A_192 = vector.extract %slice3A_191[0] : i32 from vector<1xi32>
    %lt3A_193 = arith.constant 0 : i32
    %lt3A_194 = arith.cmpi slt, %select_n3A_188, %lt3A_193 : i32
    %add3A_195 = arith.addi %add3A_190, %squeeze3A_192 : i32
    %ge3A_196 = arith.constant 4096 : i32
    %ge3A_197 = arith.cmpi sge, %add3A_195, %ge3A_196 : i32
    %and3A_198 = arith.andi %lt3A_194, %ge3A_197 : i1
    %mul3A_199 = arith.constant 16 : i32
    %mul3A_200 = arith.muli %scan3A_26#1, %mul3A_199 : i32
    %add3A_201 = arith.constant 4 : i32
    %add3A_202 = arith.addi %mul3A_200, %add3A_201 : i32
    %select_n3A_203 = arith.select %and3A_198, %add3A_202, %select_n3A_188 : i32
    %select_n3A_204 = arith.select %and3A_198, %add3A_190, %select_n3A_189 : i32
    %add3A_205 = arith.addi %add3A_190, %squeeze3A_192 : i32
    %slice3A_206 = vector.extract_strided_slice %get3A_30 {offsets = [3], sizes = [1], strides = [1]} : vector<16xi32> to vector<1xi32>
    %squeeze3A_207 = vector.extract %slice3A_206[0] : i32 from vector<1xi32>
    %lt3A_208 = arith.constant 0 : i32
    %lt3A_209 = arith.cmpi slt, %select_n3A_203, %lt3A_208 : i32
    %add3A_210 = arith.addi %add3A_205, %squeeze3A_207 : i32
    %ge3A_211 = arith.constant 4096 : i32
    %ge3A_212 = arith.cmpi sge, %add3A_210, %ge3A_211 : i32
    %and3A_213 = arith.andi %lt3A_209, %ge3A_212 : i1
    %mul3A_214 = arith.constant 16 : i32
    %mul3A_215 = arith.muli %scan3A_26#1, %mul3A_214 : i32
    %add3A_216 = arith.constant 3 : i32
    %add3A_217 = arith.addi %mul3A_215, %add3A_216 : i32
    %select_n3A_218 = arith.select %and3A_213, %add3A_217, %select_n3A_203 : i32
    %select_n3A_219 = arith.select %and3A_213, %add3A_205, %select_n3A_204 : i32
    %add3A_220 = arith.addi %add3A_205, %squeeze3A_207 : i32
    %slice3A_221 = vector.extract_strided_slice %get3A_30 {offsets = [2], sizes = [1], strides = [1]} : vector<16xi32> to vector<1xi32>
    %squeeze3A_222 = vector.extract %slice3A_221[0] : i32 from vector<1xi32>
    %lt3A_223 = arith.constant 0 : i32
    %lt3A_224 = arith.cmpi slt, %select_n3A_218, %lt3A_223 : i32
    %add3A_225 = arith.addi %add3A_220, %squeeze3A_222 : i32
    %ge3A_226 = arith.constant 4096 : i32
    %ge3A_227 = arith.cmpi sge, %add3A_225, %ge3A_226 : i32
    %and3A_228 = arith.andi %lt3A_224, %ge3A_227 : i1
    %mul3A_229 = arith.constant 16 : i32
    %mul3A_230 = arith.muli %scan3A_26#1, %mul3A_229 : i32
    %add3A_231 = arith.constant 2 : i32
    %add3A_232 = arith.addi %mul3A_230, %add3A_231 : i32
    %select_n3A_233 = arith.select %and3A_228, %add3A_232, %select_n3A_218 : i32
    %select_n3A_234 = arith.select %and3A_228, %add3A_220, %select_n3A_219 : i32
    %add3A_235 = arith.addi %add3A_220, %squeeze3A_222 : i32
    %slice3A_236 = vector.extract_strided_slice %get3A_30 {offsets = [1], sizes = [1], strides = [1]} : vector<16xi32> to vector<1xi32>
    %squeeze3A_237 = vector.extract %slice3A_236[0] : i32 from vector<1xi32>
    %lt3A_238 = arith.constant 0 : i32
    %lt3A_239 = arith.cmpi slt, %select_n3A_233, %lt3A_238 : i32
    %add3A_240 = arith.addi %add3A_235, %squeeze3A_237 : i32
    %ge3A_241 = arith.constant 4096 : i32
    %ge3A_242 = arith.cmpi sge, %add3A_240, %ge3A_241 : i32
    %and3A_243 = arith.andi %lt3A_239, %ge3A_242 : i1
    %mul3A_244 = arith.constant 16 : i32
    %mul3A_245 = arith.muli %scan3A_26#1, %mul3A_244 : i32
    %add3A_246 = arith.constant 1 : i32
    %add3A_247 = arith.addi %mul3A_245, %add3A_246 : i32
    %select_n3A_248 = arith.select %and3A_243, %add3A_247, %select_n3A_233 : i32
    %select_n3A_249 = arith.select %and3A_243, %add3A_235, %select_n3A_234 : i32
    %add3A_250 = arith.addi %add3A_235, %squeeze3A_237 : i32
    %slice3A_251 = vector.extract_strided_slice %get3A_30 {offsets = [0], sizes = [1], strides = [1]} : vector<16xi32> to vector<1xi32>
    %squeeze3A_252 = vector.extract %slice3A_251[0] : i32 from vector<1xi32>
    %lt3A_253 = arith.constant 0 : i32
    %lt3A_254 = arith.cmpi slt, %select_n3A_248, %lt3A_253 : i32
    %add3A_255 = arith.addi %add3A_250, %squeeze3A_252 : i32
    %ge3A_256 = arith.constant 4096 : i32
    %ge3A_257 = arith.cmpi sge, %add3A_255, %ge3A_256 : i32
    %and3A_258 = arith.andi %lt3A_254, %ge3A_257 : i1
    %mul3A_259 = arith.constant 16 : i32
    %mul3A_260 = arith.muli %scan3A_26#1, %mul3A_259 : i32
    %add3A_261 = arith.constant 0 : i32
    %add3A_262 = arith.addi %mul3A_260, %add3A_261 : i32
    %select_n3A_263 = arith.select %and3A_258, %add3A_262, %select_n3A_248 : i32
    %select_n3A_264 = arith.select %and3A_258, %add3A_250, %select_n3A_249 : i32
    %add3A_265 = arith.addi %add3A_250, %squeeze3A_252 : i32
    %sub3A = arith.constant 4096 : i32
    %sub3A_266 = arith.subi %sub3A, %select_n3A_264 : i32
    %broadcast_in_dim3A_267 = arith.constant -1 : i32
    %broadcast_in_dim3A_268 = vector.broadcast %broadcast_in_dim3A_267 : i32 to vector<16xi32>
    %parallel_loop3A_269 = arith.constant 0 : i32
    %parallel_loop3A_270 = arith.constant 1024 : i32
    %parallel_loop3A_271 = arith.constant 1 : i32
    %parallel_loop3A_272 = arith.constant 0 : i32
    %parallel_loop3A_273 = scf.for %parallel_loop3A_1413 = %parallel_loop3A_269 to %parallel_loop3A_270 step %parallel_loop3A_271 iter_args(%parallel_loop3A_1414 = %parallel_loop3A_272) -> (i32)  : i32 {
      %parallel_loop3A_1415 = arith.constant 16 : i32
      %parallel_loop3A_1416 = arith.muli %parallel_loop3A_1413, %parallel_loop3A_1415 : i32
      %parallel_loop3A_1417 = arith.index_cast %parallel_loop3A_1416 : i32 to index
      %parallel_loop3A_1418 = tpu.vector_load %arg4[%parallel_loop3A_1417] {strides = array<i32>} : memref<32768xi32, #tpu.memory_space<vmem>>, vector<16xi32>,
      %parallel_loop3A_1419 = arith.constant 21 : i32
      %parallel_loop3A_1420 = vector.broadcast %parallel_loop3A_1419 : i32 to vector<16xi32>
      %parallel_loop3A_1421 = arith.shrui %parallel_loop3A_1418, %parallel_loop3A_1420 : vector<16xi32>
      %parallel_loop3A_1422 = vector.broadcast %select_n3A_263 : i32 to vector<16xi32>
      %parallel_loop3A_1423 = arith.cmpi eq, %parallel_loop3A_1421, %parallel_loop3A_1422 : vector<16xi32>
      %parallel_loop3A_1424 = arith.index_cast %parallel_loop3A_1414 : i32 to index
      %parallel_loop3A_1425 = tpu.vector_load %arg7[%parallel_loop3A_1424] masked %parallel_loop3A_1423 {strides = array<i32>} : memref<32800xi32, #tpu.memory_space<vmem>>, vector<16xi32>, vector<16xi1>
      tpu.vector_store %arg7[%parallel_loop3A_1424], %parallel_loop3A_1418 masked %parallel_loop3A_1423 {strides = array<i32>} : memref<32800xi32, #tpu.memory_space<vmem>>, vector<16xi32>, vector<16xi1>
      %parallel_loop3A_1426 = tpu.all_reduce %parallel_loop3A_1423 {dim = 0 : i64, kind = #tpu.reduction_kind<sum>} : vector<16xi1> -> vector<16xi32>
      %parallel_loop3A_1427 = vector.extract_strided_slice %parallel_loop3A_1426 {offsets = [0], sizes = [1], strides = [1]} : vector<16xi32> to vector<1xi32>
      %parallel_loop3A_1428 = vector.extract %parallel_loop3A_1427[0] : i32 from vector<1xi32>
      %parallel_loop3A_1429 = arith.addi %parallel_loop3A_1414, %parallel_loop3A_1428 : i32
      scf.yield %parallel_loop3A_1429 : i32
    } {sc.loop_unroll_factor = 8 : i64, sc.parallel_access}
    %swap3A = arith.index_cast %parallel_loop3A_273 : i32 to index
    %swap3A_274 = tpu.vector_load %arg7[%swap3A] {strides = array<i32>} : memref<32800xi32, #tpu.memory_space<vmem>>, vector<16xi32>,
    tpu.vector_store %arg7[%swap3A], %broadcast_in_dim3A_268 {strides = array<i32>} : memref<32800xi32, #tpu.memory_space<vmem>>, vector<16xi32>,
    %parallel_loop3A_275 = arith.constant 1024 : i32
    %parallel_loop3A_276 = arith.constant 2048 : i32
    %parallel_loop3A_277 = arith.constant 1 : i32
    %parallel_loop3A_278 = arith.constant 16400 : i32
    %parallel_loop3A_279 = scf.for %parallel_loop3A_1413 = %parallel_loop3A_275 to %parallel_loop3A_276 step %parallel_loop3A_277 iter_args(%parallel_loop3A_1414 = %parallel_loop3A_278) -> (i32)  : i32 {
      %parallel_loop3A_1415 = arith.constant 16 : i32
      %parallel_loop3A_1416 = arith.muli %parallel_loop3A_1413, %parallel_loop3A_1415 : i32
      %parallel_loop3A_1417 = arith.index_cast %parallel_loop3A_1416 : i32 to index
      %parallel_loop3A_1418 = tpu.vector_load %arg4[%parallel_loop3A_1417] {strides = array<i32>} : memref<32768xi32, #tpu.memory_space<vmem>>, vector<16xi32>,
      %parallel_loop3A_1419 = arith.constant 21 : i32
      %parallel_loop3A_1420 = vector.broadcast %parallel_loop3A_1419 : i32 to vector<16xi32>
      %parallel_loop3A_1421 = arith.shrui %parallel_loop3A_1418, %parallel_loop3A_1420 : vector<16xi32>
      %parallel_loop3A_1422 = vector.broadcast %select_n3A_263 : i32 to vector<16xi32>
      %parallel_loop3A_1423 = arith.cmpi eq, %parallel_loop3A_1421, %parallel_loop3A_1422 : vector<16xi32>
      %parallel_loop3A_1424 = arith.index_cast %parallel_loop3A_1414 : i32 to index
      %parallel_loop3A_1425 = tpu.vector_load %arg7[%parallel_loop3A_1424] masked %parallel_loop3A_1423 {strides = array<i32>} : memref<32800xi32, #tpu.memory_space<vmem>>, vector<16xi32>, vector<16xi1>
      tpu.vector_store %arg7[%parallel_loop3A_1424], %parallel_loop3A_1418 masked %parallel_loop3A_1423 {strides = array<i32>} : memref<32800xi32, #tpu.memory_space<vmem>>, vector<16xi32>, vector<16xi1>
      %parallel_loop3A_1426 = tpu.all_reduce %parallel_loop3A_1423 {dim = 0 : i64, kind = #tpu.reduction_kind<sum>} : vector<16xi1> -> vector<16xi32>
      %parallel_loop3A_1427 = vector.extract_strided_slice %parallel_loop3A_1426 {offsets = [0], sizes = [1], strides = [1]} : vector<16xi32> to vector<1xi32>
      %parallel_loop3A_1428 = vector.extract %parallel_loop3A_1427[0] : i32 from vector<1xi32>
      %parallel_loop3A_1429 = arith.addi %parallel_loop3A_1414, %parallel_loop3A_1428 : i32
      scf.yield %parallel_loop3A_1429 : i32
    } {sc.loop_unroll_factor = 8 : i64, sc.parallel_access}
    %swap3A_280 = arith.index_cast %parallel_loop3A_279 : i32 to index
    %swap3A_281 = tpu.vector_load %arg7[%swap3A_280] {strides = array<i32>} : memref<32800xi32, #tpu.memory_space<vmem>>, vector<16xi32>,
    tpu.vector_store %arg7[%swap3A_280], %broadcast_in_dim3A_268 {strides = array<i32>} : memref<32800xi32, #tpu.memory_space<vmem>>, vector<16xi32>,
    %add3A_282 = arith.constant 16 : i32
    %add3A_283 = arith.addi %parallel_loop3A_273, %add3A_282 : i32
    %sub3A_284 = arith.constant 1 : i32
    %sub3A_285 = arith.subi %add3A_283, %sub3A_284 : i32
    %jit3A_286 = arith.constant 16 : i32
    %div3A = arith.divsi %sub3A_285, %jit3A_286 : i32
    %sign3A = arith.constant 0 : i32
    %sign3A_287 = arith.cmpi sgt, %sub3A_285, %sign3A : i32
    %sign3A_288 = arith.extui %sign3A_287 : i1 to i32
    %sign3A_289 = arith.constant 0 : i32
    %sign3A_290 = arith.cmpi slt, %sub3A_285, %sign3A_289 : i32
    %sign3A_291 = arith.extui %sign3A_290 : i1 to i32
    %sign3A_292 = arith.subi %sign3A_288, %sign3A_291 : i32
    %sign3A_293 = arith.constant 0 : i32
    %sign3A_294 = arith.cmpi sgt, %jit3A_286, %sign3A_293 : i32
    %sign3A_295 = arith.extui %sign3A_294 : i1 to i32
    %sign3A_296 = arith.constant 0 : i32
    %sign3A_297 = arith.cmpi slt, %jit3A_286, %sign3A_296 : i32
    %sign3A_298 = arith.extui %sign3A_297 : i1 to i32
    %sign3A_299 = arith.subi %sign3A_295, %sign3A_298 : i32
    %ne3A = arith.cmpi ne, %sign3A_292, %sign3A_299 : i32
    %rem3A = arith.remsi %sub3A_285, %jit3A_286 : i32
    %ne3A_300 = arith.constant 0 : i32
    %ne3A_301 = arith.cmpi ne, %rem3A, %ne3A_300 : i32
    %and3A_302 = arith.andi %ne3A, %ne3A_301 : i1
    %sub3A_303 = arith.constant 1 : i32
    %sub3A_304 = arith.subi %div3A, %sub3A_303 : i32
    %select_n3A_305 = arith.select %and3A_302, %sub3A_304, %div3A : i32
    %sub3A_306 = arith.constant 16400 : i32
    %sub3A_307 = arith.subi %parallel_loop3A_279, %sub3A_306 : i32
    %add3A_308 = arith.constant 16 : i32
    %add3A_309 = arith.addi %sub3A_307, %add3A_308 : i32
    %sub3A_310 = arith.constant 1 : i32
    %sub3A_311 = arith.subi %add3A_309, %sub3A_310 : i32
    %jit3A_312 = arith.constant 16 : i32
    %div3A_313 = arith.divsi %sub3A_311, %jit3A_312 : i32
    %sign3A_314 = arith.constant 0 : i32
    %sign3A_315 = arith.cmpi sgt, %sub3A_311, %sign3A_314 : i32
    %sign3A_316 = arith.extui %sign3A_315 : i1 to i32
    %sign3A_317 = arith.constant 0 : i32
    %sign3A_318 = arith.cmpi slt, %sub3A_311, %sign3A_317 : i32
    %sign3A_319 = arith.extui %sign3A_318 : i1 to i32
    %sign3A_320 = arith.subi %sign3A_316, %sign3A_319 : i32
    %sign3A_321 = arith.constant 0 : i32
    %sign3A_322 = arith.cmpi sgt, %jit3A_312, %sign3A_321 : i32
    %sign3A_323 = arith.extui %sign3A_322 : i1 to i32
    %sign3A_324 = arith.constant 0 : i32
    %sign3A_325 = arith.cmpi slt, %jit3A_312, %sign3A_324 : i32
    %sign3A_326 = arith.extui %sign3A_325 : i1 to i32
    %sign3A_327 = arith.subi %sign3A_323, %sign3A_326 : i32
    %ne3A_328 = arith.cmpi ne, %sign3A_320, %sign3A_327 : i32
    %rem3A_329 = arith.remsi %sub3A_311, %jit3A_312 : i32
    %ne3A_330 = arith.constant 0 : i32
    %ne3A_331 = arith.cmpi ne, %rem3A_329, %ne3A_330 : i32
    %and3A_332 = arith.andi %ne3A_328, %ne3A_331 : i1
    %sub3A_333 = arith.constant 1 : i32
    %sub3A_334 = arith.subi %div3A_313, %sub3A_333 : i32
    %select_n3A_335 = arith.select %and3A_332, %sub3A_334, %div3A_313 : i32
    %parallel_loop3A_336 = arith.constant 0 : i32
    %parallel_loop3A_337 = arith.constant 1 : i32
    scf.for %parallel_loop3A_1413 = %parallel_loop3A_336 to %select_n3A_305 step %parallel_loop3A_337  : i32 {
      %parallel_loop3A_1414 = arith.constant 16 : i32
      %parallel_loop3A_1415 = arith.muli %parallel_loop3A_1413, %parallel_loop3A_1414 : i32
      %parallel_loop3A_1416 = arith.constant 0 : i32
      %parallel_loop3A_1417 = arith.addi %parallel_loop3A_1416, %parallel_loop3A_1415 : i32
      %parallel_loop3A_1418 = arith.index_cast %parallel_loop3A_1417 : i32 to index
      %parallel_loop3A_1419 = tpu.vector_load %arg7[%parallel_loop3A_1418] {strides = array<i32>} : memref<32800xi32, #tpu.memory_space<vmem>>, vector<16xi32>,
      %parallel_loop3A_1420 = arith.constant 21 : i32
      %parallel_loop3A_1421 = vector.broadcast %parallel_loop3A_1420 : i32 to vector<16xi32>
      %parallel_loop3A_1422 = arith.shrui %parallel_loop3A_1419, %parallel_loop3A_1421 : vector<16xi32>
      %parallel_loop3A_1423 = vector.broadcast %select_n3A_263 : i32 to vector<16xi32>
      %parallel_loop3A_1424 = arith.cmpi eq, %parallel_loop3A_1422, %parallel_loop3A_1423 : vector<16xi32>
      %parallel_loop3A_1425 = arith.constant 11 : i32
      %parallel_loop3A_1426 = vector.broadcast %parallel_loop3A_1425 : i32 to vector<16xi32>
      %parallel_loop3A_1427 = arith.shrui %parallel_loop3A_1419, %parallel_loop3A_1426 : vector<16xi32>
      %parallel_loop3A_1428 = arith.constant 1023 : i32
      %parallel_loop3A_1429 = vector.broadcast %parallel_loop3A_1428 : i32 to vector<16xi32>
      %parallel_loop3A_1430 = arith.andi %parallel_loop3A_1427, %parallel_loop3A_1429 : vector<16xi32>
      %parallel_loop3A_1431 = arith.constant 1024 : i32
      %parallel_loop3A_1432 = vector.broadcast %parallel_loop3A_1431 : i32 to vector<16xi32>
      %parallel_loop3A_1433 = arith.muli %iota3A, %parallel_loop3A_1432 : vector<16xi32>
      %parallel_loop3A_1434 = arith.constant 16384 : i32
      %parallel_loop3A_1435 = vector.broadcast %parallel_loop3A_1434 : i32 to vector<16xi32>
      %parallel_loop3A_1436 = arith.addi %parallel_loop3A_1435, %parallel_loop3A_1433 : vector<16xi32>
      %parallel_loop3A_1437 = arith.addi %parallel_loop3A_1436, %parallel_loop3A_1430 : vector<16xi32>
      tpu.vector_store_idx %arg5[%parallel_loop3A_1437], %broadcast_in_dim3A_1 masked %parallel_loop3A_1424 {add = true} : memref<49152xi32, #tpu.memory_space<vmem>>[vector<16xi32>], vector<16xi32>, vector<16xi1>
    } {sc.loop_unroll_factor = 2 : i64, sc.parallel_access}
    %parallel_loop3A_338 = arith.constant 0 : i32
    %parallel_loop3A_339 = arith.constant 1 : i32
    scf.for %parallel_loop3A_1413 = %parallel_loop3A_338 to %select_n3A_335 step %parallel_loop3A_339  : i32 {
      %parallel_loop3A_1414 = arith.constant 16 : i32
      %parallel_loop3A_1415 = arith.muli %parallel_loop3A_1413, %parallel_loop3A_1414 : i32
      %parallel_loop3A_1416 = arith.constant 16400 : i32
      %parallel_loop3A_1417 = arith.addi %parallel_loop3A_1416, %parallel_loop3A_1415 : i32
      %parallel_loop3A_1418 = arith.index_cast %parallel_loop3A_1417 : i32 to index
      %parallel_loop3A_1419 = tpu.vector_load %arg7[%parallel_loop3A_1418] {strides = array<i32>} : memref<32800xi32, #tpu.memory_space<vmem>>, vector<16xi32>,
      %parallel_loop3A_1420 = arith.constant 21 : i32
      %parallel_loop3A_1421 = vector.broadcast %parallel_loop3A_1420 : i32 to vector<16xi32>
      %parallel_loop3A_1422 = arith.shrui %parallel_loop3A_1419, %parallel_loop3A_1421 : vector<16xi32>
      %parallel_loop3A_1423 = vector.broadcast %select_n3A_263 : i32 to vector<16xi32>
      %parallel_loop3A_1424 = arith.cmpi eq, %parallel_loop3A_1422, %parallel_loop3A_1423 : vector<16xi32>
      %parallel_loop3A_1425 = arith.constant 11 : i32
      %parallel_loop3A_1426 = vector.broadcast %parallel_loop3A_1425 : i32 to vector<16xi32>
      %parallel_loop3A_1427 = arith.shrui %parallel_loop3A_1419, %parallel_loop3A_1426 : vector<16xi32>
      %parallel_loop3A_1428 = arith.constant 1023 : i32
      %parallel_loop3A_1429 = vector.broadcast %parallel_loop3A_1428 : i32 to vector<16xi32>
      %parallel_loop3A_1430 = arith.andi %parallel_loop3A_1427, %parallel_loop3A_1429 : vector<16xi32>
      %parallel_loop3A_1431 = arith.constant 1024 : i32
      %parallel_loop3A_1432 = vector.broadcast %parallel_loop3A_1431 : i32 to vector<16xi32>
      %parallel_loop3A_1433 = arith.muli %iota3A, %parallel_loop3A_1432 : vector<16xi32>
      %parallel_loop3A_1434 = arith.constant 16384 : i32
      %parallel_loop3A_1435 = vector.broadcast %parallel_loop3A_1434 : i32 to vector<16xi32>
      %parallel_loop3A_1436 = arith.addi %parallel_loop3A_1435, %parallel_loop3A_1433 : vector<16xi32>
      %parallel_loop3A_1437 = arith.addi %parallel_loop3A_1436, %parallel_loop3A_1430 : vector<16xi32>
      tpu.vector_store_idx %arg5[%parallel_loop3A_1437], %broadcast_in_dim3A_1 masked %parallel_loop3A_1424 {add = true} : memref<49152xi32, #tpu.memory_space<vmem>>[vector<16xi32>], vector<16xi32>, vector<16xi1>
    } {sc.loop_unroll_factor = 2 : i64, sc.parallel_access}
    %parallel_loop3A_340 = arith.constant 0 : i32
    %parallel_loop3A_341 = arith.constant 64 : i32
    %parallel_loop3A_342 = arith.constant 1 : i32
    scf.for %parallel_loop3A_1413 = %parallel_loop3A_340 to %parallel_loop3A_341 step %parallel_loop3A_342  : i32 {
      %parallel_loop3A_1414 = arith.constant 16 : i32
      %parallel_loop3A_1415 = arith.muli %parallel_loop3A_1413, %parallel_loop3A_1414 : i32
      %parallel_loop3A_1416 = arith.constant 16384 : i32
      %parallel_loop3A_1417 = arith.addi %parallel_loop3A_1416, %parallel_loop3A_1415 : i32
      %parallel_loop3A_1418 = arith.index_cast %parallel_loop3A_1417 : i32 to index
      %parallel_loop3A_1419 = tpu.vector_load %arg5[%parallel_loop3A_1418] {strides = array<i32>} : memref<49152xi32, #tpu.memory_space<vmem>>, vector<16xi32>,
      %parallel_loop3A_1420 = arith.constant 16 : i32
      %parallel_loop3A_1421 = arith.muli %parallel_loop3A_1413, %parallel_loop3A_1420 : i32
      %parallel_loop3A_1422 = arith.constant 17408 : i32
      %parallel_loop3A_1423 = arith.addi %parallel_loop3A_1422, %parallel_loop3A_1421 : i32
      %parallel_loop3A_1424 = arith.index_cast %parallel_loop3A_1423 : i32 to index
      %parallel_loop3A_1425 = tpu.vector_load %arg5[%parallel_loop3A_1424] {strides = array<i32>} : memref<49152xi32, #tpu.memory_space<vmem>>, vector<16xi32>,
      %parallel_loop3A_1426 = arith.addi %parallel_loop3A_1419, %parallel_loop3A_1425 : vector<16xi32>
      %parallel_loop3A_1427 = arith.constant 16 : i32
      %parallel_loop3A_1428 = arith.muli %parallel_loop3A_1413, %parallel_loop3A_1427 : i32
      %parallel_loop3A_1429 = arith.constant 18432 : i32
      %parallel_loop3A_1430 = arith.addi %parallel_loop3A_1429, %parallel_loop3A_1428 : i32
      %parallel_loop3A_1431 = arith.index_cast %parallel_loop3A_1430 : i32 to index
      %parallel_loop3A_1432 = tpu.vector_load %arg5[%parallel_loop3A_1431] {strides = array<i32>} : memref<49152xi32, #tpu.memory_space<vmem>>, vector<16xi32>,
      %parallel_loop3A_1433 = arith.addi %parallel_loop3A_1426, %parallel_loop3A_1432 : vector<16xi32>
      %parallel_loop3A_1434 = arith.constant 16 : i32
      %parallel_loop3A_1435 = arith.muli %parallel_loop3A_1413, %parallel_loop3A_1434 : i32
      %parallel_loop3A_1436 = arith.constant 19456 : i32
      %parallel_loop3A_1437 = arith.addi %parallel_loop3A_1436, %parallel_loop3A_1435 : i32
      %parallel_loop3A_1438 = arith.index_cast %parallel_loop3A_1437 : i32 to index
      %parallel_loop3A_1439 = tpu.vector_load %arg5[%parallel_loop3A_1438] {strides = array<i32>} : memref<49152xi32, #tpu.memory_space<vmem>>, vector<16xi32>,
      %parallel_loop3A_1440 = arith.addi %parallel_loop3A_1433, %parallel_loop3A_1439 : vector<16xi32>
      %parallel_loop3A_1441 = arith.constant 16 : i32
      %parallel_loop3A_1442 = arith.muli %parallel_loop3A_1413, %parallel_loop3A_1441 : i32
      %parallel_loop3A_1443 = arith.constant 20480 : i32
      %parallel_loop3A_1444 = arith.addi %parallel_loop3A_1443, %parallel_loop3A_1442 : i32
      %parallel_loop3A_1445 = arith.index_cast %parallel_loop3A_1444 : i32 to index
      %parallel_loop3A_1446 = tpu.vector_load %arg5[%parallel_loop3A_1445] {strides = array<i32>} : memref<49152xi32, #tpu.memory_space<vmem>>, vector<16xi32>,
      %parallel_loop3A_1447 = arith.addi %parallel_loop3A_1440, %parallel_loop3A_1446 : vector<16xi32>
      %parallel_loop3A_1448 = arith.constant 16 : i32
      %parallel_loop3A_1449 = arith.muli %parallel_loop3A_1413, %parallel_loop3A_1448 : i32
      %parallel_loop3A_1450 = arith.constant 21504 : i32
      %parallel_loop3A_1451 = arith.addi %parallel_loop3A_1450, %parallel_loop3A_1449 : i32
      %parallel_loop3A_1452 = arith.index_cast %parallel_loop3A_1451 : i32 to index
      %parallel_loop3A_1453 = tpu.vector_load %arg5[%parallel_loop3A_1452] {strides = array<i32>} : memref<49152xi32, #tpu.memory_space<vmem>>, vector<16xi32>,
      %parallel_loop3A_1454 = arith.addi %parallel_loop3A_1447, %parallel_loop3A_1453 : vector<16xi32>
      %parallel_loop3A_1455 = arith.constant 16 : i32
      %parallel_loop3A_1456 = arith.muli %parallel_loop3A_1413, %parallel_loop3A_1455 : i32
      %parallel_loop3A_1457 = arith.constant 22528 : i32
      %parallel_loop3A_1458 = arith.addi %parallel_loop3A_1457, %parallel_loop3A_1456 : i32
      %parallel_loop3A_1459 = arith.index_cast %parallel_loop3A_1458 : i32 to index
      %parallel_loop3A_1460 = tpu.vector_load %arg5[%parallel_loop3A_1459] {strides = array<i32>} : memref<49152xi32, #tpu.memory_space<vmem>>, vector<16xi32>,
      %parallel_loop3A_1461 = arith.addi %parallel_loop3A_1454, %parallel_loop3A_1460 : vector<16xi32>
      %parallel_loop3A_1462 = arith.constant 16 : i32
      %parallel_loop3A_1463 = arith.muli %parallel_loop3A_1413, %parallel_loop3A_1462 : i32
      %parallel_loop3A_1464 = arith.constant 23552 : i32
      %parallel_loop3A_1465 = arith.addi %parallel_loop3A_1464, %parallel_loop3A_1463 : i32
      %parallel_loop3A_1466 = arith.index_cast %parallel_loop3A_1465 : i32 to index
      %parallel_loop3A_1467 = tpu.vector_load %arg5[%parallel_loop3A_1466] {strides = array<i32>} : memref<49152xi32, #tpu.memory_space<vmem>>, vector<16xi32>,
      %parallel_loop3A_1468 = arith.addi %parallel_loop3A_1461, %parallel_loop3A_1467 : vector<16xi32>
      %parallel_loop3A_1469 = arith.constant 16 : i32
      %parallel_loop3A_1470 = arith.muli %parallel_loop3A_1413, %parallel_loop3A_1469 : i32
      %parallel_loop3A_1471 = arith.constant 24576 : i32
      %parallel_loop3A_1472 = arith.addi %parallel_loop3A_1471, %parallel_loop3A_1470 : i32
      %parallel_loop3A_1473 = arith.index_cast %parallel_loop3A_1472 : i32 to index
      %parallel_loop3A_1474 = tpu.vector_load %arg5[%parallel_loop3A_1473] {strides = array<i32>} : memref<49152xi32, #tpu.memory_space<vmem>>, vector<16xi32>,
      %parallel_loop3A_1475 = arith.addi %parallel_loop3A_1468, %parallel_loop3A_1474 : vector<16xi32>
      %parallel_loop3A_1476 = arith.constant 16 : i32
      %parallel_loop3A_1477 = arith.muli %parallel_loop3A_1413, %parallel_loop3A_1476 : i32
      %parallel_loop3A_1478 = arith.constant 25600 : i32
      %parallel_loop3A_1479 = arith.addi %parallel_loop3A_1478, %parallel_loop3A_1477 : i32
      %parallel_loop3A_1480 = arith.index_cast %parallel_loop3A_1479 : i32 to index
      %parallel_loop3A_1481 = tpu.vector_load %arg5[%parallel_loop3A_1480] {strides = array<i32>} : memref<49152xi32, #tpu.memory_space<vmem>>, vector<16xi32>,
      %parallel_loop3A_1482 = arith.addi %parallel_loop3A_1475, %parallel_loop3A_1481 : vector<16xi32>
      %parallel_loop3A_1483 = arith.constant 16 : i32
      %parallel_loop3A_1484 = arith.muli %parallel_loop3A_1413, %parallel_loop3A_1483 : i32
      %parallel_loop3A_1485 = arith.constant 26624 : i32
      %parallel_loop3A_1486 = arith.addi %parallel_loop3A_1485, %parallel_loop3A_1484 : i32
      %parallel_loop3A_1487 = arith.index_cast %parallel_loop3A_1486 : i32 to index
      %parallel_loop3A_1488 = tpu.vector_load %arg5[%parallel_loop3A_1487] {strides = array<i32>} : memref<49152xi32, #tpu.memory_space<vmem>>, vector<16xi32>,
      %parallel_loop3A_1489 = arith.addi %parallel_loop3A_1482, %parallel_loop3A_1488 : vector<16xi32>
      %parallel_loop3A_1490 = arith.constant 16 : i32
      %parallel_loop3A_1491 = arith.muli %parallel_loop3A_1413, %parallel_loop3A_1490 : i32
      %parallel_loop3A_1492 = arith.constant 27648 : i32
      %parallel_loop3A_1493 = arith.addi %parallel_loop3A_1492, %parallel_loop3A_1491 : i32
      %parallel_loop3A_1494 = arith.index_cast %parallel_loop3A_1493 : i32 to index
      %parallel_loop3A_1495 = tpu.vector_load %arg5[%parallel_loop3A_1494] {strides = array<i32>} : memref<49152xi32, #tpu.memory_space<vmem>>, vector<16xi32>,
      %parallel_loop3A_1496 = arith.addi %parallel_loop3A_1489, %parallel_loop3A_1495 : vector<16xi32>
      %parallel_loop3A_1497 = arith.constant 16 : i32
      %parallel_loop3A_1498 = arith.muli %parallel_loop3A_1413, %parallel_loop3A_1497 : i32
      %parallel_loop3A_1499 = arith.constant 28672 : i32
      %parallel_loop3A_1500 = arith.addi %parallel_loop3A_1499, %parallel_loop3A_1498 : i32
      %parallel_loop3A_1501 = arith.index_cast %parallel_loop3A_1500 : i32 to index
      %parallel_loop3A_1502 = tpu.vector_load %arg5[%parallel_loop3A_1501] {strides = array<i32>} : memref<49152xi32, #tpu.memory_space<vmem>>, vector<16xi32>,
      %parallel_loop3A_1503 = arith.addi %parallel_loop3A_1496, %parallel_loop3A_1502 : vector<16xi32>
      %parallel_loop3A_1504 = arith.constant 16 : i32
      %parallel_loop3A_1505 = arith.muli %parallel_loop3A_1413, %parallel_loop3A_1504 : i32
      %parallel_loop3A_1506 = arith.constant 29696 : i32
      %parallel_loop3A_1507 = arith.addi %parallel_loop3A_1506, %parallel_loop3A_1505 : i32
      %parallel_loop3A_1508 = arith.index_cast %parallel_loop3A_1507 : i32 to index
      %parallel_loop3A_1509 = tpu.vector_load %arg5[%parallel_loop3A_1508] {strides = array<i32>} : memref<49152xi32, #tpu.memory_space<vmem>>, vector<16xi32>,
      %parallel_loop3A_1510 = arith.addi %parallel_loop3A_1503, %parallel_loop3A_1509 : vector<16xi32>
      %parallel_loop3A_1511 = arith.constant 16 : i32
      %parallel_loop3A_1512 = arith.muli %parallel_loop3A_1413, %parallel_loop3A_1511 : i32
      %parallel_loop3A_1513 = arith.constant 30720 : i32
      %parallel_loop3A_1514 = arith.addi %parallel_loop3A_1513, %parallel_loop3A_1512 : i32
      %parallel_loop3A_1515 = arith.index_cast %parallel_loop3A_1514 : i32 to index
      %parallel_loop3A_1516 = tpu.vector_load %arg5[%parallel_loop3A_1515] {strides = array<i32>} : memref<49152xi32, #tpu.memory_space<vmem>>, vector<16xi32>,
      %parallel_loop3A_1517 = arith.addi %parallel_loop3A_1510, %parallel_loop3A_1516 : vector<16xi32>
      %parallel_loop3A_1518 = arith.constant 16 : i32
      %parallel_loop3A_1519 = arith.muli %parallel_loop3A_1413, %parallel_loop3A_1518 : i32
      %parallel_loop3A_1520 = arith.constant 31744 : i32
      %parallel_loop3A_1521 = arith.addi %parallel_loop3A_1520, %parallel_loop3A_1519 : i32
      %parallel_loop3A_1522 = arith.index_cast %parallel_loop3A_1521 : i32 to index
      %parallel_loop3A_1523 = tpu.vector_load %arg5[%parallel_loop3A_1522] {strides = array<i32>} : memref<49152xi32, #tpu.memory_space<vmem>>, vector<16xi32>,
      %parallel_loop3A_1524 = arith.addi %parallel_loop3A_1517, %parallel_loop3A_1523 : vector<16xi32>
      %parallel_loop3A_1525 = arith.constant 16 : i32
      %parallel_loop3A_1526 = arith.muli %parallel_loop3A_1413, %parallel_loop3A_1525 : i32
      %parallel_loop3A_1527 = arith.index_cast %parallel_loop3A_1526 : i32 to index
      %parallel_loop3A_1528 = tpu.vector_load %arg6[%parallel_loop3A_1527] {strides = array<i32>} : memref<1024xi32, #tpu.memory_space<vmem>>, vector<16xi32>,
      tpu.vector_store %arg6[%parallel_loop3A_1527], %parallel_loop3A_1524 {strides = array<i32>} : memref<1024xi32, #tpu.memory_space<vmem>>, vector<16xi32>,
    } {sc.loop_unroll_factor = 4 : i64, sc.parallel_access}
    %mul3A_343 = arith.constant 1024 : i32
    %mul3A_344 = arith.muli %arg1, %mul3A_343 : i32
    "tpu.region"() ({
      %run_scoped3A = tpu.sem_alloc : memref<!tpu.dma_semaphore, #tpu.memory_space<semaphore_mem>>
      %dma_start3A_1413 = arith.constant 0 : i32
      %dma_start3A_1414 = tpu.memref_slice %arg6[%dma_start3A_1413] : memref<1024xi32, #tpu.memory_space<vmem>> -> memref<1024xi32, #tpu.memory_space<vmem>>
      %dma_start3A_1415 = tpu.memref_slice %arg10[%mul3A_344] : memref<16384xi32, #tpu.memory_space<vmem_shared>> -> memref<1024xi32, #tpu.memory_space<vmem_shared>>
      %dma_start3A_1416 = tpu.memref_slice %arg10[%mul3A_344] : memref<16384xi32, #tpu.memory_space<vmem_shared>> -> memref<1024xi32, #tpu.memory_space<vmem_shared>>
      %dma_start3A_1417 = arith.constant 0 : i32
      %dma_start3A_1418 = tpu.memref_slice %arg6[%dma_start3A_1417] : memref<1024xi32, #tpu.memory_space<vmem>> -> memref<1024xi32, #tpu.memory_space<vmem>>
      tpu.enqueue_dma source(%dma_start3A_1418 : memref<1024xi32, #tpu.memory_space<vmem>>) target(%dma_start3A_1416 : memref<1024xi32, #tpu.memory_space<vmem_shared>>) target_semaphore(%run_scoped3A : memref<!tpu.dma_semaphore, #tpu.memory_space<semaphore_mem>>)
      %dma_wait3A_1419 = arith.constant 0 : i32
      %dma_wait3A_1420 = tpu.memref_slice %arg6[%dma_wait3A_1419] : memref<1024xi32, #tpu.memory_space<vmem>> -> memref<1024xi32, #tpu.memory_space<vmem>>
      %dma_wait3A_1421 = tpu.memref_slice %arg10[%mul3A_344] : memref<16384xi32, #tpu.memory_space<vmem_shared>> -> memref<1024xi32, #tpu.memory_space<vmem_shared>>
      %dma_wait3A_1422 = tpu.memref_slice %arg10[%mul3A_344] : memref<16384xi32, #tpu.memory_space<vmem_shared>> -> memref<1024xi32, #tpu.memory_space<vmem_shared>>
      %dma_wait3A_1423 = arith.constant 0 : i32
      %dma_wait3A_1424 = tpu.memref_slice %arg6[%dma_wait3A_1423] : memref<1024xi32, #tpu.memory_space<vmem>> -> memref<1024xi32, #tpu.memory_space<vmem>>
      tpu.wait_dma2 semaphore(%run_scoped3A : memref<!tpu.dma_semaphore, #tpu.memory_space<semaphore_mem>>) src(%dma_wait3A_1424 : memref<1024xi32, #tpu.memory_space<vmem>>) dst(%dma_wait3A_1422 : memref<1024xi32, #tpu.memory_space<vmem_shared>>)
      tpu.yield
    }) : () -> ()
    %barrier3A_345 = arith.constant 0 : index
    tpu.barrier barrier_id(%barrier3A_345)
    "tpu.region"() ({
      %run_scoped3A = tpu.sem_alloc : memref<!tpu.dma_semaphore, #tpu.memory_space<semaphore_mem>>
      %dma_start3A_1413 = arith.constant 16384 : i32
      %dma_start3A_1414 = tpu.memref_slice %arg5[%dma_start3A_1413] : memref<49152xi32, #tpu.memory_space<vmem>> -> memref<16384xi32, #tpu.memory_space<vmem>>
      %dma_start3A_1415 = arith.constant 16384 : i32
      %dma_start3A_1416 = tpu.memref_slice %arg5[%dma_start3A_1415] : memref<49152xi32, #tpu.memory_space<vmem>> -> memref<16384xi32, #tpu.memory_space<vmem>>
      tpu.enqueue_dma source(%arg10 : memref<16384xi32, #tpu.memory_space<vmem_shared>>) target(%dma_start3A_1416 : memref<16384xi32, #tpu.memory_space<vmem>>) target_semaphore(%run_scoped3A : memref<!tpu.dma_semaphore, #tpu.memory_space<semaphore_mem>>)
      %dma_wait3A_1417 = arith.constant 16384 : i32
      %dma_wait3A_1418 = tpu.memref_slice %arg5[%dma_wait3A_1417] : memref<49152xi32, #tpu.memory_space<vmem>> -> memref<16384xi32, #tpu.memory_space<vmem>>
      %dma_wait3A_1419 = arith.constant 16384 : i32
      %dma_wait3A_1420 = tpu.memref_slice %arg5[%dma_wait3A_1419] : memref<49152xi32, #tpu.memory_space<vmem>> -> memref<16384xi32, #tpu.memory_space<vmem>>
      tpu.wait_dma2 semaphore(%run_scoped3A : memref<!tpu.dma_semaphore, #tpu.memory_space<semaphore_mem>>) src(%arg10 : memref<16384xi32, #tpu.memory_space<vmem_shared>>) dst(%dma_wait3A_1420 : memref<16384xi32, #tpu.memory_space<vmem>>)
      tpu.yield
    }) : () -> ()
    %parallel_loop3A_346 = arith.constant 0 : i32
    %parallel_loop3A_347 = arith.constant 64 : i32
    %parallel_loop3A_348 = arith.constant 1 : i32
    scf.for %parallel_loop3A_1413 = %parallel_loop3A_346 to %parallel_loop3A_347 step %parallel_loop3A_348  : i32 {
      %parallel_loop3A_1414 = arith.constant 16 : i32
      %parallel_loop3A_1415 = arith.muli %parallel_loop3A_1413, %parallel_loop3A_1414 : i32
      %parallel_loop3A_1416 = arith.constant 16384 : i32
      %parallel_loop3A_1417 = arith.addi %parallel_loop3A_1416, %parallel_loop3A_1415 : i32
      %parallel_loop3A_1418 = arith.index_cast %parallel_loop3A_1417 : i32 to index
      %parallel_loop3A_1419 = tpu.vector_load %arg5[%parallel_loop3A_1418] {strides = array<i32>} : memref<49152xi32, #tpu.memory_space<vmem>>, vector<16xi32>,
      %parallel_loop3A_1420 = arith.constant 16 : i32
      %parallel_loop3A_1421 = arith.muli %parallel_loop3A_1413, %parallel_loop3A_1420 : i32
      %parallel_loop3A_1422 = arith.constant 17408 : i32
      %parallel_loop3A_1423 = arith.addi %parallel_loop3A_1422, %parallel_loop3A_1421 : i32
      %parallel_loop3A_1424 = arith.index_cast %parallel_loop3A_1423 : i32 to index
      %parallel_loop3A_1425 = tpu.vector_load %arg5[%parallel_loop3A_1424] {strides = array<i32>} : memref<49152xi32, #tpu.memory_space<vmem>>, vector<16xi32>,
      %parallel_loop3A_1426 = arith.addi %parallel_loop3A_1419, %parallel_loop3A_1425 : vector<16xi32>
      %parallel_loop3A_1427 = arith.constant 16 : i32
      %parallel_loop3A_1428 = arith.muli %parallel_loop3A_1413, %parallel_loop3A_1427 : i32
      %parallel_loop3A_1429 = arith.constant 18432 : i32
      %parallel_loop3A_1430 = arith.addi %parallel_loop3A_1429, %parallel_loop3A_1428 : i32
      %parallel_loop3A_1431 = arith.index_cast %parallel_loop3A_1430 : i32 to index
      %parallel_loop3A_1432 = tpu.vector_load %arg5[%parallel_loop3A_1431] {strides = array<i32>} : memref<49152xi32, #tpu.memory_space<vmem>>, vector<16xi32>,
      %parallel_loop3A_1433 = arith.addi %parallel_loop3A_1426, %parallel_loop3A_1432 : vector<16xi32>
      %parallel_loop3A_1434 = arith.constant 16 : i32
      %parallel_loop3A_1435 = arith.muli %parallel_loop3A_1413, %parallel_loop3A_1434 : i32
      %parallel_loop3A_1436 = arith.constant 19456 : i32
      %parallel_loop3A_1437 = arith.addi %parallel_loop3A_1436, %parallel_loop3A_1435 : i32
      %parallel_loop3A_1438 = arith.index_cast %parallel_loop3A_1437 : i32 to index
      %parallel_loop3A_1439 = tpu.vector_load %arg5[%parallel_loop3A_1438] {strides = array<i32>} : memref<49152xi32, #tpu.memory_space<vmem>>, vector<16xi32>,
      %parallel_loop3A_1440 = arith.addi %parallel_loop3A_1433, %parallel_loop3A_1439 : vector<16xi32>
      %parallel_loop3A_1441 = arith.constant 16 : i32
      %parallel_loop3A_1442 = arith.muli %parallel_loop3A_1413, %parallel_loop3A_1441 : i32
      %parallel_loop3A_1443 = arith.constant 20480 : i32
      %parallel_loop3A_1444 = arith.addi %parallel_loop3A_1443, %parallel_loop3A_1442 : i32
      %parallel_loop3A_1445 = arith.index_cast %parallel_loop3A_1444 : i32 to index
      %parallel_loop3A_1446 = tpu.vector_load %arg5[%parallel_loop3A_1445] {strides = array<i32>} : memref<49152xi32, #tpu.memory_space<vmem>>, vector<16xi32>,
      %parallel_loop3A_1447 = arith.addi %parallel_loop3A_1440, %parallel_loop3A_1446 : vector<16xi32>
      %parallel_loop3A_1448 = arith.constant 16 : i32
      %parallel_loop3A_1449 = arith.muli %parallel_loop3A_1413, %parallel_loop3A_1448 : i32
      %parallel_loop3A_1450 = arith.constant 21504 : i32
      %parallel_loop3A_1451 = arith.addi %parallel_loop3A_1450, %parallel_loop3A_1449 : i32
      %parallel_loop3A_1452 = arith.index_cast %parallel_loop3A_1451 : i32 to index
      %parallel_loop3A_1453 = tpu.vector_load %arg5[%parallel_loop3A_1452] {strides = array<i32>} : memref<49152xi32, #tpu.memory_space<vmem>>, vector<16xi32>,
      %parallel_loop3A_1454 = arith.addi %parallel_loop3A_1447, %parallel_loop3A_1453 : vector<16xi32>
      %parallel_loop3A_1455 = arith.constant 16 : i32
      %parallel_loop3A_1456 = arith.muli %parallel_loop3A_1413, %parallel_loop3A_1455 : i32
      %parallel_loop3A_1457 = arith.constant 22528 : i32
      %parallel_loop3A_1458 = arith.addi %parallel_loop3A_1457, %parallel_loop3A_1456 : i32
      %parallel_loop3A_1459 = arith.index_cast %parallel_loop3A_1458 : i32 to index
      %parallel_loop3A_1460 = tpu.vector_load %arg5[%parallel_loop3A_1459] {strides = array<i32>} : memref<49152xi32, #tpu.memory_space<vmem>>, vector<16xi32>,
      %parallel_loop3A_1461 = arith.addi %parallel_loop3A_1454, %parallel_loop3A_1460 : vector<16xi32>
      %parallel_loop3A_1462 = arith.constant 16 : i32
      %parallel_loop3A_1463 = arith.muli %parallel_loop3A_1413, %parallel_loop3A_1462 : i32
      %parallel_loop3A_1464 = arith.constant 23552 : i32
      %parallel_loop3A_1465 = arith.addi %parallel_loop3A_1464, %parallel_loop3A_1463 : i32
      %parallel_loop3A_1466 = arith.index_cast %parallel_loop3A_1465 : i32 to index
      %parallel_loop3A_1467 = tpu.vector_load %arg5[%parallel_loop3A_1466] {strides = array<i32>} : memref<49152xi32, #tpu.memory_space<vmem>>, vector<16xi32>,
      %parallel_loop3A_1468 = arith.addi %parallel_loop3A_1461, %parallel_loop3A_1467 : vector<16xi32>
      %parallel_loop3A_1469 = arith.constant 16 : i32
      %parallel_loop3A_1470 = arith.muli %parallel_loop3A_1413, %parallel_loop3A_1469 : i32
      %parallel_loop3A_1471 = arith.constant 24576 : i32
      %parallel_loop3A_1472 = arith.addi %parallel_loop3A_1471, %parallel_loop3A_1470 : i32
      %parallel_loop3A_1473 = arith.index_cast %parallel_loop3A_1472 : i32 to index
      %parallel_loop3A_1474 = tpu.vector_load %arg5[%parallel_loop3A_1473] {strides = array<i32>} : memref<49152xi32, #tpu.memory_space<vmem>>, vector<16xi32>,
      %parallel_loop3A_1475 = arith.addi %parallel_loop3A_1468, %parallel_loop3A_1474 : vector<16xi32>
      %parallel_loop3A_1476 = arith.constant 16 : i32
      %parallel_loop3A_1477 = arith.muli %parallel_loop3A_1413, %parallel_loop3A_1476 : i32
      %parallel_loop3A_1478 = arith.constant 25600 : i32
      %parallel_loop3A_1479 = arith.addi %parallel_loop3A_1478, %parallel_loop3A_1477 : i32
      %parallel_loop3A_1480 = arith.index_cast %parallel_loop3A_1479 : i32 to index
      %parallel_loop3A_1481 = tpu.vector_load %arg5[%parallel_loop3A_1480] {strides = array<i32>} : memref<49152xi32, #tpu.memory_space<vmem>>, vector<16xi32>,
      %parallel_loop3A_1482 = arith.addi %parallel_loop3A_1475, %parallel_loop3A_1481 : vector<16xi32>
      %parallel_loop3A_1483 = arith.constant 16 : i32
      %parallel_loop3A_1484 = arith.muli %parallel_loop3A_1413, %parallel_loop3A_1483 : i32
      %parallel_loop3A_1485 = arith.constant 26624 : i32
      %parallel_loop3A_1486 = arith.addi %parallel_loop3A_1485, %parallel_loop3A_1484 : i32
      %parallel_loop3A_1487 = arith.index_cast %parallel_loop3A_1486 : i32 to index
      %parallel_loop3A_1488 = tpu.vector_load %arg5[%parallel_loop3A_1487] {strides = array<i32>} : memref<49152xi32, #tpu.memory_space<vmem>>, vector<16xi32>,
      %parallel_loop3A_1489 = arith.addi %parallel_loop3A_1482, %parallel_loop3A_1488 : vector<16xi32>
      %parallel_loop3A_1490 = arith.constant 16 : i32
      %parallel_loop3A_1491 = arith.muli %parallel_loop3A_1413, %parallel_loop3A_1490 : i32
      %parallel_loop3A_1492 = arith.constant 27648 : i32
      %parallel_loop3A_1493 = arith.addi %parallel_loop3A_1492, %parallel_loop3A_1491 : i32
      %parallel_loop3A_1494 = arith.index_cast %parallel_loop3A_1493 : i32 to index
      %parallel_loop3A_1495 = tpu.vector_load %arg5[%parallel_loop3A_1494] {strides = array<i32>} : memref<49152xi32, #tpu.memory_space<vmem>>, vector<16xi32>,
      %parallel_loop3A_1496 = arith.addi %parallel_loop3A_1489, %parallel_loop3A_1495 : vector<16xi32>
      %parallel_loop3A_1497 = arith.constant 16 : i32
      %parallel_loop3A_1498 = arith.muli %parallel_loop3A_1413, %parallel_loop3A_1497 : i32
      %parallel_loop3A_1499 = arith.constant 28672 : i32
      %parallel_loop3A_1500 = arith.addi %parallel_loop3A_1499, %parallel_loop3A_1498 : i32
      %parallel_loop3A_1501 = arith.index_cast %parallel_loop3A_1500 : i32 to index
      %parallel_loop3A_1502 = tpu.vector_load %arg5[%parallel_loop3A_1501] {strides = array<i32>} : memref<49152xi32, #tpu.memory_space<vmem>>, vector<16xi32>,
      %parallel_loop3A_1503 = arith.addi %parallel_loop3A_1496, %parallel_loop3A_1502 : vector<16xi32>
      %parallel_loop3A_1504 = arith.constant 16 : i32
      %parallel_loop3A_1505 = arith.muli %parallel_loop3A_1413, %parallel_loop3A_1504 : i32
      %parallel_loop3A_1506 = arith.constant 29696 : i32
      %parallel_loop3A_1507 = arith.addi %parallel_loop3A_1506, %parallel_loop3A_1505 : i32
      %parallel_loop3A_1508 = arith.index_cast %parallel_loop3A_1507 : i32 to index
      %parallel_loop3A_1509 = tpu.vector_load %arg5[%parallel_loop3A_1508] {strides = array<i32>} : memref<49152xi32, #tpu.memory_space<vmem>>, vector<16xi32>,
      %parallel_loop3A_1510 = arith.addi %parallel_loop3A_1503, %parallel_loop3A_1509 : vector<16xi32>
      %parallel_loop3A_1511 = arith.constant 16 : i32
      %parallel_loop3A_1512 = arith.muli %parallel_loop3A_1413, %parallel_loop3A_1511 : i32
      %parallel_loop3A_1513 = arith.constant 30720 : i32
      %parallel_loop3A_1514 = arith.addi %parallel_loop3A_1513, %parallel_loop3A_1512 : i32
      %parallel_loop3A_1515 = arith.index_cast %parallel_loop3A_1514 : i32 to index
      %parallel_loop3A_1516 = tpu.vector_load %arg5[%parallel_loop3A_1515] {strides = array<i32>} : memref<49152xi32, #tpu.memory_space<vmem>>, vector<16xi32>,
      %parallel_loop3A_1517 = arith.addi %parallel_loop3A_1510, %parallel_loop3A_1516 : vector<16xi32>
      %parallel_loop3A_1518 = arith.constant 16 : i32
      %parallel_loop3A_1519 = arith.muli %parallel_loop3A_1413, %parallel_loop3A_1518 : i32
      %parallel_loop3A_1520 = arith.constant 31744 : i32
      %parallel_loop3A_1521 = arith.addi %parallel_loop3A_1520, %parallel_loop3A_1519 : i32
      %parallel_loop3A_1522 = arith.index_cast %parallel_loop3A_1521 : i32 to index
      %parallel_loop3A_1523 = tpu.vector_load %arg5[%parallel_loop3A_1522] {strides = array<i32>} : memref<49152xi32, #tpu.memory_space<vmem>>, vector<16xi32>,
      %parallel_loop3A_1524 = arith.addi %parallel_loop3A_1517, %parallel_loop3A_1523 : vector<16xi32>
      %parallel_loop3A_1525 = arith.constant 16 : i32
      %parallel_loop3A_1526 = arith.muli %parallel_loop3A_1413, %parallel_loop3A_1525 : i32
      %parallel_loop3A_1527 = arith.index_cast %parallel_loop3A_1526 : i32 to index
      %parallel_loop3A_1528 = tpu.vector_load %arg6[%parallel_loop3A_1527] {strides = array<i32>} : memref<1024xi32, #tpu.memory_space<vmem>>, vector<16xi32>,
      tpu.vector_store %arg6[%parallel_loop3A_1527], %parallel_loop3A_1524 {strides = array<i32>} : memref<1024xi32, #tpu.memory_space<vmem>>, vector<16xi32>,
      %parallel_loop3A_1529 = arith.constant true
      %parallel_loop3A_1530 = vector.broadcast %parallel_loop3A_1529 : i1 to vector<16xi1>
      %parallel_loop3A_1531 = tpu.scan <sum>, %parallel_loop3A_1524 masked %parallel_loop3A_1530 : vector<16xi32>, vector<16xi1> -> vector<16xi32>
      %parallel_loop3A_1532 = vector.extract %parallel_loop3A_1531[15] : i32 from vector<16xi32>
      %parallel_loop3A_1533 = arith.index_cast %parallel_loop3A_1413 : i32 to index
      %parallel_loop3A_1534 = memref.load %arg8[%parallel_loop3A_1533] : memref<64xi32, #tpu.memory_space<smem>>
      memref.store %parallel_loop3A_1532, %arg8[%parallel_loop3A_1533] : memref<64xi32, #tpu.memory_space<smem>>
    } {sc.loop_unroll_factor = 4 : i64, sc.parallel_access}
    %scan3A_349 = arith.constant 0 : i32
    %scan3A_350 = arith.constant -1 : i32
    %scan3A_351 = arith.constant 0 : i32
    %scan3A_352 = arith.constant 0 : i32
    %scan3A_353 = arith.constant 64 : i32
    %scan3A_354 = arith.addi %scan3A_352, %scan3A_353 : i32
    %scan3A_355 = arith.constant 1 : i32
    %scan3A_356:3 = scf.for %scan3A_1413 = %scan3A_352 to %scan3A_354 step %scan3A_355 iter_args(%scan3A_1414 = %scan3A_349, %scan3A_1415 = %scan3A_350, %scan3A_1416 = %scan3A_351) -> (i32, i32, i32)  : i32 {
      %sub3A_1417 = arith.constant 63 : i32
      %sub3A_1418 = arith.subi %sub3A_1417, %scan3A_1413 : i32
      %get3A_1419 = arith.index_cast %sub3A_1418 : i32 to index
      %get3A_1420 = memref.load %arg8[%get3A_1419] : memref<64xi32, #tpu.memory_space<smem>>
      %lt3A_1421 = arith.constant 0 : i32
      %lt3A_1422 = arith.cmpi slt, %scan3A_1415, %lt3A_1421 : i32
      %add3A_1423 = arith.addi %scan3A_1414, %get3A_1420 : i32
      %ge3A_1424 = arith.cmpi sge, %add3A_1423, %sub3A_266 : i32
      %and3A_1425 = arith.andi %lt3A_1422, %ge3A_1424 : i1
      %select_n3A_1426 = arith.select %and3A_1425, %sub3A_1418, %scan3A_1415 : i32
      %select_n3A_1427 = arith.select %and3A_1425, %scan3A_1414, %scan3A_1416 : i32
      %add3A_1428 = arith.addi %scan3A_1414, %get3A_1420 : i32
      scf.yield %add3A_1428, %select_n3A_1426, %select_n3A_1427 : i32, i32, i32
    }
    %scan3A_357 = arith.constant 64 : i32
    %mul3A_358 = arith.constant 16 : i32
    %mul3A_359 = arith.muli %scan3A_356#1, %mul3A_358 : i32
    %get3A_360 = arith.index_cast %mul3A_359 : i32 to index
    %get3A_361 = tpu.vector_load %arg6[%get3A_360] {strides = array<i32>} : memref<1024xi32, #tpu.memory_space<vmem>>, vector<16xi32>,
    %slice3A_362 = vector.extract_strided_slice %get3A_361 {offsets = [15], sizes = [1], strides = [1]} : vector<16xi32> to vector<1xi32>
    %squeeze3A_363 = vector.extract %slice3A_362[0] : i32 from vector<1xi32>
    %lt3A_364 = arith.constant -1 : i32
    %lt3A_365 = arith.constant 0 : i32
    %lt3A_366 = arith.cmpi slt, %lt3A_364, %lt3A_365 : i32
    %add3A_367 = arith.addi %scan3A_356#2, %squeeze3A_363 : i32
    %ge3A_368 = arith.cmpi sge, %add3A_367, %sub3A_266 : i32
    %and3A_369 = arith.andi %lt3A_366, %ge3A_368 : i1
    %mul3A_370 = arith.constant 16 : i32
    %mul3A_371 = arith.muli %scan3A_356#1, %mul3A_370 : i32
    %add3A_372 = arith.constant 15 : i32
    %add3A_373 = arith.addi %mul3A_371, %add3A_372 : i32
    %jit3A_374 = arith.constant -1 : i32
    %select_n3A_375 = arith.select %and3A_369, %add3A_373, %jit3A_374 : i32
    %jit3A_376 = arith.constant 0 : i32
    %select_n3A_377 = arith.select %and3A_369, %scan3A_356#2, %jit3A_376 : i32
    %add3A_378 = arith.addi %scan3A_356#2, %squeeze3A_363 : i32
    %slice3A_379 = vector.extract_strided_slice %get3A_361 {offsets = [14], sizes = [1], strides = [1]} : vector<16xi32> to vector<1xi32>
    %squeeze3A_380 = vector.extract %slice3A_379[0] : i32 from vector<1xi32>
    %lt3A_381 = arith.constant 0 : i32
    %lt3A_382 = arith.cmpi slt, %select_n3A_375, %lt3A_381 : i32
    %add3A_383 = arith.addi %add3A_378, %squeeze3A_380 : i32
    %ge3A_384 = arith.cmpi sge, %add3A_383, %sub3A_266 : i32
    %and3A_385 = arith.andi %lt3A_382, %ge3A_384 : i1
    %mul3A_386 = arith.constant 16 : i32
    %mul3A_387 = arith.muli %scan3A_356#1, %mul3A_386 : i32
    %add3A_388 = arith.constant 14 : i32
    %add3A_389 = arith.addi %mul3A_387, %add3A_388 : i32
    %select_n3A_390 = arith.select %and3A_385, %add3A_389, %select_n3A_375 : i32
    %select_n3A_391 = arith.select %and3A_385, %add3A_378, %select_n3A_377 : i32
    %add3A_392 = arith.addi %add3A_378, %squeeze3A_380 : i32
    %slice3A_393 = vector.extract_strided_slice %get3A_361 {offsets = [13], sizes = [1], strides = [1]} : vector<16xi32> to vector<1xi32>
    %squeeze3A_394 = vector.extract %slice3A_393[0] : i32 from vector<1xi32>
    %lt3A_395 = arith.constant 0 : i32
    %lt3A_396 = arith.cmpi slt, %select_n3A_390, %lt3A_395 : i32
    %add3A_397 = arith.addi %add3A_392, %squeeze3A_394 : i32
    %ge3A_398 = arith.cmpi sge, %add3A_397, %sub3A_266 : i32
    %and3A_399 = arith.andi %lt3A_396, %ge3A_398 : i1
    %mul3A_400 = arith.constant 16 : i32
    %mul3A_401 = arith.muli %scan3A_356#1, %mul3A_400 : i32
    %add3A_402 = arith.constant 13 : i32
    %add3A_403 = arith.addi %mul3A_401, %add3A_402 : i32
    %select_n3A_404 = arith.select %and3A_399, %add3A_403, %select_n3A_390 : i32
    %select_n3A_405 = arith.select %and3A_399, %add3A_392, %select_n3A_391 : i32
    %add3A_406 = arith.addi %add3A_392, %squeeze3A_394 : i32
    %slice3A_407 = vector.extract_strided_slice %get3A_361 {offsets = [12], sizes = [1], strides = [1]} : vector<16xi32> to vector<1xi32>
    %squeeze3A_408 = vector.extract %slice3A_407[0] : i32 from vector<1xi32>
    %lt3A_409 = arith.constant 0 : i32
    %lt3A_410 = arith.cmpi slt, %select_n3A_404, %lt3A_409 : i32
    %add3A_411 = arith.addi %add3A_406, %squeeze3A_408 : i32
    %ge3A_412 = arith.cmpi sge, %add3A_411, %sub3A_266 : i32
    %and3A_413 = arith.andi %lt3A_410, %ge3A_412 : i1
    %mul3A_414 = arith.constant 16 : i32
    %mul3A_415 = arith.muli %scan3A_356#1, %mul3A_414 : i32
    %add3A_416 = arith.constant 12 : i32
    %add3A_417 = arith.addi %mul3A_415, %add3A_416 : i32
    %select_n3A_418 = arith.select %and3A_413, %add3A_417, %select_n3A_404 : i32
    %select_n3A_419 = arith.select %and3A_413, %add3A_406, %select_n3A_405 : i32
    %add3A_420 = arith.addi %add3A_406, %squeeze3A_408 : i32
    %slice3A_421 = vector.extract_strided_slice %get3A_361 {offsets = [11], sizes = [1], strides = [1]} : vector<16xi32> to vector<1xi32>
    %squeeze3A_422 = vector.extract %slice3A_421[0] : i32 from vector<1xi32>
    %lt3A_423 = arith.constant 0 : i32
    %lt3A_424 = arith.cmpi slt, %select_n3A_418, %lt3A_423 : i32
    %add3A_425 = arith.addi %add3A_420, %squeeze3A_422 : i32
    %ge3A_426 = arith.cmpi sge, %add3A_425, %sub3A_266 : i32
    %and3A_427 = arith.andi %lt3A_424, %ge3A_426 : i1
    %mul3A_428 = arith.constant 16 : i32
    %mul3A_429 = arith.muli %scan3A_356#1, %mul3A_428 : i32
    %add3A_430 = arith.constant 11 : i32
    %add3A_431 = arith.addi %mul3A_429, %add3A_430 : i32
    %select_n3A_432 = arith.select %and3A_427, %add3A_431, %select_n3A_418 : i32
    %select_n3A_433 = arith.select %and3A_427, %add3A_420, %select_n3A_419 : i32
    %add3A_434 = arith.addi %add3A_420, %squeeze3A_422 : i32
    %slice3A_435 = vector.extract_strided_slice %get3A_361 {offsets = [10], sizes = [1], strides = [1]} : vector<16xi32> to vector<1xi32>
    %squeeze3A_436 = vector.extract %slice3A_435[0] : i32 from vector<1xi32>
    %lt3A_437 = arith.constant 0 : i32
    %lt3A_438 = arith.cmpi slt, %select_n3A_432, %lt3A_437 : i32
    %add3A_439 = arith.addi %add3A_434, %squeeze3A_436 : i32
    %ge3A_440 = arith.cmpi sge, %add3A_439, %sub3A_266 : i32
    %and3A_441 = arith.andi %lt3A_438, %ge3A_440 : i1
    %mul3A_442 = arith.constant 16 : i32
    %mul3A_443 = arith.muli %scan3A_356#1, %mul3A_442 : i32
    %add3A_444 = arith.constant 10 : i32
    %add3A_445 = arith.addi %mul3A_443, %add3A_444 : i32
    %select_n3A_446 = arith.select %and3A_441, %add3A_445, %select_n3A_432 : i32
    %select_n3A_447 = arith.select %and3A_441, %add3A_434, %select_n3A_433 : i32
    %add3A_448 = arith.addi %add3A_434, %squeeze3A_436 : i32
    %slice3A_449 = vector.extract_strided_slice %get3A_361 {offsets = [9], sizes = [1], strides = [1]} : vector<16xi32> to vector<1xi32>
    %squeeze3A_450 = vector.extract %slice3A_449[0] : i32 from vector<1xi32>
    %lt3A_451 = arith.constant 0 : i32
    %lt3A_452 = arith.cmpi slt, %select_n3A_446, %lt3A_451 : i32
    %add3A_453 = arith.addi %add3A_448, %squeeze3A_450 : i32
    %ge3A_454 = arith.cmpi sge, %add3A_453, %sub3A_266 : i32
    %and3A_455 = arith.andi %lt3A_452, %ge3A_454 : i1
    %mul3A_456 = arith.constant 16 : i32
    %mul3A_457 = arith.muli %scan3A_356#1, %mul3A_456 : i32
    %add3A_458 = arith.constant 9 : i32
    %add3A_459 = arith.addi %mul3A_457, %add3A_458 : i32
    %select_n3A_460 = arith.select %and3A_455, %add3A_459, %select_n3A_446 : i32
    %select_n3A_461 = arith.select %and3A_455, %add3A_448, %select_n3A_447 : i32
    %add3A_462 = arith.addi %add3A_448, %squeeze3A_450 : i32
    %slice3A_463 = vector.extract_strided_slice %get3A_361 {offsets = [8], sizes = [1], strides = [1]} : vector<16xi32> to vector<1xi32>
    %squeeze3A_464 = vector.extract %slice3A_463[0] : i32 from vector<1xi32>
    %lt3A_465 = arith.constant 0 : i32
    %lt3A_466 = arith.cmpi slt, %select_n3A_460, %lt3A_465 : i32
    %add3A_467 = arith.addi %add3A_462, %squeeze3A_464 : i32
    %ge3A_468 = arith.cmpi sge, %add3A_467, %sub3A_266 : i32
    %and3A_469 = arith.andi %lt3A_466, %ge3A_468 : i1
    %mul3A_470 = arith.constant 16 : i32
    %mul3A_471 = arith.muli %scan3A_356#1, %mul3A_470 : i32
    %add3A_472 = arith.constant 8 : i32
    %add3A_473 = arith.addi %mul3A_471, %add3A_472 : i32
    %select_n3A_474 = arith.select %and3A_469, %add3A_473, %select_n3A_460 : i32
    %select_n3A_475 = arith.select %and3A_469, %add3A_462, %select_n3A_461 : i32
    %add3A_476 = arith.addi %add3A_462, %squeeze3A_464 : i32
    %slice3A_477 = vector.extract_strided_slice %get3A_361 {offsets = [7], sizes = [1], strides = [1]} : vector<16xi32> to vector<1xi32>
    %squeeze3A_478 = vector.extract %slice3A_477[0] : i32 from vector<1xi32>
    %lt3A_479 = arith.constant 0 : i32
    %lt3A_480 = arith.cmpi slt, %select_n3A_474, %lt3A_479 : i32
    %add3A_481 = arith.addi %add3A_476, %squeeze3A_478 : i32
    %ge3A_482 = arith.cmpi sge, %add3A_481, %sub3A_266 : i32
    %and3A_483 = arith.andi %lt3A_480, %ge3A_482 : i1
    %mul3A_484 = arith.constant 16 : i32
    %mul3A_485 = arith.muli %scan3A_356#1, %mul3A_484 : i32
    %add3A_486 = arith.constant 7 : i32
    %add3A_487 = arith.addi %mul3A_485, %add3A_486 : i32
    %select_n3A_488 = arith.select %and3A_483, %add3A_487, %select_n3A_474 : i32
    %select_n3A_489 = arith.select %and3A_483, %add3A_476, %select_n3A_475 : i32
    %add3A_490 = arith.addi %add3A_476, %squeeze3A_478 : i32
    %slice3A_491 = vector.extract_strided_slice %get3A_361 {offsets = [6], sizes = [1], strides = [1]} : vector<16xi32> to vector<1xi32>
    %squeeze3A_492 = vector.extract %slice3A_491[0] : i32 from vector<1xi32>
    %lt3A_493 = arith.constant 0 : i32
    %lt3A_494 = arith.cmpi slt, %select_n3A_488, %lt3A_493 : i32
    %add3A_495 = arith.addi %add3A_490, %squeeze3A_492 : i32
    %ge3A_496 = arith.cmpi sge, %add3A_495, %sub3A_266 : i32
    %and3A_497 = arith.andi %lt3A_494, %ge3A_496 : i1
    %mul3A_498 = arith.constant 16 : i32
    %mul3A_499 = arith.muli %scan3A_356#1, %mul3A_498 : i32
    %add3A_500 = arith.constant 6 : i32
    %add3A_501 = arith.addi %mul3A_499, %add3A_500 : i32
    %select_n3A_502 = arith.select %and3A_497, %add3A_501, %select_n3A_488 : i32
    %select_n3A_503 = arith.select %and3A_497, %add3A_490, %select_n3A_489 : i32
    %add3A_504 = arith.addi %add3A_490, %squeeze3A_492 : i32
    %slice3A_505 = vector.extract_strided_slice %get3A_361 {offsets = [5], sizes = [1], strides = [1]} : vector<16xi32> to vector<1xi32>
    %squeeze3A_506 = vector.extract %slice3A_505[0] : i32 from vector<1xi32>
    %lt3A_507 = arith.constant 0 : i32
    %lt3A_508 = arith.cmpi slt, %select_n3A_502, %lt3A_507 : i32
    %add3A_509 = arith.addi %add3A_504, %squeeze3A_506 : i32
    %ge3A_510 = arith.cmpi sge, %add3A_509, %sub3A_266 : i32
    %and3A_511 = arith.andi %lt3A_508, %ge3A_510 : i1
    %mul3A_512 = arith.constant 16 : i32
    %mul3A_513 = arith.muli %scan3A_356#1, %mul3A_512 : i32
    %add3A_514 = arith.constant 5 : i32
    %add3A_515 = arith.addi %mul3A_513, %add3A_514 : i32
    %select_n3A_516 = arith.select %and3A_511, %add3A_515, %select_n3A_502 : i32
    %select_n3A_517 = arith.select %and3A_511, %add3A_504, %select_n3A_503 : i32
    %add3A_518 = arith.addi %add3A_504, %squeeze3A_506 : i32
    %slice3A_519 = vector.extract_strided_slice %get3A_361 {offsets = [4], sizes = [1], strides = [1]} : vector<16xi32> to vector<1xi32>
    %squeeze3A_520 = vector.extract %slice3A_519[0] : i32 from vector<1xi32>
    %lt3A_521 = arith.constant 0 : i32
    %lt3A_522 = arith.cmpi slt, %select_n3A_516, %lt3A_521 : i32
    %add3A_523 = arith.addi %add3A_518, %squeeze3A_520 : i32
    %ge3A_524 = arith.cmpi sge, %add3A_523, %sub3A_266 : i32
    %and3A_525 = arith.andi %lt3A_522, %ge3A_524 : i1
    %mul3A_526 = arith.constant 16 : i32
    %mul3A_527 = arith.muli %scan3A_356#1, %mul3A_526 : i32
    %add3A_528 = arith.constant 4 : i32
    %add3A_529 = arith.addi %mul3A_527, %add3A_528 : i32
    %select_n3A_530 = arith.select %and3A_525, %add3A_529, %select_n3A_516 : i32
    %select_n3A_531 = arith.select %and3A_525, %add3A_518, %select_n3A_517 : i32
    %add3A_532 = arith.addi %add3A_518, %squeeze3A_520 : i32
    %slice3A_533 = vector.extract_strided_slice %get3A_361 {offsets = [3], sizes = [1], strides = [1]} : vector<16xi32> to vector<1xi32>
    %squeeze3A_534 = vector.extract %slice3A_533[0] : i32 from vector<1xi32>
    %lt3A_535 = arith.constant 0 : i32
    %lt3A_536 = arith.cmpi slt, %select_n3A_530, %lt3A_535 : i32
    %add3A_537 = arith.addi %add3A_532, %squeeze3A_534 : i32
    %ge3A_538 = arith.cmpi sge, %add3A_537, %sub3A_266 : i32
    %and3A_539 = arith.andi %lt3A_536, %ge3A_538 : i1
    %mul3A_540 = arith.constant 16 : i32
    %mul3A_541 = arith.muli %scan3A_356#1, %mul3A_540 : i32
    %add3A_542 = arith.constant 3 : i32
    %add3A_543 = arith.addi %mul3A_541, %add3A_542 : i32
    %select_n3A_544 = arith.select %and3A_539, %add3A_543, %select_n3A_530 : i32
    %select_n3A_545 = arith.select %and3A_539, %add3A_532, %select_n3A_531 : i32
    %add3A_546 = arith.addi %add3A_532, %squeeze3A_534 : i32
    %slice3A_547 = vector.extract_strided_slice %get3A_361 {offsets = [2], sizes = [1], strides = [1]} : vector<16xi32> to vector<1xi32>
    %squeeze3A_548 = vector.extract %slice3A_547[0] : i32 from vector<1xi32>
    %lt3A_549 = arith.constant 0 : i32
    %lt3A_550 = arith.cmpi slt, %select_n3A_544, %lt3A_549 : i32
    %add3A_551 = arith.addi %add3A_546, %squeeze3A_548 : i32
    %ge3A_552 = arith.cmpi sge, %add3A_551, %sub3A_266 : i32
    %and3A_553 = arith.andi %lt3A_550, %ge3A_552 : i1
    %mul3A_554 = arith.constant 16 : i32
    %mul3A_555 = arith.muli %scan3A_356#1, %mul3A_554 : i32
    %add3A_556 = arith.constant 2 : i32
    %add3A_557 = arith.addi %mul3A_555, %add3A_556 : i32
    %select_n3A_558 = arith.select %and3A_553, %add3A_557, %select_n3A_544 : i32
    %select_n3A_559 = arith.select %and3A_553, %add3A_546, %select_n3A_545 : i32
    %add3A_560 = arith.addi %add3A_546, %squeeze3A_548 : i32
    %slice3A_561 = vector.extract_strided_slice %get3A_361 {offsets = [1], sizes = [1], strides = [1]} : vector<16xi32> to vector<1xi32>
    %squeeze3A_562 = vector.extract %slice3A_561[0] : i32 from vector<1xi32>
    %lt3A_563 = arith.constant 0 : i32
    %lt3A_564 = arith.cmpi slt, %select_n3A_558, %lt3A_563 : i32
    %add3A_565 = arith.addi %add3A_560, %squeeze3A_562 : i32
    %ge3A_566 = arith.cmpi sge, %add3A_565, %sub3A_266 : i32
    %and3A_567 = arith.andi %lt3A_564, %ge3A_566 : i1
    %mul3A_568 = arith.constant 16 : i32
    %mul3A_569 = arith.muli %scan3A_356#1, %mul3A_568 : i32
    %add3A_570 = arith.constant 1 : i32
    %add3A_571 = arith.addi %mul3A_569, %add3A_570 : i32
    %select_n3A_572 = arith.select %and3A_567, %add3A_571, %select_n3A_558 : i32
    %select_n3A_573 = arith.select %and3A_567, %add3A_560, %select_n3A_559 : i32
    %add3A_574 = arith.addi %add3A_560, %squeeze3A_562 : i32
    %slice3A_575 = vector.extract_strided_slice %get3A_361 {offsets = [0], sizes = [1], strides = [1]} : vector<16xi32> to vector<1xi32>
    %squeeze3A_576 = vector.extract %slice3A_575[0] : i32 from vector<1xi32>
    %lt3A_577 = arith.constant 0 : i32
    %lt3A_578 = arith.cmpi slt, %select_n3A_572, %lt3A_577 : i32
    %add3A_579 = arith.addi %add3A_574, %squeeze3A_576 : i32
    %ge3A_580 = arith.cmpi sge, %add3A_579, %sub3A_266 : i32
    %and3A_581 = arith.andi %lt3A_578, %ge3A_580 : i1
    %mul3A_582 = arith.constant 16 : i32
    %mul3A_583 = arith.muli %scan3A_356#1, %mul3A_582 : i32
    %add3A_584 = arith.constant 0 : i32
    %add3A_585 = arith.addi %mul3A_583, %add3A_584 : i32
    %select_n3A_586 = arith.select %and3A_581, %add3A_585, %select_n3A_572 : i32
    %select_n3A_587 = arith.select %and3A_581, %add3A_574, %select_n3A_573 : i32
    %add3A_588 = arith.addi %add3A_574, %squeeze3A_576 : i32
    %shift_left3A = arith.constant 10 : i32
    %shift_left3A_589 = arith.shli %select_n3A_263, %shift_left3A : i32
    %or3A = arith.ori %shift_left3A_589, %select_n3A_586 : i32
    %sub3A_590 = arith.subi %sub3A_266, %select_n3A_587 : i32
    %parallel_loop3A_591 = arith.constant 0 : i32
    %parallel_loop3A_592 = arith.constant 1 : i32
    scf.for %parallel_loop3A_1413 = %parallel_loop3A_591 to %select_n3A_305 step %parallel_loop3A_592  : i32 {
      %parallel_loop3A_1414 = arith.constant 16 : i32
      %parallel_loop3A_1415 = arith.muli %parallel_loop3A_1413, %parallel_loop3A_1414 : i32
      %parallel_loop3A_1416 = arith.constant 0 : i32
      %parallel_loop3A_1417 = arith.addi %parallel_loop3A_1416, %parallel_loop3A_1415 : i32
      %parallel_loop3A_1418 = arith.index_cast %parallel_loop3A_1417 : i32 to index
      %parallel_loop3A_1419 = tpu.vector_load %arg7[%parallel_loop3A_1418] {strides = array<i32>} : memref<32800xi32, #tpu.memory_space<vmem>>, vector<16xi32>,
      %parallel_loop3A_1420 = arith.constant 11 : i32
      %parallel_loop3A_1421 = vector.broadcast %parallel_loop3A_1420 : i32 to vector<16xi32>
      %parallel_loop3A_1422 = arith.shrui %parallel_loop3A_1419, %parallel_loop3A_1421 : vector<16xi32>
      %parallel_loop3A_1423 = vector.broadcast %or3A : i32 to vector<16xi32>
      %parallel_loop3A_1424 = arith.cmpi eq, %parallel_loop3A_1422, %parallel_loop3A_1423 : vector<16xi32>
      %parallel_loop3A_1425 = arith.constant 1 : i32
      %parallel_loop3A_1426 = vector.broadcast %parallel_loop3A_1425 : i32 to vector<16xi32>
      %parallel_loop3A_1427 = arith.shrui %parallel_loop3A_1419, %parallel_loop3A_1426 : vector<16xi32>
      %parallel_loop3A_1428 = arith.constant 1023 : i32
      %parallel_loop3A_1429 = vector.broadcast %parallel_loop3A_1428 : i32 to vector<16xi32>
      %parallel_loop3A_1430 = arith.andi %parallel_loop3A_1427, %parallel_loop3A_1429 : vector<16xi32>
      %parallel_loop3A_1431 = arith.constant 1024 : i32
      %parallel_loop3A_1432 = vector.broadcast %parallel_loop3A_1431 : i32 to vector<16xi32>
      %parallel_loop3A_1433 = arith.muli %iota3A, %parallel_loop3A_1432 : vector<16xi32>
      %parallel_loop3A_1434 = arith.constant 32768 : i32
      %parallel_loop3A_1435 = vector.broadcast %parallel_loop3A_1434 : i32 to vector<16xi32>
      %parallel_loop3A_1436 = arith.addi %parallel_loop3A_1435, %parallel_loop3A_1433 : vector<16xi32>
      %parallel_loop3A_1437 = arith.addi %parallel_loop3A_1436, %parallel_loop3A_1430 : vector<16xi32>
      tpu.vector_store_idx %arg5[%parallel_loop3A_1437], %broadcast_in_dim3A_1 masked %parallel_loop3A_1424 {add = true} : memref<49152xi32, #tpu.memory_space<vmem>>[vector<16xi32>], vector<16xi32>, vector<16xi1>
    } {sc.loop_unroll_factor = 2 : i64, sc.parallel_access}
    %parallel_loop3A_593 = arith.constant 0 : i32
    %parallel_loop3A_594 = arith.constant 1 : i32
    scf.for %parallel_loop3A_1413 = %parallel_loop3A_593 to %select_n3A_335 step %parallel_loop3A_594  : i32 {
      %parallel_loop3A_1414 = arith.constant 16 : i32
      %parallel_loop3A_1415 = arith.muli %parallel_loop3A_1413, %parallel_loop3A_1414 : i32
      %parallel_loop3A_1416 = arith.constant 16400 : i32
      %parallel_loop3A_1417 = arith.addi %parallel_loop3A_1416, %parallel_loop3A_1415 : i32
      %parallel_loop3A_1418 = arith.index_cast %parallel_loop3A_1417 : i32 to index
      %parallel_loop3A_1419 = tpu.vector_load %arg7[%parallel_loop3A_1418] {strides = array<i32>} : memref<32800xi32, #tpu.memory_space<vmem>>, vector<16xi32>,
      %parallel_loop3A_1420 = arith.constant 11 : i32
      %parallel_loop3A_1421 = vector.broadcast %parallel_loop3A_1420 : i32 to vector<16xi32>
      %parallel_loop3A_1422 = arith.shrui %parallel_loop3A_1419, %parallel_loop3A_1421 : vector<16xi32>
      %parallel_loop3A_1423 = vector.broadcast %or3A : i32 to vector<16xi32>
      %parallel_loop3A_1424 = arith.cmpi eq, %parallel_loop3A_1422, %parallel_loop3A_1423 : vector<16xi32>
      %parallel_loop3A_1425 = arith.constant 1 : i32
      %parallel_loop3A_1426 = vector.broadcast %parallel_loop3A_1425 : i32 to vector<16xi32>
      %parallel_loop3A_1427 = arith.shrui %parallel_loop3A_1419, %parallel_loop3A_1426 : vector<16xi32>
      %parallel_loop3A_1428 = arith.constant 1023 : i32
      %parallel_loop3A_1429 = vector.broadcast %parallel_loop3A_1428 : i32 to vector<16xi32>
      %parallel_loop3A_1430 = arith.andi %parallel_loop3A_1427, %parallel_loop3A_1429 : vector<16xi32>
      %parallel_loop3A_1431 = arith.constant 1024 : i32
      %parallel_loop3A_1432 = vector.broadcast %parallel_loop3A_1431 : i32 to vector<16xi32>
      %parallel_loop3A_1433 = arith.muli %iota3A, %parallel_loop3A_1432 : vector<16xi32>
      %parallel_loop3A_1434 = arith.constant 32768 : i32
      %parallel_loop3A_1435 = vector.broadcast %parallel_loop3A_1434 : i32 to vector<16xi32>
      %parallel_loop3A_1436 = arith.addi %parallel_loop3A_1435, %parallel_loop3A_1433 : vector<16xi32>
      %parallel_loop3A_1437 = arith.addi %parallel_loop3A_1436, %parallel_loop3A_1430 : vector<16xi32>
      tpu.vector_store_idx %arg5[%parallel_loop3A_1437], %broadcast_in_dim3A_1 masked %parallel_loop3A_1424 {add = true} : memref<49152xi32, #tpu.memory_space<vmem>>[vector<16xi32>], vector<16xi32>, vector<16xi1>
    } {sc.loop_unroll_factor = 2 : i64, sc.parallel_access}
    %parallel_loop3A_595 = arith.constant 0 : i32
    %parallel_loop3A_596 = arith.constant 64 : i32
    %parallel_loop3A_597 = arith.constant 1 : i32
    scf.for %parallel_loop3A_1413 = %parallel_loop3A_595 to %parallel_loop3A_596 step %parallel_loop3A_597  : i32 {
      %parallel_loop3A_1414 = arith.constant 16 : i32
      %parallel_loop3A_1415 = arith.muli %parallel_loop3A_1413, %parallel_loop3A_1414 : i32
      %parallel_loop3A_1416 = arith.constant 32768 : i32
      %parallel_loop3A_1417 = arith.addi %parallel_loop3A_1416, %parallel_loop3A_1415 : i32
      %parallel_loop3A_1418 = arith.index_cast %parallel_loop3A_1417 : i32 to index
      %parallel_loop3A_1419 = tpu.vector_load %arg5[%parallel_loop3A_1418] {strides = array<i32>} : memref<49152xi32, #tpu.memory_space<vmem>>, vector<16xi32>,
      %parallel_loop3A_1420 = arith.constant 16 : i32
      %parallel_loop3A_1421 = arith.muli %parallel_loop3A_1413, %parallel_loop3A_1420 : i32
      %parallel_loop3A_1422 = arith.constant 33792 : i32
      %parallel_loop3A_1423 = arith.addi %parallel_loop3A_1422, %parallel_loop3A_1421 : i32
      %parallel_loop3A_1424 = arith.index_cast %parallel_loop3A_1423 : i32 to index
      %parallel_loop3A_1425 = tpu.vector_load %arg5[%parallel_loop3A_1424] {strides = array<i32>} : memref<49152xi32, #tpu.memory_space<vmem>>, vector<16xi32>,
      %parallel_loop3A_1426 = arith.addi %parallel_loop3A_1419, %parallel_loop3A_1425 : vector<16xi32>
      %parallel_loop3A_1427 = arith.constant 16 : i32
      %parallel_loop3A_1428 = arith.muli %parallel_loop3A_1413, %parallel_loop3A_1427 : i32
      %parallel_loop3A_1429 = arith.constant 34816 : i32
      %parallel_loop3A_1430 = arith.addi %parallel_loop3A_1429, %parallel_loop3A_1428 : i32
      %parallel_loop3A_1431 = arith.index_cast %parallel_loop3A_1430 : i32 to index
      %parallel_loop3A_1432 = tpu.vector_load %arg5[%parallel_loop3A_1431] {strides = array<i32>} : memref<49152xi32, #tpu.memory_space<vmem>>, vector<16xi32>,
      %parallel_loop3A_1433 = arith.addi %parallel_loop3A_1426, %parallel_loop3A_1432 : vector<16xi32>
      %parallel_loop3A_1434 = arith.constant 16 : i32
      %parallel_loop3A_1435 = arith.muli %parallel_loop3A_1413, %parallel_loop3A_1434 : i32
      %parallel_loop3A_1436 = arith.constant 35840 : i32
      %parallel_loop3A_1437 = arith.addi %parallel_loop3A_1436, %parallel_loop3A_1435 : i32
      %parallel_loop3A_1438 = arith.index_cast %parallel_loop3A_1437 : i32 to index
      %parallel_loop3A_1439 = tpu.vector_load %arg5[%parallel_loop3A_1438] {strides = array<i32>} : memref<49152xi32, #tpu.memory_space<vmem>>, vector<16xi32>,
      %parallel_loop3A_1440 = arith.addi %parallel_loop3A_1433, %parallel_loop3A_1439 : vector<16xi32>
      %parallel_loop3A_1441 = arith.constant 16 : i32
      %parallel_loop3A_1442 = arith.muli %parallel_loop3A_1413, %parallel_loop3A_1441 : i32
      %parallel_loop3A_1443 = arith.constant 36864 : i32
      %parallel_loop3A_1444 = arith.addi %parallel_loop3A_1443, %parallel_loop3A_1442 : i32
      %parallel_loop3A_1445 = arith.index_cast %parallel_loop3A_1444 : i32 to index
      %parallel_loop3A_1446 = tpu.vector_load %arg5[%parallel_loop3A_1445] {strides = array<i32>} : memref<49152xi32, #tpu.memory_space<vmem>>, vector<16xi32>,
      %parallel_loop3A_1447 = arith.addi %parallel_loop3A_1440, %parallel_loop3A_1446 : vector<16xi32>
      %parallel_loop3A_1448 = arith.constant 16 : i32
      %parallel_loop3A_1449 = arith.muli %parallel_loop3A_1413, %parallel_loop3A_1448 : i32
      %parallel_loop3A_1450 = arith.constant 37888 : i32
      %parallel_loop3A_1451 = arith.addi %parallel_loop3A_1450, %parallel_loop3A_1449 : i32
      %parallel_loop3A_1452 = arith.index_cast %parallel_loop3A_1451 : i32 to index
      %parallel_loop3A_1453 = tpu.vector_load %arg5[%parallel_loop3A_1452] {strides = array<i32>} : memref<49152xi32, #tpu.memory_space<vmem>>, vector<16xi32>,
      %parallel_loop3A_1454 = arith.addi %parallel_loop3A_1447, %parallel_loop3A_1453 : vector<16xi32>
      %parallel_loop3A_1455 = arith.constant 16 : i32
      %parallel_loop3A_1456 = arith.muli %parallel_loop3A_1413, %parallel_loop3A_1455 : i32
      %parallel_loop3A_1457 = arith.constant 38912 : i32
      %parallel_loop3A_1458 = arith.addi %parallel_loop3A_1457, %parallel_loop3A_1456 : i32
      %parallel_loop3A_1459 = arith.index_cast %parallel_loop3A_1458 : i32 to index
      %parallel_loop3A_1460 = tpu.vector_load %arg5[%parallel_loop3A_1459] {strides = array<i32>} : memref<49152xi32, #tpu.memory_space<vmem>>, vector<16xi32>,
      %parallel_loop3A_1461 = arith.addi %parallel_loop3A_1454, %parallel_loop3A_1460 : vector<16xi32>
      %parallel_loop3A_1462 = arith.constant 16 : i32
      %parallel_loop3A_1463 = arith.muli %parallel_loop3A_1413, %parallel_loop3A_1462 : i32
      %parallel_loop3A_1464 = arith.constant 39936 : i32
      %parallel_loop3A_1465 = arith.addi %parallel_loop3A_1464, %parallel_loop3A_1463 : i32
      %parallel_loop3A_1466 = arith.index_cast %parallel_loop3A_1465 : i32 to index
      %parallel_loop3A_1467 = tpu.vector_load %arg5[%parallel_loop3A_1466] {strides = array<i32>} : memref<49152xi32, #tpu.memory_space<vmem>>, vector<16xi32>,
      %parallel_loop3A_1468 = arith.addi %parallel_loop3A_1461, %parallel_loop3A_1467 : vector<16xi32>
      %parallel_loop3A_1469 = arith.constant 16 : i32
      %parallel_loop3A_1470 = arith.muli %parallel_loop3A_1413, %parallel_loop3A_1469 : i32
      %parallel_loop3A_1471 = arith.constant 40960 : i32
      %parallel_loop3A_1472 = arith.addi %parallel_loop3A_1471, %parallel_loop3A_1470 : i32
      %parallel_loop3A_1473 = arith.index_cast %parallel_loop3A_1472 : i32 to index
      %parallel_loop3A_1474 = tpu.vector_load %arg5[%parallel_loop3A_1473] {strides = array<i32>} : memref<49152xi32, #tpu.memory_space<vmem>>, vector<16xi32>,
      %parallel_loop3A_1475 = arith.addi %parallel_loop3A_1468, %parallel_loop3A_1474 : vector<16xi32>
      %parallel_loop3A_1476 = arith.constant 16 : i32
      %parallel_loop3A_1477 = arith.muli %parallel_loop3A_1413, %parallel_loop3A_1476 : i32
      %parallel_loop3A_1478 = arith.constant 41984 : i32
      %parallel_loop3A_1479 = arith.addi %parallel_loop3A_1478, %parallel_loop3A_1477 : i32
      %parallel_loop3A_1480 = arith.index_cast %parallel_loop3A_1479 : i32 to index
      %parallel_loop3A_1481 = tpu.vector_load %arg5[%parallel_loop3A_1480] {strides = array<i32>} : memref<49152xi32, #tpu.memory_space<vmem>>, vector<16xi32>,
      %parallel_loop3A_1482 = arith.addi %parallel_loop3A_1475, %parallel_loop3A_1481 : vector<16xi32>
      %parallel_loop3A_1483 = arith.constant 16 : i32
      %parallel_loop3A_1484 = arith.muli %parallel_loop3A_1413, %parallel_loop3A_1483 : i32
      %parallel_loop3A_1485 = arith.constant 43008 : i32
      %parallel_loop3A_1486 = arith.addi %parallel_loop3A_1485, %parallel_loop3A_1484 : i32
      %parallel_loop3A_1487 = arith.index_cast %parallel_loop3A_1486 : i32 to index
      %parallel_loop3A_1488 = tpu.vector_load %arg5[%parallel_loop3A_1487] {strides = array<i32>} : memref<49152xi32, #tpu.memory_space<vmem>>, vector<16xi32>,
      %parallel_loop3A_1489 = arith.addi %parallel_loop3A_1482, %parallel_loop3A_1488 : vector<16xi32>
      %parallel_loop3A_1490 = arith.constant 16 : i32
      %parallel_loop3A_1491 = arith.muli %parallel_loop3A_1413, %parallel_loop3A_1490 : i32
      %parallel_loop3A_1492 = arith.constant 44032 : i32
      %parallel_loop3A_1493 = arith.addi %parallel_loop3A_1492, %parallel_loop3A_1491 : i32
      %parallel_loop3A_1494 = arith.index_cast %parallel_loop3A_1493 : i32 to index
      %parallel_loop3A_1495 = tpu.vector_load %arg5[%parallel_loop3A_1494] {strides = array<i32>} : memref<49152xi32, #tpu.memory_space<vmem>>, vector<16xi32>,
      %parallel_loop3A_1496 = arith.addi %parallel_loop3A_1489, %parallel_loop3A_1495 : vector<16xi32>
      %parallel_loop3A_1497 = arith.constant 16 : i32
      %parallel_loop3A_1498 = arith.muli %parallel_loop3A_1413, %parallel_loop3A_1497 : i32
      %parallel_loop3A_1499 = arith.constant 45056 : i32
      %parallel_loop3A_1500 = arith.addi %parallel_loop3A_1499, %parallel_loop3A_1498 : i32
      %parallel_loop3A_1501 = arith.index_cast %parallel_loop3A_1500 : i32 to index
      %parallel_loop3A_1502 = tpu.vector_load %arg5[%parallel_loop3A_1501] {strides = array<i32>} : memref<49152xi32, #tpu.memory_space<vmem>>, vector<16xi32>,
      %parallel_loop3A_1503 = arith.addi %parallel_loop3A_1496, %parallel_loop3A_1502 : vector<16xi32>
      %parallel_loop3A_1504 = arith.constant 16 : i32
      %parallel_loop3A_1505 = arith.muli %parallel_loop3A_1413, %parallel_loop3A_1504 : i32
      %parallel_loop3A_1506 = arith.constant 46080 : i32
      %parallel_loop3A_1507 = arith.addi %parallel_loop3A_1506, %parallel_loop3A_1505 : i32
      %parallel_loop3A_1508 = arith.index_cast %parallel_loop3A_1507 : i32 to index
      %parallel_loop3A_1509 = tpu.vector_load %arg5[%parallel_loop3A_1508] {strides = array<i32>} : memref<49152xi32, #tpu.memory_space<vmem>>, vector<16xi32>,
      %parallel_loop3A_1510 = arith.addi %parallel_loop3A_1503, %parallel_loop3A_1509 : vector<16xi32>
      %parallel_loop3A_1511 = arith.constant 16 : i32
      %parallel_loop3A_1512 = arith.muli %parallel_loop3A_1413, %parallel_loop3A_1511 : i32
      %parallel_loop3A_1513 = arith.constant 47104 : i32
      %parallel_loop3A_1514 = arith.addi %parallel_loop3A_1513, %parallel_loop3A_1512 : i32
      %parallel_loop3A_1515 = arith.index_cast %parallel_loop3A_1514 : i32 to index
      %parallel_loop3A_1516 = tpu.vector_load %arg5[%parallel_loop3A_1515] {strides = array<i32>} : memref<49152xi32, #tpu.memory_space<vmem>>, vector<16xi32>,
      %parallel_loop3A_1517 = arith.addi %parallel_loop3A_1510, %parallel_loop3A_1516 : vector<16xi32>
      %parallel_loop3A_1518 = arith.constant 16 : i32
      %parallel_loop3A_1519 = arith.muli %parallel_loop3A_1413, %parallel_loop3A_1518 : i32
      %parallel_loop3A_1520 = arith.constant 48128 : i32
      %parallel_loop3A_1521 = arith.addi %parallel_loop3A_1520, %parallel_loop3A_1519 : i32
      %parallel_loop3A_1522 = arith.index_cast %parallel_loop3A_1521 : i32 to index
      %parallel_loop3A_1523 = tpu.vector_load %arg5[%parallel_loop3A_1522] {strides = array<i32>} : memref<49152xi32, #tpu.memory_space<vmem>>, vector<16xi32>,
      %parallel_loop3A_1524 = arith.addi %parallel_loop3A_1517, %parallel_loop3A_1523 : vector<16xi32>
      %parallel_loop3A_1525 = arith.constant 16 : i32
      %parallel_loop3A_1526 = arith.muli %parallel_loop3A_1413, %parallel_loop3A_1525 : i32
      %parallel_loop3A_1527 = arith.index_cast %parallel_loop3A_1526 : i32 to index
      %parallel_loop3A_1528 = tpu.vector_load %arg6[%parallel_loop3A_1527] {strides = array<i32>} : memref<1024xi32, #tpu.memory_space<vmem>>, vector<16xi32>,
      tpu.vector_store %arg6[%parallel_loop3A_1527], %parallel_loop3A_1524 {strides = array<i32>} : memref<1024xi32, #tpu.memory_space<vmem>>, vector<16xi32>,
    } {sc.loop_unroll_factor = 4 : i64, sc.parallel_access}
    %mul3A_598 = arith.constant 1024 : i32
    %mul3A_599 = arith.muli %arg1, %mul3A_598 : i32
    "tpu.region"() ({
      %run_scoped3A = tpu.sem_alloc : memref<!tpu.dma_semaphore, #tpu.memory_space<semaphore_mem>>
      %dma_start3A_1413 = arith.constant 0 : i32
      %dma_start3A_1414 = tpu.memref_slice %arg6[%dma_start3A_1413] : memref<1024xi32, #tpu.memory_space<vmem>> -> memref<1024xi32, #tpu.memory_space<vmem>>
      %dma_start3A_1415 = tpu.memref_slice %arg11[%mul3A_599] : memref<16384xi32, #tpu.memory_space<vmem_shared>> -> memref<1024xi32, #tpu.memory_space<vmem_shared>>
      %dma_start3A_1416 = tpu.memref_slice %arg11[%mul3A_599] : memref<16384xi32, #tpu.memory_space<vmem_shared>> -> memref<1024xi32, #tpu.memory_space<vmem_shared>>
      %dma_start3A_1417 = arith.constant 0 : i32
      %dma_start3A_1418 = tpu.memref_slice %arg6[%dma_start3A_1417] : memref<1024xi32, #tpu.memory_space<vmem>> -> memref<1024xi32, #tpu.memory_space<vmem>>
      tpu.enqueue_dma source(%dma_start3A_1418 : memref<1024xi32, #tpu.memory_space<vmem>>) target(%dma_start3A_1416 : memref<1024xi32, #tpu.memory_space<vmem_shared>>) target_semaphore(%run_scoped3A : memref<!tpu.dma_semaphore, #tpu.memory_space<semaphore_mem>>)
      %dma_wait3A_1419 = arith.constant 0 : i32
      %dma_wait3A_1420 = tpu.memref_slice %arg6[%dma_wait3A_1419] : memref<1024xi32, #tpu.memory_space<vmem>> -> memref<1024xi32, #tpu.memory_space<vmem>>
      %dma_wait3A_1421 = tpu.memref_slice %arg11[%mul3A_599] : memref<16384xi32, #tpu.memory_space<vmem_shared>> -> memref<1024xi32, #tpu.memory_space<vmem_shared>>
      %dma_wait3A_1422 = tpu.memref_slice %arg11[%mul3A_599] : memref<16384xi32, #tpu.memory_space<vmem_shared>> -> memref<1024xi32, #tpu.memory_space<vmem_shared>>
      %dma_wait3A_1423 = arith.constant 0 : i32
      %dma_wait3A_1424 = tpu.memref_slice %arg6[%dma_wait3A_1423] : memref<1024xi32, #tpu.memory_space<vmem>> -> memref<1024xi32, #tpu.memory_space<vmem>>
      tpu.wait_dma2 semaphore(%run_scoped3A : memref<!tpu.dma_semaphore, #tpu.memory_space<semaphore_mem>>) src(%dma_wait3A_1424 : memref<1024xi32, #tpu.memory_space<vmem>>) dst(%dma_wait3A_1422 : memref<1024xi32, #tpu.memory_space<vmem_shared>>)
      tpu.yield
    }) : () -> ()
    %barrier3A_600 = arith.constant 0 : index
    tpu.barrier barrier_id(%barrier3A_600)
    "tpu.region"() ({
      %run_scoped3A = tpu.sem_alloc : memref<!tpu.dma_semaphore, #tpu.memory_space<semaphore_mem>>
      %dma_start3A_1413 = arith.constant 32768 : i32
      %dma_start3A_1414 = tpu.memref_slice %arg5[%dma_start3A_1413] : memref<49152xi32, #tpu.memory_space<vmem>> -> memref<16384xi32, #tpu.memory_space<vmem>>
      %dma_start3A_1415 = arith.constant 32768 : i32
      %dma_start3A_1416 = tpu.memref_slice %arg5[%dma_start3A_1415] : memref<49152xi32, #tpu.memory_space<vmem>> -> memref<16384xi32, #tpu.memory_space<vmem>>
      tpu.enqueue_dma source(%arg11 : memref<16384xi32, #tpu.memory_space<vmem_shared>>) target(%dma_start3A_1416 : memref<16384xi32, #tpu.memory_space<vmem>>) target_semaphore(%run_scoped3A : memref<!tpu.dma_semaphore, #tpu.memory_space<semaphore_mem>>)
      %dma_wait3A_1417 = arith.constant 32768 : i32
      %dma_wait3A_1418 = tpu.memref_slice %arg5[%dma_wait3A_1417] : memref<49152xi32, #tpu.memory_space<vmem>> -> memref<16384xi32, #tpu.memory_space<vmem>>
      %dma_wait3A_1419 = arith.constant 32768 : i32
      %dma_wait3A_1420 = tpu.memref_slice %arg5[%dma_wait3A_1419] : memref<49152xi32, #tpu.memory_space<vmem>> -> memref<16384xi32, #tpu.memory_space<vmem>>
      tpu.wait_dma2 semaphore(%run_scoped3A : memref<!tpu.dma_semaphore, #tpu.memory_space<semaphore_mem>>) src(%arg11 : memref<16384xi32, #tpu.memory_space<vmem_shared>>) dst(%dma_wait3A_1420 : memref<16384xi32, #tpu.memory_space<vmem>>)
      tpu.yield
    }) : () -> ()
    %parallel_loop3A_601 = arith.constant 0 : i32
    %parallel_loop3A_602 = arith.constant 64 : i32
    %parallel_loop3A_603 = arith.constant 1 : i32
    scf.for %parallel_loop3A_1413 = %parallel_loop3A_601 to %parallel_loop3A_602 step %parallel_loop3A_603  : i32 {
      %parallel_loop3A_1414 = arith.constant 16 : i32
      %parallel_loop3A_1415 = arith.muli %parallel_loop3A_1413, %parallel_loop3A_1414 : i32
      %parallel_loop3A_1416 = arith.constant 32768 : i32
      %parallel_loop3A_1417 = arith.addi %parallel_loop3A_1416, %parallel_loop3A_1415 : i32
      %parallel_loop3A_1418 = arith.index_cast %parallel_loop3A_1417 : i32 to index
      %parallel_loop3A_1419 = tpu.vector_load %arg5[%parallel_loop3A_1418] {strides = array<i32>} : memref<49152xi32, #tpu.memory_space<vmem>>, vector<16xi32>,
      %parallel_loop3A_1420 = arith.constant 16 : i32
      %parallel_loop3A_1421 = arith.muli %parallel_loop3A_1413, %parallel_loop3A_1420 : i32
      %parallel_loop3A_1422 = arith.constant 33792 : i32
      %parallel_loop3A_1423 = arith.addi %parallel_loop3A_1422, %parallel_loop3A_1421 : i32
      %parallel_loop3A_1424 = arith.index_cast %parallel_loop3A_1423 : i32 to index
      %parallel_loop3A_1425 = tpu.vector_load %arg5[%parallel_loop3A_1424] {strides = array<i32>} : memref<49152xi32, #tpu.memory_space<vmem>>, vector<16xi32>,
      %parallel_loop3A_1426 = arith.addi %parallel_loop3A_1419, %parallel_loop3A_1425 : vector<16xi32>
      %parallel_loop3A_1427 = arith.constant 16 : i32
      %parallel_loop3A_1428 = arith.muli %parallel_loop3A_1413, %parallel_loop3A_1427 : i32
      %parallel_loop3A_1429 = arith.constant 34816 : i32
      %parallel_loop3A_1430 = arith.addi %parallel_loop3A_1429, %parallel_loop3A_1428 : i32
      %parallel_loop3A_1431 = arith.index_cast %parallel_loop3A_1430 : i32 to index
      %parallel_loop3A_1432 = tpu.vector_load %arg5[%parallel_loop3A_1431] {strides = array<i32>} : memref<49152xi32, #tpu.memory_space<vmem>>, vector<16xi32>,
      %parallel_loop3A_1433 = arith.addi %parallel_loop3A_1426, %parallel_loop3A_1432 : vector<16xi32>
      %parallel_loop3A_1434 = arith.constant 16 : i32
      %parallel_loop3A_1435 = arith.muli %parallel_loop3A_1413, %parallel_loop3A_1434 : i32
      %parallel_loop3A_1436 = arith.constant 35840 : i32
      %parallel_loop3A_1437 = arith.addi %parallel_loop3A_1436, %parallel_loop3A_1435 : i32
      %parallel_loop3A_1438 = arith.index_cast %parallel_loop3A_1437 : i32 to index
      %parallel_loop3A_1439 = tpu.vector_load %arg5[%parallel_loop3A_1438] {strides = array<i32>} : memref<49152xi32, #tpu.memory_space<vmem>>, vector<16xi32>,
      %parallel_loop3A_1440 = arith.addi %parallel_loop3A_1433, %parallel_loop3A_1439 : vector<16xi32>
      %parallel_loop3A_1441 = arith.constant 16 : i32
      %parallel_loop3A_1442 = arith.muli %parallel_loop3A_1413, %parallel_loop3A_1441 : i32
      %parallel_loop3A_1443 = arith.constant 36864 : i32
      %parallel_loop3A_1444 = arith.addi %parallel_loop3A_1443, %parallel_loop3A_1442 : i32
      %parallel_loop3A_1445 = arith.index_cast %parallel_loop3A_1444 : i32 to index
      %parallel_loop3A_1446 = tpu.vector_load %arg5[%parallel_loop3A_1445] {strides = array<i32>} : memref<49152xi32, #tpu.memory_space<vmem>>, vector<16xi32>,
      %parallel_loop3A_1447 = arith.addi %parallel_loop3A_1440, %parallel_loop3A_1446 : vector<16xi32>
      %parallel_loop3A_1448 = arith.constant 16 : i32
      %parallel_loop3A_1449 = arith.muli %parallel_loop3A_1413, %parallel_loop3A_1448 : i32
      %parallel_loop3A_1450 = arith.constant 37888 : i32
      %parallel_loop3A_1451 = arith.addi %parallel_loop3A_1450, %parallel_loop3A_1449 : i32
      %parallel_loop3A_1452 = arith.index_cast %parallel_loop3A_1451 : i32 to index
      %parallel_loop3A_1453 = tpu.vector_load %arg5[%parallel_loop3A_1452] {strides = array<i32>} : memref<49152xi32, #tpu.memory_space<vmem>>, vector<16xi32>,
      %parallel_loop3A_1454 = arith.addi %parallel_loop3A_1447, %parallel_loop3A_1453 : vector<16xi32>
      %parallel_loop3A_1455 = arith.constant 16 : i32
      %parallel_loop3A_1456 = arith.muli %parallel_loop3A_1413, %parallel_loop3A_1455 : i32
      %parallel_loop3A_1457 = arith.constant 38912 : i32
      %parallel_loop3A_1458 = arith.addi %parallel_loop3A_1457, %parallel_loop3A_1456 : i32
      %parallel_loop3A_1459 = arith.index_cast %parallel_loop3A_1458 : i32 to index
      %parallel_loop3A_1460 = tpu.vector_load %arg5[%parallel_loop3A_1459] {strides = array<i32>} : memref<49152xi32, #tpu.memory_space<vmem>>, vector<16xi32>,
      %parallel_loop3A_1461 = arith.addi %parallel_loop3A_1454, %parallel_loop3A_1460 : vector<16xi32>
      %parallel_loop3A_1462 = arith.constant 16 : i32
      %parallel_loop3A_1463 = arith.muli %parallel_loop3A_1413, %parallel_loop3A_1462 : i32
      %parallel_loop3A_1464 = arith.constant 39936 : i32
      %parallel_loop3A_1465 = arith.addi %parallel_loop3A_1464, %parallel_loop3A_1463 : i32
      %parallel_loop3A_1466 = arith.index_cast %parallel_loop3A_1465 : i32 to index
      %parallel_loop3A_1467 = tpu.vector_load %arg5[%parallel_loop3A_1466] {strides = array<i32>} : memref<49152xi32, #tpu.memory_space<vmem>>, vector<16xi32>,
      %parallel_loop3A_1468 = arith.addi %parallel_loop3A_1461, %parallel_loop3A_1467 : vector<16xi32>
      %parallel_loop3A_1469 = arith.constant 16 : i32
      %parallel_loop3A_1470 = arith.muli %parallel_loop3A_1413, %parallel_loop3A_1469 : i32
      %parallel_loop3A_1471 = arith.constant 40960 : i32
      %parallel_loop3A_1472 = arith.addi %parallel_loop3A_1471, %parallel_loop3A_1470 : i32
      %parallel_loop3A_1473 = arith.index_cast %parallel_loop3A_1472 : i32 to index
      %parallel_loop3A_1474 = tpu.vector_load %arg5[%parallel_loop3A_1473] {strides = array<i32>} : memref<49152xi32, #tpu.memory_space<vmem>>, vector<16xi32>,
      %parallel_loop3A_1475 = arith.addi %parallel_loop3A_1468, %parallel_loop3A_1474 : vector<16xi32>
      %parallel_loop3A_1476 = arith.constant 16 : i32
      %parallel_loop3A_1477 = arith.muli %parallel_loop3A_1413, %parallel_loop3A_1476 : i32
      %parallel_loop3A_1478 = arith.constant 41984 : i32
      %parallel_loop3A_1479 = arith.addi %parallel_loop3A_1478, %parallel_loop3A_1477 : i32
      %parallel_loop3A_1480 = arith.index_cast %parallel_loop3A_1479 : i32 to index
      %parallel_loop3A_1481 = tpu.vector_load %arg5[%parallel_loop3A_1480] {strides = array<i32>} : memref<49152xi32, #tpu.memory_space<vmem>>, vector<16xi32>,
      %parallel_loop3A_1482 = arith.addi %parallel_loop3A_1475, %parallel_loop3A_1481 : vector<16xi32>
      %parallel_loop3A_1483 = arith.constant 16 : i32
      %parallel_loop3A_1484 = arith.muli %parallel_loop3A_1413, %parallel_loop3A_1483 : i32
      %parallel_loop3A_1485 = arith.constant 43008 : i32
      %parallel_loop3A_1486 = arith.addi %parallel_loop3A_1485, %parallel_loop3A_1484 : i32
      %parallel_loop3A_1487 = arith.index_cast %parallel_loop3A_1486 : i32 to index
      %parallel_loop3A_1488 = tpu.vector_load %arg5[%parallel_loop3A_1487] {strides = array<i32>} : memref<49152xi32, #tpu.memory_space<vmem>>, vector<16xi32>,
      %parallel_loop3A_1489 = arith.addi %parallel_loop3A_1482, %parallel_loop3A_1488 : vector<16xi32>
      %parallel_loop3A_1490 = arith.constant 16 : i32
      %parallel_loop3A_1491 = arith.muli %parallel_loop3A_1413, %parallel_loop3A_1490 : i32
      %parallel_loop3A_1492 = arith.constant 44032 : i32
      %parallel_loop3A_1493 = arith.addi %parallel_loop3A_1492, %parallel_loop3A_1491 : i32
      %parallel_loop3A_1494 = arith.index_cast %parallel_loop3A_1493 : i32 to index
      %parallel_loop3A_1495 = tpu.vector_load %arg5[%parallel_loop3A_1494] {strides = array<i32>} : memref<49152xi32, #tpu.memory_space<vmem>>, vector<16xi32>,
      %parallel_loop3A_1496 = arith.addi %parallel_loop3A_1489, %parallel_loop3A_1495 : vector<16xi32>
      %parallel_loop3A_1497 = arith.constant 16 : i32
      %parallel_loop3A_1498 = arith.muli %parallel_loop3A_1413, %parallel_loop3A_1497 : i32
      %parallel_loop3A_1499 = arith.constant 45056 : i32
      %parallel_loop3A_1500 = arith.addi %parallel_loop3A_1499, %parallel_loop3A_1498 : i32
      %parallel_loop3A_1501 = arith.index_cast %parallel_loop3A_1500 : i32 to index
      %parallel_loop3A_1502 = tpu.vector_load %arg5[%parallel_loop3A_1501] {strides = array<i32>} : memref<49152xi32, #tpu.memory_space<vmem>>, vector<16xi32>,
      %parallel_loop3A_1503 = arith.addi %parallel_loop3A_1496, %parallel_loop3A_1502 : vector<16xi32>
      %parallel_loop3A_1504 = arith.constant 16 : i32
      %parallel_loop3A_1505 = arith.muli %parallel_loop3A_1413, %parallel_loop3A_1504 : i32
      %parallel_loop3A_1506 = arith.constant 46080 : i32
      %parallel_loop3A_1507 = arith.addi %parallel_loop3A_1506, %parallel_loop3A_1505 : i32
      %parallel_loop3A_1508 = arith.index_cast %parallel_loop3A_1507 : i32 to index
      %parallel_loop3A_1509 = tpu.vector_load %arg5[%parallel_loop3A_1508] {strides = array<i32>} : memref<49152xi32, #tpu.memory_space<vmem>>, vector<16xi32>,
      %parallel_loop3A_1510 = arith.addi %parallel_loop3A_1503, %parallel_loop3A_1509 : vector<16xi32>
      %parallel_loop3A_1511 = arith.constant 16 : i32
      %parallel_loop3A_1512 = arith.muli %parallel_loop3A_1413, %parallel_loop3A_1511 : i32
      %parallel_loop3A_1513 = arith.constant 47104 : i32
      %parallel_loop3A_1514 = arith.addi %parallel_loop3A_1513, %parallel_loop3A_1512 : i32
      %parallel_loop3A_1515 = arith.index_cast %parallel_loop3A_1514 : i32 to index
      %parallel_loop3A_1516 = tpu.vector_load %arg5[%parallel_loop3A_1515] {strides = array<i32>} : memref<49152xi32, #tpu.memory_space<vmem>>, vector<16xi32>,
      %parallel_loop3A_1517 = arith.addi %parallel_loop3A_1510, %parallel_loop3A_1516 : vector<16xi32>
      %parallel_loop3A_1518 = arith.constant 16 : i32
      %parallel_loop3A_1519 = arith.muli %parallel_loop3A_1413, %parallel_loop3A_1518 : i32
      %parallel_loop3A_1520 = arith.constant 48128 : i32
      %parallel_loop3A_1521 = arith.addi %parallel_loop3A_1520, %parallel_loop3A_1519 : i32
      %parallel_loop3A_1522 = arith.index_cast %parallel_loop3A_1521 : i32 to index
      %parallel_loop3A_1523 = tpu.vector_load %arg5[%parallel_loop3A_1522] {strides = array<i32>} : memref<49152xi32, #tpu.memory_space<vmem>>, vector<16xi32>,
      %parallel_loop3A_1524 = arith.addi %parallel_loop3A_1517, %parallel_loop3A_1523 : vector<16xi32>
      %parallel_loop3A_1525 = arith.constant 16 : i32
      %parallel_loop3A_1526 = arith.muli %parallel_loop3A_1413, %parallel_loop3A_1525 : i32
      %parallel_loop3A_1527 = arith.index_cast %parallel_loop3A_1526 : i32 to index
      %parallel_loop3A_1528 = tpu.vector_load %arg6[%parallel_loop3A_1527] {strides = array<i32>} : memref<1024xi32, #tpu.memory_space<vmem>>, vector<16xi32>,
      tpu.vector_store %arg6[%parallel_loop3A_1527], %parallel_loop3A_1524 {strides = array<i32>} : memref<1024xi32, #tpu.memory_space<vmem>>, vector<16xi32>,
      %parallel_loop3A_1529 = arith.constant true
      %parallel_loop3A_1530 = vector.broadcast %parallel_loop3A_1529 : i1 to vector<16xi1>
      %parallel_loop3A_1531 = tpu.scan <sum>, %parallel_loop3A_1524 masked %parallel_loop3A_1530 : vector<16xi32>, vector<16xi1> -> vector<16xi32>
      %parallel_loop3A_1532 = vector.extract %parallel_loop3A_1531[15] : i32 from vector<16xi32>
      %parallel_loop3A_1533 = arith.index_cast %parallel_loop3A_1413 : i32 to index
      %parallel_loop3A_1534 = memref.load %arg8[%parallel_loop3A_1533] : memref<64xi32, #tpu.memory_space<smem>>
      memref.store %parallel_loop3A_1532, %arg8[%parallel_loop3A_1533] : memref<64xi32, #tpu.memory_space<smem>>
    } {sc.loop_unroll_factor = 4 : i64, sc.parallel_access}
    %scan3A_604 = arith.constant 0 : i32
    %scan3A_605 = arith.constant -1 : i32
    %scan3A_606 = arith.constant 0 : i32
    %scan3A_607 = arith.constant 0 : i32
    %scan3A_608 = arith.constant 64 : i32
    %scan3A_609 = arith.addi %scan3A_607, %scan3A_608 : i32
    %scan3A_610 = arith.constant 1 : i32
    %scan3A_611:3 = scf.for %scan3A_1413 = %scan3A_607 to %scan3A_609 step %scan3A_610 iter_args(%scan3A_1414 = %scan3A_604, %scan3A_1415 = %scan3A_605, %scan3A_1416 = %scan3A_606) -> (i32, i32, i32)  : i32 {
      %sub3A_1417 = arith.constant 63 : i32
      %sub3A_1418 = arith.subi %sub3A_1417, %scan3A_1413 : i32
      %get3A_1419 = arith.index_cast %sub3A_1418 : i32 to index
      %get3A_1420 = memref.load %arg8[%get3A_1419] : memref<64xi32, #tpu.memory_space<smem>>
      %lt3A_1421 = arith.constant 0 : i32
      %lt3A_1422 = arith.cmpi slt, %scan3A_1415, %lt3A_1421 : i32
      %add3A_1423 = arith.addi %scan3A_1414, %get3A_1420 : i32
      %ge3A_1424 = arith.cmpi sge, %add3A_1423, %sub3A_590 : i32
      %and3A_1425 = arith.andi %lt3A_1422, %ge3A_1424 : i1
      %select_n3A_1426 = arith.select %and3A_1425, %sub3A_1418, %scan3A_1415 : i32
      %select_n3A_1427 = arith.select %and3A_1425, %scan3A_1414, %scan3A_1416 : i32
      %add3A_1428 = arith.addi %scan3A_1414, %get3A_1420 : i32
      scf.yield %add3A_1428, %select_n3A_1426, %select_n3A_1427 : i32, i32, i32
    }
    %scan3A_612 = arith.constant 64 : i32
    %mul3A_613 = arith.constant 16 : i32
    %mul3A_614 = arith.muli %scan3A_611#1, %mul3A_613 : i32
    %get3A_615 = arith.index_cast %mul3A_614 : i32 to index
    %get3A_616 = tpu.vector_load %arg6[%get3A_615] {strides = array<i32>} : memref<1024xi32, #tpu.memory_space<vmem>>, vector<16xi32>,
    %slice3A_617 = vector.extract_strided_slice %get3A_616 {offsets = [15], sizes = [1], strides = [1]} : vector<16xi32> to vector<1xi32>
    %squeeze3A_618 = vector.extract %slice3A_617[0] : i32 from vector<1xi32>
    %lt3A_619 = arith.constant -1 : i32
    %lt3A_620 = arith.constant 0 : i32
    %lt3A_621 = arith.cmpi slt, %lt3A_619, %lt3A_620 : i32
    %add3A_622 = arith.addi %scan3A_611#2, %squeeze3A_618 : i32
    %ge3A_623 = arith.cmpi sge, %add3A_622, %sub3A_590 : i32
    %and3A_624 = arith.andi %lt3A_621, %ge3A_623 : i1
    %mul3A_625 = arith.constant 16 : i32
    %mul3A_626 = arith.muli %scan3A_611#1, %mul3A_625 : i32
    %add3A_627 = arith.constant 15 : i32
    %add3A_628 = arith.addi %mul3A_626, %add3A_627 : i32
    %jit3A_629 = arith.constant -1 : i32
    %select_n3A_630 = arith.select %and3A_624, %add3A_628, %jit3A_629 : i32
    %jit3A_631 = arith.constant 0 : i32
    %select_n3A_632 = arith.select %and3A_624, %scan3A_611#2, %jit3A_631 : i32
    %add3A_633 = arith.addi %scan3A_611#2, %squeeze3A_618 : i32
    %slice3A_634 = vector.extract_strided_slice %get3A_616 {offsets = [14], sizes = [1], strides = [1]} : vector<16xi32> to vector<1xi32>
    %squeeze3A_635 = vector.extract %slice3A_634[0] : i32 from vector<1xi32>
    %lt3A_636 = arith.constant 0 : i32
    %lt3A_637 = arith.cmpi slt, %select_n3A_630, %lt3A_636 : i32
    %add3A_638 = arith.addi %add3A_633, %squeeze3A_635 : i32
    %ge3A_639 = arith.cmpi sge, %add3A_638, %sub3A_590 : i32
    %and3A_640 = arith.andi %lt3A_637, %ge3A_639 : i1
    %mul3A_641 = arith.constant 16 : i32
    %mul3A_642 = arith.muli %scan3A_611#1, %mul3A_641 : i32
    %add3A_643 = arith.constant 14 : i32
    %add3A_644 = arith.addi %mul3A_642, %add3A_643 : i32
    %select_n3A_645 = arith.select %and3A_640, %add3A_644, %select_n3A_630 : i32
    %select_n3A_646 = arith.select %and3A_640, %add3A_633, %select_n3A_632 : i32
    %add3A_647 = arith.addi %add3A_633, %squeeze3A_635 : i32
    %slice3A_648 = vector.extract_strided_slice %get3A_616 {offsets = [13], sizes = [1], strides = [1]} : vector<16xi32> to vector<1xi32>
    %squeeze3A_649 = vector.extract %slice3A_648[0] : i32 from vector<1xi32>
    %lt3A_650 = arith.constant 0 : i32
    %lt3A_651 = arith.cmpi slt, %select_n3A_645, %lt3A_650 : i32
    %add3A_652 = arith.addi %add3A_647, %squeeze3A_649 : i32
    %ge3A_653 = arith.cmpi sge, %add3A_652, %sub3A_590 : i32
    %and3A_654 = arith.andi %lt3A_651, %ge3A_653 : i1
    %mul3A_655 = arith.constant 16 : i32
    %mul3A_656 = arith.muli %scan3A_611#1, %mul3A_655 : i32
    %add3A_657 = arith.constant 13 : i32
    %add3A_658 = arith.addi %mul3A_656, %add3A_657 : i32
    %select_n3A_659 = arith.select %and3A_654, %add3A_658, %select_n3A_645 : i32
    %select_n3A_660 = arith.select %and3A_654, %add3A_647, %select_n3A_646 : i32
    %add3A_661 = arith.addi %add3A_647, %squeeze3A_649 : i32
    %slice3A_662 = vector.extract_strided_slice %get3A_616 {offsets = [12], sizes = [1], strides = [1]} : vector<16xi32> to vector<1xi32>
    %squeeze3A_663 = vector.extract %slice3A_662[0] : i32 from vector<1xi32>
    %lt3A_664 = arith.constant 0 : i32
    %lt3A_665 = arith.cmpi slt, %select_n3A_659, %lt3A_664 : i32
    %add3A_666 = arith.addi %add3A_661, %squeeze3A_663 : i32
    %ge3A_667 = arith.cmpi sge, %add3A_666, %sub3A_590 : i32
    %and3A_668 = arith.andi %lt3A_665, %ge3A_667 : i1
    %mul3A_669 = arith.constant 16 : i32
    %mul3A_670 = arith.muli %scan3A_611#1, %mul3A_669 : i32
    %add3A_671 = arith.constant 12 : i32
    %add3A_672 = arith.addi %mul3A_670, %add3A_671 : i32
    %select_n3A_673 = arith.select %and3A_668, %add3A_672, %select_n3A_659 : i32
    %select_n3A_674 = arith.select %and3A_668, %add3A_661, %select_n3A_660 : i32
    %add3A_675 = arith.addi %add3A_661, %squeeze3A_663 : i32
    %slice3A_676 = vector.extract_strided_slice %get3A_616 {offsets = [11], sizes = [1], strides = [1]} : vector<16xi32> to vector<1xi32>
    %squeeze3A_677 = vector.extract %slice3A_676[0] : i32 from vector<1xi32>
    %lt3A_678 = arith.constant 0 : i32
    %lt3A_679 = arith.cmpi slt, %select_n3A_673, %lt3A_678 : i32
    %add3A_680 = arith.addi %add3A_675, %squeeze3A_677 : i32
    %ge3A_681 = arith.cmpi sge, %add3A_680, %sub3A_590 : i32
    %and3A_682 = arith.andi %lt3A_679, %ge3A_681 : i1
    %mul3A_683 = arith.constant 16 : i32
    %mul3A_684 = arith.muli %scan3A_611#1, %mul3A_683 : i32
    %add3A_685 = arith.constant 11 : i32
    %add3A_686 = arith.addi %mul3A_684, %add3A_685 : i32
    %select_n3A_687 = arith.select %and3A_682, %add3A_686, %select_n3A_673 : i32
    %select_n3A_688 = arith.select %and3A_682, %add3A_675, %select_n3A_674 : i32
    %add3A_689 = arith.addi %add3A_675, %squeeze3A_677 : i32
    %slice3A_690 = vector.extract_strided_slice %get3A_616 {offsets = [10], sizes = [1], strides = [1]} : vector<16xi32> to vector<1xi32>
    %squeeze3A_691 = vector.extract %slice3A_690[0] : i32 from vector<1xi32>
    %lt3A_692 = arith.constant 0 : i32
    %lt3A_693 = arith.cmpi slt, %select_n3A_687, %lt3A_692 : i32
    %add3A_694 = arith.addi %add3A_689, %squeeze3A_691 : i32
    %ge3A_695 = arith.cmpi sge, %add3A_694, %sub3A_590 : i32
    %and3A_696 = arith.andi %lt3A_693, %ge3A_695 : i1
    %mul3A_697 = arith.constant 16 : i32
    %mul3A_698 = arith.muli %scan3A_611#1, %mul3A_697 : i32
    %add3A_699 = arith.constant 10 : i32
    %add3A_700 = arith.addi %mul3A_698, %add3A_699 : i32
    %select_n3A_701 = arith.select %and3A_696, %add3A_700, %select_n3A_687 : i32
    %select_n3A_702 = arith.select %and3A_696, %add3A_689, %select_n3A_688 : i32
    %add3A_703 = arith.addi %add3A_689, %squeeze3A_691 : i32
    %slice3A_704 = vector.extract_strided_slice %get3A_616 {offsets = [9], sizes = [1], strides = [1]} : vector<16xi32> to vector<1xi32>
    %squeeze3A_705 = vector.extract %slice3A_704[0] : i32 from vector<1xi32>
    %lt3A_706 = arith.constant 0 : i32
    %lt3A_707 = arith.cmpi slt, %select_n3A_701, %lt3A_706 : i32
    %add3A_708 = arith.addi %add3A_703, %squeeze3A_705 : i32
    %ge3A_709 = arith.cmpi sge, %add3A_708, %sub3A_590 : i32
    %and3A_710 = arith.andi %lt3A_707, %ge3A_709 : i1
    %mul3A_711 = arith.constant 16 : i32
    %mul3A_712 = arith.muli %scan3A_611#1, %mul3A_711 : i32
    %add3A_713 = arith.constant 9 : i32
    %add3A_714 = arith.addi %mul3A_712, %add3A_713 : i32
    %select_n3A_715 = arith.select %and3A_710, %add3A_714, %select_n3A_701 : i32
    %select_n3A_716 = arith.select %and3A_710, %add3A_703, %select_n3A_702 : i32
    %add3A_717 = arith.addi %add3A_703, %squeeze3A_705 : i32
    %slice3A_718 = vector.extract_strided_slice %get3A_616 {offsets = [8], sizes = [1], strides = [1]} : vector<16xi32> to vector<1xi32>
    %squeeze3A_719 = vector.extract %slice3A_718[0] : i32 from vector<1xi32>
    %lt3A_720 = arith.constant 0 : i32
    %lt3A_721 = arith.cmpi slt, %select_n3A_715, %lt3A_720 : i32
    %add3A_722 = arith.addi %add3A_717, %squeeze3A_719 : i32
    %ge3A_723 = arith.cmpi sge, %add3A_722, %sub3A_590 : i32
    %and3A_724 = arith.andi %lt3A_721, %ge3A_723 : i1
    %mul3A_725 = arith.constant 16 : i32
    %mul3A_726 = arith.muli %scan3A_611#1, %mul3A_725 : i32
    %add3A_727 = arith.constant 8 : i32
    %add3A_728 = arith.addi %mul3A_726, %add3A_727 : i32
    %select_n3A_729 = arith.select %and3A_724, %add3A_728, %select_n3A_715 : i32
    %select_n3A_730 = arith.select %and3A_724, %add3A_717, %select_n3A_716 : i32
    %add3A_731 = arith.addi %add3A_717, %squeeze3A_719 : i32
    %slice3A_732 = vector.extract_strided_slice %get3A_616 {offsets = [7], sizes = [1], strides = [1]} : vector<16xi32> to vector<1xi32>
    %squeeze3A_733 = vector.extract %slice3A_732[0] : i32 from vector<1xi32>
    %lt3A_734 = arith.constant 0 : i32
    %lt3A_735 = arith.cmpi slt, %select_n3A_729, %lt3A_734 : i32
    %add3A_736 = arith.addi %add3A_731, %squeeze3A_733 : i32
    %ge3A_737 = arith.cmpi sge, %add3A_736, %sub3A_590 : i32
    %and3A_738 = arith.andi %lt3A_735, %ge3A_737 : i1
    %mul3A_739 = arith.constant 16 : i32
    %mul3A_740 = arith.muli %scan3A_611#1, %mul3A_739 : i32
    %add3A_741 = arith.constant 7 : i32
    %add3A_742 = arith.addi %mul3A_740, %add3A_741 : i32
    %select_n3A_743 = arith.select %and3A_738, %add3A_742, %select_n3A_729 : i32
    %select_n3A_744 = arith.select %and3A_738, %add3A_731, %select_n3A_730 : i32
    %add3A_745 = arith.addi %add3A_731, %squeeze3A_733 : i32
    %slice3A_746 = vector.extract_strided_slice %get3A_616 {offsets = [6], sizes = [1], strides = [1]} : vector<16xi32> to vector<1xi32>
    %squeeze3A_747 = vector.extract %slice3A_746[0] : i32 from vector<1xi32>
    %lt3A_748 = arith.constant 0 : i32
    %lt3A_749 = arith.cmpi slt, %select_n3A_743, %lt3A_748 : i32
    %add3A_750 = arith.addi %add3A_745, %squeeze3A_747 : i32
    %ge3A_751 = arith.cmpi sge, %add3A_750, %sub3A_590 : i32
    %and3A_752 = arith.andi %lt3A_749, %ge3A_751 : i1
    %mul3A_753 = arith.constant 16 : i32
    %mul3A_754 = arith.muli %scan3A_611#1, %mul3A_753 : i32
    %add3A_755 = arith.constant 6 : i32
    %add3A_756 = arith.addi %mul3A_754, %add3A_755 : i32
    %select_n3A_757 = arith.select %and3A_752, %add3A_756, %select_n3A_743 : i32
    %select_n3A_758 = arith.select %and3A_752, %add3A_745, %select_n3A_744 : i32
    %add3A_759 = arith.addi %add3A_745, %squeeze3A_747 : i32
    %slice3A_760 = vector.extract_strided_slice %get3A_616 {offsets = [5], sizes = [1], strides = [1]} : vector<16xi32> to vector<1xi32>
    %squeeze3A_761 = vector.extract %slice3A_760[0] : i32 from vector<1xi32>
    %lt3A_762 = arith.constant 0 : i32
    %lt3A_763 = arith.cmpi slt, %select_n3A_757, %lt3A_762 : i32
    %add3A_764 = arith.addi %add3A_759, %squeeze3A_761 : i32
    %ge3A_765 = arith.cmpi sge, %add3A_764, %sub3A_590 : i32
    %and3A_766 = arith.andi %lt3A_763, %ge3A_765 : i1
    %mul3A_767 = arith.constant 16 : i32
    %mul3A_768 = arith.muli %scan3A_611#1, %mul3A_767 : i32
    %add3A_769 = arith.constant 5 : i32
    %add3A_770 = arith.addi %mul3A_768, %add3A_769 : i32
    %select_n3A_771 = arith.select %and3A_766, %add3A_770, %select_n3A_757 : i32
    %select_n3A_772 = arith.select %and3A_766, %add3A_759, %select_n3A_758 : i32
    %add3A_773 = arith.addi %add3A_759, %squeeze3A_761 : i32
    %slice3A_774 = vector.extract_strided_slice %get3A_616 {offsets = [4], sizes = [1], strides = [1]} : vector<16xi32> to vector<1xi32>
    %squeeze3A_775 = vector.extract %slice3A_774[0] : i32 from vector<1xi32>
    %lt3A_776 = arith.constant 0 : i32
    %lt3A_777 = arith.cmpi slt, %select_n3A_771, %lt3A_776 : i32
    %add3A_778 = arith.addi %add3A_773, %squeeze3A_775 : i32
    %ge3A_779 = arith.cmpi sge, %add3A_778, %sub3A_590 : i32
    %and3A_780 = arith.andi %lt3A_777, %ge3A_779 : i1
    %mul3A_781 = arith.constant 16 : i32
    %mul3A_782 = arith.muli %scan3A_611#1, %mul3A_781 : i32
    %add3A_783 = arith.constant 4 : i32
    %add3A_784 = arith.addi %mul3A_782, %add3A_783 : i32
    %select_n3A_785 = arith.select %and3A_780, %add3A_784, %select_n3A_771 : i32
    %select_n3A_786 = arith.select %and3A_780, %add3A_773, %select_n3A_772 : i32
    %add3A_787 = arith.addi %add3A_773, %squeeze3A_775 : i32
    %slice3A_788 = vector.extract_strided_slice %get3A_616 {offsets = [3], sizes = [1], strides = [1]} : vector<16xi32> to vector<1xi32>
    %squeeze3A_789 = vector.extract %slice3A_788[0] : i32 from vector<1xi32>
    %lt3A_790 = arith.constant 0 : i32
    %lt3A_791 = arith.cmpi slt, %select_n3A_785, %lt3A_790 : i32
    %add3A_792 = arith.addi %add3A_787, %squeeze3A_789 : i32
    %ge3A_793 = arith.cmpi sge, %add3A_792, %sub3A_590 : i32
    %and3A_794 = arith.andi %lt3A_791, %ge3A_793 : i1
    %mul3A_795 = arith.constant 16 : i32
    %mul3A_796 = arith.muli %scan3A_611#1, %mul3A_795 : i32
    %add3A_797 = arith.constant 3 : i32
    %add3A_798 = arith.addi %mul3A_796, %add3A_797 : i32
    %select_n3A_799 = arith.select %and3A_794, %add3A_798, %select_n3A_785 : i32
    %select_n3A_800 = arith.select %and3A_794, %add3A_787, %select_n3A_786 : i32
    %add3A_801 = arith.addi %add3A_787, %squeeze3A_789 : i32
    %slice3A_802 = vector.extract_strided_slice %get3A_616 {offsets = [2], sizes = [1], strides = [1]} : vector<16xi32> to vector<1xi32>
    %squeeze3A_803 = vector.extract %slice3A_802[0] : i32 from vector<1xi32>
    %lt3A_804 = arith.constant 0 : i32
    %lt3A_805 = arith.cmpi slt, %select_n3A_799, %lt3A_804 : i32
    %add3A_806 = arith.addi %add3A_801, %squeeze3A_803 : i32
    %ge3A_807 = arith.cmpi sge, %add3A_806, %sub3A_590 : i32
    %and3A_808 = arith.andi %lt3A_805, %ge3A_807 : i1
    %mul3A_809 = arith.constant 16 : i32
    %mul3A_810 = arith.muli %scan3A_611#1, %mul3A_809 : i32
    %add3A_811 = arith.constant 2 : i32
    %add3A_812 = arith.addi %mul3A_810, %add3A_811 : i32
    %select_n3A_813 = arith.select %and3A_808, %add3A_812, %select_n3A_799 : i32
    %select_n3A_814 = arith.select %and3A_808, %add3A_801, %select_n3A_800 : i32
    %add3A_815 = arith.addi %add3A_801, %squeeze3A_803 : i32
    %slice3A_816 = vector.extract_strided_slice %get3A_616 {offsets = [1], sizes = [1], strides = [1]} : vector<16xi32> to vector<1xi32>
    %squeeze3A_817 = vector.extract %slice3A_816[0] : i32 from vector<1xi32>
    %lt3A_818 = arith.constant 0 : i32
    %lt3A_819 = arith.cmpi slt, %select_n3A_813, %lt3A_818 : i32
    %add3A_820 = arith.addi %add3A_815, %squeeze3A_817 : i32
    %ge3A_821 = arith.cmpi sge, %add3A_820, %sub3A_590 : i32
    %and3A_822 = arith.andi %lt3A_819, %ge3A_821 : i1
    %mul3A_823 = arith.constant 16 : i32
    %mul3A_824 = arith.muli %scan3A_611#1, %mul3A_823 : i32
    %add3A_825 = arith.constant 1 : i32
    %add3A_826 = arith.addi %mul3A_824, %add3A_825 : i32
    %select_n3A_827 = arith.select %and3A_822, %add3A_826, %select_n3A_813 : i32
    %select_n3A_828 = arith.select %and3A_822, %add3A_815, %select_n3A_814 : i32
    %add3A_829 = arith.addi %add3A_815, %squeeze3A_817 : i32
    %slice3A_830 = vector.extract_strided_slice %get3A_616 {offsets = [0], sizes = [1], strides = [1]} : vector<16xi32> to vector<1xi32>
    %squeeze3A_831 = vector.extract %slice3A_830[0] : i32 from vector<1xi32>
    %lt3A_832 = arith.constant 0 : i32
    %lt3A_833 = arith.cmpi slt, %select_n3A_827, %lt3A_832 : i32
    %add3A_834 = arith.addi %add3A_829, %squeeze3A_831 : i32
    %ge3A_835 = arith.cmpi sge, %add3A_834, %sub3A_590 : i32
    %and3A_836 = arith.andi %lt3A_833, %ge3A_835 : i1
    %mul3A_837 = arith.constant 16 : i32
    %mul3A_838 = arith.muli %scan3A_611#1, %mul3A_837 : i32
    %add3A_839 = arith.constant 0 : i32
    %add3A_840 = arith.addi %mul3A_838, %add3A_839 : i32
    %select_n3A_841 = arith.select %and3A_836, %add3A_840, %select_n3A_827 : i32
    %select_n3A_842 = arith.select %and3A_836, %add3A_829, %select_n3A_828 : i32
    %add3A_843 = arith.addi %add3A_829, %squeeze3A_831 : i32
    %shift_left3A_844 = arith.constant 10 : i32
    %shift_left3A_845 = arith.shli %or3A, %shift_left3A_844 : i32
    %or3A_846 = arith.ori %shift_left3A_845, %select_n3A_841 : i32
    %shift_left3A_847 = arith.constant 1 : i32
    %shift_left3A_848 = arith.shli %or3A_846, %shift_left3A_847 : i32
    %or3A_849 = arith.constant 1 : i32
    %or3A_850 = arith.ori %shift_left3A_848, %or3A_849 : i32
    %sub3A_851 = arith.subi %sub3A_590, %select_n3A_842 : i32
    %parallel_loop3A_852 = arith.constant 0 : i32
    %parallel_loop3A_853 = arith.constant 1 : i32
    %parallel_loop3A_854:2 = scf.for %parallel_loop3A_1413 = %parallel_loop3A_852 to %select_n3A_305 step %parallel_loop3A_853 iter_args(%parallel_loop3A_1414 = %broadcast_in_dim3A_3, %parallel_loop3A_1415 = %broadcast_in_dim3A_3) -> (vector<16xi32>, vector<16xi32>)  : i32 {
      %parallel_loop3A_1416 = arith.constant 16 : i32
      %parallel_loop3A_1417 = arith.muli %parallel_loop3A_1413, %parallel_loop3A_1416 : i32
      %parallel_loop3A_1418 = arith.constant 0 : i32
      %parallel_loop3A_1419 = arith.addi %parallel_loop3A_1418, %parallel_loop3A_1417 : i32
      %parallel_loop3A_1420 = arith.index_cast %parallel_loop3A_1419 : i32 to index
      %parallel_loop3A_1421 = tpu.vector_load %arg7[%parallel_loop3A_1420] {strides = array<i32>} : memref<32800xi32, #tpu.memory_space<vmem>>, vector<16xi32>,
      %parallel_loop3A_1422 = vector.broadcast %shift_left3A_848 : i32 to vector<16xi32>
      %parallel_loop3A_1423 = arith.cmpi eq, %parallel_loop3A_1421, %parallel_loop3A_1422 : vector<16xi32>
      %parallel_loop3A_1424 = arith.extui %parallel_loop3A_1423 : vector<16xi1> to vector<16xi32>
      %parallel_loop3A_1425 = arith.addi %parallel_loop3A_1414, %parallel_loop3A_1424 : vector<16xi32>
      %parallel_loop3A_1426 = vector.broadcast %or3A_850 : i32 to vector<16xi32>
      %parallel_loop3A_1427 = arith.cmpi eq, %parallel_loop3A_1421, %parallel_loop3A_1426 : vector<16xi32>
      %parallel_loop3A_1428 = arith.extui %parallel_loop3A_1427 : vector<16xi1> to vector<16xi32>
      %parallel_loop3A_1429 = arith.addi %parallel_loop3A_1415, %parallel_loop3A_1428 : vector<16xi32>
      scf.yield %parallel_loop3A_1425, %parallel_loop3A_1429 : vector<16xi32>, vector<16xi32>
    } {sc.loop_unroll_factor = 2 : i64, sc.parallel_access}
    %reduce_sum3A = arith.constant true
    %reduce_sum3A_855 = vector.broadcast %reduce_sum3A : i1 to vector<16xi1>
    %reduce_sum3A_856 = tpu.scan <sum>, %parallel_loop3A_854#0 masked %reduce_sum3A_855 : vector<16xi32>, vector<16xi1> -> vector<16xi32>
    %reduce_sum3A_857 = vector.extract %reduce_sum3A_856[15] : i32 from vector<16xi32>
    %reduce_sum3A_858 = arith.constant true
    %reduce_sum3A_859 = vector.broadcast %reduce_sum3A_858 : i1 to vector<16xi1>
    %reduce_sum3A_860 = tpu.scan <sum>, %parallel_loop3A_854#1 masked %reduce_sum3A_859 : vector<16xi32>, vector<16xi1> -> vector<16xi32>
    %reduce_sum3A_861 = vector.extract %reduce_sum3A_860[15] : i32 from vector<16xi32>
    %parallel_loop3A_862 = arith.constant 0 : i32
    %parallel_loop3A_863 = arith.constant 1 : i32
    %parallel_loop3A_864:2 = scf.for %parallel_loop3A_1413 = %parallel_loop3A_862 to %select_n3A_335 step %parallel_loop3A_863 iter_args(%parallel_loop3A_1414 = %broadcast_in_dim3A_3, %parallel_loop3A_1415 = %broadcast_in_dim3A_3) -> (vector<16xi32>, vector<16xi32>)  : i32 {
      %parallel_loop3A_1416 = arith.constant 16 : i32
      %parallel_loop3A_1417 = arith.muli %parallel_loop3A_1413, %parallel_loop3A_1416 : i32
      %parallel_loop3A_1418 = arith.constant 16400 : i32
      %parallel_loop3A_1419 = arith.addi %parallel_loop3A_1418, %parallel_loop3A_1417 : i32
      %parallel_loop3A_1420 = arith.index_cast %parallel_loop3A_1419 : i32 to index
      %parallel_loop3A_1421 = tpu.vector_load %arg7[%parallel_loop3A_1420] {strides = array<i32>} : memref<32800xi32, #tpu.memory_space<vmem>>, vector<16xi32>,
      %parallel_loop3A_1422 = vector.broadcast %shift_left3A_848 : i32 to vector<16xi32>
      %parallel_loop3A_1423 = arith.cmpi eq, %parallel_loop3A_1421, %parallel_loop3A_1422 : vector<16xi32>
      %parallel_loop3A_1424 = arith.extui %parallel_loop3A_1423 : vector<16xi1> to vector<16xi32>
      %parallel_loop3A_1425 = arith.addi %parallel_loop3A_1414, %parallel_loop3A_1424 : vector<16xi32>
      %parallel_loop3A_1426 = vector.broadcast %or3A_850 : i32 to vector<16xi32>
      %parallel_loop3A_1427 = arith.cmpi eq, %parallel_loop3A_1421, %parallel_loop3A_1426 : vector<16xi32>
      %parallel_loop3A_1428 = arith.extui %parallel_loop3A_1427 : vector<16xi1> to vector<16xi32>
      %parallel_loop3A_1429 = arith.addi %parallel_loop3A_1415, %parallel_loop3A_1428 : vector<16xi32>
      scf.yield %parallel_loop3A_1425, %parallel_loop3A_1429 : vector<16xi32>, vector<16xi32>
    } {sc.loop_unroll_factor = 2 : i64, sc.parallel_access}
    %reduce_sum3A_865 = arith.constant true
    %reduce_sum3A_866 = vector.broadcast %reduce_sum3A_865 : i1 to vector<16xi1>
    %reduce_sum3A_867 = tpu.scan <sum>, %parallel_loop3A_864#0 masked %reduce_sum3A_866 : vector<16xi32>, vector<16xi1> -> vector<16xi32>
    %reduce_sum3A_868 = vector.extract %reduce_sum3A_867[15] : i32 from vector<16xi32>
    %reduce_sum3A_869 = arith.constant true
    %reduce_sum3A_870 = vector.broadcast %reduce_sum3A_869 : i1 to vector<16xi1>
    %reduce_sum3A_871 = tpu.scan <sum>, %parallel_loop3A_864#1 masked %reduce_sum3A_870 : vector<16xi32>, vector<16xi1> -> vector<16xi32>
    %reduce_sum3A_872 = vector.extract %reduce_sum3A_871[15] : i32 from vector<16xi32>
    %eq3A = arith.constant 0 : i32
    %eq3A_873 = vector.broadcast %eq3A : i32 to vector<16xi32>
    %eq3A_874 = arith.cmpi eq, %iota3A, %eq3A_873 : vector<16xi32>
    %eq3A_875 = arith.constant 1 : i32
    %eq3A_876 = vector.broadcast %eq3A_875 : i32 to vector<16xi32>
    %eq3A_877 = arith.cmpi eq, %iota3A, %eq3A_876 : vector<16xi32>
    %eq3A_878 = arith.constant 2 : i32
    %eq3A_879 = vector.broadcast %eq3A_878 : i32 to vector<16xi32>
    %eq3A_880 = arith.cmpi eq, %iota3A, %eq3A_879 : vector<16xi32>
    %eq3A_881 = arith.constant 3 : i32
    %eq3A_882 = vector.broadcast %eq3A_881 : i32 to vector<16xi32>
    %eq3A_883 = arith.cmpi eq, %iota3A, %eq3A_882 : vector<16xi32>
    %jit3A_884 = arith.constant 0 : i32
    %broadcast_in_dim3A_885 = vector.broadcast %reduce_sum3A_872 : i32 to vector<16xi32>
    %broadcast_in_dim3A_886 = vector.broadcast %jit3A_884 : i32 to vector<16xi32>
    %select_n3A_887 = arith.select %eq3A_883, %broadcast_in_dim3A_885, %broadcast_in_dim3A_886 : vector<16xi1>, vector<16xi32>
    %broadcast_in_dim3A_888 = vector.broadcast %reduce_sum3A_861 : i32 to vector<16xi32>
    %select_n3A_889 = arith.select %eq3A_880, %broadcast_in_dim3A_888, %select_n3A_887 : vector<16xi1>, vector<16xi32>
    %broadcast_in_dim3A_890 = vector.broadcast %reduce_sum3A_868 : i32 to vector<16xi32>
    %select_n3A_891 = arith.select %eq3A_877, %broadcast_in_dim3A_890, %select_n3A_889 : vector<16xi1>, vector<16xi32>
    %broadcast_in_dim3A_892 = vector.broadcast %reduce_sum3A_857 : i32 to vector<16xi32>
    %select_n3A_893 = arith.select %eq3A_874, %broadcast_in_dim3A_892, %select_n3A_891 : vector<16xi1>, vector<16xi32>
    %swap3A_894 = arith.constant 0 : index
    %swap3A_895 = tpu.vector_load %arg6[%swap3A_894] {strides = array<i32>} : memref<1024xi32, #tpu.memory_space<vmem>>, vector<16xi32>,
    tpu.vector_store %arg6[%swap3A_894], %select_n3A_893 {strides = array<i32>} : memref<1024xi32, #tpu.memory_space<vmem>>, vector<16xi32>,
    %mul3A_896 = arith.constant 16 : i32
    %mul3A_897 = arith.muli %arg1, %mul3A_896 : i32
    "tpu.region"() ({
      %run_scoped3A = tpu.sem_alloc : memref<!tpu.dma_semaphore, #tpu.memory_space<semaphore_mem>>
      %dma_start3A_1413 = arith.constant 0 : i32
      %dma_start3A_1414 = tpu.memref_slice %arg6[%dma_start3A_1413] : memref<1024xi32, #tpu.memory_space<vmem>> -> memref<16xi32, #tpu.memory_space<vmem>>
      %dma_start3A_1415 = tpu.memref_slice %arg12[%mul3A_897] : memref<256xi32, #tpu.memory_space<vmem_shared>> -> memref<16xi32, #tpu.memory_space<vmem_shared>>
      %dma_start3A_1416 = tpu.memref_slice %arg12[%mul3A_897] : memref<256xi32, #tpu.memory_space<vmem_shared>> -> memref<16xi32, #tpu.memory_space<vmem_shared>>
      %dma_start3A_1417 = arith.constant 0 : i32
      %dma_start3A_1418 = tpu.memref_slice %arg6[%dma_start3A_1417] : memref<1024xi32, #tpu.memory_space<vmem>> -> memref<16xi32, #tpu.memory_space<vmem>>
      tpu.enqueue_dma source(%dma_start3A_1418 : memref<16xi32, #tpu.memory_space<vmem>>) target(%dma_start3A_1416 : memref<16xi32, #tpu.memory_space<vmem_shared>>) target_semaphore(%run_scoped3A : memref<!tpu.dma_semaphore, #tpu.memory_space<semaphore_mem>>)
      %dma_wait3A_1419 = arith.constant 0 : i32
      %dma_wait3A_1420 = tpu.memref_slice %arg6[%dma_wait3A_1419] : memref<1024xi32, #tpu.memory_space<vmem>> -> memref<16xi32, #tpu.memory_space<vmem>>
      %dma_wait3A_1421 = tpu.memref_slice %arg12[%mul3A_897] : memref<256xi32, #tpu.memory_space<vmem_shared>> -> memref<16xi32, #tpu.memory_space<vmem_shared>>
      %dma_wait3A_1422 = tpu.memref_slice %arg12[%mul3A_897] : memref<256xi32, #tpu.memory_space<vmem_shared>> -> memref<16xi32, #tpu.memory_space<vmem_shared>>
      %dma_wait3A_1423 = arith.constant 0 : i32
      %dma_wait3A_1424 = tpu.memref_slice %arg6[%dma_wait3A_1423] : memref<1024xi32, #tpu.memory_space<vmem>> -> memref<16xi32, #tpu.memory_space<vmem>>
      tpu.wait_dma2 semaphore(%run_scoped3A : memref<!tpu.dma_semaphore, #tpu.memory_space<semaphore_mem>>) src(%dma_wait3A_1424 : memref<16xi32, #tpu.memory_space<vmem>>) dst(%dma_wait3A_1422 : memref<16xi32, #tpu.memory_space<vmem_shared>>)
      tpu.yield
    }) : () -> ()
    %barrier3A_898 = arith.constant 0 : index
    tpu.barrier barrier_id(%barrier3A_898)
    "tpu.region"() ({
      %run_scoped3A = tpu.sem_alloc : memref<!tpu.dma_semaphore, #tpu.memory_space<semaphore_mem>>
      %dma_start3A_1413 = arith.constant 0 : i32
      %dma_start3A_1414 = tpu.memref_slice %arg5[%dma_start3A_1413] : memref<49152xi32, #tpu.memory_space<vmem>> -> memref<256xi32, #tpu.memory_space<vmem>>
      %dma_start3A_1415 = arith.constant 0 : i32
      %dma_start3A_1416 = tpu.memref_slice %arg5[%dma_start3A_1415] : memref<49152xi32, #tpu.memory_space<vmem>> -> memref<256xi32, #tpu.memory_space<vmem>>
      tpu.enqueue_dma source(%arg12 : memref<256xi32, #tpu.memory_space<vmem_shared>>) target(%dma_start3A_1416 : memref<256xi32, #tpu.memory_space<vmem>>) target_semaphore(%run_scoped3A : memref<!tpu.dma_semaphore, #tpu.memory_space<semaphore_mem>>)
      %dma_wait3A_1417 = arith.constant 0 : i32
      %dma_wait3A_1418 = tpu.memref_slice %arg5[%dma_wait3A_1417] : memref<49152xi32, #tpu.memory_space<vmem>> -> memref<256xi32, #tpu.memory_space<vmem>>
      %dma_wait3A_1419 = arith.constant 0 : i32
      %dma_wait3A_1420 = tpu.memref_slice %arg5[%dma_wait3A_1419] : memref<49152xi32, #tpu.memory_space<vmem>> -> memref<256xi32, #tpu.memory_space<vmem>>
      tpu.wait_dma2 semaphore(%run_scoped3A : memref<!tpu.dma_semaphore, #tpu.memory_space<semaphore_mem>>) src(%arg12 : memref<256xi32, #tpu.memory_space<vmem_shared>>) dst(%dma_wait3A_1420 : memref<256xi32, #tpu.memory_space<vmem>>)
      tpu.yield
    }) : () -> ()
    %get3A_899 = arith.constant 0 : index
    %get3A_900 = tpu.vector_load %arg5[%get3A_899] {strides = array<i32>} : memref<49152xi32, #tpu.memory_space<vmem>>, vector<16xi32>,
    %slice3A_901 = vector.extract_strided_slice %get3A_900 {offsets = [2], sizes = [1], strides = [1]} : vector<16xi32> to vector<1xi32>
    %squeeze3A_902 = vector.extract %slice3A_901[0] : i32 from vector<1xi32>
    %add3A_903 = arith.constant 0 : i32
    %add3A_904 = arith.addi %add3A_903, %squeeze3A_902 : i32
    %slice3A_905 = vector.extract_strided_slice %get3A_900 {offsets = [3], sizes = [1], strides = [1]} : vector<16xi32> to vector<1xi32>
    %squeeze3A_906 = vector.extract %slice3A_905[0] : i32 from vector<1xi32>
    %add3A_907 = arith.addi %add3A_904, %squeeze3A_906 : i32
    %get3A_908 = arith.constant 16 : index
    %get3A_909 = tpu.vector_load %arg5[%get3A_908] {strides = array<i32>} : memref<49152xi32, #tpu.memory_space<vmem>>, vector<16xi32>,
    %slice3A_910 = vector.extract_strided_slice %get3A_909 {offsets = [2], sizes = [1], strides = [1]} : vector<16xi32> to vector<1xi32>
    %squeeze3A_911 = vector.extract %slice3A_910[0] : i32 from vector<1xi32>
    %add3A_912 = arith.addi %add3A_907, %squeeze3A_911 : i32
    %slice3A_913 = vector.extract_strided_slice %get3A_909 {offsets = [3], sizes = [1], strides = [1]} : vector<16xi32> to vector<1xi32>
    %squeeze3A_914 = vector.extract %slice3A_913[0] : i32 from vector<1xi32>
    %add3A_915 = arith.addi %add3A_912, %squeeze3A_914 : i32
    %get3A_916 = arith.constant 32 : index
    %get3A_917 = tpu.vector_load %arg5[%get3A_916] {strides = array<i32>} : memref<49152xi32, #tpu.memory_space<vmem>>, vector<16xi32>,
    %slice3A_918 = vector.extract_strided_slice %get3A_917 {offsets = [2], sizes = [1], strides = [1]} : vector<16xi32> to vector<1xi32>
    %squeeze3A_919 = vector.extract %slice3A_918[0] : i32 from vector<1xi32>
    %add3A_920 = arith.addi %add3A_915, %squeeze3A_919 : i32
    %slice3A_921 = vector.extract_strided_slice %get3A_917 {offsets = [3], sizes = [1], strides = [1]} : vector<16xi32> to vector<1xi32>
    %squeeze3A_922 = vector.extract %slice3A_921[0] : i32 from vector<1xi32>
    %add3A_923 = arith.addi %add3A_920, %squeeze3A_922 : i32
    %get3A_924 = arith.constant 48 : index
    %get3A_925 = tpu.vector_load %arg5[%get3A_924] {strides = array<i32>} : memref<49152xi32, #tpu.memory_space<vmem>>, vector<16xi32>,
    %slice3A_926 = vector.extract_strided_slice %get3A_925 {offsets = [2], sizes = [1], strides = [1]} : vector<16xi32> to vector<1xi32>
    %squeeze3A_927 = vector.extract %slice3A_926[0] : i32 from vector<1xi32>
    %add3A_928 = arith.addi %add3A_923, %squeeze3A_927 : i32
    %slice3A_929 = vector.extract_strided_slice %get3A_925 {offsets = [3], sizes = [1], strides = [1]} : vector<16xi32> to vector<1xi32>
    %squeeze3A_930 = vector.extract %slice3A_929[0] : i32 from vector<1xi32>
    %add3A_931 = arith.addi %add3A_928, %squeeze3A_930 : i32
    %get3A_932 = arith.constant 64 : index
    %get3A_933 = tpu.vector_load %arg5[%get3A_932] {strides = array<i32>} : memref<49152xi32, #tpu.memory_space<vmem>>, vector<16xi32>,
    %slice3A_934 = vector.extract_strided_slice %get3A_933 {offsets = [2], sizes = [1], strides = [1]} : vector<16xi32> to vector<1xi32>
    %squeeze3A_935 = vector.extract %slice3A_934[0] : i32 from vector<1xi32>
    %add3A_936 = arith.addi %add3A_931, %squeeze3A_935 : i32
    %slice3A_937 = vector.extract_strided_slice %get3A_933 {offsets = [3], sizes = [1], strides = [1]} : vector<16xi32> to vector<1xi32>
    %squeeze3A_938 = vector.extract %slice3A_937[0] : i32 from vector<1xi32>
    %add3A_939 = arith.addi %add3A_936, %squeeze3A_938 : i32
    %get3A_940 = arith.constant 80 : index
    %get3A_941 = tpu.vector_load %arg5[%get3A_940] {strides = array<i32>} : memref<49152xi32, #tpu.memory_space<vmem>>, vector<16xi32>,
    %slice3A_942 = vector.extract_strided_slice %get3A_941 {offsets = [2], sizes = [1], strides = [1]} : vector<16xi32> to vector<1xi32>
    %squeeze3A_943 = vector.extract %slice3A_942[0] : i32 from vector<1xi32>
    %add3A_944 = arith.addi %add3A_939, %squeeze3A_943 : i32
    %slice3A_945 = vector.extract_strided_slice %get3A_941 {offsets = [3], sizes = [1], strides = [1]} : vector<16xi32> to vector<1xi32>
    %squeeze3A_946 = vector.extract %slice3A_945[0] : i32 from vector<1xi32>
    %add3A_947 = arith.addi %add3A_944, %squeeze3A_946 : i32
    %get3A_948 = arith.constant 96 : index
    %get3A_949 = tpu.vector_load %arg5[%get3A_948] {strides = array<i32>} : memref<49152xi32, #tpu.memory_space<vmem>>, vector<16xi32>,
    %slice3A_950 = vector.extract_strided_slice %get3A_949 {offsets = [2], sizes = [1], strides = [1]} : vector<16xi32> to vector<1xi32>
    %squeeze3A_951 = vector.extract %slice3A_950[0] : i32 from vector<1xi32>
    %add3A_952 = arith.addi %add3A_947, %squeeze3A_951 : i32
    %slice3A_953 = vector.extract_strided_slice %get3A_949 {offsets = [3], sizes = [1], strides = [1]} : vector<16xi32> to vector<1xi32>
    %squeeze3A_954 = vector.extract %slice3A_953[0] : i32 from vector<1xi32>
    %add3A_955 = arith.addi %add3A_952, %squeeze3A_954 : i32
    %get3A_956 = arith.constant 112 : index
    %get3A_957 = tpu.vector_load %arg5[%get3A_956] {strides = array<i32>} : memref<49152xi32, #tpu.memory_space<vmem>>, vector<16xi32>,
    %slice3A_958 = vector.extract_strided_slice %get3A_957 {offsets = [2], sizes = [1], strides = [1]} : vector<16xi32> to vector<1xi32>
    %squeeze3A_959 = vector.extract %slice3A_958[0] : i32 from vector<1xi32>
    %add3A_960 = arith.addi %add3A_955, %squeeze3A_959 : i32
    %slice3A_961 = vector.extract_strided_slice %get3A_957 {offsets = [3], sizes = [1], strides = [1]} : vector<16xi32> to vector<1xi32>
    %squeeze3A_962 = vector.extract %slice3A_961[0] : i32 from vector<1xi32>
    %add3A_963 = arith.addi %add3A_960, %squeeze3A_962 : i32
    %get3A_964 = arith.constant 128 : index
    %get3A_965 = tpu.vector_load %arg5[%get3A_964] {strides = array<i32>} : memref<49152xi32, #tpu.memory_space<vmem>>, vector<16xi32>,
    %slice3A_966 = vector.extract_strided_slice %get3A_965 {offsets = [2], sizes = [1], strides = [1]} : vector<16xi32> to vector<1xi32>
    %squeeze3A_967 = vector.extract %slice3A_966[0] : i32 from vector<1xi32>
    %add3A_968 = arith.addi %add3A_963, %squeeze3A_967 : i32
    %slice3A_969 = vector.extract_strided_slice %get3A_965 {offsets = [3], sizes = [1], strides = [1]} : vector<16xi32> to vector<1xi32>
    %squeeze3A_970 = vector.extract %slice3A_969[0] : i32 from vector<1xi32>
    %add3A_971 = arith.addi %add3A_968, %squeeze3A_970 : i32
    %get3A_972 = arith.constant 144 : index
    %get3A_973 = tpu.vector_load %arg5[%get3A_972] {strides = array<i32>} : memref<49152xi32, #tpu.memory_space<vmem>>, vector<16xi32>,
    %slice3A_974 = vector.extract_strided_slice %get3A_973 {offsets = [2], sizes = [1], strides = [1]} : vector<16xi32> to vector<1xi32>
    %squeeze3A_975 = vector.extract %slice3A_974[0] : i32 from vector<1xi32>
    %add3A_976 = arith.addi %add3A_971, %squeeze3A_975 : i32
    %slice3A_977 = vector.extract_strided_slice %get3A_973 {offsets = [3], sizes = [1], strides = [1]} : vector<16xi32> to vector<1xi32>
    %squeeze3A_978 = vector.extract %slice3A_977[0] : i32 from vector<1xi32>
    %add3A_979 = arith.addi %add3A_976, %squeeze3A_978 : i32
    %get3A_980 = arith.constant 160 : index
    %get3A_981 = tpu.vector_load %arg5[%get3A_980] {strides = array<i32>} : memref<49152xi32, #tpu.memory_space<vmem>>, vector<16xi32>,
    %slice3A_982 = vector.extract_strided_slice %get3A_981 {offsets = [2], sizes = [1], strides = [1]} : vector<16xi32> to vector<1xi32>
    %squeeze3A_983 = vector.extract %slice3A_982[0] : i32 from vector<1xi32>
    %add3A_984 = arith.addi %add3A_979, %squeeze3A_983 : i32
    %slice3A_985 = vector.extract_strided_slice %get3A_981 {offsets = [3], sizes = [1], strides = [1]} : vector<16xi32> to vector<1xi32>
    %squeeze3A_986 = vector.extract %slice3A_985[0] : i32 from vector<1xi32>
    %add3A_987 = arith.addi %add3A_984, %squeeze3A_986 : i32
    %get3A_988 = arith.constant 176 : index
    %get3A_989 = tpu.vector_load %arg5[%get3A_988] {strides = array<i32>} : memref<49152xi32, #tpu.memory_space<vmem>>, vector<16xi32>,
    %slice3A_990 = vector.extract_strided_slice %get3A_989 {offsets = [2], sizes = [1], strides = [1]} : vector<16xi32> to vector<1xi32>
    %squeeze3A_991 = vector.extract %slice3A_990[0] : i32 from vector<1xi32>
    %add3A_992 = arith.addi %add3A_987, %squeeze3A_991 : i32
    %slice3A_993 = vector.extract_strided_slice %get3A_989 {offsets = [3], sizes = [1], strides = [1]} : vector<16xi32> to vector<1xi32>
    %squeeze3A_994 = vector.extract %slice3A_993[0] : i32 from vector<1xi32>
    %add3A_995 = arith.addi %add3A_992, %squeeze3A_994 : i32
    %get3A_996 = arith.constant 192 : index
    %get3A_997 = tpu.vector_load %arg5[%get3A_996] {strides = array<i32>} : memref<49152xi32, #tpu.memory_space<vmem>>, vector<16xi32>,
    %slice3A_998 = vector.extract_strided_slice %get3A_997 {offsets = [2], sizes = [1], strides = [1]} : vector<16xi32> to vector<1xi32>
    %squeeze3A_999 = vector.extract %slice3A_998[0] : i32 from vector<1xi32>
    %add3A_1000 = arith.addi %add3A_995, %squeeze3A_999 : i32
    %slice3A_1001 = vector.extract_strided_slice %get3A_997 {offsets = [3], sizes = [1], strides = [1]} : vector<16xi32> to vector<1xi32>
    %squeeze3A_1002 = vector.extract %slice3A_1001[0] : i32 from vector<1xi32>
    %add3A_1003 = arith.addi %add3A_1000, %squeeze3A_1002 : i32
    %get3A_1004 = arith.constant 208 : index
    %get3A_1005 = tpu.vector_load %arg5[%get3A_1004] {strides = array<i32>} : memref<49152xi32, #tpu.memory_space<vmem>>, vector<16xi32>,
    %slice3A_1006 = vector.extract_strided_slice %get3A_1005 {offsets = [2], sizes = [1], strides = [1]} : vector<16xi32> to vector<1xi32>
    %squeeze3A_1007 = vector.extract %slice3A_1006[0] : i32 from vector<1xi32>
    %add3A_1008 = arith.addi %add3A_1003, %squeeze3A_1007 : i32
    %slice3A_1009 = vector.extract_strided_slice %get3A_1005 {offsets = [3], sizes = [1], strides = [1]} : vector<16xi32> to vector<1xi32>
    %squeeze3A_1010 = vector.extract %slice3A_1009[0] : i32 from vector<1xi32>
    %add3A_1011 = arith.addi %add3A_1008, %squeeze3A_1010 : i32
    %get3A_1012 = arith.constant 224 : index
    %get3A_1013 = tpu.vector_load %arg5[%get3A_1012] {strides = array<i32>} : memref<49152xi32, #tpu.memory_space<vmem>>, vector<16xi32>,
    %slice3A_1014 = vector.extract_strided_slice %get3A_1013 {offsets = [2], sizes = [1], strides = [1]} : vector<16xi32> to vector<1xi32>
    %squeeze3A_1015 = vector.extract %slice3A_1014[0] : i32 from vector<1xi32>
    %add3A_1016 = arith.addi %add3A_1011, %squeeze3A_1015 : i32
    %slice3A_1017 = vector.extract_strided_slice %get3A_1013 {offsets = [3], sizes = [1], strides = [1]} : vector<16xi32> to vector<1xi32>
    %squeeze3A_1018 = vector.extract %slice3A_1017[0] : i32 from vector<1xi32>
    %add3A_1019 = arith.addi %add3A_1016, %squeeze3A_1018 : i32
    %get3A_1020 = arith.constant 240 : index
    %get3A_1021 = tpu.vector_load %arg5[%get3A_1020] {strides = array<i32>} : memref<49152xi32, #tpu.memory_space<vmem>>, vector<16xi32>,
    %slice3A_1022 = vector.extract_strided_slice %get3A_1021 {offsets = [2], sizes = [1], strides = [1]} : vector<16xi32> to vector<1xi32>
    %squeeze3A_1023 = vector.extract %slice3A_1022[0] : i32 from vector<1xi32>
    %add3A_1024 = arith.addi %add3A_1019, %squeeze3A_1023 : i32
    %slice3A_1025 = vector.extract_strided_slice %get3A_1021 {offsets = [3], sizes = [1], strides = [1]} : vector<16xi32> to vector<1xi32>
    %squeeze3A_1026 = vector.extract %slice3A_1025[0] : i32 from vector<1xi32>
    %add3A_1027 = arith.addi %add3A_1024, %squeeze3A_1026 : i32
    %le3A = arith.cmpi sle, %sub3A_851, %add3A_1027 : i32
    %select_n3A_1028 = arith.select %le3A, %or3A_850, %shift_left3A_848 : i32
    %sub3A_1029 = arith.subi %sub3A_851, %add3A_1027 : i32
    %select_n3A_1030 = arith.select %le3A, %sub3A_851, %sub3A_1029 : i32
    %mul3A_1031 = arith.constant 2 : i32
    %mul3A_1032 = arith.muli %mul3A_1031, %arg1 : i32
    %add3A_1033 = arith.addi %mul3A_1032, %arg0 : i32
    %get3A_1034 = arith.constant 0 : index
    %get3A_1035 = tpu.vector_load %arg5[%get3A_1034] {strides = array<i32>} : memref<49152xi32, #tpu.memory_space<vmem>>, vector<16xi32>,
    %slice3A_1036 = vector.extract_strided_slice %get3A_1035 {offsets = [2], sizes = [1], strides = [1]} : vector<16xi32> to vector<1xi32>
    %squeeze3A_1037 = vector.extract %slice3A_1036[0] : i32 from vector<1xi32>
    %slice3A_1038 = vector.extract_strided_slice %get3A_1035 {offsets = [0], sizes = [1], strides = [1]} : vector<16xi32> to vector<1xi32>
    %squeeze3A_1039 = vector.extract %slice3A_1038[0] : i32 from vector<1xi32>
    %select_n3A_1040 = arith.select %le3A, %squeeze3A_1037, %squeeze3A_1039 : i32
    %slice3A_1041 = vector.extract_strided_slice %get3A_1035 {offsets = [3], sizes = [1], strides = [1]} : vector<16xi32> to vector<1xi32>
    %squeeze3A_1042 = vector.extract %slice3A_1041[0] : i32 from vector<1xi32>
    %slice3A_1043 = vector.extract_strided_slice %get3A_1035 {offsets = [1], sizes = [1], strides = [1]} : vector<16xi32> to vector<1xi32>
    %squeeze3A_1044 = vector.extract %slice3A_1043[0] : i32 from vector<1xi32>
    %select_n3A_1045 = arith.select %le3A, %squeeze3A_1042, %squeeze3A_1044 : i32
    %gt3A = arith.constant 0 : i32
    %gt3A_1046 = arith.cmpi sgt, %add3A_1033, %gt3A : i32
    %jit3A_1047 = arith.constant 0 : i32
    %select_n3A_1048 = arith.select %gt3A_1046, %select_n3A_1040, %jit3A_1047 : i32
    %add3A_1049 = arith.constant 0 : i32
    %add3A_1050 = arith.addi %add3A_1049, %select_n3A_1048 : i32
    %gt3A_1051 = arith.constant 1 : i32
    %gt3A_1052 = arith.cmpi sgt, %add3A_1033, %gt3A_1051 : i32
    %jit3A_1053 = arith.constant 0 : i32
    %select_n3A_1054 = arith.select %gt3A_1052, %select_n3A_1045, %jit3A_1053 : i32
    %add3A_1055 = arith.addi %add3A_1050, %select_n3A_1054 : i32
    %get3A_1056 = arith.constant 16 : index
    %get3A_1057 = tpu.vector_load %arg5[%get3A_1056] {strides = array<i32>} : memref<49152xi32, #tpu.memory_space<vmem>>, vector<16xi32>,
    %slice3A_1058 = vector.extract_strided_slice %get3A_1057 {offsets = [2], sizes = [1], strides = [1]} : vector<16xi32> to vector<1xi32>
    %squeeze3A_1059 = vector.extract %slice3A_1058[0] : i32 from vector<1xi32>
    %slice3A_1060 = vector.extract_strided_slice %get3A_1057 {offsets = [0], sizes = [1], strides = [1]} : vector<16xi32> to vector<1xi32>
    %squeeze3A_1061 = vector.extract %slice3A_1060[0] : i32 from vector<1xi32>
    %select_n3A_1062 = arith.select %le3A, %squeeze3A_1059, %squeeze3A_1061 : i32
    %slice3A_1063 = vector.extract_strided_slice %get3A_1057 {offsets = [3], sizes = [1], strides = [1]} : vector<16xi32> to vector<1xi32>
    %squeeze3A_1064 = vector.extract %slice3A_1063[0] : i32 from vector<1xi32>
    %slice3A_1065 = vector.extract_strided_slice %get3A_1057 {offsets = [1], sizes = [1], strides = [1]} : vector<16xi32> to vector<1xi32>
    %squeeze3A_1066 = vector.extract %slice3A_1065[0] : i32 from vector<1xi32>
    %select_n3A_1067 = arith.select %le3A, %squeeze3A_1064, %squeeze3A_1066 : i32
    %gt3A_1068 = arith.constant 2 : i32
    %gt3A_1069 = arith.cmpi sgt, %add3A_1033, %gt3A_1068 : i32
    %jit3A_1070 = arith.constant 0 : i32
    %select_n3A_1071 = arith.select %gt3A_1069, %select_n3A_1062, %jit3A_1070 : i32
    %add3A_1072 = arith.addi %add3A_1055, %select_n3A_1071 : i32
    %gt3A_1073 = arith.constant 3 : i32
    %gt3A_1074 = arith.cmpi sgt, %add3A_1033, %gt3A_1073 : i32
    %jit3A_1075 = arith.constant 0 : i32
    %select_n3A_1076 = arith.select %gt3A_1074, %select_n3A_1067, %jit3A_1075 : i32
    %add3A_1077 = arith.addi %add3A_1072, %select_n3A_1076 : i32
    %get3A_1078 = arith.constant 32 : index
    %get3A_1079 = tpu.vector_load %arg5[%get3A_1078] {strides = array<i32>} : memref<49152xi32, #tpu.memory_space<vmem>>, vector<16xi32>,
    %slice3A_1080 = vector.extract_strided_slice %get3A_1079 {offsets = [2], sizes = [1], strides = [1]} : vector<16xi32> to vector<1xi32>
    %squeeze3A_1081 = vector.extract %slice3A_1080[0] : i32 from vector<1xi32>
    %slice3A_1082 = vector.extract_strided_slice %get3A_1079 {offsets = [0], sizes = [1], strides = [1]} : vector<16xi32> to vector<1xi32>
    %squeeze3A_1083 = vector.extract %slice3A_1082[0] : i32 from vector<1xi32>
    %select_n3A_1084 = arith.select %le3A, %squeeze3A_1081, %squeeze3A_1083 : i32
    %slice3A_1085 = vector.extract_strided_slice %get3A_1079 {offsets = [3], sizes = [1], strides = [1]} : vector<16xi32> to vector<1xi32>
    %squeeze3A_1086 = vector.extract %slice3A_1085[0] : i32 from vector<1xi32>
    %slice3A_1087 = vector.extract_strided_slice %get3A_1079 {offsets = [1], sizes = [1], strides = [1]} : vector<16xi32> to vector<1xi32>
    %squeeze3A_1088 = vector.extract %slice3A_1087[0] : i32 from vector<1xi32>
    %select_n3A_1089 = arith.select %le3A, %squeeze3A_1086, %squeeze3A_1088 : i32
    %gt3A_1090 = arith.constant 4 : i32
    %gt3A_1091 = arith.cmpi sgt, %add3A_1033, %gt3A_1090 : i32
    %jit3A_1092 = arith.constant 0 : i32
    %select_n3A_1093 = arith.select %gt3A_1091, %select_n3A_1084, %jit3A_1092 : i32
    %add3A_1094 = arith.addi %add3A_1077, %select_n3A_1093 : i32
    %gt3A_1095 = arith.constant 5 : i32
    %gt3A_1096 = arith.cmpi sgt, %add3A_1033, %gt3A_1095 : i32
    %jit3A_1097 = arith.constant 0 : i32
    %select_n3A_1098 = arith.select %gt3A_1096, %select_n3A_1089, %jit3A_1097 : i32
    %add3A_1099 = arith.addi %add3A_1094, %select_n3A_1098 : i32
    %get3A_1100 = arith.constant 48 : index
    %get3A_1101 = tpu.vector_load %arg5[%get3A_1100] {strides = array<i32>} : memref<49152xi32, #tpu.memory_space<vmem>>, vector<16xi32>,
    %slice3A_1102 = vector.extract_strided_slice %get3A_1101 {offsets = [2], sizes = [1], strides = [1]} : vector<16xi32> to vector<1xi32>
    %squeeze3A_1103 = vector.extract %slice3A_1102[0] : i32 from vector<1xi32>
    %slice3A_1104 = vector.extract_strided_slice %get3A_1101 {offsets = [0], sizes = [1], strides = [1]} : vector<16xi32> to vector<1xi32>
    %squeeze3A_1105 = vector.extract %slice3A_1104[0] : i32 from vector<1xi32>
    %select_n3A_1106 = arith.select %le3A, %squeeze3A_1103, %squeeze3A_1105 : i32
    %slice3A_1107 = vector.extract_strided_slice %get3A_1101 {offsets = [3], sizes = [1], strides = [1]} : vector<16xi32> to vector<1xi32>
    %squeeze3A_1108 = vector.extract %slice3A_1107[0] : i32 from vector<1xi32>
    %slice3A_1109 = vector.extract_strided_slice %get3A_1101 {offsets = [1], sizes = [1], strides = [1]} : vector<16xi32> to vector<1xi32>
    %squeeze3A_1110 = vector.extract %slice3A_1109[0] : i32 from vector<1xi32>
    %select_n3A_1111 = arith.select %le3A, %squeeze3A_1108, %squeeze3A_1110 : i32
    %gt3A_1112 = arith.constant 6 : i32
    %gt3A_1113 = arith.cmpi sgt, %add3A_1033, %gt3A_1112 : i32
    %jit3A_1114 = arith.constant 0 : i32
    %select_n3A_1115 = arith.select %gt3A_1113, %select_n3A_1106, %jit3A_1114 : i32
    %add3A_1116 = arith.addi %add3A_1099, %select_n3A_1115 : i32
    %gt3A_1117 = arith.constant 7 : i32
    %gt3A_1118 = arith.cmpi sgt, %add3A_1033, %gt3A_1117 : i32
    %jit3A_1119 = arith.constant 0 : i32
    %select_n3A_1120 = arith.select %gt3A_1118, %select_n3A_1111, %jit3A_1119 : i32
    %add3A_1121 = arith.addi %add3A_1116, %select_n3A_1120 : i32
    %get3A_1122 = arith.constant 64 : index
    %get3A_1123 = tpu.vector_load %arg5[%get3A_1122] {strides = array<i32>} : memref<49152xi32, #tpu.memory_space<vmem>>, vector<16xi32>,
    %slice3A_1124 = vector.extract_strided_slice %get3A_1123 {offsets = [2], sizes = [1], strides = [1]} : vector<16xi32> to vector<1xi32>
    %squeeze3A_1125 = vector.extract %slice3A_1124[0] : i32 from vector<1xi32>
    %slice3A_1126 = vector.extract_strided_slice %get3A_1123 {offsets = [0], sizes = [1], strides = [1]} : vector<16xi32> to vector<1xi32>
    %squeeze3A_1127 = vector.extract %slice3A_1126[0] : i32 from vector<1xi32>
    %select_n3A_1128 = arith.select %le3A, %squeeze3A_1125, %squeeze3A_1127 : i32
    %slice3A_1129 = vector.extract_strided_slice %get3A_1123 {offsets = [3], sizes = [1], strides = [1]} : vector<16xi32> to vector<1xi32>
    %squeeze3A_1130 = vector.extract %slice3A_1129[0] : i32 from vector<1xi32>
    %slice3A_1131 = vector.extract_strided_slice %get3A_1123 {offsets = [1], sizes = [1], strides = [1]} : vector<16xi32> to vector<1xi32>
    %squeeze3A_1132 = vector.extract %slice3A_1131[0] : i32 from vector<1xi32>
    %select_n3A_1133 = arith.select %le3A, %squeeze3A_1130, %squeeze3A_1132 : i32
    %gt3A_1134 = arith.constant 8 : i32
    %gt3A_1135 = arith.cmpi sgt, %add3A_1033, %gt3A_1134 : i32
    %jit3A_1136 = arith.constant 0 : i32
    %select_n3A_1137 = arith.select %gt3A_1135, %select_n3A_1128, %jit3A_1136 : i32
    %add3A_1138 = arith.addi %add3A_1121, %select_n3A_1137 : i32
    %gt3A_1139 = arith.constant 9 : i32
    %gt3A_1140 = arith.cmpi sgt, %add3A_1033, %gt3A_1139 : i32
    %jit3A_1141 = arith.constant 0 : i32
    %select_n3A_1142 = arith.select %gt3A_1140, %select_n3A_1133, %jit3A_1141 : i32
    %add3A_1143 = arith.addi %add3A_1138, %select_n3A_1142 : i32
    %get3A_1144 = arith.constant 80 : index
    %get3A_1145 = tpu.vector_load %arg5[%get3A_1144] {strides = array<i32>} : memref<49152xi32, #tpu.memory_space<vmem>>, vector<16xi32>,
    %slice3A_1146 = vector.extract_strided_slice %get3A_1145 {offsets = [2], sizes = [1], strides = [1]} : vector<16xi32> to vector<1xi32>
    %squeeze3A_1147 = vector.extract %slice3A_1146[0] : i32 from vector<1xi32>
    %slice3A_1148 = vector.extract_strided_slice %get3A_1145 {offsets = [0], sizes = [1], strides = [1]} : vector<16xi32> to vector<1xi32>
    %squeeze3A_1149 = vector.extract %slice3A_1148[0] : i32 from vector<1xi32>
    %select_n3A_1150 = arith.select %le3A, %squeeze3A_1147, %squeeze3A_1149 : i32
    %slice3A_1151 = vector.extract_strided_slice %get3A_1145 {offsets = [3], sizes = [1], strides = [1]} : vector<16xi32> to vector<1xi32>
    %squeeze3A_1152 = vector.extract %slice3A_1151[0] : i32 from vector<1xi32>
    %slice3A_1153 = vector.extract_strided_slice %get3A_1145 {offsets = [1], sizes = [1], strides = [1]} : vector<16xi32> to vector<1xi32>
    %squeeze3A_1154 = vector.extract %slice3A_1153[0] : i32 from vector<1xi32>
    %select_n3A_1155 = arith.select %le3A, %squeeze3A_1152, %squeeze3A_1154 : i32
    %gt3A_1156 = arith.constant 10 : i32
    %gt3A_1157 = arith.cmpi sgt, %add3A_1033, %gt3A_1156 : i32
    %jit3A_1158 = arith.constant 0 : i32
    %select_n3A_1159 = arith.select %gt3A_1157, %select_n3A_1150, %jit3A_1158 : i32
    %add3A_1160 = arith.addi %add3A_1143, %select_n3A_1159 : i32
    %gt3A_1161 = arith.constant 11 : i32
    %gt3A_1162 = arith.cmpi sgt, %add3A_1033, %gt3A_1161 : i32
    %jit3A_1163 = arith.constant 0 : i32
    %select_n3A_1164 = arith.select %gt3A_1162, %select_n3A_1155, %jit3A_1163 : i32
    %add3A_1165 = arith.addi %add3A_1160, %select_n3A_1164 : i32
    %get3A_1166 = arith.constant 96 : index
    %get3A_1167 = tpu.vector_load %arg5[%get3A_1166] {strides = array<i32>} : memref<49152xi32, #tpu.memory_space<vmem>>, vector<16xi32>,
    %slice3A_1168 = vector.extract_strided_slice %get3A_1167 {offsets = [2], sizes = [1], strides = [1]} : vector<16xi32> to vector<1xi32>
    %squeeze3A_1169 = vector.extract %slice3A_1168[0] : i32 from vector<1xi32>
    %slice3A_1170 = vector.extract_strided_slice %get3A_1167 {offsets = [0], sizes = [1], strides = [1]} : vector<16xi32> to vector<1xi32>
    %squeeze3A_1171 = vector.extract %slice3A_1170[0] : i32 from vector<1xi32>
    %select_n3A_1172 = arith.select %le3A, %squeeze3A_1169, %squeeze3A_1171 : i32
    %slice3A_1173 = vector.extract_strided_slice %get3A_1167 {offsets = [3], sizes = [1], strides = [1]} : vector<16xi32> to vector<1xi32>
    %squeeze3A_1174 = vector.extract %slice3A_1173[0] : i32 from vector<1xi32>
    %slice3A_1175 = vector.extract_strided_slice %get3A_1167 {offsets = [1], sizes = [1], strides = [1]} : vector<16xi32> to vector<1xi32>
    %squeeze3A_1176 = vector.extract %slice3A_1175[0] : i32 from vector<1xi32>
    %select_n3A_1177 = arith.select %le3A, %squeeze3A_1174, %squeeze3A_1176 : i32
    %gt3A_1178 = arith.constant 12 : i32
    %gt3A_1179 = arith.cmpi sgt, %add3A_1033, %gt3A_1178 : i32
    %jit3A_1180 = arith.constant 0 : i32
    %select_n3A_1181 = arith.select %gt3A_1179, %select_n3A_1172, %jit3A_1180 : i32
    %add3A_1182 = arith.addi %add3A_1165, %select_n3A_1181 : i32
    %gt3A_1183 = arith.constant 13 : i32
    %gt3A_1184 = arith.cmpi sgt, %add3A_1033, %gt3A_1183 : i32
    %jit3A_1185 = arith.constant 0 : i32
    %select_n3A_1186 = arith.select %gt3A_1184, %select_n3A_1177, %jit3A_1185 : i32
    %add3A_1187 = arith.addi %add3A_1182, %select_n3A_1186 : i32
    %get3A_1188 = arith.constant 112 : index
    %get3A_1189 = tpu.vector_load %arg5[%get3A_1188] {strides = array<i32>} : memref<49152xi32, #tpu.memory_space<vmem>>, vector<16xi32>,
    %slice3A_1190 = vector.extract_strided_slice %get3A_1189 {offsets = [2], sizes = [1], strides = [1]} : vector<16xi32> to vector<1xi32>
    %squeeze3A_1191 = vector.extract %slice3A_1190[0] : i32 from vector<1xi32>
    %slice3A_1192 = vector.extract_strided_slice %get3A_1189 {offsets = [0], sizes = [1], strides = [1]} : vector<16xi32> to vector<1xi32>
    %squeeze3A_1193 = vector.extract %slice3A_1192[0] : i32 from vector<1xi32>
    %select_n3A_1194 = arith.select %le3A, %squeeze3A_1191, %squeeze3A_1193 : i32
    %slice3A_1195 = vector.extract_strided_slice %get3A_1189 {offsets = [3], sizes = [1], strides = [1]} : vector<16xi32> to vector<1xi32>
    %squeeze3A_1196 = vector.extract %slice3A_1195[0] : i32 from vector<1xi32>
    %slice3A_1197 = vector.extract_strided_slice %get3A_1189 {offsets = [1], sizes = [1], strides = [1]} : vector<16xi32> to vector<1xi32>
    %squeeze3A_1198 = vector.extract %slice3A_1197[0] : i32 from vector<1xi32>
    %select_n3A_1199 = arith.select %le3A, %squeeze3A_1196, %squeeze3A_1198 : i32
    %gt3A_1200 = arith.constant 14 : i32
    %gt3A_1201 = arith.cmpi sgt, %add3A_1033, %gt3A_1200 : i32
    %jit3A_1202 = arith.constant 0 : i32
    %select_n3A_1203 = arith.select %gt3A_1201, %select_n3A_1194, %jit3A_1202 : i32
    %add3A_1204 = arith.addi %add3A_1187, %select_n3A_1203 : i32
    %gt3A_1205 = arith.constant 15 : i32
    %gt3A_1206 = arith.cmpi sgt, %add3A_1033, %gt3A_1205 : i32
    %jit3A_1207 = arith.constant 0 : i32
    %select_n3A_1208 = arith.select %gt3A_1206, %select_n3A_1199, %jit3A_1207 : i32
    %add3A_1209 = arith.addi %add3A_1204, %select_n3A_1208 : i32
    %get3A_1210 = arith.constant 128 : index
    %get3A_1211 = tpu.vector_load %arg5[%get3A_1210] {strides = array<i32>} : memref<49152xi32, #tpu.memory_space<vmem>>, vector<16xi32>,
    %slice3A_1212 = vector.extract_strided_slice %get3A_1211 {offsets = [2], sizes = [1], strides = [1]} : vector<16xi32> to vector<1xi32>
    %squeeze3A_1213 = vector.extract %slice3A_1212[0] : i32 from vector<1xi32>
    %slice3A_1214 = vector.extract_strided_slice %get3A_1211 {offsets = [0], sizes = [1], strides = [1]} : vector<16xi32> to vector<1xi32>
    %squeeze3A_1215 = vector.extract %slice3A_1214[0] : i32 from vector<1xi32>
    %select_n3A_1216 = arith.select %le3A, %squeeze3A_1213, %squeeze3A_1215 : i32
    %slice3A_1217 = vector.extract_strided_slice %get3A_1211 {offsets = [3], sizes = [1], strides = [1]} : vector<16xi32> to vector<1xi32>
    %squeeze3A_1218 = vector.extract %slice3A_1217[0] : i32 from vector<1xi32>
    %slice3A_1219 = vector.extract_strided_slice %get3A_1211 {offsets = [1], sizes = [1], strides = [1]} : vector<16xi32> to vector<1xi32>
    %squeeze3A_1220 = vector.extract %slice3A_1219[0] : i32 from vector<1xi32>
    %select_n3A_1221 = arith.select %le3A, %squeeze3A_1218, %squeeze3A_1220 : i32
    %gt3A_1222 = arith.constant 16 : i32
    %gt3A_1223 = arith.cmpi sgt, %add3A_1033, %gt3A_1222 : i32
    %jit3A_1224 = arith.constant 0 : i32
    %select_n3A_1225 = arith.select %gt3A_1223, %select_n3A_1216, %jit3A_1224 : i32
    %add3A_1226 = arith.addi %add3A_1209, %select_n3A_1225 : i32
    %gt3A_1227 = arith.constant 17 : i32
    %gt3A_1228 = arith.cmpi sgt, %add3A_1033, %gt3A_1227 : i32
    %jit3A_1229 = arith.constant 0 : i32
    %select_n3A_1230 = arith.select %gt3A_1228, %select_n3A_1221, %jit3A_1229 : i32
    %add3A_1231 = arith.addi %add3A_1226, %select_n3A_1230 : i32
    %get3A_1232 = arith.constant 144 : index
    %get3A_1233 = tpu.vector_load %arg5[%get3A_1232] {strides = array<i32>} : memref<49152xi32, #tpu.memory_space<vmem>>, vector<16xi32>,
    %slice3A_1234 = vector.extract_strided_slice %get3A_1233 {offsets = [2], sizes = [1], strides = [1]} : vector<16xi32> to vector<1xi32>
    %squeeze3A_1235 = vector.extract %slice3A_1234[0] : i32 from vector<1xi32>
    %slice3A_1236 = vector.extract_strided_slice %get3A_1233 {offsets = [0], sizes = [1], strides = [1]} : vector<16xi32> to vector<1xi32>
    %squeeze3A_1237 = vector.extract %slice3A_1236[0] : i32 from vector<1xi32>
    %select_n3A_1238 = arith.select %le3A, %squeeze3A_1235, %squeeze3A_1237 : i32
    %slice3A_1239 = vector.extract_strided_slice %get3A_1233 {offsets = [3], sizes = [1], strides = [1]} : vector<16xi32> to vector<1xi32>
    %squeeze3A_1240 = vector.extract %slice3A_1239[0] : i32 from vector<1xi32>
    %slice3A_1241 = vector.extract_strided_slice %get3A_1233 {offsets = [1], sizes = [1], strides = [1]} : vector<16xi32> to vector<1xi32>
    %squeeze3A_1242 = vector.extract %slice3A_1241[0] : i32 from vector<1xi32>
    %select_n3A_1243 = arith.select %le3A, %squeeze3A_1240, %squeeze3A_1242 : i32
    %gt3A_1244 = arith.constant 18 : i32
    %gt3A_1245 = arith.cmpi sgt, %add3A_1033, %gt3A_1244 : i32
    %jit3A_1246 = arith.constant 0 : i32
    %select_n3A_1247 = arith.select %gt3A_1245, %select_n3A_1238, %jit3A_1246 : i32
    %add3A_1248 = arith.addi %add3A_1231, %select_n3A_1247 : i32
    %gt3A_1249 = arith.constant 19 : i32
    %gt3A_1250 = arith.cmpi sgt, %add3A_1033, %gt3A_1249 : i32
    %jit3A_1251 = arith.constant 0 : i32
    %select_n3A_1252 = arith.select %gt3A_1250, %select_n3A_1243, %jit3A_1251 : i32
    %add3A_1253 = arith.addi %add3A_1248, %select_n3A_1252 : i32
    %get3A_1254 = arith.constant 160 : index
    %get3A_1255 = tpu.vector_load %arg5[%get3A_1254] {strides = array<i32>} : memref<49152xi32, #tpu.memory_space<vmem>>, vector<16xi32>,
    %slice3A_1256 = vector.extract_strided_slice %get3A_1255 {offsets = [2], sizes = [1], strides = [1]} : vector<16xi32> to vector<1xi32>
    %squeeze3A_1257 = vector.extract %slice3A_1256[0] : i32 from vector<1xi32>
    %slice3A_1258 = vector.extract_strided_slice %get3A_1255 {offsets = [0], sizes = [1], strides = [1]} : vector<16xi32> to vector<1xi32>
    %squeeze3A_1259 = vector.extract %slice3A_1258[0] : i32 from vector<1xi32>
    %select_n3A_1260 = arith.select %le3A, %squeeze3A_1257, %squeeze3A_1259 : i32
    %slice3A_1261 = vector.extract_strided_slice %get3A_1255 {offsets = [3], sizes = [1], strides = [1]} : vector<16xi32> to vector<1xi32>
    %squeeze3A_1262 = vector.extract %slice3A_1261[0] : i32 from vector<1xi32>
    %slice3A_1263 = vector.extract_strided_slice %get3A_1255 {offsets = [1], sizes = [1], strides = [1]} : vector<16xi32> to vector<1xi32>
    %squeeze3A_1264 = vector.extract %slice3A_1263[0] : i32 from vector<1xi32>
    %select_n3A_1265 = arith.select %le3A, %squeeze3A_1262, %squeeze3A_1264 : i32
    %gt3A_1266 = arith.constant 20 : i32
    %gt3A_1267 = arith.cmpi sgt, %add3A_1033, %gt3A_1266 : i32
    %jit3A_1268 = arith.constant 0 : i32
    %select_n3A_1269 = arith.select %gt3A_1267, %select_n3A_1260, %jit3A_1268 : i32
    %add3A_1270 = arith.addi %add3A_1253, %select_n3A_1269 : i32
    %gt3A_1271 = arith.constant 21 : i32
    %gt3A_1272 = arith.cmpi sgt, %add3A_1033, %gt3A_1271 : i32
    %jit3A_1273 = arith.constant 0 : i32
    %select_n3A_1274 = arith.select %gt3A_1272, %select_n3A_1265, %jit3A_1273 : i32
    %add3A_1275 = arith.addi %add3A_1270, %select_n3A_1274 : i32
    %get3A_1276 = arith.constant 176 : index
    %get3A_1277 = tpu.vector_load %arg5[%get3A_1276] {strides = array<i32>} : memref<49152xi32, #tpu.memory_space<vmem>>, vector<16xi32>,
    %slice3A_1278 = vector.extract_strided_slice %get3A_1277 {offsets = [2], sizes = [1], strides = [1]} : vector<16xi32> to vector<1xi32>
    %squeeze3A_1279 = vector.extract %slice3A_1278[0] : i32 from vector<1xi32>
    %slice3A_1280 = vector.extract_strided_slice %get3A_1277 {offsets = [0], sizes = [1], strides = [1]} : vector<16xi32> to vector<1xi32>
    %squeeze3A_1281 = vector.extract %slice3A_1280[0] : i32 from vector<1xi32>
    %select_n3A_1282 = arith.select %le3A, %squeeze3A_1279, %squeeze3A_1281 : i32
    %slice3A_1283 = vector.extract_strided_slice %get3A_1277 {offsets = [3], sizes = [1], strides = [1]} : vector<16xi32> to vector<1xi32>
    %squeeze3A_1284 = vector.extract %slice3A_1283[0] : i32 from vector<1xi32>
    %slice3A_1285 = vector.extract_strided_slice %get3A_1277 {offsets = [1], sizes = [1], strides = [1]} : vector<16xi32> to vector<1xi32>
    %squeeze3A_1286 = vector.extract %slice3A_1285[0] : i32 from vector<1xi32>
    %select_n3A_1287 = arith.select %le3A, %squeeze3A_1284, %squeeze3A_1286 : i32
    %gt3A_1288 = arith.constant 22 : i32
    %gt3A_1289 = arith.cmpi sgt, %add3A_1033, %gt3A_1288 : i32
    %jit3A_1290 = arith.constant 0 : i32
    %select_n3A_1291 = arith.select %gt3A_1289, %select_n3A_1282, %jit3A_1290 : i32
    %add3A_1292 = arith.addi %add3A_1275, %select_n3A_1291 : i32
    %gt3A_1293 = arith.constant 23 : i32
    %gt3A_1294 = arith.cmpi sgt, %add3A_1033, %gt3A_1293 : i32
    %jit3A_1295 = arith.constant 0 : i32
    %select_n3A_1296 = arith.select %gt3A_1294, %select_n3A_1287, %jit3A_1295 : i32
    %add3A_1297 = arith.addi %add3A_1292, %select_n3A_1296 : i32
    %get3A_1298 = arith.constant 192 : index
    %get3A_1299 = tpu.vector_load %arg5[%get3A_1298] {strides = array<i32>} : memref<49152xi32, #tpu.memory_space<vmem>>, vector<16xi32>,
    %slice3A_1300 = vector.extract_strided_slice %get3A_1299 {offsets = [2], sizes = [1], strides = [1]} : vector<16xi32> to vector<1xi32>
    %squeeze3A_1301 = vector.extract %slice3A_1300[0] : i32 from vector<1xi32>
    %slice3A_1302 = vector.extract_strided_slice %get3A_1299 {offsets = [0], sizes = [1], strides = [1]} : vector<16xi32> to vector<1xi32>
    %squeeze3A_1303 = vector.extract %slice3A_1302[0] : i32 from vector<1xi32>
    %select_n3A_1304 = arith.select %le3A, %squeeze3A_1301, %squeeze3A_1303 : i32
    %slice3A_1305 = vector.extract_strided_slice %get3A_1299 {offsets = [3], sizes = [1], strides = [1]} : vector<16xi32> to vector<1xi32>
    %squeeze3A_1306 = vector.extract %slice3A_1305[0] : i32 from vector<1xi32>
    %slice3A_1307 = vector.extract_strided_slice %get3A_1299 {offsets = [1], sizes = [1], strides = [1]} : vector<16xi32> to vector<1xi32>
    %squeeze3A_1308 = vector.extract %slice3A_1307[0] : i32 from vector<1xi32>
    %select_n3A_1309 = arith.select %le3A, %squeeze3A_1306, %squeeze3A_1308 : i32
    %gt3A_1310 = arith.constant 24 : i32
    %gt3A_1311 = arith.cmpi sgt, %add3A_1033, %gt3A_1310 : i32
    %jit3A_1312 = arith.constant 0 : i32
    %select_n3A_1313 = arith.select %gt3A_1311, %select_n3A_1304, %jit3A_1312 : i32
    %add3A_1314 = arith.addi %add3A_1297, %select_n3A_1313 : i32
    %gt3A_1315 = arith.constant 25 : i32
    %gt3A_1316 = arith.cmpi sgt, %add3A_1033, %gt3A_1315 : i32
    %jit3A_1317 = arith.constant 0 : i32
    %select_n3A_1318 = arith.select %gt3A_1316, %select_n3A_1309, %jit3A_1317 : i32
    %add3A_1319 = arith.addi %add3A_1314, %select_n3A_1318 : i32
    %get3A_1320 = arith.constant 208 : index
    %get3A_1321 = tpu.vector_load %arg5[%get3A_1320] {strides = array<i32>} : memref<49152xi32, #tpu.memory_space<vmem>>, vector<16xi32>,
    %slice3A_1322 = vector.extract_strided_slice %get3A_1321 {offsets = [2], sizes = [1], strides = [1]} : vector<16xi32> to vector<1xi32>
    %squeeze3A_1323 = vector.extract %slice3A_1322[0] : i32 from vector<1xi32>
    %slice3A_1324 = vector.extract_strided_slice %get3A_1321 {offsets = [0], sizes = [1], strides = [1]} : vector<16xi32> to vector<1xi32>
    %squeeze3A_1325 = vector.extract %slice3A_1324[0] : i32 from vector<1xi32>
    %select_n3A_1326 = arith.select %le3A, %squeeze3A_1323, %squeeze3A_1325 : i32
    %slice3A_1327 = vector.extract_strided_slice %get3A_1321 {offsets = [3], sizes = [1], strides = [1]} : vector<16xi32> to vector<1xi32>
    %squeeze3A_1328 = vector.extract %slice3A_1327[0] : i32 from vector<1xi32>
    %slice3A_1329 = vector.extract_strided_slice %get3A_1321 {offsets = [1], sizes = [1], strides = [1]} : vector<16xi32> to vector<1xi32>
    %squeeze3A_1330 = vector.extract %slice3A_1329[0] : i32 from vector<1xi32>
    %select_n3A_1331 = arith.select %le3A, %squeeze3A_1328, %squeeze3A_1330 : i32
    %gt3A_1332 = arith.constant 26 : i32
    %gt3A_1333 = arith.cmpi sgt, %add3A_1033, %gt3A_1332 : i32
    %jit3A_1334 = arith.constant 0 : i32
    %select_n3A_1335 = arith.select %gt3A_1333, %select_n3A_1326, %jit3A_1334 : i32
    %add3A_1336 = arith.addi %add3A_1319, %select_n3A_1335 : i32
    %gt3A_1337 = arith.constant 27 : i32
    %gt3A_1338 = arith.cmpi sgt, %add3A_1033, %gt3A_1337 : i32
    %jit3A_1339 = arith.constant 0 : i32
    %select_n3A_1340 = arith.select %gt3A_1338, %select_n3A_1331, %jit3A_1339 : i32
    %add3A_1341 = arith.addi %add3A_1336, %select_n3A_1340 : i32
    %get3A_1342 = arith.constant 224 : index
    %get3A_1343 = tpu.vector_load %arg5[%get3A_1342] {strides = array<i32>} : memref<49152xi32, #tpu.memory_space<vmem>>, vector<16xi32>,
    %slice3A_1344 = vector.extract_strided_slice %get3A_1343 {offsets = [2], sizes = [1], strides = [1]} : vector<16xi32> to vector<1xi32>
    %squeeze3A_1345 = vector.extract %slice3A_1344[0] : i32 from vector<1xi32>
    %slice3A_1346 = vector.extract_strided_slice %get3A_1343 {offsets = [0], sizes = [1], strides = [1]} : vector<16xi32> to vector<1xi32>
    %squeeze3A_1347 = vector.extract %slice3A_1346[0] : i32 from vector<1xi32>
    %select_n3A_1348 = arith.select %le3A, %squeeze3A_1345, %squeeze3A_1347 : i32
    %slice3A_1349 = vector.extract_strided_slice %get3A_1343 {offsets = [3], sizes = [1], strides = [1]} : vector<16xi32> to vector<1xi32>
    %squeeze3A_1350 = vector.extract %slice3A_1349[0] : i32 from vector<1xi32>
    %slice3A_1351 = vector.extract_strided_slice %get3A_1343 {offsets = [1], sizes = [1], strides = [1]} : vector<16xi32> to vector<1xi32>
    %squeeze3A_1352 = vector.extract %slice3A_1351[0] : i32 from vector<1xi32>
    %select_n3A_1353 = arith.select %le3A, %squeeze3A_1350, %squeeze3A_1352 : i32
    %gt3A_1354 = arith.constant 28 : i32
    %gt3A_1355 = arith.cmpi sgt, %add3A_1033, %gt3A_1354 : i32
    %jit3A_1356 = arith.constant 0 : i32
    %select_n3A_1357 = arith.select %gt3A_1355, %select_n3A_1348, %jit3A_1356 : i32
    %add3A_1358 = arith.addi %add3A_1341, %select_n3A_1357 : i32
    %gt3A_1359 = arith.constant 29 : i32
    %gt3A_1360 = arith.cmpi sgt, %add3A_1033, %gt3A_1359 : i32
    %jit3A_1361 = arith.constant 0 : i32
    %select_n3A_1362 = arith.select %gt3A_1360, %select_n3A_1353, %jit3A_1361 : i32
    %add3A_1363 = arith.addi %add3A_1358, %select_n3A_1362 : i32
    %get3A_1364 = arith.constant 240 : index
    %get3A_1365 = tpu.vector_load %arg5[%get3A_1364] {strides = array<i32>} : memref<49152xi32, #tpu.memory_space<vmem>>, vector<16xi32>,
    %slice3A_1366 = vector.extract_strided_slice %get3A_1365 {offsets = [2], sizes = [1], strides = [1]} : vector<16xi32> to vector<1xi32>
    %squeeze3A_1367 = vector.extract %slice3A_1366[0] : i32 from vector<1xi32>
    %slice3A_1368 = vector.extract_strided_slice %get3A_1365 {offsets = [0], sizes = [1], strides = [1]} : vector<16xi32> to vector<1xi32>
    %squeeze3A_1369 = vector.extract %slice3A_1368[0] : i32 from vector<1xi32>
    %select_n3A_1370 = arith.select %le3A, %squeeze3A_1367, %squeeze3A_1369 : i32
    %slice3A_1371 = vector.extract_strided_slice %get3A_1365 {offsets = [3], sizes = [1], strides = [1]} : vector<16xi32> to vector<1xi32>
    %squeeze3A_1372 = vector.extract %slice3A_1371[0] : i32 from vector<1xi32>
    %slice3A_1373 = vector.extract_strided_slice %get3A_1365 {offsets = [1], sizes = [1], strides = [1]} : vector<16xi32> to vector<1xi32>
    %squeeze3A_1374 = vector.extract %slice3A_1373[0] : i32 from vector<1xi32>
    %select_n3A_1375 = arith.select %le3A, %squeeze3A_1372, %squeeze3A_1374 : i32
    %gt3A_1376 = arith.constant 30 : i32
    %gt3A_1377 = arith.cmpi sgt, %add3A_1033, %gt3A_1376 : i32
    %jit3A_1378 = arith.constant 0 : i32
    %select_n3A_1379 = arith.select %gt3A_1377, %select_n3A_1370, %jit3A_1378 : i32
    %add3A_1380 = arith.addi %add3A_1363, %select_n3A_1379 : i32
    %gt3A_1381 = arith.constant 31 : i32
    %gt3A_1382 = arith.cmpi sgt, %add3A_1033, %gt3A_1381 : i32
    %jit3A_1383 = arith.constant 0 : i32
    %select_n3A_1384 = arith.select %gt3A_1382, %select_n3A_1375, %jit3A_1383 : i32
    %add3A_1385 = arith.addi %add3A_1380, %select_n3A_1384 : i32
    %eq3A_1386 = arith.constant 0 : i32
    %eq3A_1387 = arith.cmpi eq, %arg0, %eq3A_1386 : i32
    %select_n3A_1388 = arith.select %le3A, %reduce_sum3A_861, %reduce_sum3A_857 : i32
    %select_n3A_1389 = arith.select %le3A, %reduce_sum3A_872, %reduce_sum3A_868 : i32
    %select_n3A_1390 = arith.select %eq3A_1387, %select_n3A_1388, %select_n3A_1389 : i32
    %sub3A_1391 = arith.subi %select_n3A_1030, %add3A_1385 : i32
    %jit3A_1392 = arith.constant 0 : i32
    %max3A = arith.maxsi %jit3A_1392, %sub3A_1391 : i32
    %min3A = arith.minsi %select_n3A_1390, %max3A : i32
    %mul3A_1393 = arith.constant 16384 : i32
    %mul3A_1394 = arith.muli %arg0, %mul3A_1393 : i32
    %eq3A_1395 = arith.cmpi eq, %min3A, %select_n3A_1390 : i32
    %convert_element_type3A = arith.extui %eq3A_1395 : i1 to i32
    %cond3A = arith.constant 0 : i32
    %cond3A_1396 = arith.cmpi ne, %convert_element_type3A, %cond3A : i32
    scf.if %cond3A_1396 {
      %parallel_loop3A_1413 = arith.constant 0 : i32
      %parallel_loop3A_1414 = arith.constant 1024 : i32
      %parallel_loop3A_1415 = arith.constant 1 : i32
      scf.for %parallel_loop3A_1416 = %parallel_loop3A_1413 to %parallel_loop3A_1414 step %parallel_loop3A_1415  : i32 {
        %parallel_loop3A_1417 = arith.constant 16 : i32
        %parallel_loop3A_1418 = arith.muli %parallel_loop3A_1416, %parallel_loop3A_1417 : i32
        %parallel_loop3A_1419 = arith.addi %mul3A_1394, %parallel_loop3A_1418 : i32
        %parallel_loop3A_1420 = arith.index_cast %parallel_loop3A_1419 : i32 to index
        %parallel_loop3A_1421 = tpu.vector_load %arg4[%parallel_loop3A_1420] {strides = array<i32>} : memref<32768xi32, #tpu.memory_space<vmem>>, vector<16xi32>,
        %parallel_loop3A_1422 = vector.broadcast %select_n3A_1028 : i32 to vector<16xi32>
        %parallel_loop3A_1423 = arith.cmpi sge, %parallel_loop3A_1421, %parallel_loop3A_1422 : vector<16xi32>
        %parallel_loop3A_1424 = arith.constant 0 : i32
        %parallel_loop3A_1425 = vector.broadcast %parallel_loop3A_1424 : i32 to vector<16xi32>
        %parallel_loop3A_1426 = arith.select %parallel_loop3A_1423, %parallel_loop3A_1421, %parallel_loop3A_1425 : vector<16xi1>, vector<16xi32>
        %parallel_loop3A_1427 = arith.constant 16 : i32
        %parallel_loop3A_1428 = arith.muli %parallel_loop3A_1416, %parallel_loop3A_1427 : i32
        %parallel_loop3A_1429 = arith.addi %mul3A_1394, %parallel_loop3A_1428 : i32
        %parallel_loop3A_1430 = arith.index_cast %parallel_loop3A_1429 : i32 to index
        %parallel_loop3A_1431 = tpu.vector_load %arg4[%parallel_loop3A_1430] {strides = array<i32>} : memref<32768xi32, #tpu.memory_space<vmem>>, vector<16xi32>,
        tpu.vector_store %arg4[%parallel_loop3A_1430], %parallel_loop3A_1426 {strides = array<i32>} : memref<32768xi32, #tpu.memory_space<vmem>>, vector<16xi32>,
      } {sc.loop_unroll_factor = 8 : i64, sc.parallel_access}
    } else {
    }
    %eq3A_1397 = arith.constant 0 : i32
    %eq3A_1398 = arith.cmpi eq, %min3A, %eq3A_1397 : i32
    %gt3A_1399 = arith.constant 0 : i32
    %gt3A_1400 = arith.cmpi sgt, %select_n3A_1390, %gt3A_1399 : i32
    %and3A_1401 = arith.andi %eq3A_1398, %gt3A_1400 : i1
    %convert_element_type3A_1402 = arith.extui %and3A_1401 : i1 to i32
    %cond3A_1403 = arith.constant 0 : i32
    %cond3A_1404 = arith.cmpi ne, %convert_element_type3A_1402, %cond3A_1403 : i32
    scf.if %cond3A_1404 {
      %parallel_loop3A_1413 = arith.constant 0 : i32
      %parallel_loop3A_1414 = arith.constant 1024 : i32
      %parallel_loop3A_1415 = arith.constant 1 : i32
      scf.for %parallel_loop3A_1416 = %parallel_loop3A_1413 to %parallel_loop3A_1414 step %parallel_loop3A_1415  : i32 {
        %parallel_loop3A_1417 = arith.constant 16 : i32
        %parallel_loop3A_1418 = arith.muli %parallel_loop3A_1416, %parallel_loop3A_1417 : i32
        %parallel_loop3A_1419 = arith.addi %mul3A_1394, %parallel_loop3A_1418 : i32
        %parallel_loop3A_1420 = arith.index_cast %parallel_loop3A_1419 : i32 to index
        %parallel_loop3A_1421 = tpu.vector_load %arg4[%parallel_loop3A_1420] {strides = array<i32>} : memref<32768xi32, #tpu.memory_space<vmem>>, vector<16xi32>,
        %parallel_loop3A_1422 = vector.broadcast %select_n3A_1028 : i32 to vector<16xi32>
        %parallel_loop3A_1423 = arith.cmpi sgt, %parallel_loop3A_1421, %parallel_loop3A_1422 : vector<16xi32>
        %parallel_loop3A_1424 = arith.constant 0 : i32
        %parallel_loop3A_1425 = vector.broadcast %parallel_loop3A_1424 : i32 to vector<16xi32>
        %parallel_loop3A_1426 = arith.select %parallel_loop3A_1423, %parallel_loop3A_1421, %parallel_loop3A_1425 : vector<16xi1>, vector<16xi32>
        %parallel_loop3A_1427 = arith.constant 16 : i32
        %parallel_loop3A_1428 = arith.muli %parallel_loop3A_1416, %parallel_loop3A_1427 : i32
        %parallel_loop3A_1429 = arith.addi %mul3A_1394, %parallel_loop3A_1428 : i32
        %parallel_loop3A_1430 = arith.index_cast %parallel_loop3A_1429 : i32 to index
        %parallel_loop3A_1431 = tpu.vector_load %arg4[%parallel_loop3A_1430] {strides = array<i32>} : memref<32768xi32, #tpu.memory_space<vmem>>, vector<16xi32>,
        tpu.vector_store %arg4[%parallel_loop3A_1430], %parallel_loop3A_1426 {strides = array<i32>} : memref<32768xi32, #tpu.memory_space<vmem>>, vector<16xi32>,
      } {sc.loop_unroll_factor = 8 : i64, sc.parallel_access}
    } else {
    }
    %gt3A_1405 = arith.constant 0 : i32
    %gt3A_1406 = arith.cmpi sgt, %min3A, %gt3A_1405 : i32
    %lt3A_1407 = arith.cmpi slt, %min3A, %select_n3A_1390 : i32
    %and3A_1408 = arith.andi %gt3A_1406, %lt3A_1407 : i1
    %convert_element_type3A_1409 = arith.extui %and3A_1408 : i1 to i32
    %cond3A_1410 = arith.constant 0 : i32
    %cond3A_1411 = arith.cmpi ne, %convert_element_type3A_1409, %cond3A_1410 : i32
    scf.if %cond3A_1411 {
      %scan3A_1413 = arith.constant 0 : i32
      %scan3A_1414 = arith.constant 0 : i32
      %scan3A_1415 = arith.constant 1024 : i32
      %scan3A_1416 = arith.addi %scan3A_1414, %scan3A_1415 : i32
      %scan3A_1417 = arith.constant 1 : i32
      %scan3A_1418 = scf.for %scan3A_1420 = %scan3A_1414 to %scan3A_1416 step %scan3A_1417 iter_args(%scan3A_1421 = %scan3A_1413) -> (i32)  : i32 {
        %mul3A_1422 = arith.constant 16 : i32
        %mul3A_1423 = arith.muli %scan3A_1420, %mul3A_1422 : i32
        %add3A_1424 = arith.addi %mul3A_1394, %mul3A_1423 : i32
        %get3A_1425 = arith.index_cast %add3A_1424 : i32 to index
        %get3A_1426 = tpu.vector_load %arg4[%get3A_1425] {strides = array<i32>} : memref<32768xi32, #tpu.memory_space<vmem>>, vector<16xi32>,
        %eq3A_1427 = vector.broadcast %select_n3A_1028 : i32 to vector<16xi32>
        %eq3A_1428 = arith.cmpi eq, %get3A_1426, %eq3A_1427 : vector<16xi32>
        %convert_element_type3A_1429 = arith.extui %eq3A_1428 : vector<16xi1> to vector<16xi32>
        %broadcast_in_dim3A_1430 = arith.constant true
        %broadcast_in_dim3A_1431 = vector.broadcast %broadcast_in_dim3A_1430 : i1 to vector<16xi1>
        %masked_cumsum3A = tpu.scan <sum>, %convert_element_type3A_1429 masked %broadcast_in_dim3A_1431 : vector<16xi32>, vector<16xi1> -> vector<16xi32>
        %add3A_1432 = vector.broadcast %scan3A_1421 : i32 to vector<16xi32>
        %add3A_1433 = arith.addi %add3A_1432, %masked_cumsum3A : vector<16xi32>
        %sub3A_1434 = arith.subi %add3A_1433, %convert_element_type3A_1429 : vector<16xi32>
        %gt3A_1435 = vector.broadcast %select_n3A_1028 : i32 to vector<16xi32>
        %gt3A_1436 = arith.cmpi sgt, %get3A_1426, %gt3A_1435 : vector<16xi32>
        %eq3A_1437 = arith.constant 1 : i32
        %eq3A_1438 = vector.broadcast %eq3A_1437 : i32 to vector<16xi32>
        %eq3A_1439 = arith.cmpi eq, %convert_element_type3A_1429, %eq3A_1438 : vector<16xi32>
        %lt3A_1440 = vector.broadcast %min3A : i32 to vector<16xi32>
        %lt3A_1441 = arith.cmpi slt, %sub3A_1434, %lt3A_1440 : vector<16xi32>
        %and3A_1442 = arith.andi %eq3A_1439, %lt3A_1441 : vector<16xi1>
        %or3A_1443 = arith.ori %gt3A_1436, %and3A_1442 : vector<16xi1>
        %jit3A_1444 = arith.constant 0 : i32
        %broadcast_in_dim3A_1445 = vector.broadcast %jit3A_1444 : i32 to vector<16xi32>
        %select_n3A_1446 = arith.select %or3A_1443, %get3A_1426, %broadcast_in_dim3A_1445 : vector<16xi1>, vector<16xi32>
        %mul3A_1447 = arith.constant 16 : i32
        %mul3A_1448 = arith.muli %scan3A_1420, %mul3A_1447 : i32
        %add3A_1449 = arith.addi %mul3A_1394, %mul3A_1448 : i32
        %swap3A_1450 = arith.index_cast %add3A_1449 : i32 to index
        %swap3A_1451 = tpu.vector_load %arg4[%swap3A_1450] {strides = array<i32>} : memref<32768xi32, #tpu.memory_space<vmem>>, vector<16xi32>,
        tpu.vector_store %arg4[%swap3A_1450], %select_n3A_1446 {strides = array<i32>} : memref<32768xi32, #tpu.memory_space<vmem>>, vector<16xi32>,
        %slice3A_1452 = vector.extract_strided_slice %masked_cumsum3A {offsets = [15], sizes = [1], strides = [1]} : vector<16xi32> to vector<1xi32>
        %squeeze3A_1453 = vector.extract %slice3A_1452[0] : i32 from vector<1xi32>
        %add3A_1454 = arith.addi %scan3A_1421, %squeeze3A_1453 : i32
        scf.yield %add3A_1454 : i32
      }
      %scan3A_1419 = arith.constant 1024 : i32
    } else {
    }
    %add3A_1412 = arith.addi %mul3A_0, %mul3A_1394 : i32
    "tpu.region"() ({
      %run_scoped3A = tpu.sem_alloc : memref<!tpu.dma_semaphore, #tpu.memory_space<semaphore_mem>>
      %dma_start3A_1413 = tpu.memref_slice %arg4[%mul3A_1394] : memref<32768xi32, #tpu.memory_space<vmem>> -> memref<16384xi32, #tpu.memory_space<vmem>>
      %dma_start3A_1414 = tpu.memref_slice %arg3[%add3A_1412] : memref<524288xi32, #tpu.memory_space<hbm>> -> memref<16384xi32, #tpu.memory_space<hbm>>
      %dma_start3A_1415 = tpu.memref_slice %arg3[%add3A_1412] : memref<524288xi32, #tpu.memory_space<hbm>> -> memref<16384xi32, #tpu.memory_space<hbm>>
      %dma_start3A_1416 = tpu.memref_slice %arg4[%mul3A_1394] : memref<32768xi32, #tpu.memory_space<vmem>> -> memref<16384xi32, #tpu.memory_space<vmem>>
      tpu.enqueue_dma source(%dma_start3A_1416 : memref<16384xi32, #tpu.memory_space<vmem>>) target(%dma_start3A_1415 : memref<16384xi32, #tpu.memory_space<hbm>>) target_semaphore(%run_scoped3A : memref<!tpu.dma_semaphore, #tpu.memory_space<semaphore_mem>>)
      %dma_wait3A_1417 = tpu.memref_slice %arg4[%mul3A_1394] : memref<32768xi32, #tpu.memory_space<vmem>> -> memref<16384xi32, #tpu.memory_space<vmem>>
      %dma_wait3A_1418 = tpu.memref_slice %arg3[%add3A_1412] : memref<524288xi32, #tpu.memory_space<hbm>> -> memref<16384xi32, #tpu.memory_space<hbm>>
      %dma_wait3A_1419 = tpu.memref_slice %arg3[%add3A_1412] : memref<524288xi32, #tpu.memory_space<hbm>> -> memref<16384xi32, #tpu.memory_space<hbm>>
      %dma_wait3A_1420 = tpu.memref_slice %arg4[%mul3A_1394] : memref<32768xi32, #tpu.memory_space<vmem>> -> memref<16384xi32, #tpu.memory_space<vmem>>
      tpu.wait_dma2 semaphore(%run_scoped3A : memref<!tpu.dma_semaphore, #tpu.memory_space<semaphore_mem>>) src(%dma_wait3A_1420 : memref<16384xi32, #tpu.memory_space<vmem>>) dst(%dma_wait3A_1419 : memref<16384xi32, #tpu.memory_space<hbm>>)
      tpu.yield
    }) : () -> ()
    return
  }
}

</mosaic_0001>

<sc_bundles>
// kernel: kernel.3.cloned.1.call-start
scs
__scs_entry_jumppad:
0x0: {  	(pc) =	sbr.rel $0x88, $3  }
0x1: {  	(tag) =	ssettag $0x0;
	lr =	simm.s32 $0x1  }
0x2: {  	[smem:$0x3FA0] =	sst lr;
	_ =	strace $0xD0000000  }
0x3: {  	_ = 	snop  }
0x4: {  	_ = 	snop  }
0x5: {  	_ = 	snop  }
0x6: {  	_ = 	snop  }
0x7: {  	_ = 	snop  }
__scs_overlays_trampoline_lowered:
0x8: {  	[smem:$0x3FAF] =	sst s0  }
0x9: {  	[smem:$0x3FB0] =	sst s1  }
0xa: {  	[smem:$0x3FB1] =	sst s2  }
0xb: {  	[smem:$0x3FB2] =	sst s3  }
0xc: {  	[smem:$0x3FB3] =	sst s4  }
0xd: {  	[smem:$0x3FB4] =	sst s5  }
0xe: {  	[smem:$0x3FB5] =	sst s6  }
0xf: {  	[smem:$0x3FB6] =	sst s7  }
0x10: {  	[smem:$0x3FB7] =	sst s8  }
0x11: {  	[smem:$0x3FB8] =	sst s9;
	s0 =	simm.s32 @!p0 $0x0  }
0x12: {  	s1 =	sld [smem:$0x3F9E];
	s0 =	simm.s32 @p0 $0x1  }
0x13: {  	[smem:$0x3FB9] =	sst s0;
	s0 =	simm.s32 @!p1 $0x0  }
0x14: {  	s2 =	sld [smem:$0x3F9D];
	s0 =	simm.s32 @p1 $0x1  }
0x15: {  	[smem:$0x3FBA] =	sst s0;
	s0 =	simm.s32 @!p2 $0x0  }
0x16: {  	s3 =	sld [smem:$0x3FDB];
	s0 =	simm.s32 @p2 $0x1  }
0x17: {  	s4 =	simm.s32 $0x1BF5;
	[smem:$0x3FBC] =	sst s0  }
0x18: {  	s0 =	sld [smem:$0x3F9F];
	_ =	swait.ge [sflag:s4], $0x0  }
0x19: {  	s7 =	sld [smem:$0x3FA0]  }
0x1a: {  	s8 =	sadd.s32 $0xFFFFE003, lr  }
0x1b: {  	s9 =	sadd.s32 $0xFFFFFEF7, lr;
	s5 =	simm.s32 $0xFFFFFFFF;
	p2 =	slt.u32 s8, $0xFFFFF086  }
0x1c: {  	p1 =	slt.u32 s9, $0xF7A;
	s5 =	simm.s32 @!p2 $0x0  }
0x1d: {  	s5 =	simm.s32 @p1 $0x1;
	p0 =	seq.s32 s7, s2  }
0x1e: {  	s7 =	smul.u32 @!p0 $0xF7A, s2;
	p2 =	seq.s32 @!p0 s5, $0x0  }
0x1f: {  	s9 =	smul.u32 $0xF7A, s1;
	s8 =	simm.s32 @!p0 $0x1BF5;
	p2 =	por !p2, p0  }
0x20: {  	[sflag:s8] =	ssyncset.s32 @!p0 $0xFFFFF086;
	s6 =	sadd.s32 @!p0 s3, s7;
	s7 =	simm.s32 @!p0 $0x108  }
0x21: {  	s3 =	sadd.s32 s3, s9;
	s6 =	sadd.s32 @!p0 $0x88, s6;
	s7 =	simm.s32 @p2 $0x1082  }
0x22: {  	[simem:s7], [sflag:s8] =	dma.local @!p0 [hbm:s6], $0xF7A  }
0x23: {  	s9 =	sor.u32 $0xD0000000, s2;
	s6 =	simm.s32 $0x108;
	_ =	swait.ge @!p0 [sflag:s8], $0x0  }
0x24: {  	s3 =	sadd.s32 $0x88, s3;
	s6 =	simm.s32 @!p1 $0x1082;
	[sflag:s4] =	ssyncset.s32 $0xFFFFF086  }
0x25: {  	[simem:s6], [sflag:s4] =	dma.local [hbm:s3], $0xF7A  }
0x26: {  	[smem:$0x3FA0] =	sst s1;
	(tag) =	ssettag s2;
	_ =	strace s9  }
0x27: {  	s1 =	sld [smem:$0x3FB0]  }
0x28: {  	s2 =	sld [smem:$0x3FB1]  }
0x29: {  	s4 =	sld [smem:$0x3FB3]  }
0x2a: {  	p0 =	seq.s32 s5, $0x0;
	s5 =	sld [smem:$0x3FB4]  }
0x2b: {  	s6 =	sld [smem:$0x3FB5]  }
0x2c: {  	s7 =	sld [smem:$0x3FB6]  }
0x2d: {  	s3 =	simm.s32 $0x108;
	s8 =	sld [smem:$0x3FB7]  }
0x2e: {  	s3 =	simm.s32 @!p0 $0x1082;
	s9 =	sld [smem:$0x3FB8]  }
0x2f: {  	lr =	sadd.s32 s0, s3;
	s0 =	sld [smem:$0x3FAF]  }
0x30: {  	s3 =	sld [smem:$0x3FB2]  }
0x31: {  	[smem:$0x3FBB] =	sst s10  }
0x32: {  	s10 =	sld [smem:$0x3FB9];
	_ =	sdelay $0x3  }
0x33: {  	p0 =	seq.s32 s10, $0x1;
	s10 =	sld [smem:$0x3FBB];
	_ =	sdelay $0x3  }
0x34: {  	[smem:$0x3FBB] =	sst s10  }
0x35: {  	s10 =	sld [smem:$0x3FBA];
	_ =	sdelay $0x3  }
0x36: {  	p1 =	seq.s32 s10, $0x1;
	s10 =	sld [smem:$0x3FBB];
	_ =	sdelay $0x3  }
0x37: {  	[smem:$0x3FBB] =	sst s10  }
0x38: {  	s10 =	sld [smem:$0x3FBC]  }
0x39: {  	_ = 	snop;
	(pc) =	sbr.ind lr, $3  }
0x3a: {  	_ = 	snop  }
0x3b: {  	_ = 	snop  }
0x3c: {  	p2 =	seq.s32 s10, $0x1;
	s10 =	sld [smem:$0x3FBB]  }
0x3d: {  	_ =	shalt  }
0x3e: {  	_ =	shalt  }
0x3f: {  	_ =	shalt  }
0x40: {  	_ =	shalt  }
0x41: {  	_ =	shalt  }
0x42: {  	_ =	shalt  }
0x43: {  	_ =	shalt  }
0x44: {  	_ =	shalt  }
0x45: {  	_ =	shalt  }
0x46: {  	_ =	shalt  }
0x47: {  	_ =	shalt  }
0x48: {  	_ =	shalt  }
0x49: {  	_ =	shalt  }
0x4a: {  	_ =	shalt  }
0x4b: {  	_ =	shalt  }
0x4c: {  	_ =	shalt  }
0x4d: {  	_ =	shalt  }
0x4e: {  	_ =	shalt  }
0x4f: {  	_ =	shalt  }
0x50: {  	_ =	shalt  }
0x51: {  	_ =	shalt  }
0x52: {  	_ =	shalt  }
0x53: {  	_ =	shalt  }
0x54: {  	_ =	shalt  }
0x55: {  	_ =	shalt  }
0x56: {  	_ =	shalt  }
0x57: {  	_ =	shalt  }
0x58: {  	_ =	shalt  }
0x59: {  	_ =	shalt  }
0x5a: {  	_ =	shalt  }
0x5b: {  	_ =	shalt  }
0x5c: {  	_ =	shalt  }
0x5d: {  	_ =	shalt  }
0x5e: {  	_ =	shalt  }
0x5f: {  	_ =	shalt  }
0x60: {  	_ =	shalt  }
0x61: {  	_ =	shalt  }
0x62: {  	_ =	shalt  }
0x63: {  	_ =	shalt  }
0x64: {  	_ =	shalt  }
0x65: {  	_ =	shalt  }
0x66: {  	_ =	shalt  }
0x67: {  	_ =	shalt  }
0x68: {  	_ =	shalt  }
0x69: {  	_ =	shalt  }
0x6a: {  	_ =	shalt  }
0x6b: {  	_ =	shalt  }
0x6c: {  	_ =	shalt  }
0x6d: {  	_ =	shalt  }
0x6e: {  	_ =	shalt  }
0x6f: {  	_ =	shalt  }
0x70: {  	_ =	shalt  }
0x71: {  	_ =	shalt  }
0x72: {  	_ =	shalt  }
0x73: {  	_ =	shalt  }
0x74: {  	_ =	shalt  }
0x75: {  	_ =	shalt  }
0x76: {  	_ =	shalt  }
0x77: {  	_ =	shalt  }
0x78: {  	_ =	shalt  }
0x79: {  	_ =	shalt  }
0x7a: {  	_ =	shalt  }
0x7b: {  	_ =	shalt  }
0x7c: {  	_ =	shalt  }
0x7d: {  	_ =	shalt  }
0x7e: {  	_ =	shalt  }
0x7f: {  	_ =	shalt  }
0x80: {  	_ =	shalt  }
0x81: {  	_ =	shalt  }
0x82: {  	_ =	shalt  }
0x83: {  	_ =	shalt  }
0x84: {  	_ =	shalt  }
0x85: {  	_ =	shalt  }
0x86: {  	_ =	shalt  }
0x87: {  	_ =	shalt  }
.Lfunc_end0:
.L_simem_size_0:
called_computation_lowered:
.L_overlay_start_0:
0x88: {  	s2 =	sld [smem:$0x3FD9]  }
0x89: {  	s3 =	sld [smem:$0x3FFE];
	_ =	sdelay $0x1  }
0x8a: {  	s1 =	srdreg.scid  }
0x8b: {  	s0 =	sand.u32 $0x1, s1  }
0x8c: {  	s17 =	sshll.u32 s0, $0xA;
	s2 =	sadd.s32 s3, s2  }
0x8d: {  	s2 =	sadd.s32 s2, s17  }
0x8e: {  	[smem:$0x3FC7] =	sst s2  }
0x8f: {  	_ = 	snop  }
0x90: {  	s2 =	sld [smem:$0x3FD0];
	(tm) =	ssettm $0x1  }
0x91: {  	s18 =	sld [smem:$0x3FFB];
	_ =	sdelay $0x3  }
0x92: {  	_ =	strace s18  }
0x93: {  	s3 =	sld [smem:$0x3FFC];
	_ =	sdelay $0x3  }
0x94: {  	_ =	strace s3  }
0x95: {  	s3 =	sld [smem:$0x3FFD];
	_ =	sdelay $0x3  }
0x96: {  	_ =	strace s3  }
0x97: {  	_ =	strace $0x8FFFFFFF  }
0x98: {  	s19 =	sld [smem:$0x3FDB];
	_ =	sdelay $0x1  }
0x99: {  	s4 =	simm.s32 $_scs_section_size  }
0x9a: {  	s5 =	simm.s32 $_size__tile_overlayer_lowered;
	s6 =	simm.s32 $_tile_overlayer_lowered  }
0x9b: {  	s22 =	simm.s32 $0x1BFF;
	s21 =	sshll.u32 s6, $0x1;
	s3 =	sadd.s32 s4, s19  }
0x9c: {  	s7 =	simm.s32 $0x0;
	s20 =	sshll.u32 s5, $0x1;
	s5 =	sadd.s32 s21, s3  }
0x9d: {  	[timem:s7], [sflag:s22] =	dma.local [hbm:s5], s20  }
0x9e: {  	_ =	swait.ge [sflag:s22], s20  }
0x9f: {  	s4 =	ssub.s32 $0x0, s20;
	[sflag:s22] =	ssyncset.done $0x0  }
0xa0: {  	[sflag:s22] =	ssyncadd.s32 s4;
	_ =	sdelay $0x1  }
0xa1: {  	s23 =	simm.s32 $0x1B8B  }
0xa2: {  	_ =	swait.ge [sflag:s23], $0x1  }
0xa3: {  	[sflag:s23] =	ssyncset.done $0x0  }
0xa4: {  	s25 =	simm.s32 $0x1B8E;
	s24 =	sld [smem:$0x3FFE];
	[sflag:s23] =	ssyncadd.s32 $0xFFFFFFFF  }
0xa5: {  	s26 =	simm.s32 $execute0_lowered;
	[smem:$0x3FD2] =	sst s25  }
0xa6: {  	s5 =	sshll.u32 s26, $0x1;
	_ =	strace $0x80000046;
	[dreg:$0x1] =	wrdreg $0xFFFFFFFF  }
0xa7: {  	s28 =	simm.s32 $_size_execute0_lowered;
	s3 =	sadd.s32 s3, s5;
	[dreg:$0x0] =	wrdreg $0x0  }
0xa8: {  	s5 =	sshll.u32 s28, $0x1;
	[dreg:$0x2] =	wrdreg s3  }
0xa9: {  	[dreg:$0x3] =	wrdreg s5  }
0xaa: {  	[dreg:$0x4] =	wrdreg $0xC0  }
0xab: {  	_ =	task [dreg:s7], $0x5FFFF  }
0xac: {  	[dreg:$0x1] =	wrdreg $0xFFFFFFFF  }
0xad: {  	[dreg:$0x0] =	wrdreg $0x60  }
0xae: {  	[dreg:$0x2] =	wrdreg s2  }
0xaf: {  	[dreg:$0x3] =	wrdreg s24  }
0xb0: {  	[dreg:$0x4] =	wrdreg $0x1C4800  }
0xb1: {  	[dreg:$0x5] =	wrdreg $0x1C8800  }
0xb2: {  	[dreg:$0x6] =	wrdreg $0x1CC800  }
0xb3: {  	[dreg:$0x7] =	wrdreg $0x1D0800  }
0xb4: {  	[dreg:$0x8] =	wrdreg $0x9  }
0xb5: {  	_ =	task.clear_ibuf [dreg:s7], $0x9FFFF;
	_ =	strace $0x90000046  }
0xb6: {  	s29 =	simm.s32 $0x9;
	_ =	strace $0x80000048  }
0xb7: {  	_ =	swait.ge [sflag:s29], $0x1  }
0xb8: {  	[sflag:s29] =	ssyncadd.s32 $0xFFFFFFFF  }
0xb9: {  	_ =	strace $0x90000048  }
0xba: {  	_ =	sfence  }
0xbb: {  	s30 =	sld [smem:$0x0];
	_ =	sdelay $0x2  }
0xbc: {  	s31 =	sshll.u32 s1, $0xD;
	s1 =	sshrl.u32 s1, $0x2  }
0xbd: {  	s3 =	sand.u32 $0x4000, s31;
	s1 =	sadd.s32 s1, s30  }
0xbe: {  	s0 =	sor.u32 s3, s0;
	s1 =	sshll.u32 s1, $0x11  }
0xbf: {  	s0 =	sor.u32 s1, s0  }
0xc0: {  	s0 =	sadd.s32 $0x8F2B, s0  }
0xc1: {  	[sflag:s0] =	ssyncadd.remote.s32 $0x1  }
0xc2: {  	_ =	sfence.sel $0xFFFF  }
0xc3: {  	[dreg:$0x0] =	wrdreg $0xFFFFFFFF;
	(pc) =	sbr.abs _section_cstart, $3  }
0xc4: {  	[dreg:$0x1] =	wrdreg $0xFFFFFFFF  }
0xc5: {  	_ =	task.clear_ibuf [dreg:s7], $0x2FFFF;
	_ =	strace $0x9FFFFFFF  }
0xc6: {  	(tm) =	ssettm $0x7FFFFFFF  }
0xc7: {  	_ =	shalt  }
tec
execute0_lowered:
.L_overlay_start_1:
0x0: {  	(tag) =	ssettag $0x1  }
0x1: {  	s0 =	rddreg [dreg:$0x0]  }
0x2: {  	s1 =	rddreg [dreg:$0x1]  }
0x3: {  	s5 =	rddreg [dreg:$0x2]  }
0x4: {  	s7 =	rddreg [dreg:$0x3]  }
0x5: {  	s2 =	srdreg.scid;
	s8 =	rddreg [dreg:$0x4]  }
0x6: {  	s6 =	stileid.u32;
	s10 =	rddreg [dreg:$0x5];
	s11 =	simm.s32 $0x0  }
0x7: {  	s9 =	sand.u32 $0x1, s2;
	s18 =	sshll.u32 s6, $0xF;
	[smem:$0x7FF] =	sst s11  }
0x8: {  	s20 =	sshll.u32 s6, $0xC;
	s4 =	sshll.u32 s6, $0xA;
	s24 =	sshll.u32 s6, $0x4  }
0x9: {  	s25 =	sshll.u32 s6, $0x1;
	s28 =	sshll.u32 s9, $0xE;
	s3 =	ssub.s32 $0x2, s9  }
0xa: {  	_ =	strace $0x80000047;
	s0 =	sadd.s32 s0, s20;
	[dreg:$0x7] =	wrdreg s9  }
0xb: {  	s21 =	sadd.s32 s4, s5;
	s22 =	sadd.s32 s4, s7;
	[dreg:$0x8] =	wrdreg s0  }
0xc: {  	s23 =	sadd.s32 s4, s8;
	s26 =	sor.u32 s9, s25;
	[dreg:$0x9] =	wrdreg s21  }
0xd: {  	s7 =	simm.s32 $0x0;
	s2 =	sor.u32 s28, s18;
	[dreg:$0xa] =	wrdreg s22  }
0xe: {  	s19 =	sshrl.u32 s3, $0x1;
	[dreg:$0xb] =	wrdreg s23;
	s0 =	sadd.s32 s24, s10  }
.Ltmp0:
0xf: {  	[dreg:$0xd] =	wrdreg s26;
	s2 =	sshrl.u32 s2, $0x3;
	(pc) =	sbr.rel .LBB2_1-.Ltmp0, $4  }
0x10: {  	v0 =	vlaneseq.u32;
	s31 =	sor.u32 $0x40, s28;
	[dreg:$0xc] =	wrdreg s0;
	s1 =	sadd.s32 s2, s1  }
0x11: {  	v0 =	vmul.u32 $0x400, v0;
	[dreg:$0x10] =	wrdreg s31;
	s2 =	ssub.s32 s3, s19;
	s29 =	sadd.s32 $0x400, s1  }
0x12: {  	v1 =	vimm.s32 $0x0;
	s23 =	simm.s32 $0x14000;
	s30 =	smax.u32 s2, $0x1;
	[dreg:$0xe] =	wrdreg s29  }
0x13: {  	v2 =	vimm.s32 $0x1;
	v3 =	vimm.s32 $0xFFFFFFFF;
	v4 =	vor.u32 $0x4000, v0;
	s24 =	simm.s32 $0x2;
	s19 =	simm.s32 $0x8000;
	[dreg:$0xf] =	wrdreg s30  }
.LBB2_93:
0x14: {  	s0 =	rddreg [dreg:$0xe]  }
0x15: {  	[hbm4b:s0+s11] =	stream.linear.scatter [tilespmem:s28], [sflag:$0x2], $0x4000, $0x38;
	[tilespmem:$0x1D090] =	vst v63  }
0x16: {  	_ =	swait.ge [sflag:s24], $0x4000  }
0x17: {  	s7 =	sadd.s32 $0x1, s7;
	s31 =	rddreg [dreg:$0xf]  }
0x18: {  	p0 =	sne.s32 s7, s31  }
.Ltmp1:
0x19: {  	_ = 	snop;
	(pc) =	sbr.rel @!p0 .LBB2_94-.Ltmp1, $3  }
0x1a: {  	_ =	sdelay $0x1  }
0x1b: {  	[sflag:s24] =	ssyncset.done $0x0  }
0x1c: {  	[sflag:s24] =	ssyncadd.s32 $0xFFFFC000  }
.LBB2_1:
0x1d: {  	s0 =	rddreg [dreg:$0x8]  }
0x1e: {  	[tilespmem:s11], [sflag:$0x1] =	stream.linear.gather [hbm4b:s0+s11], $0x8000, $0x38;
	[tilespmem:$0x1D090] =	vst v63  }
0x1f: {  	s0 =	simm.s32 $0x8040  }
0x20: {  	[tilespmem:s0+$0xFFFFFFC0] =	vst v1  }
0x21: {  	[tilespmem:s0+$0x30] =	vst v1  }
0x22: {  	[tilespmem:s0+$0x20] =	vst v1  }
0x23: {  	[tilespmem:s0+$0x10] =	vst v1  }
0x24: {  	[tilespmem:s0+$0x0] =	vst v1  }
0x25: {  	[tilespmem:s0+$0xFFFFFFF0] =	vst v1  }
0x26: {  	s1 =	simm.s32 $0x0;
	[tilespmem:s0+$0xFFFFFFE0] =	vst v1  }
.LBB2_2:
0x27: {  	s1 =	sadd.s32 $0x8, s1;
	[tilespmem:s0+$0xFFFFFFD0] =	vst v1;
	s0 =	sadd.s32 $0x80, s0  }
0x28: {  	[tilespmem:s0+$0xFFFFFFC0] =	vst v1;
	p0 =	slt.u32 s1, $0xBF8  }
0x29: {  	[tilespmem:s0+$0x30] =	vst v1  }
.Ltmp2:
0x2a: {  	[tilespmem:s0+$0x20] =	vst v1;
	(pc) =	sbr.rel @p0 .LBB2_2-.Ltmp2, $4  }
0x2b: {  	[tilespmem:s0+$0x10] =	vst v1  }
0x2c: {  	[tilespmem:s0+$0x0] =	vst v1  }
0x2d: {  	[tilespmem:s0+$0xFFFFFFF0] =	vst v1  }
0x2e: {  	[tilespmem:s0+$0xFFFFFFE0] =	vst v1  }
0x2f: {  	[tilespmem:s0+$0xFFFFFFD0] =	vst v1;
	s31 =	simm.s32 $0x1  }
0x30: {  	_ =	swait.ge [sflag:s31], $0x8000  }
0x31: {  	[sflag:s31] =	ssyncset.done $0x0  }
0x32: {  	s3 =	simm.s32 $0x40;
	[sflag:s31] =	ssyncadd.s32 $0xFFFF8000  }
0x33: {  	v5 =	vld [tilespmem:s3+$0x30]  }
0x34: {  	v6 =	vld [tilespmem:s3+$0xFFFFFFD0]  }
0x35: {  	v7 =	vld [tilespmem:s3+$0xFFFFFFE0]  }
0x36: {  	v8 =	vld [tilespmem:s3+$0xFFFFFFF0]  }
0x37: {  	v9 =	vld [tilespmem:s3+$0x0]  }
0x38: {  	v10 =	vld [tilespmem:s3+$0x10]  }
0x39: {  	v11 =	vld [tilespmem:s3+$0x20]  }
0x3a: {  	v13 =	vld [tilespmem:s3+$0xFFFFFFC0];
	_ =	sdelay $0x2  }
0x3b: {  	vm0 =	vgt.s32 v5, $0x0;
	vm1 =	vgt.s32 v6, $0x0;
	vm10 =	vgt.s32 v7, $0x0  }
0x3c: {  	vm11 =	vgt.s32 v8, $0x0;
	vm12 =	vgt.s32 v9, $0x0;
	vm13 =	vgt.s32 v10, $0x0  }
0x3d: {  	vm14 =	vgt.s32 v11, $0x0;
	vm15 =	vgt.s32 v13, $0x0;
	v17 =	vnsel vm0, $0x0, v5  }
0x3e: {  	v19 =	vnsel vm1, $0x0, v6;
	v7 =	vnsel vm10, $0x0, v7;
	v8 =	vnsel vm11, $0x0, v8  }
0x3f: {  	v9 =	vnsel vm12, $0x0, v9;
	v21 =	vnsel vm15, $0x0, v13;
	v5 =	vshrl.u32 v17, $0x15  }
0x40: {  	v12 =	vshrl.u32 v19, $0x15;
	v15 =	vshrl.u32 v7, $0x15;
	v6 =	vand.u32 $0x780, v5  }
0x41: {  	v16 =	vshrl.u32 v21, $0x15;
	v5 =	vand.u32 $0x7F, v5;
	v6 =	vor.u32 v0, v6  }
0x42: {  	v14 =	vshrl.u32 v9, $0x15;
	[tilespmem:s3+$0x30] =	vst v17;
	v17 =	vand.u32 $0x780, v16;
	v18 =	vor.u32 v5, v6  }
0x43: {  	[tilespmem:s3+$0xFFFFFFC0] =	vst v21;
	v24 =	vand.u32 $0x780, v12;
	v25 =	vand.u32 $0x780, v15;
	v20 =	vand.u32 $0x780, v14  }
0x44: {  	[tilespmem:s3+$0xFFFFFFD0] =	vst v19;
	v21 =	vor.u32 v0, v24;
	v19 =	vor.u32 v0, v25;
	v6 =	vnsel vm13, $0x0, v10  }
0x45: {  	v5 =	vnsel vm14, $0x0, v11;
	v10 =	vshrl.u32 v8, $0x15;
	v13 =	vshrl.u32 v6, $0x15  }
0x46: {  	s1 =	simm.s32 $0x0;
	v11 =	vshrl.u32 v5, $0x15;
	v26 =	vand.u32 $0x780, v10;
	v23 =	vand.u32 $0x780, v13  }
0x47: {  	s0 =	simm.s32 $0x14020;
	s2 =	simm.s32 $0xA010;
	s4 =	simm.s32 $0xC0;
	v22 =	vand.u32 $0x780, v11;
	[tilespmem:v18+s19+$0x0] =	vst.idx.add.s32.msk $0xffff, v2;
	v18 =	vor.u32 v0, v17;
	v17 =	vor.u32 v0, v26  }
.LBB2_4:
0x48: {  	v24 =	vld [tilespmem:s4+$0x30];
	s1 =	sadd.s32 $0x8, s1;
	[tilespmem:s3+$0xFFFFFFE0] =	vst v7;
	v7 =	vor.u32 v0, v20;
	v20 =	vor.u32 v0, v23;
	v22 =	vor.u32 v0, v22  }
0x49: {  	v16 =	vand.u32 $0x7F, v16;
	v12 =	vand.u32 $0x7F, v12;
	v15 =	vand.u32 $0x7F, v15;
	v23 =	vld [tilespmem:s4+$0xFFFFFFD0];
	p0 =	slt.u32 s1, $0x7F8;
	[tilespmem:s3+$0xFFFFFFF0] =	vst v8  }
0x4a: {  	v10 =	vand.u32 $0x7F, v10;
	v13 =	vand.u32 $0x7F, v13;
	v8 =	vld [tilespmem:s4+$0xFFFFFFE0];
	[tilespmem:s3+$0x0] =	vst v9;
	v9 =	vand.u32 $0x7F, v14  }
0x4b: {  	v16 =	vor.u32 v16, v18;
	v12 =	vor.u32 v12, v21;
	v14 =	vld [tilespmem:s4+$0xFFFFFFF0];
	[tilespmem:s3+$0x10] =	vst v6;
	v6 =	vand.u32 $0x7F, v11  }
0x4c: {  	v15 =	vor.u32 v15, v19;
	v17 =	vor.u32 v10, v17;
	v10 =	vor.u32 v9, v7;
	v11 =	vld [tilespmem:s4+$0x0];
	[tilespmem:s3+$0x20] =	vst v5;
	s3 =	smov.u32 s4  }
0x4d: {  	v13 =	vor.u32 v13, v20;
	v18 =	vor.u32 v6, v22;
	v5 =	vld [tilespmem:s4+$0x10];
	vm0 =	vgt.s32 v24, $0x0  }
0x4e: {  	vm1 =	vgt.s32 v23, $0x0;
	v19 =	vld [tilespmem:s4+$0x20];
	v20 =	vnsel vm0, $0x0, v24  }
0x4f: {  	v21 =	vld [tilespmem:s4+$0xFFFFFFC0];
	v24 =	vnsel vm1, $0x0, v23;
	vm0 =	vgt.s32 v8, $0x0;
	v6 =	vshrl.u32 v20, $0x15  }
0x50: {  	v7 =	vnsel vm0, $0x0, v8;
	vm0 =	vgt.s32 v14, $0x0;
	v8 =	vand.u32 $0x780, v6;
	[tilespmem:v16+s19+$0x0] =	vst.idx.add.s32.msk $0xffff, v2  }
0x51: {  	v6 =	vand.u32 $0x7F, v6;
	vm1 =	vgt.s32 v11, $0x0;
	v9 =	vor.u32 v0, v8;
	[tilespmem:v12+s19+$0x0] =	vst.idx.add.s32.msk $0xffff, v2  }
0x52: {  	v8 =	vnsel vm0, $0x0, v14;
	vm0 =	vgt.s32 v5, $0x0;
	v22 =	vor.u32 v6, v9;
	[tilespmem:v15+s19+$0x0] =	vst.idx.add.s32.msk $0xffff, v2  }
0x53: {  	v9 =	vnsel vm1, $0x0, v11;
	v6 =	vnsel vm0, $0x0, v5;
	vm0 =	vgt.s32 v19, $0x0;
	[tilespmem:v10+s19+$0x0] =	vst.idx.add.s32.msk $0xffff, v2  }
0x54: {  	v12 =	vshrl.u32 v24, $0x15;
	vm1 =	vgt.s32 v21, $0x0;
	v5 =	vnsel vm0, $0x0, v19;
	[tilespmem:v13+s19+$0x0] =	vst.idx.add.s32.msk $0xffff, v2  }
0x55: {  	v15 =	vshrl.u32 v7, $0x15;
	v10 =	vshrl.u32 v8, $0x15;
	v19 =	vnsel vm1, $0x0, v21;
	[tilespmem:v18+s19+$0x0] =	vst.idx.add.s32.msk $0xffff, v2  }
.Ltmp3:
0x56: {  	v14 =	vshrl.u32 v9, $0x15;
	v13 =	vshrl.u32 v6, $0x15;
	v16 =	vshrl.u32 v19, $0x15;
	[tilespmem:s4+$0x30] =	vst v20;
	(pc) =	sbr.rel @p0 .LBB2_4-.Ltmp3, $4  }
0x57: {  	s5 =	simm.s32 $0x0;
	v21 =	vand.u32 $0x780, v12;
	v11 =	vshrl.u32 v5, $0x15;
	v18 =	vand.u32 $0x780, v16;
	[tilespmem:v22+s19+$0x0] =	vst.idx.add.s32.msk $0xffff, v2  }
0x58: {  	v25 =	vand.u32 $0x780, v15;
	v26 =	vand.u32 $0x780, v10;
	v20 =	vand.u32 $0x780, v14;
	[tilespmem:v17+s19+$0x0] =	vst.idx.add.s32.msk $0xffff, v2  }
0x59: {  	v23 =	vand.u32 $0x780, v13;
	v22 =	vand.u32 $0x780, v11;
	v18 =	vor.u32 v0, v18;
	[tilespmem:s4+$0xFFFFFFC0] =	vst v19  }
0x5a: {  	v21 =	vor.u32 v0, v21;
	v17 =	vor.u32 v0, v26;
	v19 =	vor.u32 v0, v25;
	s4 =	sadd.s32 $0x80, s4;
	[tilespmem:s3+$0xFFFFFFD0] =	vst v24  }
0x5b: {  	v16 =	vand.u32 $0x7F, v16  }
0x5c: {  	[tilespmem:s3+$0xFFFFFFE0] =	vst v7;
	v7 =	vand.u32 $0x7F, v12;
	v12 =	vor.u32 v16, v18  }
0x5d: {  	v15 =	vand.u32 $0x7F, v15;
	[tilespmem:s3+$0xFFFFFFF0] =	vst v8;
	v7 =	vor.u32 v7, v21  }
0x5e: {  	v8 =	vor.u32 v0, v20;
	[tilespmem:s3+$0x0] =	vst v9;
	v9 =	vand.u32 $0x7F, v14;
	v14 =	vor.u32 v15, v19  }
0x5f: {  	v13 =	vand.u32 $0x7F, v13;
	[tilespmem:s3+$0x10] =	vst v6;
	v15 =	vor.u32 v0, v23;
	v6 =	vor.u32 v9, v8  }
0x60: {  	[tilespmem:s3+$0x20] =	vst v5;
	v8 =	vor.u32 v0, v22;
	v9 =	vand.u32 $0x7F, v11;
	v5 =	vor.u32 v13, v15  }
0x61: {  	v10 =	vand.u32 $0x7F, v10;
	v8 =	vor.u32 v9, v8;
	[tilespmem:v12+s19+$0x0] =	vst.idx.add.s32.msk $0xffff, v2  }
0x62: {  	v9 =	vor.u32 v10, v17;
	[tilespmem:v7+s19+$0x0] =	vst.idx.add.s32.msk $0xffff, v2  }
0x63: {  	[tilespmem:v14+s19+$0x0] =	vst.idx.add.s32.msk $0xffff, v2  }
0x64: {  	[tilespmem:v6+s19+$0x0] =	vst.idx.add.s32.msk $0xffff, v2  }
0x65: {  	[tilespmem:v5+s19+$0x0] =	vst.idx.add.s32.msk $0xffff, v2  }
0x66: {  	[tilespmem:v8+s19+$0x0] =	vst.idx.add.s32.msk $0xffff, v2  }
0x67: {  	[tilespmem:v9+s19+$0x0] =	vst.idx.add.s32.msk $0xffff, v2  }
0x68: {  	s1 =	sand.u32 $0x3C0, s5;
	v5 =	vld [tilespmem:s2+$0xFFFFDFF0]  }
0x69: {  	v6 =	vld [tilespmem:s1+$0x8400]  }
0x6a: {  	v7 =	vld [tilespmem:s1+$0x8800]  }
0x6b: {  	v8 =	vld [tilespmem:s1+$0x8C00]  }
0x6c: {  	v9 =	vld [tilespmem:s1+$0x9000]  }
0x6d: {  	v10 =	vld [tilespmem:s1+$0x9400]  }
0x6e: {  	v11 =	vld [tilespmem:s1+$0x9800]  }
0x6f: {  	v12 =	vld [tilespmem:s1+$0x9C00]  }
0x70: {  	v13 =	vld [tilespmem:s1+$0xA000]  }
0x71: {  	v14 =	vld [tilespmem:s1+$0xA400]  }
0x72: {  	v15 =	vld [tilespmem:s1+$0xA800]  }
0x73: {  	v63 =	vld [tilespmem:s1+$0xAC00]  }
0x74: {  	v44 =	vld [tilespmem:s1+$0xB000]  }
0x75: {  	v45 =	vld [tilespmem:s1+$0xB400]  }
0x76: {  	v46 =	vld [tilespmem:s1+$0xB800]  }
0x77: {  	v47 =	vld [tilespmem:s1+$0xBC00]  }
0x78: {  	v48 =	vld [tilespmem:s2+$0xFFFFE000]  }
0x79: {  	v49 =	vld [tilespmem:s2+$0xFFFFE400]  }
0x7a: {  	v50 =	vld [tilespmem:s2+$0xFFFFE010]  }
0x7b: {  	v24 =	vld [tilespmem:s2+$0xFFFFE410]  }
0x7c: {  	v25 =	vld [tilespmem:s2+$0xFFFFE020]  }
0x7d: {  	v26 =	vld [tilespmem:s2+$0xFFFFE420]  }
0x7e: {  	v27 =	vld [tilespmem:s2+$0xFFFFE800]  }
0x7f: {  	v28 =	vld [tilespmem:s2+$0xFFFFE810]  }
0x80: {  	v29 =	vld [tilespmem:s2+$0xFFFFE820]  }
0x81: {  	v30 =	vld [tilespmem:s2+$0xFFFFEC00]  }
0x82: {  	v31 =	vld [tilespmem:s2+$0xFFFFEC10]  }
0x83: {  	v32 =	vld [tilespmem:s2+$0xFFFFEC20]  }
0x84: {  	v33 =	vld [tilespmem:s2+$0xFFFFF000]  }
0x85: {  	v34 =	vld [tilespmem:s2+$0xFFFFF010]  }
0x86: {  	v35 =	vld [tilespmem:s2+$0xFFFFF020]  }
0x87: {  	v36 =	vld [tilespmem:s2+$0xFFFFF400]  }
0x88: {  	v37 =	vld [tilespmem:s2+$0xFFFFF410]  }
0x89: {  	v38 =	vld [tilespmem:s2+$0xFFFFF420]  }
0x8a: {  	v39 =	vld [tilespmem:s2+$0xFFFFF800]  }
0x8b: {  	v40 =	vld [tilespmem:s2+$0xFFFFF810]  }
0x8c: {  	v51 =	vld [tilespmem:s2+$0x800];
	v5 =	vadd.s32 v5, v6  }
0x8d: {  	v52 =	vld [tilespmem:s2+$0x810];
	v5 =	vadd.s32 v7, v5  }
0x8e: {  	v53 =	vld [tilespmem:s2+$0x820];
	v5 =	vadd.s32 v8, v5  }
0x8f: {  	v54 =	vld [tilespmem:s2+$0xC00];
	v5 =	vadd.s32 v9, v5  }
0x90: {  	v55 =	vld [tilespmem:s2+$0xC10];
	v5 =	vadd.s32 v10, v5  }
0x91: {  	v58 =	vld [tilespmem:s2+$0xC20];
	v5 =	vadd.s32 v11, v5  }
0x92: {  	v59 =	vld [tilespmem:s2+$0x1000];
	v5 =	vadd.s32 v12, v5  }
0x93: {  	v60 =	vld [tilespmem:s2+$0x1010];
	v5 =	vadd.s32 v13, v5  }
0x94: {  	v61 =	vld [tilespmem:s2+$0x1020];
	v5 =	vadd.s32 v14, v5  }
0x95: {  	v6 =	vld [tilespmem:s2+$0xFFFFF820];
	v5 =	vadd.s32 v15, v5  }
0x96: {  	v7 =	vld [tilespmem:s2+$0xFFFFFC00];
	v5 =	vadd.s32 v63, v5  }
0x97: {  	v8 =	vld [tilespmem:s2+$0xFFFFFC10];
	v5 =	vadd.s32 v44, v5  }
0x98: {  	v9 =	vld [tilespmem:s2+$0xFFFFFC20];
	v5 =	vadd.s32 v45, v5  }
0x99: {  	v10 =	vld [tilespmem:s2+$0x0];
	v5 =	vadd.s32 v46, v5  }
0x9a: {  	v57 =	vadd.s32 v25, v26;
	v11 =	vld [tilespmem:s2+$0x10];
	v20 =	vadd.s32 v47, v5;
	v5 =	vadd.s32 v48, v49  }
0x9b: {  	v56 =	vadd.s32 v50, v24;
	v23 =	vadd.s32 v29, v57;
	v12 =	vld [tilespmem:s2+$0x20];
	v5 =	vadd.s32 v27, v5  }
0x9c: {  	v22 =	vadd.s32 v28, v56;
	v23 =	vadd.s32 v32, v23;
	v13 =	vld [tilespmem:s2+$0x400];
	v5 =	vadd.s32 v30, v5  }
0x9d: {  	v22 =	vadd.s32 v31, v22;
	v23 =	vadd.s32 v35, v23;
	v14 =	vld [tilespmem:s2+$0x410];
	v5 =	vadd.s32 v33, v5  }
0x9e: {  	v22 =	vadd.s32 v34, v22;
	v23 =	vadd.s32 v38, v23;
	v15 =	vld [tilespmem:s2+$0x420];
	v5 =	vadd.s32 v36, v5  }
0x9f: {  	v62 =	vld [tilespmem:s2+$0x1400];
	v22 =	vadd.s32 v37, v22;
	v6 =	vadd.s32 v6, v23;
	v5 =	vadd.s32 v39, v5  }
0xa0: {  	v22 =	vadd.s32 v40, v22;
	v6 =	vadd.s32 v9, v6;
	v9 =	vld [tilespmem:s2+$0x1420];
	v5 =	vadd.s32 v7, v5  }
0xa1: {  	v63 =	vld [tilespmem:s2+$0x1410];
	v7 =	vadd.s32 v8, v22;
	v5 =	vadd.s32 v10, v5  }
0xa2: {  	v6 =	vadd.s32 v12, v6;
	v7 =	vadd.s32 v11, v7;
	v11 =	vld [tilespmem:s2+$0x1800];
	v5 =	vadd.s32 v13, v5  }
0xa3: {  	v6 =	vadd.s32 v15, v6;
	v7 =	vadd.s32 v14, v7;
	v8 =	vadd.s32 v51, v5;
	v5 =	vld [tilespmem:s2+$0x1810]  }
0xa4: {  	v10 =	vadd.s32 v53, v6;
	v6 =	vld [tilespmem:s2+$0x1820];
	v7 =	vadd.s32 v52, v7;
	v8 =	vadd.s32 v54, v8  }
0xa5: {  	v10 =	vadd.s32 v58, v10;
	v12 =	vadd.s32 v55, v7;
	v7 =	vld [tilespmem:s2+$0x1C00];
	v8 =	vadd.s32 v59, v8  }
0xa6: {  	v10 =	vadd.s32 v61, v10;
	v12 =	vadd.s32 v60, v12;
	v13 =	vadd.s32 v62, v8;
	v8 =	vld [tilespmem:s2+$0x1C10]  }
0xa7: {  	s3 =	simm.s32 $0x0;
	s4 =	simm.s32 $0x40;
	[tilespmem:s0+$0xFFFFFFE0] =	vst v20;
	v10 =	vadd.s32 v9, v10;
	v9 =	vld [tilespmem:s2+$0x1C20];
	v12 =	vadd.s32 v63, v12;
	s2 =	simm.s32 $0xA050;
	v11 =	vadd.s32 v11, v13  }
.LBB2_6:
0xa8: {  	v13 =	vld [tilespmem:s2+$0xFFFFDFF0];
	s1 =	sand.u32 $0x3C0, s4;
	s3 =	sadd.s32 $0x4, s3;
	v5 =	vadd.s32 v5, v12  }
0xa9: {  	v12 =	vld [tilespmem:s1+$0x8400];
	p0 =	slt.u32 s3, $0x3C;
	v6 =	vadd.s32 v6, v10  }
0xaa: {  	v10 =	vld [tilespmem:s1+$0x8800];
	v7 =	vadd.s32 v7, v11  }
0xab: {  	v11 =	vld [tilespmem:s1+$0x8C00];
	[tilespmem:s0+$0xFFFFFFF0] =	vst v7;
	v5 =	vadd.s32 v8, v5  }
0xac: {  	v7 =	vld [tilespmem:s1+$0x9000];
	[tilespmem:s0+$0x0] =	vst v5;
	v5 =	vadd.s32 v9, v6  }
0xad: {  	v6 =	vld [tilespmem:s1+$0x9400];
	[tilespmem:s0+$0x10] =	vst v5  }
0xae: {  	v5 =	vadd.s32 v13, v12;
	v8 =	vld [tilespmem:s1+$0x9800]  }
0xaf: {  	v5 =	vadd.s32 v10, v5;
	v9 =	vld [tilespmem:s1+$0x9C00]  }
0xb0: {  	v5 =	vadd.s32 v11, v5;
	v10 =	vld [tilespmem:s1+$0xA000]  }
0xb1: {  	v5 =	vadd.s32 v7, v5;
	v7 =	vld [tilespmem:s1+$0xA400]  }
0xb2: {  	v5 =	vadd.s32 v6, v5;
	v6 =	vld [tilespmem:s1+$0xA800]  }
0xb3: {  	v5 =	vadd.s32 v8, v5;
	v8 =	vld [tilespmem:s1+$0xAC00]  }
0xb4: {  	v5 =	vadd.s32 v9, v5;
	v9 =	vld [tilespmem:s1+$0xB000]  }
0xb5: {  	v5 =	vadd.s32 v10, v5;
	v10 =	vld [tilespmem:s1+$0xB400]  }
0xb6: {  	v5 =	vadd.s32 v7, v5;
	v7 =	vld [tilespmem:s1+$0xB800]  }
0xb7: {  	v5 =	vadd.s32 v6, v5;
	v6 =	vld [tilespmem:s1+$0xBC00]  }
0xb8: {  	v5 =	vadd.s32 v8, v5;
	v8 =	vld [tilespmem:s2+$0xFFFFE000]  }
0xb9: {  	v5 =	vadd.s32 v9, v5;
	v9 =	vld [tilespmem:s2+$0xFFFFE400]  }
0xba: {  	v5 =	vadd.s32 v10, v5;
	v10 =	vld [tilespmem:s2+$0xFFFFE010]  }
0xbb: {  	v5 =	vadd.s32 v7, v5;
	v7 =	vld [tilespmem:s2+$0xFFFFE410]  }
0xbc: {  	s0 =	sadd.s32 $0x40, s0;
	v5 =	vadd.s32 v6, v5;
	v6 =	vld [tilespmem:s2+$0xFFFFE020]  }
0xbd: {  	[tilespmem:s0+$0xFFFFFFE0] =	vst v5;
	v5 =	vld [tilespmem:s2+$0xFFFFE420]  }
0xbe: {  	v8 =	vadd.s32 v8, v9;
	v9 =	vld [tilespmem:s2+$0xFFFFE800]  }
0xbf: {  	v11 =	vld [tilespmem:s2+$0xFFFFE810]  }
0xc0: {  	v7 =	vadd.s32 v10, v7;
	v10 =	vld [tilespmem:s2+$0xFFFFE820]  }
0xc1: {  	v12 =	vld [tilespmem:s2+$0xFFFFEC00]  }
0xc2: {  	v13 =	vld [tilespmem:s2+$0xFFFFEC10];
	v5 =	vadd.s32 v6, v5  }
0xc3: {  	v6 =	vadd.s32 v9, v8;
	v8 =	vld [tilespmem:s2+$0xFFFFEC20]  }
0xc4: {  	v9 =	vld [tilespmem:s2+$0xFFFFF000];
	v7 =	vadd.s32 v11, v7  }
0xc5: {  	v11 =	vld [tilespmem:s2+$0xFFFFF010];
	v5 =	vadd.s32 v10, v5  }
0xc6: {  	v6 =	vadd.s32 v12, v6;
	v10 =	vld [tilespmem:s2+$0xFFFFF020]  }
0xc7: {  	v12 =	vld [tilespmem:s2+$0xFFFFF400];
	v7 =	vadd.s32 v13, v7  }
0xc8: {  	v13 =	vld [tilespmem:s2+$0xFFFFF410];
	v5 =	vadd.s32 v8, v5  }
0xc9: {  	v6 =	vadd.s32 v9, v6;
	v8 =	vld [tilespmem:s2+$0xFFFFF420]  }
0xca: {  	v9 =	vld [tilespmem:s2+$0xFFFFF800];
	v7 =	vadd.s32 v11, v7  }
0xcb: {  	v11 =	vld [tilespmem:s2+$0xFFFFF810];
	v5 =	vadd.s32 v10, v5  }
0xcc: {  	v6 =	vadd.s32 v12, v6;
	v10 =	vld [tilespmem:s2+$0xFFFFF820]  }
0xcd: {  	v12 =	vld [tilespmem:s2+$0xFFFFFC00];
	v7 =	vadd.s32 v13, v7  }
0xce: {  	v13 =	vld [tilespmem:s2+$0xFFFFFC10];
	v5 =	vadd.s32 v8, v5  }
0xcf: {  	v6 =	vadd.s32 v9, v6;
	v8 =	vld [tilespmem:s2+$0xFFFFFC20]  }
0xd0: {  	v9 =	vld [tilespmem:s2+$0x0];
	v7 =	vadd.s32 v11, v7  }
0xd1: {  	v11 =	vld [tilespmem:s2+$0x10];
	v5 =	vadd.s32 v10, v5  }
0xd2: {  	v6 =	vadd.s32 v12, v6;
	v10 =	vld [tilespmem:s2+$0x20]  }
0xd3: {  	v12 =	vld [tilespmem:s2+$0x400];
	v7 =	vadd.s32 v13, v7  }
0xd4: {  	v13 =	vld [tilespmem:s2+$0x410];
	v5 =	vadd.s32 v8, v5  }
0xd5: {  	v6 =	vadd.s32 v9, v6;
	v8 =	vld [tilespmem:s2+$0x420]  }
0xd6: {  	v9 =	vld [tilespmem:s2+$0x800];
	v7 =	vadd.s32 v11, v7  }
0xd7: {  	v11 =	vld [tilespmem:s2+$0x810];
	v5 =	vadd.s32 v10, v5  }
0xd8: {  	v6 =	vadd.s32 v12, v6;
	v10 =	vld [tilespmem:s2+$0x820]  }
0xd9: {  	v12 =	vld [tilespmem:s2+$0xC00];
	v7 =	vadd.s32 v13, v7  }
0xda: {  	v13 =	vld [tilespmem:s2+$0xC10];
	v5 =	vadd.s32 v8, v5  }
0xdb: {  	v6 =	vadd.s32 v9, v6;
	v8 =	vld [tilespmem:s2+$0xC20]  }
0xdc: {  	v9 =	vld [tilespmem:s2+$0x1000];
	v7 =	vadd.s32 v11, v7  }
0xdd: {  	v11 =	vld [tilespmem:s2+$0x1010];
	v5 =	vadd.s32 v10, v5  }
0xde: {  	v6 =	vadd.s32 v12, v6;
	v10 =	vld [tilespmem:s2+$0x1020]  }
0xdf: {  	v12 =	vld [tilespmem:s2+$0x1400];
	v7 =	vadd.s32 v13, v7  }
0xe0: {  	v13 =	vld [tilespmem:s2+$0x1410];
	v8 =	vadd.s32 v8, v5  }
0xe1: {  	v6 =	vadd.s32 v9, v6;
	v9 =	vld [tilespmem:s2+$0x1420]  }
0xe2: {  	v14 =	vld [tilespmem:s2+$0x1800];
	v11 =	vadd.s32 v11, v7  }
.Ltmp4:
0xe3: {  	v5 =	vld [tilespmem:s2+$0x1810];
	v10 =	vadd.s32 v10, v8;
	(pc) =	sbr.rel @p0 .LBB2_6-.Ltmp4, $4  }
0xe4: {  	v15 =	vadd.s32 v12, v6;
	v6 =	vld [tilespmem:s2+$0x1820]  }
0xe5: {  	v7 =	vld [tilespmem:s2+$0x1C00];
	v12 =	vadd.s32 v13, v11  }
0xe6: {  	v8 =	vld [tilespmem:s2+$0x1C10];
	v10 =	vadd.s32 v9, v10  }
0xe7: {  	s4 =	sadd.s32 $0x40, s4;
	v11 =	vadd.s32 v14, v15;
	v9 =	vld [tilespmem:s2+$0x1C20];
	s2 =	sadd.s32 $0x40, s2  }
0xe8: {  	_ =	sdelay $0x1  }
0xe9: {  	v5 =	vadd.s32 v5, v12;
	v7 =	vadd.s32 v7, v11  }
0xea: {  	v6 =	vadd.s32 v6, v10;
	[tilespmem:s0+$0xFFFFFFF0] =	vst v7;
	v5 =	vadd.s32 v8, v5  }
0xeb: {  	[tilespmem:s0+$0x0] =	vst v5;
	v5 =	vadd.s32 v9, v6  }
0xec: {  	[tilespmem:s0+$0x10] =	vst v5  }
0xed: {  	s0 =	rddreg [dreg:$0x9]  }
0xee: {  	[spmem:s0] =	stream.linear.scatter [tilespmem:s23], [sflag:$0x2], $0x400, $0x38;
	[tilespmem:$0x1D090] =	vst v63  }
0xef: {  	s0 =	simm.s32 $0x2  }
0xf0: {  	_ =	swait.ge [sflag:s0], $0x400  }
0xf1: {  	[sflag:s0] =	ssyncset.done $0x0  }
0xf2: {  	[sflag:s0] =	ssyncadd.s32 $0xFFFFFC00  }
0xf3: {  	[bflag:$0x0] =	sbarrier.arrive $0xFFFF  }
0xf4: {  	s1 =	rddreg [dreg:$0x2]  }
0xf5: {  	[tilespmem:s19], [sflag:$0x2] =	stream.linear.gather [spmem:s1], $0x4000, $0x38;
	[tilespmem:$0x1D090] =	vst v63  }
0xf6: {  	_ =	swait.ge [sflag:s0], $0x4000  }
0xf7: {  	[sflag:s0] =	ssyncset.done $0x0  }
0xf8: {  	s16 =	simm.s32 $0x8020;
	[sflag:s0] =	ssyncadd.s32 $0xFFFFC000  }
0xf9: {  	v17 =	vld [tilespmem:s16+$0xFFFFFFE0]  }
0xfa: {  	v18 =	vld [tilespmem:s16+$0xFFFFFFF0]  }
0xfb: {  	s2 =	simm.s32 $0x10;
	v19 =	vld [tilespmem:s16+$0x0]  }
0xfc: {  	s3 =	simm.s32 $0x20;
	s2 =	sand.u32 $0x3D0, s2;
	v20 =	vld [tilespmem:s16+$0x10]  }
0xfd: {  	s4 =	sand.u32 $0x3E0, s3;
	v5 =	vld [tilespmem:s2+$0xBC00]  }
0xfe: {  	v7 =	vld [tilespmem:s4+$0xBC00]  }
0xff: {  	v9 =	vld [tilespmem:s2+$0xB800]  }
0x100: {  	v8 =	vld [tilespmem:s4+$0xB800]  }
0x101: {  	v11 =	vld [tilespmem:s2+$0xB400]  }
0x102: {  	v6 =	vld [tilespmem:s4+$0xB400]  }
0x103: {  	v12 =	vld [tilespmem:s2+$0xB000]  }
0x104: {  	v10 =	vld [tilespmem:s4+$0xB000]  }
0x105: {  	v14 =	vld [tilespmem:s2+$0xAC00]  }
0x106: {  	v13 =	vld [tilespmem:s4+$0xAC00]  }
0x107: {  	v16 =	vld [tilespmem:s2+$0xA800]  }
0x108: {  	v15 =	vld [tilespmem:s4+$0xA800]  }
0x109: {  	v21 =	vld [tilespmem:s2+$0xA400]  }
0x10a: {  	v22 =	vld [tilespmem:s4+$0xA400]  }
0x10b: {  	v23 =	vld [tilespmem:s2+$0xA000]  }
0x10c: {  	v24 =	vld [tilespmem:s4+$0xA000]  }
0x10d: {  	v25 =	vld [tilespmem:s2+$0x9C00]  }
0x10e: {  	v26 =	vld [tilespmem:s4+$0x9C00]  }
0x10f: {  	v27 =	vld [tilespmem:s2+$0x9800]  }
0x110: {  	v28 =	vld [tilespmem:s4+$0x9800]  }
0x111: {  	v29 =	vld [tilespmem:s2+$0x9400]  }
0x112: {  	v30 =	vld [tilespmem:s4+$0x9400]  }
0x113: {  	v31 =	vld [tilespmem:s2+$0x9000]  }
0x114: {  	v32 =	vld [tilespmem:s4+$0x9000]  }
0x115: {  	v33 =	vld [tilespmem:s2+$0x8C00]  }
0x116: {  	v34 =	vld [tilespmem:s4+$0x8C00]  }
0x117: {  	s25 =	simm.s32 $0x0;
	v35 =	vld [tilespmem:s2+$0x8800]  }
0x118: {  	s5 =	sand.u32 $0x380, s25;
	v36 =	vld [tilespmem:s4+$0x8800]  }
0x119: {  	s3 =	sand.u32 $0x40, s25;
	s1 =	sor.u32 $0xBC00, s5;
	v37 =	vld [tilespmem:s2+$0x8400]  }
0x11a: {  	s8 =	sor.u32 $0xA800, s5;
	s6 =	sor.u32 s3, s1;
	v38 =	vld [tilespmem:s4+$0x8400]  }
0x11b: {  	s11 =	sor.u32 $0x9C00, s5;
	s10 =	sor.u32 s3, s8;
	v39 =	vld [tilespmem:s6+$0x0]  }
0x11c: {  	s20 =	sor.u32 $0x9800, s5;
	s12 =	sor.u32 s3, s11;
	v42 =	vld [tilespmem:s10+$0x0]  }
0x11d: {  	s13 =	sor.u32 $0x9000, s5;
	s21 =	sor.u32 s3, s20;
	v44 =	vld [tilespmem:s12+$0x0]  }
0x11e: {  	s22 =	sor.u32 $0x8C00, s5;
	s14 =	sor.u32 s3, s13;
	v45 =	vld [tilespmem:s21+$0x0]  }
0x11f: {  	s30 =	sor.u32 $0x8800, s5;
	s26 =	sor.u32 s3, s22;
	v46 =	vld [tilespmem:s14+$0x0]  }
0x120: {  	s15 =	sor.u32 $0x8400, s5;
	s31 =	sor.u32 s3, s30;
	v47 =	vld [tilespmem:s26+$0x0]  }
0x121: {  	s2 =	sor.u32 $0xB400, s5;
	s16 =	sor.u32 s3, s15;
	v50 =	vld [tilespmem:s31+$0x0]  }
0x122: {  	s29 =	simm.s32 $0x30;
	s4 =	sor.u32 $0xB000, s5;
	s9 =	sor.u32 s3, s2;
	v48 =	vld [tilespmem:s16+$0x0]  }
0x123: {  	s6 =	sand.u32 $0x70, s29;
	s17 =	sor.u32 s3, s4;
	v40 =	vld [tilespmem:s9+$0x0]  }
0x124: {  	s15 =	sor.u32 s6, s15;
	v41 =	vld [tilespmem:s17+$0x0]  }
0x125: {  	s14 =	sor.u32 s6, s30;
	v49 =	vld [tilespmem:s15+$0x0]  }
0x126: {  	s12 =	sor.u32 s6, s22;
	v51 =	vld [tilespmem:s14+$0x0]  }
0x127: {  	s16 =	sor.u32 s6, s13;
	v52 =	vld [tilespmem:s12+$0x0]  }
0x128: {  	s10 =	sor.u32 s6, s20;
	s9 =	sor.u32 $0xA400, s5;
	v53 =	vld [tilespmem:s16+$0x0]  }
0x129: {  	s15 =	sor.u32 $0x9400, s5;
	v63 =	vld [tilespmem:s10+$0x0];
	s18 =	sor.u32 s3, s9  }
0x12a: {  	s17 =	sor.u32 s3, s15;
	v43 =	vld [tilespmem:s18+$0x0];
	v18 =	vadd.s32 v18, v37  }
0x12b: {  	s20 =	sor.u32 $0xA000, s5;
	v54 =	vld [tilespmem:s17+$0x0];
	s18 =	sor.u32 s6, s15;
	v19 =	vadd.s32 v19, v38;
	v18 =	vadd.s32 v35, v18;
	v17 =	vadd.s32 v17, v48  }
0x12c: {  	s22 =	sor.u32 s3, s20;
	v62 =	vld [tilespmem:s18+$0x0];
	v19 =	vadd.s32 v36, v19;
	v20 =	vadd.s32 v20, v49;
	v18 =	vadd.s32 v33, v18  }
0x12d: {  	s21 =	sor.u32 s6, s11;
	v38 =	vld [tilespmem:s22+$0x0];
	v17 =	vadd.s32 v50, v17;
	v19 =	vadd.s32 v34, v19;
	v18 =	vadd.s32 v31, v18  }
0x12e: {  	s26 =	sor.u32 s6, s20;
	v36 =	vld [tilespmem:s21+$0x0];
	v19 =	vadd.s32 v32, v19;
	v20 =	vadd.s32 v51, v20;
	v17 =	vadd.s32 v47, v17  }
0x12f: {  	s29 =	sor.u32 $0xAC00, s5;
	s9 =	sor.u32 s6, s9;
	v48 =	vld [tilespmem:s26+$0x0];
	v18 =	vadd.s32 v29, v18;
	v20 =	vadd.s32 v52, v20;
	v17 =	vadd.s32 v46, v17  }
0x130: {  	s30 =	sor.u32 s3, s29;
	v49 =	vld [tilespmem:s9+$0x0];
	v19 =	vadd.s32 v30, v19;
	v20 =	vadd.s32 v53, v20;
	v17 =	vadd.s32 v54, v17  }
0x131: {  	s8 =	sor.u32 s6, s8;
	s14 =	simm.s32 $0x60;
	v50 =	vld [tilespmem:s30+$0x0];
	v18 =	vadd.s32 v27, v18;
	v19 =	vadd.s32 v28, v19;
	v17 =	vadd.s32 v45, v17  }
0x132: {  	s5 =	sor.u32 $0xB800, s5;
	s15 =	sand.u32 $0x3E0, s14;
	v51 =	vld [tilespmem:s8+$0x0];
	v18 =	vadd.s32 v25, v18;
	v19 =	vadd.s32 v26, v19;
	v17 =	vadd.s32 v44, v17  }
0x133: {  	s3 =	sor.u32 s3, s5;
	v31 =	vld [tilespmem:s15+$0x9400];
	v20 =	vadd.s32 v62, v20;
	v18 =	vadd.s32 v23, v18;
	v17 =	vadd.s32 v38, v17  }
0x134: {  	s31 =	sor.u32 s6, s29;
	s12 =	simm.s32 $0x50;
	v23 =	vld [tilespmem:s3+$0x0];
	v20 =	vadd.s32 v63, v20;
	v19 =	vadd.s32 v24, v19;
	v17 =	vadd.s32 v43, v17  }
0x135: {  	s13 =	sand.u32 $0x3D0, s12;
	v52 =	vld [tilespmem:s31+$0x0];
	v20 =	vadd.s32 v36, v20;
	v18 =	vadd.s32 v21, v18;
	v17 =	vadd.s32 v42, v17  }
0x136: {  	s9 =	sor.u32 s6, s4;
	v29 =	vld [tilespmem:s13+$0x9C00];
	v19 =	vadd.s32 v22, v19;
	v16 =	vadd.s32 v16, v18;
	v17 =	vadd.s32 v50, v17  }
0x137: {  	s2 =	sor.u32 s6, s2;
	v53 =	vld [tilespmem:s9+$0x0];
	v20 =	vadd.s32 v48, v20;
	v15 =	vadd.s32 v15, v19;
	v17 =	vadd.s32 v41, v17  }
0x138: {  	s10 =	sor.u32 s6, s5;
	v21 =	vld [tilespmem:s2+$0x0];
	v22 =	vadd.s32 v49, v20;
	v14 =	vadd.s32 v14, v16;
	v16 =	vadd.s32 v40, v17  }
0x139: {  	s1 =	sor.u32 s6, s1;
	v18 =	vld [tilespmem:s10+$0x0];
	v13 =	vadd.s32 v13, v15;
	v12 =	vadd.s32 v12, v14;
	v14 =	vadd.s32 v23, v16  }
0x13a: {  	v19 =	vld [tilespmem:s1+$0x0];
	v15 =	vadd.s32 v51, v22;
	v11 =	vadd.s32 v11, v12;
	v22 =	vadd.s32 v39, v14  }
0x13b: {  	v30 =	vld [tilespmem:s15+$0x9C00];
	v10 =	vadd.s32 v10, v13;
	v12 =	vadd.s32 v52, v15;
	v9 =	vadd.s32 v9, v11;
	(xrf0) =	vadd.scan.msk.s32 $0xffff, v22  }
0x13c: {  	v27 =	vld [tilespmem:s13+$0xA000];
	v10 =	vadd.s32 v6, v10;
	v11 =	vadd.s32 v53, v12;
	v54 =	vadd.s32 v5, v9  }
0x13d: {  	s11 =	simm.s32 $0x8060;
	v28 =	vld [tilespmem:s15+$0xA000];
	v8 =	vadd.s32 v8, v10;
	v9 =	vadd.s32 v21, v11;
	(xrf0) =	vadd.scan.msk.s32 $0xffff, v54  }
0x13e: {  	v26 =	vld [tilespmem:s11+$0x0];
	v11 =	vadd.s32 v7, v8;
	v7 =	vadd.s32 v18, v9  }
0x13f: {  	v25 =	vld [tilespmem:s11+$0x10];
	v21 =	vadd.s32 v19, v7;
	(xrf0) =	vadd.scan.msk.s32 $0xffff, v11  }
0x140: {  	v24 =	vld [tilespmem:s15+$0x9800];
	(xrf0) =	vadd.scan.msk.s32 $0xffff, v21  }
0x141: {  	v20 =	vld [tilespmem:s11+$0xFFFFFFE0];
	v12, _, _ =	vpop (xrf0)  }
0x142: {  	v13 =	vld [tilespmem:s13+$0xB000];
	(v2sf) =	vpush v12, $0xF  }
0x143: {  	v6 =	vld [tilespmem:s13+$0xBC00];
	v14, _, _ =	vpop (xrf0)  }
0x144: {  	v15 =	vld [tilespmem:s15+$0xAC00];
	(v2sf) =	vpush v14, $0xF  }
0x145: {  	v10 =	vld [tilespmem:s15+$0xB400];
	v16, _, _ =	vpop (xrf0)  }
0x146: {  	v17 =	vld [tilespmem:s13+$0xA800];
	(v2sf) =	vpush v16, $0xF;
	v16, _, _ =	vpop (xrf0)  }
0x147: {  	v23 =	vld [tilespmem:s11+$0xFFFFFFF0];
	(v2sf) =	vpush v16, $0xF  }
0x148: {  	v5 =	vld [tilespmem:s15+$0xBC00]  }
0x149: {  	v8 =	vld [tilespmem:s13+$0xB800]  }
0x14a: {  	v9 =	vld [tilespmem:s13+$0xB400]  }
0x14b: {  	v18 =	vld [tilespmem:s13+$0xA400]  }
0x14c: {  	v7 =	vld [tilespmem:s15+$0xB800]  }
0x14d: {  	s2 =	simm.s32 $0x14020;
	v19 =	vld [tilespmem:s15+$0xA400]  }
0x14e: {  	[tilespmem:s2+$0xFFFFFFE0] =	vst v22;
	v22 =	vld [tilespmem:s13+$0x9800]  }
0x14f: {  	[tilespmem:s2+$0x10] =	vst v21;
	v21 =	vld [tilespmem:s13+$0x9400]  }
0x150: {  	v12 =	vld [tilespmem:s15+$0xB000]  }
0x151: {  	[tilespmem:s2+$0xFFFFFFF0] =	vst v54;
	v14 =	vld [tilespmem:s13+$0xAC00];
	s16 =	spop (v2sf)  }
0x152: {  	[tilespmem:s2+$0x0] =	vst v11;
	v16 =	vld [tilespmem:s15+$0xA800];
	[smem:$0x0] =	sst s16  }
0x153: {  	s1 =	spop (v2sf)  }
0x154: {  	v32 =	vld [tilespmem:s13+$0x9000];
	[smem:$0x1] =	sst s1  }
0x155: {  	s1 =	spop (v2sf)  }
0x156: {  	v33 =	vld [tilespmem:s15+$0x9000];
	[smem:s0] =	sst s1;
	s17 =	spop (v2sf)  }
0x157: {  	v34 =	vld [tilespmem:s13+$0x8C00];
	[smem:$0x3] =	sst s17  }
0x158: {  	v35 =	vld [tilespmem:s15+$0x8C00]  }
0x159: {  	s3 =	simm.s32 $0x40;
	v55 =	vld [tilespmem:s13+$0x8800]  }
0x15a: {  	s8 =	sand.u32 $0x380, s3;
	v56 =	vld [tilespmem:s15+$0x8800]  }
0x15b: {  	s6 =	sand.u32 $0x40, s3;
	s1 =	sor.u32 $0xBC00, s8;
	v57 =	vld [tilespmem:s13+$0x8400]  }
0x15c: {  	s4 =	sor.u32 $0xB400, s8;
	s18 =	sor.u32 s6, s1;
	v58 =	vld [tilespmem:s15+$0x8400]  }
0x15d: {  	s5 =	sor.u32 $0xB000, s8;
	s20 =	sor.u32 s6, s4;
	v11 =	vld [tilespmem:s18+$0x0]  }
0x15e: {  	s10 =	sor.u32 $0xA800, s8;
	s21 =	sor.u32 s6, s5;
	v40 =	vld [tilespmem:s20+$0x0]  }
0x15f: {  	s22 =	sor.u32 s6, s10;
	s11 =	sor.u32 $0xA400, s8;
	v41 =	vld [tilespmem:s21+$0x0]  }
0x160: {  	s12 =	sor.u32 $0x9800, s8;
	s26 =	sor.u32 s6, s11;
	v42 =	vld [tilespmem:s22+$0x0]  }
0x161: {  	s31 =	sor.u32 $0x8C00, s8;
	s30 =	sor.u32 s6, s12;
	v43 =	vld [tilespmem:s26+$0x0]  }
0x162: {  	s13 =	sor.u32 $0x9C00, s8;
	v45 =	vld [tilespmem:s30+$0x0];
	s20 =	sor.u32 s6, s31  }
0x163: {  	s15 =	sor.u32 $0x9000, s8;
	s29 =	sor.u32 s6, s13;
	v59 =	vld [tilespmem:s20+$0x0]  }
0x164: {  	s22 =	sor.u32 $0x8800, s8;
	s18 =	sor.u32 s6, s15;
	v44 =	vld [tilespmem:s29+$0x0]  }
0x165: {  	s17 =	sor.u32 $0x8400, s8;
	s21 =	simm.s32 $0x70;
	s26 =	sor.u32 s6, s22;
	v46 =	vld [tilespmem:s18+$0x0]  }
0x166: {  	s9 =	sand.u32 $0x70, s21;
	s18 =	sor.u32 s6, s17;
	v62 =	vld [tilespmem:s26+$0x0]  }
0x167: {  	s17 =	sor.u32 s9, s17;
	v60 =	vld [tilespmem:s18+$0x0]  }
0x168: {  	s16 =	sor.u32 s9, s22;
	v61 =	vld [tilespmem:s17+$0x0]  }
0x169: {  	s14 =	sor.u32 s9, s31;
	v63 =	vld [tilespmem:s16+$0x0]  }
0x16a: {  	s29 =	sor.u32 $0x9400, s8;
	s30 =	sor.u32 s9, s15;
	v53 =	vld [tilespmem:s14+$0x0];
	v23 =	vadd.s32 v23, v57;
	v26 =	vadd.s32 v26, v58  }
0x16b: {  	s31 =	sor.u32 s6, s29;
	v54 =	vld [tilespmem:s30+$0x0];
	v23 =	vadd.s32 v55, v23;
	v26 =	vadd.s32 v56, v26  }
0x16c: {  	s17 =	sor.u32 s9, s29;
	v55 =	vld [tilespmem:s31+$0x0];
	v23 =	vadd.s32 v34, v23;
	v26 =	vadd.s32 v35, v26  }
0x16d: {  	s12 =	sor.u32 s9, s12;
	v56 =	vld [tilespmem:s17+$0x0];
	v20 =	vadd.s32 v20, v60;
	v25 =	vadd.s32 v25, v61;
	v23 =	vadd.s32 v32, v23  }
0x16e: {  	s20 =	sor.u32 s9, s13;
	s18 =	sor.u32 $0xA000, s8;
	v57 =	vld [tilespmem:s12+$0x0];
	v26 =	vadd.s32 v33, v26;
	v20 =	vadd.s32 v62, v20;
	v25 =	vadd.s32 v63, v25  }
0x16f: {  	s21 =	sor.u32 s6, s18;
	v58 =	vld [tilespmem:s20+$0x0];
	v21 =	vadd.s32 v21, v23;
	v26 =	vadd.s32 v31, v26;
	v20 =	vadd.s32 v59, v20  }
0x170: {  	s22 =	sor.u32 s9, s18;
	v23 =	vadd.s32 v53, v25;
	v59 =	vld [tilespmem:s21+$0x0];
	v21 =	vadd.s32 v22, v21;
	v22 =	vadd.s32 v24, v26  }
0x171: {  	s26 =	sor.u32 $0xAC00, s8;
	s11 =	sor.u32 s9, s11;
	v60 =	vld [tilespmem:s22+$0x0];
	v20 =	vadd.s32 v46, v20;
	v23 =	vadd.s32 v54, v23;
	v21 =	vadd.s32 v29, v21  }
0x172: {  	s29 =	sor.u32 s6, s26;
	v61 =	vld [tilespmem:s11+$0x0];
	v22 =	vadd.s32 v30, v22;
	v20 =	vadd.s32 v55, v20;
	v23 =	vadd.s32 v56, v23  }
0x173: {  	s10 =	sor.u32 s9, s10;
	v62 =	vld [tilespmem:s29+$0x0];
	v21 =	vadd.s32 v27, v21;
	v22 =	vadd.s32 v28, v22;
	v20 =	vadd.s32 v45, v20  }
0x174: {  	s8 =	sor.u32 $0xB800, s8;
	s30 =	sor.u32 s9, s26;
	v63 =	vld [tilespmem:s10+$0x0];
	v23 =	vadd.s32 v57, v23;
	v18 =	vadd.s32 v18, v21;
	v20 =	vadd.s32 v44, v20  }
0x175: {  	s6 =	sor.u32 s6, s8;
	v21 =	vadd.s32 v19, v22;
	v22 =	vld [tilespmem:s30+$0x0];
	v23 =	vadd.s32 v58, v23;
	v20 =	vadd.s32 v59, v20  }
0x176: {  	s5 =	sor.u32 s9, s5;
	v19 =	vld [tilespmem:s6+$0x0];
	v17 =	vadd.s32 v17, v18;
	v21 =	vadd.s32 v16, v21;
	v20 =	vadd.s32 v43, v20  }
0x177: {  	s4 =	sor.u32 s9, s4;
	v16 =	vld [tilespmem:s5+$0x0];
	v18 =	vadd.s32 v60, v23;
	v17 =	vadd.s32 v14, v17;
	v20 =	vadd.s32 v42, v20  }
0x178: {  	s31 =	sor.u32 s9, s8;
	v23 =	vadd.s32 v15, v21;
	v14 =	vld [tilespmem:s4+$0x0];
	v18 =	vadd.s32 v61, v18;
	v20 =	vadd.s32 v62, v20  }
0x179: {  	s1 =	sor.u32 s9, s1;
	v15 =	vadd.s32 v13, v17;
	v13 =	vld [tilespmem:s31+$0x0];
	v17 =	vadd.s32 v63, v18;
	v20 =	vadd.s32 v41, v20  }
0x17a: {  	s6 =	simm.s32 $0x80A0;
	s4 =	simm.s32 $0x4;
	v17 =	vadd.s32 v22, v17;
	v21 =	vadd.s32 v40, v20;
	v20 =	vadd.s32 v12, v23;
	v12 =	vld [tilespmem:s1+$0x0]  }
.LBB2_8:
0x17b: {  	v18 =	vld [tilespmem:s6+$0xFFFFFFE0];
	v19 =	vadd.s32 v19, v21;
	v9 =	vadd.s32 v9, v15;
	v10 =	vadd.s32 v10, v20  }
0x17c: {  	s3 =	sadd.s32 $0x40, s3;
	v21 =	vld [tilespmem:s6+$0xFFFFFFF0];
	v11 =	vadd.s32 v11, v19;
	v8 =	vadd.s32 v8, v9;
	v9 =	vadd.s32 v16, v17  }
0x17d: {  	s2 =	sadd.s32 $0x40, s2;
	s1 =	sadd.s32 $0x10, s3;
	v22 =	vld [tilespmem:s6+$0x0];
	v8 =	vadd.s32 v6, v8;
	v6 =	vadd.s32 v7, v10;
	v7 =	vadd.s32 v14, v9;
	(xrf0) =	vadd.scan.msk.s32 $0xffff, v11  }
0x17e: {  	s5 =	sand.u32 $0x3D0, s1;
	s1 =	sadd.s32 $0x20, s3;
	v23 =	vld [tilespmem:s6+$0x10];
	[tilespmem:s2+$0xFFFFFFE0] =	vst v11;
	v9 =	vadd.s32 v5, v6;
	v5 =	vadd.s32 v13, v7;
	(xrf0) =	vadd.scan.msk.s32 $0xffff, v8  }
0x17f: {  	s8 =	sand.u32 $0x3E0, s1;
	v6 =	vld [tilespmem:s5+$0xBC00];
	[tilespmem:s2+$0xFFFFFFF0] =	vst v8;
	v7 =	vadd.s32 v12, v5;
	(xrf0) =	vadd.scan.msk.s32 $0xffff, v9  }
0x180: {  	v5 =	vld [tilespmem:s8+$0xBC00];
	[tilespmem:s2+$0x10] =	vst v7;
	(xrf0) =	vadd.scan.msk.s32 $0xffff, v7  }
0x181: {  	v8 =	vld [tilespmem:s5+$0xB800];
	[tilespmem:s2+$0x0] =	vst v9  }
0x182: {  	v7 =	vld [tilespmem:s8+$0xB800]  }
0x183: {  	v9 =	vld [tilespmem:s5+$0xB400];
	v11, _, _ =	vpop (xrf0)  }
0x184: {  	v10 =	vld [tilespmem:s8+$0xB400];
	(v2sf) =	vpush v11, $0xF;
	v11, _, _ =	vpop (xrf0)  }
0x185: {  	v13 =	vld [tilespmem:s5+$0xB000];
	(v2sf) =	vpush v11, $0xF;
	v11, _, _ =	vpop (xrf0)  }
0x186: {  	v12 =	vld [tilespmem:s8+$0xB000];
	(v2sf) =	vpush v11, $0xF;
	v11, _, _ =	vpop (xrf0)  }
0x187: {  	v14 =	vld [tilespmem:s5+$0xAC00];
	(v2sf) =	vpush v11, $0xF  }
0x188: {  	v15 =	vld [tilespmem:s8+$0xAC00]  }
0x189: {  	v17 =	vld [tilespmem:s5+$0xA800]  }
0x18a: {  	v16 =	vld [tilespmem:s8+$0xA800]  }
0x18b: {  	v19 =	vld [tilespmem:s5+$0xA400]  }
0x18c: {  	v20 =	vld [tilespmem:s8+$0xA400]  }
0x18d: {  	v25 =	vld [tilespmem:s5+$0xA000]  }
0x18e: {  	v24 =	vld [tilespmem:s8+$0xA000]  }
0x18f: {  	v27 =	vld [tilespmem:s5+$0x9C00]  }
0x190: {  	v28 =	vld [tilespmem:s8+$0x9C00]  }
0x191: {  	v30 =	vld [tilespmem:s5+$0x9800]  }
0x192: {  	v31 =	vld [tilespmem:s8+$0x9800]  }
0x193: {  	s0 =	sadd.s32 $0x4, s0;
	v32 =	vld [tilespmem:s5+$0x9400];
	s1 =	spop (v2sf)  }
0x194: {  	v33 =	vld [tilespmem:s8+$0x9400];
	[smem:s0+$0xFFFFFFFE] =	sst s1;
	s1 =	spop (v2sf)  }
0x195: {  	v34 =	vld [tilespmem:s5+$0x9000];
	[smem:s0+$0xFFFFFFFF] =	sst s1;
	s1 =	spop (v2sf)  }
0x196: {  	v35 =	vld [tilespmem:s8+$0x9000];
	[smem:s0] =	sst s1;
	s1 =	spop (v2sf)  }
0x197: {  	v36 =	vld [tilespmem:s5+$0x8C00];
	[smem:s0+$0x1] =	sst s1  }
0x198: {  	v37 =	vld [tilespmem:s8+$0x8C00]  }
0x199: {  	v38 =	vld [tilespmem:s5+$0x8800]  }
0x19a: {  	s10 =	sand.u32 $0x380, s3;
	v39 =	vld [tilespmem:s8+$0x8800]  }
0x19b: {  	s9 =	sand.u32 $0x40, s3;
	s1 =	sor.u32 $0xBC00, s10;
	v40 =	vld [tilespmem:s5+$0x8400]  }
0x19c: {  	s11 =	sor.u32 s9, s1;
	s5 =	sor.u32 $0xB400, s10;
	v41 =	vld [tilespmem:s8+$0x8400]  }
0x19d: {  	s8 =	sor.u32 $0xB000, s10;
	s13 =	sor.u32 s9, s5;
	v11 =	vld [tilespmem:s11+$0x0]  }
0x19e: {  	s12 =	sor.u32 $0xA800, s10;
	s11 =	sor.u32 s9, s8;
	v26 =	vld [tilespmem:s13+$0x0]  }
0x19f: {  	s15 =	sor.u32 s9, s12;
	s13 =	sor.u32 $0xA400, s10;
	v29 =	vld [tilespmem:s11+$0x0]  }
0x1a0: {  	s14 =	sor.u32 $0x9C00, s10;
	s11 =	sor.u32 s9, s13;
	v42 =	vld [tilespmem:s15+$0x0]  }
0x1a1: {  	s16 =	sor.u32 s9, s14;
	s15 =	sor.u32 $0x9800, s10;
	v43 =	vld [tilespmem:s11+$0x0]  }
0x1a2: {  	s17 =	sor.u32 $0x9000, s10;
	s11 =	sor.u32 s9, s15;
	v44 =	vld [tilespmem:s16+$0x0]  }
0x1a3: {  	s18 =	sor.u32 s9, s17;
	s16 =	sor.u32 $0x8C00, s10;
	v45 =	vld [tilespmem:s11+$0x0]  }
0x1a4: {  	s20 =	sor.u32 $0x8400, s10;
	s11 =	sor.u32 s9, s16;
	v46 =	vld [tilespmem:s18+$0x0];
	s18 =	sadd.s32 $0x30, s3  }
0x1a5: {  	s21 =	sor.u32 s9, s20;
	v47 =	vld [tilespmem:s11+$0x0];
	s11 =	sand.u32 $0x70, s18  }
0x1a6: {  	s18 =	sor.u32 $0x8800, s10;
	v48 =	vld [tilespmem:s21+$0x0];
	s20 =	sor.u32 s11, s20  }
0x1a7: {  	s21 =	sor.u32 s9, s18;
	v49 =	vld [tilespmem:s20+$0x0]  }
0x1a8: {  	s18 =	sor.u32 s11, s18;
	v50 =	vld [tilespmem:s21+$0x0]  }
0x1a9: {  	s4 =	sadd.s32 $0x4, s4;
	s16 =	sor.u32 s11, s16;
	v51 =	vld [tilespmem:s18+$0x0]  }
0x1aa: {  	p0 =	slt.u32 s4, $0x3C;
	v21 =	vadd.s32 v21, v40;
	s18 =	sor.u32 $0x9400, s10;
	v40 =	vld [tilespmem:s16+$0x0];
	s16 =	sor.u32 s11, s17  }
0x1ab: {  	v21 =	vadd.s32 v38, v21;
	v22 =	vadd.s32 v22, v41;
	s17 =	sor.u32 s9, s18;
	v38 =	vld [tilespmem:s16+$0x0]  }
0x1ac: {  	v22 =	vadd.s32 v39, v22;
	v18 =	vadd.s32 v18, v48;
	s16 =	sor.u32 s11, s18;
	v41 =	vld [tilespmem:s17+$0x0];
	v23 =	vadd.s32 v23, v49  }
0x1ad: {  	v21 =	vadd.s32 v36, v21;
	v22 =	vadd.s32 v37, v22;
	s15 =	sor.u32 s11, s15;
	v18 =	vadd.s32 v50, v18;
	v36 =	vld [tilespmem:s16+$0x0]  }
0x1ae: {  	v21 =	vadd.s32 v34, v21;
	v22 =	vadd.s32 v35, v22;
	s14 =	sor.u32 s11, s14;
	s16 =	sor.u32 $0xA000, s10;
	v23 =	vadd.s32 v51, v23;
	v34 =	vld [tilespmem:s15+$0x0]  }
0x1af: {  	v21 =	vadd.s32 v32, v21;
	v18 =	vadd.s32 v47, v18;
	s15 =	sor.u32 s9, s16;
	v23 =	vadd.s32 v40, v23;
	v32 =	vld [tilespmem:s14+$0x0]  }
0x1b0: {  	v22 =	vadd.s32 v33, v22;
	v18 =	vadd.s32 v46, v18;
	s14 =	sor.u32 s11, s16;
	v35 =	vld [tilespmem:s15+$0x0];
	v23 =	vadd.s32 v38, v23  }
0x1b1: {  	v21 =	vadd.s32 v30, v21;
	v22 =	vadd.s32 v31, v22;
	s13 =	sor.u32 s11, s13;
	s15 =	sor.u32 $0xAC00, s10;
	v18 =	vadd.s32 v41, v18;
	v30 =	vld [tilespmem:s14+$0x0]  }
0x1b2: {  	v21 =	vadd.s32 v27, v21;
	v22 =	vadd.s32 v28, v22;
	s14 =	sor.u32 s9, s15;
	v23 =	vadd.s32 v36, v23;
	v27 =	vld [tilespmem:s13+$0x0]  }
0x1b3: {  	s12 =	sor.u32 s11, s12;
	v21 =	vadd.s32 v25, v21;
	v18 =	vadd.s32 v45, v18;
	v28 =	vld [tilespmem:s14+$0x0];
	v23 =	vadd.s32 v34, v23  }
0x1b4: {  	v22 =	vadd.s32 v24, v22;
	s10 =	sor.u32 $0xB800, s10;
	v18 =	vadd.s32 v44, v18;
	v23 =	vadd.s32 v32, v23;
	v24 =	vld [tilespmem:s12+$0x0];
	s12 =	sor.u32 s11, s15  }
0x1b5: {  	v21 =	vadd.s32 v19, v21;
	v20 =	vadd.s32 v20, v22;
	s9 =	sor.u32 s9, s10;
	v18 =	vadd.s32 v35, v18;
	v22 =	vld [tilespmem:s12+$0x0]  }
.Ltmp5:
0x1b6: {  	s8 =	sor.u32 s11, s8;
	v17 =	vadd.s32 v17, v21;
	v18 =	vadd.s32 v43, v18;
	v19 =	vld [tilespmem:s9+$0x0];
	v21 =	vadd.s32 v30, v23;
	(pc) =	sbr.rel @p0 .LBB2_8-.Ltmp5, $4  }
0x1b7: {  	s5 =	sor.u32 s11, s5;
	v20 =	vadd.s32 v16, v20;
	v18 =	vadd.s32 v42, v18;
	v21 =	vadd.s32 v27, v21;
	v16 =	vld [tilespmem:s8+$0x0]  }
0x1b8: {  	v17 =	vadd.s32 v14, v17;
	v20 =	vadd.s32 v15, v20;
	v18 =	vadd.s32 v28, v18;
	v14 =	vld [tilespmem:s5+$0x0];
	s5 =	sor.u32 s11, s10  }
0x1b9: {  	s1 =	sor.u32 s11, s1;
	v15 =	vadd.s32 v13, v17;
	v18 =	vadd.s32 v29, v18;
	v17 =	vadd.s32 v24, v21;
	v13 =	vld [tilespmem:s5+$0x0]  }
0x1ba: {  	s6 =	sadd.s32 $0x40, s6;
	v20 =	vadd.s32 v12, v20;
	v21 =	vadd.s32 v26, v18;
	v17 =	vadd.s32 v22, v17;
	v12 =	vld [tilespmem:s1+$0x0]  }
0x1bb: {  	v18 =	vadd.s32 v19, v21;
	v9 =	vadd.s32 v9, v15  }
0x1bc: {  	v11 =	vadd.s32 v11, v18;
	v8 =	vadd.s32 v8, v9  }
0x1bd: {  	v10 =	vadd.s32 v10, v20;
	v58 =	vadd.s32 v16, v17;
	v6 =	vadd.s32 v6, v8;
	(xrf0) =	vadd.scan.msk.s32 $0xffff, v11  }
0x1be: {  	v7 =	vadd.s32 v7, v10;
	v59 =	vadd.s32 v14, v58;
	(xrf0) =	vadd.scan.msk.s32 $0xffff, v6  }
0x1bf: {  	v5 =	vadd.s32 v5, v7;
	v7 =	vadd.s32 v13, v59  }
0x1c0: {  	v7 =	vadd.s32 v12, v7;
	(xrf0) =	vadd.scan.msk.s32 $0xffff, v5  }
0x1c1: {  	(xrf0) =	vadd.scan.msk.s32 $0xffff, v7;
	_ =	sdelay $0x1  }
0x1c2: {  	v60, _, _ =	vpop (xrf0)  }
0x1c3: {  	(v2sf) =	vpush v60, $0xF;
	v61, _, _ =	vpop (xrf0)  }
0x1c4: {  	(v2sf) =	vpush v61, $0xF  }
0x1c5: {  	v62, _, _ =	vpop (xrf0)  }
0x1c6: {  	(v2sf) =	vpush v62, $0xF;
	v63, _, _ =	vpop (xrf0)  }
0x1c7: {  	(v2sf) =	vpush v63, $0xF;
	_ =	sdelay $0x6  }
0x1c8: {  	s1 =	sadd.s32 $0x40, s2  }
0x1c9: {  	[tilespmem:s1+$0xFFFFFFE0] =	vst v11  }
0x1ca: {  	[tilespmem:s1+$0xFFFFFFF0] =	vst v6  }
0x1cb: {  	[tilespmem:s1+$0x0] =	vst v5  }
0x1cc: {  	s0 =	sadd.s32 $0x4, s0;
	[tilespmem:s1+$0x10] =	vst v7;
	s26 =	spop (v2sf)  }
0x1cd: {  	[smem:s0+$0xFFFFFFFE] =	sst s26;
	s29 =	spop (v2sf)  }
0x1ce: {  	p1 =	por $0x1, $0x1;
	[smem:s0+$0xFFFFFFFF] =	sst s29  }
.Ltmp6:
0x1cf: {  	s30 =	spop (v2sf);
	(pc) =	sbr.rel @!p1 .LBB2_10-.Ltmp6, $4  }
0x1d0: {  	[smem:s0] =	sst s30;
	s31 =	spop (v2sf)  }
0x1d1: {  	[smem:s0+$0x1] =	sst s31  }
0x1d2: {  	s6 =	simm.s32 $0x3E;
	p0 =	por $0x0, $0x0;
	s5 =	sld [smem:$0x3F]  }
0x1d3: {  	s1 =	simm.s32 $0x3F;
	s0 =	simm.s32 $0xFFFFFFFF;
	[dreg:$0x11] =	wrdreg s7  }
0x1d4: {  	p2 =	por $0x1, $0x1  }
.Ltmp7:
0x1d5: {  	_ = 	snop;
	(pc) =	sbr.rel @!p2 .LBB2_12-.Ltmp7, $4  }
0x1d6: {  	p0 =	por $0x1, $0x1;
	s9 =	simm.s32 $0x3D;
	s2 =	sadd.s32 $0x0, s5  }
0x1d7: {  	s8 =	simm.s32 $0xFFFFFFFF;
	s3 =	simm.s32 $0x0;
	p1 =	sgt.s32 s2, $0xFFF  }
0x1d8: {  	s4 =	simm.s32 $0x0;
	s10 =	simm.s32 $0x3E;
	p0 =	por !p0, !p1  }
0x1d9: {  	s5 =	sld [smem:$0x3E];
	p1 =	por !p0, !p0;
	p0 =	por $0x1, $0x1  }
.LBB2_13:
0x1da: {  	p2 =	sne.s32 s9, $0x0;
	s8 =	smov.u32 @p1 s1;
	s4 =	smov.u32 @p1 s3  }
0x1db: {  	s1 =	smov.u32 s6;
	s6 =	smov.u32 s9;
	s3 =	smov.u32 s2  }
.Ltmp8:
0x1dc: {  	s9 =	sadd.s32 $0xFFFFFFFF, s9;
	(pc) =	sbr.rel @p2 .LBB2_13-.Ltmp8, $4  }
0x1dd: {  	s2 =	sadd.s32 s2, s5  }
0x1de: {  	p1 =	slt.s32 s8, $0x0;
	p3 =	sgt.s32 s2, $0xFFF  }
0x1df: {  	s10 =	sadd.s32 $0xFFFFFFFF, s10;
	p1 =	por !p1, !p3  }
0x1e0: {  	s5 =	sld [smem:s10+$0x0];
	p1 =	por !p1, !p1  }
0x1e1: {  	s9 =	smov.u32 s1;
	s1 =	smov.u32 s6  }
.LBB2_15:
0x1e2: {  	p1 =	por !p1, !p0  }
0x1e3: {  	s9 =	smov.u32 @p1 s8  }
0x1e4: {  	s5 =	sadd.s32 s2, s5;
	s0 =	smov.u32 @p0 s9  }
0x1e5: {  	p3 =	sgt.s32 s5, $0xFFF;
	p2 =	slt.s32 s0, $0x0  }
0x1e6: {  	p2 =	por !p2, !p3  }
0x1e7: {  	p2 =	por !p2, !p2  }
0x1e8: {  	s0 =	smov.u32 @p2 s1  }
0x1e9: {  	s1 =	sshll.u32 s0, $0x4  }
0x1ea: {  	v5 =	vld [tilespmem:s1+$0x14000];
	_ =	sdelay $0x4  }
0x1eb: {  	(v2sf) =	vpush v5, $0xF;
	_ =	sdelay $0x1  }
0x1ec: {  	(v2sf) =	vpush v5, $0xE;
	_ =	sdelay $0x3  }
0x1ed: {  	(v2sf) =	vpush v5, $0xD;
	_ =	sdelay $0x2  }
0x1ee: {  	(v2sf) =	vpush v5, $0xC;
	_ =	sdelay $0x3  }
0x1ef: {  	s3 =	smov.u32 @p1 s4;
	(v2sf) =	vpush v5, $0xB  }
0x1f0: {  	s25 =	smov.u32 @p0 s3  }
0x1f1: {  	s25 =	smov.u32 @p2 s2;
	s5 =	spop (v2sf)  }
0x1f2: {  	s3 =	sadd.s32 s25, s5  }
0x1f3: {  	s30 =	sshllo.u32 s0, $0x4;
	s6 =	spop (v2sf);
	p0 =	sgt.s32 s3, $0xFFF  }
0x1f4: {  	(v2sf) =	vpush v5, $0xA;
	s21 =	sadd.s32 s6, s3;
	s2 =	simm.s32 @!p0 $0x0;
	s30 =	simm.s32 @!p0 $0xFFFFFFFF  }
0x1f5: {  	p6 =	sgt.s32 s21, $0xFFF;
	s2 =	simm.s32 @p0 $0x1;
	p0 =	slt.s32 s30, $0x0  }
0x1f6: {  	p0 =	por !p6, !p0  }
0x1f7: {  	s0 =	sor.u32 $0xE, s1;
	s7 =	spop (v2sf);
	(v2sf) =	vpush v5, $0x9;
	p0 =	por !p0, !p0  }
0x1f8: {  	s22 =	sadd.s32 s7, s21;
	s4 =	simm.s32 @!p0 $0x0;
	s30 =	smov.u32 @p0 s0  }
0x1f9: {  	p2 =	sgt.s32 s22, $0xFFF;
	s4 =	simm.s32 @p0 $0x1;
	p0 =	slt.s32 s30, $0x0  }
0x1fa: {  	s8 =	spop (v2sf);
	p0 =	por !p2, !p0  }
0x1fb: {  	s7 =	sadd.s32 s8, s22;
	s0 =	sor.u32 $0xD, s1;
	p0 =	por !p0, !p0  }
0x1fc: {  	(v2sf) =	vpush v5, $0x8;
	[smem:$0x7F4] =	sst s4;
	s4 =	simm.s32 @!p0 $0x0;
	s30 =	smov.u32 @p0 s0  }
0x1fd: {  	p3 =	sgt.s32 s7, $0xFFF;
	s4 =	simm.s32 @p0 $0x1;
	p0 =	slt.s32 s30, $0x0  }
0x1fe: {  	s9 =	spop (v2sf);
	p0 =	por !p3, !p0  }
0x1ff: {  	(v2sf) =	vpush v5, $0x7;
	s29 =	sadd.s32 s9, s7;
	s0 =	sor.u32 $0xC, s1;
	p0 =	por !p0, !p0  }
0x200: {  	[smem:$0x7F5] =	sst s4;
	s4 =	simm.s32 @!p0 $0x0;
	s30 =	smov.u32 @p0 s0  }
0x201: {  	p4 =	sgt.s32 s29, $0xFFF;
	s4 =	simm.s32 @p0 $0x1;
	p0 =	slt.s32 s30, $0x0  }
0x202: {  	s0 =	sor.u32 $0xB, s1;
	p0 =	por !p4, !p0  }
0x203: {  	(v2sf) =	vpush v5, $0x6;
	s10 =	spop (v2sf);
	[smem:$0x7F6] =	sst s4;
	p0 =	por !p0, !p0  }
0x204: {  	s31 =	sadd.s32 s10, s29;
	s4 =	simm.s32 @!p0 $0x0;
	s30 =	smov.u32 @p0 s0  }
0x205: {  	p5 =	sgt.s32 s31, $0xFFF;
	s4 =	simm.s32 @p0 $0x1;
	p0 =	slt.s32 s30, $0x0  }
0x206: {  	s11 =	spop (v2sf);
	p0 =	por !p5, !p0  }
0x207: {  	(v2sf) =	vpush v5, $0x5;
	s0 =	sor.u32 $0xA, s1;
	[smem:$0x7F7] =	sst s4;
	p0 =	por !p0, !p0  }
0x208: {  	s4 =	simm.s32 @!p0 $0x0;
	s30 =	smov.u32 @p0 s0;
	s0 =	sadd.s32 s11, s31  }
0x209: {  	s4 =	simm.s32 @p0 $0x1;
	p0 =	slt.s32 s30, $0x0;
	p6 =	sgt.s32 s0, $0xFFF  }
0x20a: {  	[smem:$0x7F3] =	sst s2;
	p0 =	por !p6, !p0  }
0x20b: {  	s2 =	sor.u32 $0x9, s1;
	(v2sf) =	vpush v5, $0x4;
	s12 =	spop (v2sf);
	p0 =	por !p0, !p0  }
0x20c: {  	s5 =	simm.s32 @!p0 $0x0;
	s30 =	smov.u32 @p0 s2;
	s2 =	sadd.s32 s12, s0  }
0x20d: {  	s5 =	simm.s32 @p0 $0x1;
	p0 =	slt.s32 s30, $0x0;
	p2 =	sgt.s32 s2, $0xFFF  }
0x20e: {  	s13 =	spop (v2sf);
	p0 =	por !p2, !p0  }
0x20f: {  	[smem:$0x7F8] =	sst s4;
	s4 =	sor.u32 $0x8, s1;
	p0 =	por !p0, !p0  }
0x210: {  	(v2sf) =	vpush v5, $0x3;
	s6 =	simm.s32 @!p0 $0x0;
	s30 =	smov.u32 @p0 s4;
	s4 =	sadd.s32 s13, s2  }
0x211: {  	s6 =	simm.s32 @p0 $0x1;
	p0 =	slt.s32 s30, $0x0;
	p3 =	sgt.s32 s4, $0xFFF  }
0x212: {  	s14 =	spop (v2sf);
	[smem:$0x7F9] =	sst s5;
	p0 =	por !p3, !p0  }
0x213: {  	s5 =	sor.u32 $0x7, s1;
	[smem:$0x7FA] =	sst s6;
	p0 =	por !p0, !p0  }
0x214: {  	(v2sf) =	vpush v5, $0x2;
	s6 =	sadd.s32 s14, s4;
	s8 =	simm.s32 @!p0 $0x0;
	s30 =	smov.u32 @p0 s5  }
0x215: {  	p4 =	sgt.s32 s6, $0xFFF;
	s8 =	simm.s32 @p0 $0x1;
	p0 =	slt.s32 s30, $0x0  }
0x216: {  	s15 =	spop (v2sf);
	p0 =	por !p4, !p0  }
0x217: {  	s5 =	sor.u32 $0x6, s1;
	[smem:$0x7FB] =	sst s8;
	p0 =	por !p0, !p0  }
0x218: {  	(v2sf) =	vpush v5, $0x1;
	s8 =	sadd.s32 s15, s6;
	s9 =	simm.s32 @!p0 $0x0;
	s30 =	smov.u32 @p0 s5  }
0x219: {  	p5 =	sgt.s32 s8, $0xFFF;
	s9 =	simm.s32 @p0 $0x1;
	p0 =	slt.s32 s30, $0x0  }
0x21a: {  	s16 =	spop (v2sf);
	p0 =	por !p5, !p0  }
0x21b: {  	s5 =	sor.u32 $0x5, s1;
	[smem:$0x7FC] =	sst s9;
	p0 =	por !p0, !p0  }
0x21c: {  	(v2sf) =	vpush v5, $0x0;
	s9 =	sadd.s32 s16, s8;
	s10 =	simm.s32 @!p0 $0x0;
	s30 =	smov.u32 @p0 s5  }
0x21d: {  	p6 =	sgt.s32 s9, $0xFFF;
	s10 =	simm.s32 @p0 $0x1;
	p0 =	slt.s32 s30, $0x0  }
0x21e: {  	p0 =	por !p6, !p0  }
0x21f: {  	s17 =	spop (v2sf);
	s5 =	sor.u32 $0x4, s1;
	p6 =	por !p0, !p0  }
0x220: {  	[smem:$0x7FD] =	sst s10;
	s10 =	sadd.s32 s17, s9;
	s30 =	smov.u32 @p6 s5  }
0x221: {  	p3 =	sgt.s32 s10, $0xFFF;
	p2 =	slt.s32 s30, $0x0  }
0x222: {  	p0 =	por !p3, !p2  }
0x223: {  	s11 =	spop (v2sf);
	s5 =	sor.u32 $0x3, s1;
	p1 =	por !p0, !p0  }
0x224: {  	s11 =	sadd.s32 s11, s10;
	s30 =	smov.u32 @p1 s5  }
0x225: {  	p5 =	sgt.s32 s11, $0xFFF;
	p4 =	slt.s32 s30, $0x0  }
0x226: {  	s18 =	simm.s32 $0x40;
	p0 =	por !p5, !p4  }
0x227: {  	s12 =	spop (v2sf);
	v6 =	vld [tilespmem:s18+$0x30];
	s5 =	sor.u32 $0x2, s1;
	p2 =	por !p0, !p0  }
0x228: {  	v8 =	vld [tilespmem:s18+$0x20];
	s12 =	sadd.s32 s12, s11;
	s30 =	smov.u32 @p2 s5  }
0x229: {  	v10 =	vld [tilespmem:s18+$0x10];
	p4 =	sgt.s32 s12, $0xFFF;
	p3 =	slt.s32 s30, $0x0  }
0x22a: {  	v12 =	vld [tilespmem:s18+$0x0];
	p0 =	por !p4, !p3  }
0x22b: {  	s13 =	sor.u32 $0x1, s1;
	s14 =	spop (v2sf);
	v26 =	vld [tilespmem:s18+$0xFFFFFFC0];
	p3 =	por !p0, !p0  }
0x22c: {  	v13 =	vld [tilespmem:s18+$0xFFFFFFF0];
	s20 =	sadd.s32 s14, s12;
	s30 =	smov.u32 @p3 s13  }
0x22d: {  	v16 =	vld [tilespmem:s18+$0xFFFFFFD0];
	p4 =	sgt.s32 s20, $0xFFF;
	p5 =	slt.s32 s30, $0x0  }
0x22e: {  	v15 =	vld [tilespmem:s18+$0xFFFFFFE0];
	p0 =	por !p4, !p5  }
0x22f: {  	v18 =	vshrl.u32 v6, $0x15;
	p4 =	por !p0, !p0  }
0x230: {  	v7 =	vshrl.u32 v26, $0x15;
	v14 =	vshrl.u32 v10, $0x15;
	v17 =	vshrl.u32 v8, $0x15;
	s30 =	smov.u32 @p4 s1  }
0x231: {  	v11 =	vshrl.u32 v12, $0x15;
	v20 =	vshrl.u32 v13, $0x15;
	v5 =	vmov s30  }
0x232: {  	vm0 =	veq.s32 v7, v5;
	v7 =	vshrl.u32 v16, $0x15;
	vm3 =	veq.s32 v20, v5  }
0x233: {  	s26 =	simm.s32 $0xC0;
	v9 =	vmpcnt.ones.xlane vm0;
	vm1 =	veq.s32 v7, v5;
	v7 =	vshrl.u32 v15, $0x15  }
0x234: {  	vm6 =	veq.s32 v11, v5;
	v11 =	vld [tilespmem:s26+$0x10];
	v19 =	vmpcnt.ones.xlane vm1;
	vm2 =	veq.s32 v7, v5  }
0x235: {  	vm7 =	veq.s32 v14, v5;
	v14 =	vld [tilespmem:s26+$0x0];
	v21 =	vmpcnt.ones.xlane vm2;
	(v2sf) =	vpush v9, $0x0  }
0x236: {  	vm4 =	veq.s32 v17, v5;
	v17 =	vld [tilespmem:s26+$0xFFFFFFC0];
	v20 =	vmpcnt.ones.xlane vm3;
	(v2sf) =	vpush v19, $0x0  }
0x237: {  	vm8 =	veq.s32 v18, v5;
	v18 =	vld [tilespmem:s26+$0xFFFFFFD0];
	v19 =	vmpcnt.ones.xlane vm6;
	(v2sf) =	vpush v21, $0x0  }
0x238: {  	v22 =	vmpcnt.ones.xlane vm8;
	v7 =	vld [tilespmem:s26+$0x30];
	v21 =	vmpcnt.ones.xlane vm7;
	(v2sf) =	vpush v20, $0x0  }
0x239: {  	vm0 =	vmmov vm0;
	v9 =	vld [tilespmem:s26+$0x20];
	v20 =	vmpcnt.ones.xlane vm4;
	(v2sf) =	vpush v19, $0x0  }
0x23a: {  	vm5 =	vmmov vm3;
	vm9 =	vmmov vm1;
	v19 =	vld [tilespmem:s26+$0xFFFFFFE0];
	(v2sf) =	vpush v21, $0x0  }
0x23b: {  	vm10 =	vmmov vm2;
	vm6 =	vmmov vm6;
	(v2sf) =	vpush v20, $0x0;
	v20 =	vld [tilespmem:s26+$0xFFFFFFF0]  }
0x23c: {  	vm7 =	vmmov vm7;
	v24 =	vshrl.u32 v17, $0x15;
	(v2sf) =	vpush v22, $0x0  }
0x23d: {  	v23 =	vshrl.u32 v11, $0x15;
	v27 =	vshrl.u32 v18, $0x15;
	vm13 =	veq.s32 v24, v5  }
0x23e: {  	s13 =	simm.s32 $0x0;
	v24 =	vshrl.u32 v14, $0x15;
	vm12 =	veq.s32 v27, v5;
	v25 =	vmpcnt.ones.xlane vm13  }
0x23f: {  	[tilespmem:s13+$0x14400] =	vst.msk vm0, v26;
	v26 =	vmpcnt.ones.xlane vm12;
	v21 =	vshrl.u32 v7, $0x15;
	v27 =	vshrl.u32 v19, $0x15  }
0x240: {  	s5 =	simm.s32 $0x140;
	s1 =	simm.s32 $0x8;
	v22 =	vshrl.u32 v9, $0x15;
	vm11 =	veq.s32 v27, v5;
	v27 =	vshrl.u32 v20, $0x15  }
.LBB2_16:
0x241: {  	v29 =	vmpcnt.ones.xlane vm11;
	vm3 =	veq.s32 v27, v5;
	(v2sf) =	vpush v25, $0x0  }
0x242: {  	v28 =	vld [tilespmem:s5+$0x30];
	vm0 =	vmmov vm4;
	vm15 =	vmmov vm8;
	vm14 =	vmmov vm13  }
0x243: {  	vm2 =	veq.s32 v24, v5;
	v25 =	vld [tilespmem:s5+$0x20];
	v27 =	vmpcnt.ones.xlane vm3;
	(v2sf) =	vpush v26, $0x0  }
0x244: {  	vm1 =	veq.s32 v23, v5;
	v26 =	vmpcnt.ones.xlane vm2;
	v24 =	vld [tilespmem:s5+$0x10];
	(v2sf) =	vpush v29, $0x0;
	s14 =	spop (v2sf)  }
0x245: {  	vm4 =	veq.s32 v22, v5;
	v29 =	vmpcnt.ones.xlane vm1;
	v23 =	vld [tilespmem:s5+$0x0];
	(v2sf) =	vpush v27, $0x0;
	s13 =	sadd.s32 s13, s14;
	s14 =	spop (v2sf)  }
0x246: {  	s1 =	sadd.s32 $0x8, s1;
	vm8 =	veq.s32 v21, v5;
	v22 =	vmpcnt.ones.xlane vm4;
	v27 =	vld [tilespmem:s5+$0xFFFFFFC0];
	(v2sf) =	vpush v26, $0x0;
	[tilespmem:s13+$0x14400] =	vst.msk vm9, v16;
	s13 =	sadd.s32 s13, s14;
	s14 =	spop (v2sf);
	v16 =	vmovc v18  }
0x247: {  	p0 =	slt.u32 s1, $0x3F8;
	v21 =	vmpcnt.ones.xlane vm8;
	vm9 =	vmmov vm12;
	v18 =	vld [tilespmem:s5+$0xFFFFFFD0];
	(v2sf) =	vpush v29, $0x0;
	[tilespmem:s13+$0x14400] =	vst.msk vm10, v15;
	s13 =	sadd.s32 s13, s14;
	s14 =	spop (v2sf);
	v15 =	vmovc v19  }
0x248: {  	vm10 =	vmmov vm11;
	v19 =	vld [tilespmem:s5+$0xFFFFFFE0];
	(v2sf) =	vpush v22, $0x0;
	[tilespmem:s13+$0x14400] =	vst.msk vm5, v13;
	s13 =	sadd.s32 s13, s14;
	s14 =	spop (v2sf);
	v13 =	vmovc v20;
	vm5 =	vmmov vm3  }
0x249: {  	v20 =	vld [tilespmem:s5+$0xFFFFFFF0];
	(v2sf) =	vpush v21, $0x0;
	[tilespmem:s13+$0x14400] =	vst.msk vm6, v12;
	s13 =	sadd.s32 s13, s14;
	s14 =	spop (v2sf);
	v12 =	vmov v14;
	vm6 =	vmmov vm2  }
.Ltmp9:
0x24a: {  	v21 =	vshrl.u32 v28, $0x15;
	[tilespmem:s13+$0x14400] =	vst.msk vm7, v10;
	s13 =	sadd.s32 s13, s14;
	s14 =	spop (v2sf);
	v10 =	vmovc v11;
	v11 =	vmovc v24;
	v14 =	vmov v23;
	vm7 =	vmmov vm1;
	(pc) =	sbr.rel @p0 .LBB2_16-.Ltmp9, $4  }
0x24b: {  	v22 =	vshrl.u32 v25, $0x15;
	v24 =	vshrl.u32 v27, $0x15;
	v23 =	vshrl.u32 v11, $0x15;
	[tilespmem:s13+$0x14400] =	vst.msk vm0, v8;
	s13 =	sadd.s32 s13, s14;
	s14 =	spop (v2sf);
	v8 =	vmovc v9;
	v9 =	vmovc v25  }
0x24c: {  	vm13 =	veq.s32 v24, v5;
	v26 =	vshrl.u32 v18, $0x15;
	v24 =	vshrl.u32 v14, $0x15;
	[tilespmem:s13+$0x14400] =	vst.msk vm15, v6;
	s13 =	sadd.s32 s13, s14;
	v6 =	vmovc v7;
	v7 =	vmovc v28  }
0x24d: {  	v25 =	vmpcnt.ones.xlane vm13;
	vm12 =	veq.s32 v26, v5;
	v28 =	vshrl.u32 v19, $0x15;
	[tilespmem:s13+$0x14400] =	vst.msk vm14, v17;
	v17 =	vmovc v27  }
0x24e: {  	s5 =	sadd.s32 $0x80, s5;
	v26 =	vmpcnt.ones.xlane vm12;
	vm11 =	veq.s32 v28, v5;
	v27 =	vshrl.u32 v20, $0x15  }
0x24f: {  	v28 =	vmpcnt.ones.xlane vm11;
	vm15 =	veq.s32 v27, v5;
	(v2sf) =	vpush v25, $0x0  }
0x250: {  	vm14 =	veq.s32 v24, v5;
	v25 =	vmpcnt.ones.xlane vm15;
	(v2sf) =	vpush v26, $0x0  }
0x251: {  	vm2 =	veq.s32 v23, v5;
	v24 =	vmpcnt.ones.xlane vm14;
	(v2sf) =	vpush v28, $0x0  }
0x252: {  	vm1 =	veq.s32 v22, v5;
	v23 =	vmpcnt.ones.xlane vm2;
	(v2sf) =	vpush v25, $0x0  }
0x253: {  	vm0 =	veq.s32 v21, v5;
	v22 =	vmpcnt.ones.xlane vm1;
	(v2sf) =	vpush v24, $0x0  }
0x254: {  	v21 =	vmpcnt.ones.xlane vm0;
	(v2sf) =	vpush v23, $0x0  }
0x255: {  	(v2sf) =	vpush v22, $0x0  }
0x256: {  	s1 =	spop (v2sf);
	(v2sf) =	vpush v21, $0x0  }
0x257: {  	s1 =	sadd.s32 s13, s1;
	s5 =	spop (v2sf)  }
0x258: {  	[tilespmem:s1+$0x14400] =	vst.msk vm9, v16;
	s20 =	spop (v2sf);
	s1 =	sadd.s32 s1, s5  }
0x259: {  	s26 =	spop (v2sf);
	[tilespmem:s1+$0x14400] =	vst.msk vm10, v15;
	s1 =	sadd.s32 s1, s20  }
0x25a: {  	s14 =	spop (v2sf);
	[tilespmem:s1+$0x14400] =	vst.msk vm5, v13;
	s1 =	sadd.s32 s1, s26  }
0x25b: {  	[tilespmem:s1+$0x14400] =	vst.msk vm6, v12;
	s1 =	sadd.s32 s1, s14;
	s15 =	spop (v2sf)  }
0x25c: {  	vm3 =	vmmov vm4;
	[tilespmem:s1+$0x14400] =	vst.msk vm7, v10;
	s1 =	sadd.s32 s1, s15;
	s16 =	spop (v2sf)  }
0x25d: {  	vm4 =	vmmov vm8;
	[tilespmem:s1+$0x14400] =	vst.msk vm3, v8;
	s1 =	sadd.s32 s1, s16;
	s17 =	spop (v2sf)  }
0x25e: {  	vm3 =	vmmov vm13;
	[tilespmem:s1+$0x14400] =	vst.msk vm4, v6;
	s1 =	sadd.s32 s1, s17;
	s18 =	spop (v2sf)  }
0x25f: {  	vm4 =	vmmov vm12;
	[tilespmem:s1+$0x14400] =	vst.msk vm3, v17;
	s1 =	sadd.s32 s1, s18;
	s20 =	spop (v2sf)  }
0x260: {  	vm3 =	vmmov vm11;
	[tilespmem:s1+$0x14400] =	vst.msk vm4, v18;
	s1 =	sadd.s32 s1, s20;
	s26 =	spop (v2sf)  }
0x261: {  	vm4 =	vmmov vm15;
	[tilespmem:s1+$0x14400] =	vst.msk vm3, v19;
	s1 =	sadd.s32 s1, s26;
	s13 =	spop (v2sf)  }
0x262: {  	vm3 =	vmmov vm14;
	[tilespmem:s1+$0x14400] =	vst.msk vm4, v20;
	s1 =	sadd.s32 s1, s13;
	s14 =	spop (v2sf)  }
0x263: {  	vm2 =	vmmov vm2;
	[tilespmem:s1+$0x14400] =	vst.msk vm3, v14;
	s1 =	sadd.s32 s1, s14;
	s15 =	spop (v2sf)  }
0x264: {  	vm1 =	vmmov vm1;
	[tilespmem:s1+$0x14400] =	vst.msk vm2, v11;
	s1 =	sadd.s32 s1, s15;
	s16 =	spop (v2sf)  }
0x265: {  	vm0 =	vmmov vm0;
	[tilespmem:s1+$0x14400] =	vst.msk vm1, v9;
	s1 =	sadd.s32 s1, s16;
	s17 =	spop (v2sf)  }
0x266: {  	[tilespmem:s1+$0x14400] =	vst.msk vm0, v7;
	s26 =	sadd.s32 s1, s17  }
0x267: {  	s18 =	simm.s32 $0x4070;
	[tilespmem:s26+$0x14400] =	vst v3  }
0x268: {  	v9 =	vld [tilespmem:s18+$0x0]  }
0x269: {  	v10 =	vld [tilespmem:s18+$0xFFFFFFF0]  }
0x26a: {  	v11 =	vld [tilespmem:s18+$0xFFFFFFE0]  }
0x26b: {  	v13 =	vld [tilespmem:s18+$0xFFFFFFD0]  }
0x26c: {  	v26 =	vld [tilespmem:s18+$0xFFFFFF90]  }
0x26d: {  	v14 =	vld [tilespmem:s18+$0xFFFFFFC0]  }
0x26e: {  	v16 =	vld [tilespmem:s18+$0xFFFFFFA0]  }
0x26f: {  	v15 =	vld [tilespmem:s18+$0xFFFFFFB0];
	_ =	sdelay $0x1  }
0x270: {  	v18 =	vshrl.u32 v9, $0x15;
	v6 =	vshrl.u32 v26, $0x15;
	v12 =	vshrl.u32 v11, $0x15  }
0x271: {  	v17 =	vshrl.u32 v10, $0x15;
	v8 =	vshrl.u32 v13, $0x15;
	v20 =	vshrl.u32 v14, $0x15  }
0x272: {  	vm0 =	veq.s32 v6, v5;
	v6 =	vshrl.u32 v16, $0x15;
	vm3 =	veq.s32 v20, v5  }
0x273: {  	s20 =	simm.s32 $0x40F0;
	v7 =	vmpcnt.ones.xlane vm0;
	vm1 =	veq.s32 v6, v5;
	v6 =	vshrl.u32 v15, $0x15  }
0x274: {  	vm7 =	veq.s32 v8, v5;
	v8 =	vld [tilespmem:s20+$0xFFFFFFE0];
	v19 =	vmpcnt.ones.xlane vm1;
	vm2 =	veq.s32 v6, v5  }
0x275: {  	vm8 =	veq.s32 v12, v5;
	v12 =	vld [tilespmem:s20+$0xFFFFFFD0];
	v21 =	vmpcnt.ones.xlane vm2;
	(v2sf) =	vpush v7, $0x0  }
0x276: {  	vm4 =	veq.s32 v17, v5;
	v17 =	vld [tilespmem:s20+$0xFFFFFF90];
	v20 =	vmpcnt.ones.xlane vm3;
	(v2sf) =	vpush v19, $0x0  }
0x277: {  	vm6 =	veq.s32 v18, v5;
	v18 =	vld [tilespmem:s20+$0xFFFFFFA0];
	v19 =	vmpcnt.ones.xlane vm7;
	(v2sf) =	vpush v21, $0x0  }
0x278: {  	v22 =	vmpcnt.ones.xlane vm6;
	v6 =	vld [tilespmem:s20+$0x0];
	v21 =	vmpcnt.ones.xlane vm8;
	(v2sf) =	vpush v20, $0x0  }
0x279: {  	vm0 =	vmmov vm0;
	v7 =	vld [tilespmem:s20+$0xFFFFFFF0];
	v20 =	vmpcnt.ones.xlane vm4;
	(v2sf) =	vpush v19, $0x0  }
0x27a: {  	vm5 =	vmmov vm3;
	vm9 =	vmmov vm1;
	v19 =	vld [tilespmem:s20+$0xFFFFFFB0];
	(v2sf) =	vpush v21, $0x0  }
0x27b: {  	vm10 =	vmmov vm2;
	vm7 =	vmmov vm7;
	(v2sf) =	vpush v20, $0x0;
	v20 =	vld [tilespmem:s20+$0xFFFFFFC0]  }
0x27c: {  	vm8 =	vmmov vm8;
	v24 =	vshrl.u32 v17, $0x15;
	(v2sf) =	vpush v22, $0x0  }
0x27d: {  	v23 =	vshrl.u32 v8, $0x15;
	v27 =	vshrl.u32 v18, $0x15;
	vm13 =	veq.s32 v24, v5  }
0x27e: {  	s13 =	simm.s32 $0x4010;
	v24 =	vshrl.u32 v12, $0x15;
	vm12 =	veq.s32 v27, v5;
	v25 =	vmpcnt.ones.xlane vm13  }
0x27f: {  	[tilespmem:s13+$0x14400] =	vst.msk vm0, v26;
	v26 =	vmpcnt.ones.xlane vm12;
	v21 =	vshrl.u32 v6, $0x15;
	v27 =	vshrl.u32 v19, $0x15  }
0x280: {  	s5 =	simm.s32 $0x4170;
	s1 =	simm.s32 $0x408;
	v22 =	vshrl.u32 v7, $0x15;
	vm11 =	veq.s32 v27, v5;
	v27 =	vshrl.u32 v20, $0x15  }
.LBB2_18:
0x281: {  	v29 =	vmpcnt.ones.xlane vm11;
	vm3 =	veq.s32 v27, v5;
	(v2sf) =	vpush v25, $0x0  }
0x282: {  	v28 =	vld [tilespmem:s5+$0x0];
	vm0 =	vmmov vm4;
	vm15 =	vmmov vm6;
	vm14 =	vmmov vm13  }
0x283: {  	vm2 =	veq.s32 v24, v5;
	v25 =	vld [tilespmem:s5+$0xFFFFFFF0];
	v27 =	vmpcnt.ones.xlane vm3;
	(v2sf) =	vpush v26, $0x0  }
0x284: {  	vm1 =	veq.s32 v23, v5;
	v26 =	vmpcnt.ones.xlane vm2;
	v24 =	vld [tilespmem:s5+$0xFFFFFFE0];
	(v2sf) =	vpush v29, $0x0;
	s14 =	spop (v2sf)  }
0x285: {  	vm4 =	veq.s32 v22, v5;
	v29 =	vmpcnt.ones.xlane vm1;
	v23 =	vld [tilespmem:s5+$0xFFFFFFD0];
	(v2sf) =	vpush v27, $0x0;
	s13 =	sadd.s32 s13, s14;
	s14 =	spop (v2sf)  }
0x286: {  	s1 =	sadd.s32 $0x8, s1;
	vm6 =	veq.s32 v21, v5;
	v22 =	vmpcnt.ones.xlane vm4;
	v27 =	vld [tilespmem:s5+$0xFFFFFF90];
	(v2sf) =	vpush v26, $0x0;
	[tilespmem:s13+$0x14400] =	vst.msk vm9, v16;
	s13 =	sadd.s32 s13, s14;
	s14 =	spop (v2sf);
	v16 =	vmovc v18  }
0x287: {  	p0 =	slt.u32 s1, $0x7F8;
	v21 =	vmpcnt.ones.xlane vm6;
	vm9 =	vmmov vm12;
	v18 =	vld [tilespmem:s5+$0xFFFFFFA0];
	(v2sf) =	vpush v29, $0x0;
	[tilespmem:s13+$0x14400] =	vst.msk vm10, v15;
	s13 =	sadd.s32 s13, s14;
	s14 =	spop (v2sf);
	v15 =	vmovc v19  }
0x288: {  	vm10 =	vmmov vm11;
	v19 =	vld [tilespmem:s5+$0xFFFFFFB0];
	(v2sf) =	vpush v22, $0x0;
	[tilespmem:s13+$0x14400] =	vst.msk vm5, v14;
	s13 =	sadd.s32 s13, s14;
	s14 =	spop (v2sf);
	v14 =	vmovc v20;
	vm5 =	vmmov vm3  }
0x289: {  	v20 =	vld [tilespmem:s5+$0xFFFFFFC0];
	(v2sf) =	vpush v21, $0x0;
	[tilespmem:s13+$0x14400] =	vst.msk vm7, v13;
	s13 =	sadd.s32 s13, s14;
	s14 =	spop (v2sf);
	v13 =	vmov v12;
	vm7 =	vmmov vm2  }
.Ltmp10:
0x28a: {  	v21 =	vshrl.u32 v28, $0x15;
	[tilespmem:s13+$0x14400] =	vst.msk vm8, v11;
	s13 =	sadd.s32 s13, s14;
	s14 =	spop (v2sf);
	v11 =	vmovc v8;
	v8 =	vmovc v24;
	v12 =	vmov v23;
	vm8 =	vmmov vm1;
	(pc) =	sbr.rel @p0 .LBB2_18-.Ltmp10, $4  }
0x28b: {  	v22 =	vshrl.u32 v25, $0x15;
	v24 =	vshrl.u32 v27, $0x15;
	v23 =	vshrl.u32 v8, $0x15;
	[tilespmem:s13+$0x14400] =	vst.msk vm0, v10;
	s13 =	sadd.s32 s13, s14;
	s14 =	spop (v2sf);
	v10 =	vmovc v7;
	v7 =	vmovc v25  }
0x28c: {  	vm13 =	veq.s32 v24, v5;
	v26 =	vshrl.u32 v18, $0x15;
	v24 =	vshrl.u32 v12, $0x15;
	[tilespmem:s13+$0x14400] =	vst.msk vm15, v9;
	s13 =	sadd.s32 s13, s14;
	v9 =	vmovc v6;
	v6 =	vmovc v28  }
0x28d: {  	v25 =	vmpcnt.ones.xlane vm13;
	vm12 =	veq.s32 v26, v5;
	v28 =	vshrl.u32 v19, $0x15;
	[tilespmem:s13+$0x14400] =	vst.msk vm14, v17;
	v17 =	vmovc v27  }
0x28e: {  	s5 =	sadd.s32 $0x80, s5;
	v26 =	vmpcnt.ones.xlane vm12;
	vm11 =	veq.s32 v28, v5;
	v27 =	vshrl.u32 v20, $0x15  }
0x28f: {  	(v2sf) =	vpush v25, $0x0;
	_ =	sdelay $0x1  }
0x290: {  	(v2sf) =	vpush v26, $0x0  }
0x291: {  	v28 =	vmpcnt.ones.xlane vm11;
	vm2 =	veq.s32 v27, v5  }
0x292: {  	vm1 =	veq.s32 v24, v5;
	v63 =	vmpcnt.ones.xlane vm2  }
0x293: {  	v24 =	vmpcnt.ones.xlane vm1;
	(v2sf) =	vpush v28, $0x0  }
0x294: {  	(v2sf) =	vpush v63, $0x0  }
0x295: {  	s1 =	spop (v2sf);
	(v2sf) =	vpush v24, $0x0  }
0x296: {  	vm15 =	veq.s32 v23, v5;
	s1 =	sadd.s32 s13, s1;
	s5 =	spop (v2sf)  }
0x297: {  	vm14 =	veq.s32 v22, v5;
	v23 =	vmpcnt.ones.xlane vm15;
	s5 =	sadd.s32 s1, s5;
	s17 =	spop (v2sf)  }
0x298: {  	vm0 =	veq.s32 v21, v5;
	v22 =	vmpcnt.ones.xlane vm14;
	s13 =	sadd.s32 s5, s17;
	s14 =	spop (v2sf)  }
0x299: {  	v21 =	vmpcnt.ones.xlane vm0;
	(v2sf) =	vpush v23, $0x0;
	s15 =	spop (v2sf);
	s14 =	sadd.s32 s13, s14  }
0x29a: {  	[tilespmem:s1+$0x14400] =	vst.msk vm9, v16;
	(v2sf) =	vpush v22, $0x0;
	s1 =	sadd.s32 s14, s15;
	s18 =	spop (v2sf)  }
0x29b: {  	[tilespmem:s5+$0x14400] =	vst.msk vm10, v15;
	(v2sf) =	vpush v21, $0x0;
	s5 =	sadd.s32 s1, s18;
	s20 =	spop (v2sf)  }
0x29c: {  	[tilespmem:s13+$0x14400] =	vst.msk vm5, v14;
	s13 =	sadd.s32 s5, s20;
	s16 =	spop (v2sf)  }
0x29d: {  	[tilespmem:s14+$0x14400] =	vst.msk vm7, v13;
	s14 =	sadd.s32 s13, s16;
	s16 =	sadd.s32 $0xF, s26;
	s17 =	spop (v2sf)  }
0x29e: {  	vm3 =	vmmov vm4;
	[tilespmem:s1+$0x14400] =	vst.msk vm8, v11;
	s26 =	sshra.s32 s16, $0x1F;
	s1 =	sadd.s32 s14, s17;
	s17 =	sand.u32 $0xF, s16  }
0x29f: {  	vm8 =	vmmov vm6;
	[tilespmem:s5+$0x14400] =	vst.msk vm3, v10;
	p5 =	slt.s32 s16, $0x1;
	s18 =	spop (v2sf);
	p0 =	sne.s32 s17, $0x0  }
0x2a0: {  	vm9 =	vmmov vm13;
	[tilespmem:s13+$0x14400] =	vst.msk vm8, v9;
	s13 =	sshrl.u32 s26, $0x1C;
	s5 =	sadd.s32 s1, s18;
	p0 =	por !p5, !p0  }
0x2a1: {  	vm10 =	vmmov vm12;
	[tilespmem:s14+$0x14400] =	vst.msk vm9, v17;
	s18 =	sadd.s32 s13, s16;
	s13 =	simm.s32 $0x1;
	p0 =	por !p0, !p0  }
0x2a2: {  	vm12 =	vmmov vm11;
	s20 =	spop (v2sf);
	[tilespmem:s1+$0x14400] =	vst.msk vm10, v18;
	s1 =	sshra.s32 s18, $0x4;
	s13 =	simm.s32 @!p0 $0x0  }
0x2a3: {  	vm2 =	vmmov vm2;
	s17 =	sadd.s32 s5, s20;
	[tilespmem:s5+$0x14400] =	vst.msk vm12, v19;
	s20 =	spop (v2sf);
	s5 =	ssub.s32 s1, s13  }
0x2a4: {  	vm1 =	vmmov vm1;
	[tilespmem:s17+$0x14400] =	vst.msk vm2, v20;
	s14 =	sadd.s32 s17, s20;
	s26 =	spop (v2sf);
	s17 =	sshrl.u32 s5, $0x1F  }
0x2a5: {  	[tilespmem:s14+$0x14400] =	vst.msk vm1, v12;
	s15 =	sadd.s32 s14, s26;
	s14 =	sadd.s32 s17, s5  }
0x2a6: {  	s26 =	sand.u32 $0xFFFFFFFE, s14  }
0x2a7: {  	p0 =	slt.s32 s26, $0x1  }
.Ltmp11:
0x2a8: {  	vm13 =	vmmov vm15;
	s16 =	spop (v2sf);
	(pc) =	sbr.rel @p0 .LBB2_25-.Ltmp11, $4  }
0x2a9: {  	vm15 =	vmmov vm14;
	[tilespmem:s15+$0x14400] =	vst.msk vm13, v8;
	s1 =	sadd.s32 s15, s16;
	s18 =	spop (v2sf)  }
0x2aa: {  	vm0 =	vmmov vm0;
	[tilespmem:s1+$0x14400] =	vst.msk vm15, v7;
	s1 =	sadd.s32 s1, s18;
	s20 =	spop (v2sf);
	s13 =	simm.s32 @!p0 $0x0  }
0x2ab: {  	[tilespmem:s1+$0x14400] =	vst.msk vm0, v6;
	s1 =	sadd.s32 s1, s20;
	s13 =	simm.s32 @p0 $0x1  }
0x2ac: {  	[tilespmem:s1+$0x14400] =	vst v3;
	[smem:$0x7F2] =	sst s13  }
0x2ad: {  	s13 =	simm.s32 $0x14410  }
0x2ae: {  	v7 =	vld [tilespmem:s13+$0x0]  }
0x2af: {  	p5 =	sgt.s32 s26, $0x2;
	v6 =	vld [tilespmem:s13+$0xFFFFFFF0]  }
.Ltmp12:
0x2b0: {  	_ = 	snop;
	(pc) =	sbr.rel @!p5 .LBB2_21-.Ltmp12, $3  }
0x2b1: {  	_ =	sdelay $0x1  }
0x2b2: {  	v9 =	vshrl.u32 v7, $0x15;
	v7 =	vshrl.u32 v7, $0xB  }
0x2b3: {  	p0 =	por $0x0, $0x0;
	s13 =	simm.s32 $0x14430;
	v8 =	vshrl.u32 v6, $0xB;
	vm0 =	veq.s32 v9, v5;
	v9 =	vand.u32 $0x3FF, v7  }
0x2b4: {  	v10 =	vld [tilespmem:s13+$0x0]  }
0x2b5: {  	v7 =	vshrl.u32 v6, $0x15;
	v9 =	vor.u32 v4, v9;
	v6 =	vld [tilespmem:s13+$0xFFFFFFF0];
	p5 =	sgt.s32 s26, $0x4  }
.Ltmp13:
0x2b6: {  	vm1 =	veq.s32 v7, v5;
	(pc) =	sbr.rel @!p5 .LBB2_24-.Ltmp13, $4  }
0x2b7: {  	v8 =	vand.u32 $0x3FF, v8;
	vm1 =	vmmov vm1  }
0x2b8: {  	v7 =	vor.u32 v4, v8  }
0x2b9: {  	v11 =	vshrl.u32 v10, $0x15;
	v10 =	vshrl.u32 v10, $0xB  }
0x2ba: {  	s13 =	simm.s32 $0x4;
	s14 =	simm.s32 $0x14450;
	p0 =	por $0x1, $0x1;
	[tilespmem:v9+s19+$0x0] =	vst.idx.add.s32.msk vm0, v2;
	v8 =	vshrl.u32 v6, $0xB;
	vm0 =	veq.s32 v11, v5;
	v9 =	vand.u32 $0x3FF, v10  }
.LBB2_23:
0x2bb: {  	v10 =	vld [tilespmem:s14+$0x0];
	s13 =	sadd.s32 $0x2, s13;
	v11 =	vshrl.u32 v6, $0x15;
	v8 =	vand.u32 $0x3FF, v8;
	v9 =	vor.u32 v4, v9  }
0x2bc: {  	v6 =	vld [tilespmem:s14+$0xFFFFFFF0];
	p5 =	slt.s32 s13, s26;
	vm2 =	veq.s32 v11, v5;
	v8 =	vor.u32 v4, v8  }
.Ltmp14:
0x2bd: {  	[tilespmem:v7+s19+$0x0] =	vst.idx.add.s32.msk vm1, v2;
	v7 =	vmov v8;
	vm1 =	vmmov vm2;
	(pc) =	sbr.rel @p5 .LBB2_23-.Ltmp14, $3  }
0x2be: {  	_ =	sdelay $0x1  }
0x2bf: {  	v11 =	vshrl.u32 v10, $0x15;
	v10 =	vshrl.u32 v10, $0xB;
	[tilespmem:v9+s19+$0x0] =	vst.idx.add.s32.msk vm0, v2  }
0x2c0: {  	s14 =	sadd.s32 $0x20, s14;
	v8 =	vshrl.u32 v6, $0xB;
	vm0 =	veq.s32 v11, v5;
	v9 =	vand.u32 $0x3FF, v10  }
.LBB2_24:
0x2c1: {  	v6 =	vshrl.u32 v6, $0x15  }
0x2c2: {  	vm2 =	veq.s32 v6, v5  }
0x2c3: {  	v63 =	vor.u32 v4, v9;
	v6 =	vand.u32 $0x3FF, v8;
	vm2 =	vmmov vm2  }
0x2c4: {  	v6 =	vor.u32 v4, v6;
	_ =	sdelay $0x2  }
0x2c5: {  	[tilespmem:v7+s19+$0x0] =	vst.idx.add.s32.msk @p0 vm1, v2  }
0x2c6: {  	[tilespmem:v63+s19+$0x0] =	vst.idx.add.s32.msk vm0, v2  }
0x2c7: {  	[tilespmem:v6+s19+$0x0] =	vst.idx.add.s32.msk vm2, v2  }
.LBB2_25:
0x2c8: {  	s13 =	sld [smem:$0x7F3]  }
0x2c9: {  	s17 =	sld [smem:$0x7F4]  }
0x2ca: {  	s18 =	sld [smem:$0x7F5]  }
0x2cb: {  	s20 =	sld [smem:$0x7F6];
	p0 =	seq.s32 s13, $0x1  }
0x2cc: {  	s25 =	simm.s32 @!p0 $0x0;
	p0 =	seq.s32 s17, $0x1  }
0x2cd: {  	s25 =	smov.u32 @p0 s3;
	p0 =	seq.s32 s18, $0x1  }
0x2ce: {  	s25 =	smov.u32 @p0 s21;
	p0 =	seq.s32 s20, $0x1  }
0x2cf: {  	s25 =	smov.u32 @p0 s22;
	s22 =	sld [smem:$0x7F7]  }
0x2d0: {  	s13 =	sld [smem:$0x7F8]  }
0x2d1: {  	s14 =	sld [smem:$0x7F9]  }
0x2d2: {  	s15 =	sld [smem:$0x7FA];
	p0 =	seq.s32 s22, $0x1  }
0x2d3: {  	s16 =	sld [smem:$0x7FB];
	s25 =	smov.u32 @p0 s7;
	p0 =	seq.s32 s13, $0x1  }
0x2d4: {  	s17 =	sld [smem:$0x7FC];
	s25 =	smov.u32 @p0 s29;
	p0 =	seq.s32 s14, $0x1  }
0x2d5: {  	s18 =	sld [smem:$0x7FD];
	s25 =	smov.u32 @p0 s31;
	p0 =	seq.s32 s15, $0x1  }
0x2d6: {  	s25 =	smov.u32 @p0 s0;
	p0 =	seq.s32 s16, $0x1  }
0x2d7: {  	s25 =	smov.u32 @p0 s2;
	p0 =	seq.s32 s17, $0x1  }
0x2d8: {  	s25 =	smov.u32 @p0 s4;
	p0 =	seq.s32 s18, $0x1  }
0x2d9: {  	s21 =	ssub.s32 s5, s26;
	s25 =	smov.u32 @p0 s6  }
0x2da: {  	s20 =	sadd.s32 $0xFFFFBFFF, s1;
	p5 =	slt.s32 s21, $0x1;
	s25 =	smov.u32 @p6 s8  }
0x2db: {  	s1 =	sand.u32 $0xF, s20;
	s3 =	sshll.u32 @!p5 s26, $0x6;
	s25 =	smov.u32 @p1 s9  }
0x2dc: {  	s21 =	sshra.s32 s20, $0x1F;
	s7 =	sshra.s32 @!p5 s3, $0x2;
	s25 =	smov.u32 @p2 s10  }
0x2dd: {  	p6 =	sne.s32 s1, $0x0;
	s25 =	smov.u32 @p3 s11;
	p3 =	slt.s32 s20, $0x1  }
0x2de: {  	s22 =	sshrl.u32 s21, $0x1C;
	v6 =	vld @!p5 [tilespmem:s7+$0x14400];
	p0 =	por !p3, !p6  }
0x2df: {  	s0 =	sadd.s32 s22, s20;
	s1 =	simm.s32 $0x1;
	p0 =	por !p0, !p0  }
0x2e0: {  	s0 =	sshra.s32 s0, $0x4;
	s1 =	simm.s32 @!p0 $0x0  }
0x2e1: {  	v7 =	vlaneseq.u32 @!p5;
	s0 =	ssub.s32 s0, s1;
	s1 =	simm.s32 @!p5 $0x0  }
0x2e2: {  	v7 =	vmul.u32 @!p5 $0x400, v7;
	s1 =	simm.s32 @p5 $0x1;
	s29 =	sshrl.u32 s0, $0x1F  }
0x2e3: {  	v8 =	vshrl.u32 @!p5 v6, $0x15;
	v6 =	vshrl.u32 @!p5 v6, $0xB;
	s25 =	smov.u32 @p4 s12;
	[smem:$0x7F1] =	sst s1;
	s1 =	sadd.s32 s29, s0  }
0x2e4: {  	v7 =	vor.u32 @!p5 $0x4000, v7;
	vm0 =	veq.s32 @!p5 v8, v5;
	v6 =	vand.u32 @!p5 $0x3FF, v6;
	s31 =	ssub.s32 $0x1000, s25;
	s25 =	sand.u32 $0xFFFFFFFE, s1  }
0x2e5: {  	v6 =	vor.u32 @!p5 v7, v6;
	p0 =	slt.s32 s25, $0x1  }
.Ltmp15:
0x2e6: {  	_ = 	snop;
	(pc) =	sbr.rel @p0 .LBB2_31-.Ltmp15, $4  }
0x2e7: {  	_ = 	snop  }
0x2e8: {  	s1 =	simm.s32 @!p0 $0x0  }
0x2e9: {  	s2 =	simm.s32 @!p5 $0x8000;
	v7 =	vimm.s32 @!p5 $0x1;
	s1 =	simm.s32 @p0 $0x1  }
0x2ea: {  	[tilespmem:v6+s2+$0x0] =	vst.idx.add.s32.msk @!p5 vm0, v7;
	[smem:$0x7F0] =	sst s1  }
0x2eb: {  	s1 =	simm.s32 $0x18420  }
0x2ec: {  	v7 =	vld [tilespmem:s1+$0x0]  }
0x2ed: {  	p1 =	sgt.s32 s25, $0x2;
	v6 =	vld [tilespmem:s1+$0xFFFFFFF0]  }
.Ltmp16:
0x2ee: {  	_ = 	snop;
	(pc) =	sbr.rel @!p1 .LBB2_27-.Ltmp16, $3  }
0x2ef: {  	_ =	sdelay $0x1  }
0x2f0: {  	v9 =	vshrl.u32 v7, $0x15;
	v7 =	vshrl.u32 v7, $0xB  }
0x2f1: {  	p0 =	por $0x0, $0x0;
	s1 =	simm.s32 $0x18440;
	v8 =	vshrl.u32 v6, $0xB;
	vm0 =	veq.s32 v9, v5;
	v9 =	vand.u32 $0x3FF, v7  }
0x2f2: {  	v10 =	vld [tilespmem:s1+$0x0]  }
0x2f3: {  	v7 =	vshrl.u32 v6, $0x15;
	v9 =	vor.u32 v4, v9;
	v6 =	vld [tilespmem:s1+$0xFFFFFFF0];
	p1 =	sgt.s32 s25, $0x4  }
.Ltmp17:
0x2f4: {  	vm1 =	veq.s32 v7, v5;
	(pc) =	sbr.rel @!p1 .LBB2_30-.Ltmp17, $4  }
0x2f5: {  	v8 =	vand.u32 $0x3FF, v8;
	vm1 =	vmmov vm1  }
0x2f6: {  	v7 =	vor.u32 v4, v8  }
0x2f7: {  	v11 =	vshrl.u32 v10, $0x15;
	v10 =	vshrl.u32 v10, $0xB  }
0x2f8: {  	s1 =	simm.s32 $0x4;
	s2 =	simm.s32 $0x18460;
	p0 =	por $0x1, $0x1;
	[tilespmem:v9+s19+$0x0] =	vst.idx.add.s32.msk vm0, v2;
	v8 =	vshrl.u32 v6, $0xB;
	vm0 =	veq.s32 v11, v5;
	v9 =	vand.u32 $0x3FF, v10  }
.LBB2_29:
0x2f9: {  	v10 =	vld [tilespmem:s2+$0x0];
	s1 =	sadd.s32 $0x2, s1;
	v11 =	vshrl.u32 v6, $0x15;
	v8 =	vand.u32 $0x3FF, v8;
	v9 =	vor.u32 v4, v9  }
0x2fa: {  	v6 =	vld [tilespmem:s2+$0xFFFFFFF0];
	p1 =	slt.s32 s1, s25;
	vm2 =	veq.s32 v11, v5;
	v8 =	vor.u32 v4, v8  }
.Ltmp18:
0x2fb: {  	[tilespmem:v7+s19+$0x0] =	vst.idx.add.s32.msk vm1, v2;
	v7 =	vmov v8;
	vm1 =	vmmov vm2;
	(pc) =	sbr.rel @p1 .LBB2_29-.Ltmp18, $3  }
0x2fc: {  	_ =	sdelay $0x1  }
0x2fd: {  	v11 =	vshrl.u32 v10, $0x15;
	v10 =	vshrl.u32 v10, $0xB;
	[tilespmem:v9+s19+$0x0] =	vst.idx.add.s32.msk vm0, v2  }
0x2fe: {  	s2 =	sadd.s32 $0x20, s2;
	v8 =	vshrl.u32 v6, $0xB;
	vm0 =	veq.s32 v11, v5;
	v9 =	vand.u32 $0x3FF, v10  }
.LBB2_30:
0x2ff: {  	v6 =	vshrl.u32 v6, $0x15  }
0x300: {  	vm2 =	veq.s32 v6, v5  }
0x301: {  	v63 =	vor.u32 v4, v9;
	v6 =	vand.u32 $0x3FF, v8;
	vm2 =	vmmov vm2  }
0x302: {  	v6 =	vor.u32 v4, v6;
	_ =	sdelay $0x2  }
0x303: {  	[tilespmem:v7+s19+$0x0] =	vst.idx.add.s32.msk @p0 vm1, v2  }
0x304: {  	[tilespmem:v63+s19+$0x0] =	vst.idx.add.s32.msk vm0, v2  }
0x305: {  	[tilespmem:v6+s19+$0x0] =	vst.idx.add.s32.msk vm2, v2  }
.LBB2_31:
0x306: {  	s29 =	ssub.s32 s0, s25  }
0x307: {  	p4 =	sgt.s32 s29, $0x0  }
0x308: {  	s0 =	sshll.u32 @p4 s25, $0x6  }
0x309: {  	s3 =	sshra.s32 @p4 s0, $0x2  }
0x30a: {  	v6 =	vld @p4 [tilespmem:s3+$0x18410];
	_ =	sdelay $0x2  }
0x30b: {  	v7 =	vlaneseq.u32 @p4  }
0x30c: {  	v7 =	vmul.u32 @p4 $0x400, v7  }
0x30d: {  	v8 =	vshrl.u32 @p4 v6, $0x15;
	v6 =	vshrl.u32 @p4 v6, $0xB  }
0x30e: {  	vm0 =	veq.s32 @p4 v8, v5;
	v5 =	vand.u32 @p4 $0x3FF, v6;
	v6 =	vor.u32 @p4 $0x4000, v7  }
0x30f: {  	v5 =	vor.u32 @p4 v6, v5;
	_ =	sdelay $0x3  }
0x310: {  	s0 =	simm.s32 @p4 $0x8000;
	v6 =	vimm.s32 @p4 $0x1  }
0x311: {  	s2 =	simm.s32 $0x0;
	[tilespmem:v5+s0+$0x0] =	vst.idx.add.s32.msk @p4 vm0, v6  }
0x312: {  	v21 =	vld [tilespmem:s2+$0xC030]  }
0x313: {  	v22 =	vld [tilespmem:s2+$0xC430]  }
0x314: {  	v23 =	vld [tilespmem:s2+$0xC830]  }
0x315: {  	v24 =	vld [tilespmem:s2+$0xCC30]  }
0x316: {  	v25 =	vld [tilespmem:s2+$0xD030]  }
0x317: {  	v26 =	vld [tilespmem:s2+$0xD430]  }
0x318: {  	v27 =	vld [tilespmem:s2+$0xD830]  }
0x319: {  	v28 =	vld [tilespmem:s2+$0xDC30]  }
0x31a: {  	v29 =	vld [tilespmem:s2+$0xE030]  }
0x31b: {  	v30 =	vld [tilespmem:s2+$0xE430]  }
0x31c: {  	v31 =	vld [tilespmem:s2+$0xE830]  }
0x31d: {  	v32 =	vld [tilespmem:s2+$0xEC30]  }
0x31e: {  	v33 =	vld [tilespmem:s2+$0xF030]  }
0x31f: {  	v34 =	vld [tilespmem:s2+$0xF430]  }
0x320: {  	v35 =	vld [tilespmem:s2+$0xF830]  }
0x321: {  	v36 =	vld [tilespmem:s2+$0xFC30]  }
0x322: {  	v37 =	vld [tilespmem:s2+$0xC010]  }
0x323: {  	v38 =	vld [tilespmem:s2+$0xC410]  }
0x324: {  	v39 =	vld [tilespmem:s2+$0xC020]  }
0x325: {  	v40 =	vld [tilespmem:s2+$0xC420]  }
0x326: {  	v46 =	vld [tilespmem:s2+$0xD410]  }
0x327: {  	v47 =	vld [tilespmem:s2+$0xD420]  }
0x328: {  	v48 =	vld [tilespmem:s2+$0xD810]  }
0x329: {  	v49 =	vld [tilespmem:s2+$0xD820]  }
0x32a: {  	v50 =	vld [tilespmem:s2+$0xDC10]  }
0x32b: {  	v52 =	vld [tilespmem:s2+$0xDC20]  }
0x32c: {  	s0 =	simm.s32 $0x0;
	v53 =	vld [tilespmem:s2+$0xE010]  }
0x32d: {  	s1 =	sand.u32 $0x3C0, s0;
	v54 =	vld [tilespmem:s2+$0xE020]  }
0x32e: {  	v5 =	vld [tilespmem:s1+$0xC000]  }
0x32f: {  	v6 =	vld [tilespmem:s1+$0xC400]  }
0x330: {  	v7 =	vld [tilespmem:s1+$0xC800]  }
0x331: {  	v8 =	vld [tilespmem:s1+$0xCC00]  }
0x332: {  	v9 =	vld [tilespmem:s1+$0xD000]  }
0x333: {  	v10 =	vld [tilespmem:s1+$0xD400]  }
0x334: {  	v11 =	vld [tilespmem:s1+$0xD800]  }
0x335: {  	v12 =	vld [tilespmem:s1+$0xDC00]  }
0x336: {  	v13 =	vld [tilespmem:s1+$0xE000];
	v5 =	vadd.s32 v5, v6  }
0x337: {  	v14 =	vld [tilespmem:s1+$0xE400];
	v5 =	vadd.s32 v7, v5  }
0x338: {  	v15 =	vld [tilespmem:s1+$0xE800];
	v5 =	vadd.s32 v8, v5  }
0x339: {  	v16 =	vld [tilespmem:s1+$0xEC00];
	v5 =	vadd.s32 v9, v5  }
0x33a: {  	v17 =	vld [tilespmem:s1+$0xF000];
	v5 =	vadd.s32 v10, v5  }
0x33b: {  	v18 =	vld [tilespmem:s1+$0xF400];
	v5 =	vadd.s32 v11, v5  }
0x33c: {  	v19 =	vld [tilespmem:s1+$0xF800];
	v5 =	vadd.s32 v12, v5  }
0x33d: {  	v20 =	vld [tilespmem:s1+$0xFC00];
	v5 =	vadd.s32 v13, v5  }
0x33e: {  	v6 =	vld [tilespmem:s2+$0xC810];
	v5 =	vadd.s32 v14, v5  }
0x33f: {  	v7 =	vld [tilespmem:s2+$0xC820];
	v5 =	vadd.s32 v15, v5  }
0x340: {  	v8 =	vld [tilespmem:s2+$0xCC10];
	v5 =	vadd.s32 v16, v5  }
0x341: {  	v51 =	vadd.s32 v21, v22;
	v9 =	vld [tilespmem:s2+$0xCC20];
	v5 =	vadd.s32 v17, v5  }
0x342: {  	v10 =	vld [tilespmem:s2+$0xD010];
	v17 =	vadd.s32 v23, v51;
	v5 =	vadd.s32 v18, v5  }
0x343: {  	v11 =	vld [tilespmem:s2+$0xD020];
	v17 =	vadd.s32 v24, v17;
	v5 =	vadd.s32 v19, v5  }
0x344: {  	v55 =	vld [tilespmem:s2+$0xE410];
	v20 =	vadd.s32 v20, v5;
	v5 =	vadd.s32 v25, v17  }
0x345: {  	v58 =	vld [tilespmem:s2+$0xE420];
	v56 =	vadd.s32 v37, v38;
	v57 =	vadd.s32 v39, v40;
	v5 =	vadd.s32 v26, v5  }
0x346: {  	v59 =	vld [tilespmem:s2+$0xE810];
	v6 =	vadd.s32 v6, v56;
	v7 =	vadd.s32 v7, v57;
	v5 =	vadd.s32 v27, v5  }
0x347: {  	v60 =	vld [tilespmem:s2+$0xF020];
	v6 =	vadd.s32 v8, v6;
	v7 =	vadd.s32 v9, v7;
	v5 =	vadd.s32 v28, v5  }
0x348: {  	v8 =	vld [tilespmem:s2+$0xE820];
	v6 =	vadd.s32 v10, v6;
	v7 =	vadd.s32 v11, v7;
	v5 =	vadd.s32 v29, v5  }
0x349: {  	v9 =	vld [tilespmem:s2+$0xEC10];
	v6 =	vadd.s32 v46, v6;
	v7 =	vadd.s32 v47, v7;
	v5 =	vadd.s32 v30, v5  }
0x34a: {  	v10 =	vld [tilespmem:s2+$0xEC20];
	v6 =	vadd.s32 v48, v6;
	v7 =	vadd.s32 v49, v7;
	v5 =	vadd.s32 v31, v5  }
0x34b: {  	v11 =	vld [tilespmem:s2+$0xF010];
	v6 =	vadd.s32 v50, v6;
	v7 =	vadd.s32 v52, v7;
	v5 =	vadd.s32 v32, v5  }
0x34c: {  	v6 =	vadd.s32 v53, v6;
	v7 =	vadd.s32 v54, v7;
	v61 =	vadd.s32 v33, v5;
	v5 =	vld [tilespmem:s2+$0xF410]  }
0x34d: {  	v62 =	vadd.s32 v55, v6;
	v6 =	vld [tilespmem:s2+$0xF420];
	v7 =	vadd.s32 v58, v7;
	v13 =	vadd.s32 v34, v61  }
0x34e: {  	v14 =	vadd.s32 v59, v62;
	v8 =	vadd.s32 v8, v7;
	v7 =	vld [tilespmem:s2+$0xF810];
	v13 =	vadd.s32 v35, v13  }
0x34f: {  	[tilespmem:s2+$0x14000] =	vst v20;
	v9 =	vadd.s32 v9, v14;
	v63 =	vadd.s32 v10, v8;
	v8 =	vld [tilespmem:s2+$0xF820];
	v13 =	vadd.s32 v36, v13  }
0x350: {  	s4 =	simm.s32 $0x0;
	s6 =	simm.s32 $0x40;
	v10 =	vadd.s32 v11, v9;
	v9 =	vld [tilespmem:s2+$0xFC10];
	v11 =	vadd.s32 v60, v63;
	[tilespmem:s2+$0x14030] =	vst v13  }
.LBB2_32:
0x351: {  	s1 =	sand.u32 $0x3C0, s6;
	v5 =	vadd.s32 v5, v10;
	v10 =	vld [tilespmem:s2+$0xFC20]  }
0x352: {  	v12 =	vld [tilespmem:s1+$0xC000];
	v6 =	vadd.s32 v6, v11  }
0x353: {  	v11 =	vld [tilespmem:s1+$0xC400];
	v5 =	vadd.s32 v7, v5  }
0x354: {  	v7 =	vld [tilespmem:s1+$0xC800];
	v6 =	vadd.s32 v8, v6  }
0x355: {  	v8 =	vld [tilespmem:s1+$0xCC00];
	v5 =	vadd.s32 v9, v5  }
0x356: {  	v9 =	vld [tilespmem:s1+$0xD000];
	[tilespmem:s2+$0x14010] =	vst v5;
	v5 =	vadd.s32 v10, v6  }
0x357: {  	v6 =	vld [tilespmem:s1+$0xD400];
	[tilespmem:s2+$0x14020] =	vst v5  }
0x358: {  	v5 =	vadd.s32 v12, v11;
	v10 =	vld [tilespmem:s1+$0xD800]  }
0x359: {  	v5 =	vadd.s32 v7, v5;
	v7 =	vld [tilespmem:s1+$0xDC00]  }
0x35a: {  	v5 =	vadd.s32 v8, v5;
	v8 =	vld [tilespmem:s1+$0xE000]  }
0x35b: {  	v5 =	vadd.s32 v9, v5;
	v9 =	vld [tilespmem:s1+$0xE400]  }
0x35c: {  	v5 =	vadd.s32 v6, v5;
	v6 =	vld [tilespmem:s1+$0xE800]  }
0x35d: {  	v5 =	vadd.s32 v10, v5;
	v10 =	vld [tilespmem:s1+$0xEC00]  }
0x35e: {  	v5 =	vadd.s32 v7, v5;
	v7 =	vld [tilespmem:s1+$0xF000]  }
0x35f: {  	v5 =	vadd.s32 v8, v5;
	v8 =	vld [tilespmem:s1+$0xF400]  }
0x360: {  	v5 =	vadd.s32 v9, v5;
	v9 =	vld [tilespmem:s1+$0xF800]  }
0x361: {  	v5 =	vadd.s32 v6, v5;
	v6 =	vld [tilespmem:s1+$0xFC00]  }
0x362: {  	v5 =	vadd.s32 v10, v5  }
0x363: {  	v5 =	vadd.s32 v7, v5  }
0x364: {  	v5 =	vadd.s32 v8, v5  }
0x365: {  	s0 =	sadd.s32 $0x100, s0;
	v5 =	vadd.s32 v9, v5  }
0x366: {  	s2 =	sshra.s32 s0, $0x2;
	v5 =	vadd.s32 v6, v5  }
0x367: {  	s4 =	sadd.s32 $0x4, s4;
	[tilespmem:s2+$0x14000] =	vst v5;
	v5 =	vld [tilespmem:s2+$0xC030]  }
0x368: {  	p0 =	slt.u32 s4, $0x3C;
	v6 =	vld [tilespmem:s2+$0xC430]  }
0x369: {  	v7 =	vld [tilespmem:s2+$0xC830]  }
0x36a: {  	v8 =	vld [tilespmem:s2+$0xCC30]  }
0x36b: {  	v9 =	vld [tilespmem:s2+$0xD030]  }
0x36c: {  	v10 =	vld [tilespmem:s2+$0xD430]  }
0x36d: {  	v5 =	vadd.s32 v5, v6;
	v6 =	vld [tilespmem:s2+$0xD830]  }
0x36e: {  	v5 =	vadd.s32 v7, v5;
	v7 =	vld [tilespmem:s2+$0xDC30]  }
0x36f: {  	v5 =	vadd.s32 v8, v5;
	v8 =	vld [tilespmem:s2+$0xE030]  }
0x370: {  	v5 =	vadd.s32 v9, v5;
	v9 =	vld [tilespmem:s2+$0xE430]  }
0x371: {  	v5 =	vadd.s32 v10, v5;
	v10 =	vld [tilespmem:s2+$0xE830]  }
0x372: {  	v5 =	vadd.s32 v6, v5;
	v6 =	vld [tilespmem:s2+$0xEC30]  }
0x373: {  	v5 =	vadd.s32 v7, v5;
	v7 =	vld [tilespmem:s2+$0xF030]  }
0x374: {  	v5 =	vadd.s32 v8, v5;
	v8 =	vld [tilespmem:s2+$0xF430]  }
0x375: {  	v5 =	vadd.s32 v9, v5;
	v9 =	vld [tilespmem:s2+$0xF830]  }
0x376: {  	v5 =	vadd.s32 v10, v5;
	v10 =	vld [tilespmem:s2+$0xFC30]  }
0x377: {  	v11 =	vld [tilespmem:s2+$0xC010];
	v5 =	vadd.s32 v6, v5  }
0x378: {  	v6 =	vld [tilespmem:s2+$0xC410];
	v5 =	vadd.s32 v7, v5  }
0x379: {  	v7 =	vld [tilespmem:s2+$0xC020];
	v5 =	vadd.s32 v8, v5  }
0x37a: {  	v8 =	vld [tilespmem:s2+$0xC420];
	v5 =	vadd.s32 v9, v5  }
0x37b: {  	v9 =	vld [tilespmem:s2+$0xC810];
	v5 =	vadd.s32 v10, v5  }
0x37c: {  	v10 =	vld [tilespmem:s2+$0xC820];
	[tilespmem:s2+$0x14030] =	vst v5  }
0x37d: {  	v5 =	vadd.s32 v11, v6;
	v6 =	vld [tilespmem:s2+$0xCC10]  }
0x37e: {  	v11 =	vld [tilespmem:s2+$0xCC20]  }
0x37f: {  	v12 =	vld [tilespmem:s2+$0xD010];
	v7 =	vadd.s32 v7, v8  }
0x380: {  	v5 =	vadd.s32 v9, v5;
	v8 =	vld [tilespmem:s2+$0xD020]  }
0x381: {  	v9 =	vld [tilespmem:s2+$0xD410];
	v7 =	vadd.s32 v10, v7  }
0x382: {  	v5 =	vadd.s32 v6, v5;
	v6 =	vld [tilespmem:s2+$0xD420]  }
0x383: {  	v10 =	vld [tilespmem:s2+$0xD810];
	v7 =	vadd.s32 v11, v7  }
0x384: {  	v5 =	vadd.s32 v12, v5;
	v11 =	vld [tilespmem:s2+$0xD820]  }
0x385: {  	v12 =	vld [tilespmem:s2+$0xDC10];
	v7 =	vadd.s32 v8, v7  }
0x386: {  	v5 =	vadd.s32 v9, v5;
	v8 =	vld [tilespmem:s2+$0xDC20]  }
0x387: {  	v9 =	vld [tilespmem:s2+$0xE010];
	v6 =	vadd.s32 v6, v7  }
0x388: {  	v5 =	vadd.s32 v10, v5;
	v7 =	vld [tilespmem:s2+$0xE020]  }
0x389: {  	v10 =	vld [tilespmem:s2+$0xE410];
	v6 =	vadd.s32 v11, v6  }
0x38a: {  	v5 =	vadd.s32 v12, v5;
	v11 =	vld [tilespmem:s2+$0xE420]  }
0x38b: {  	v12 =	vld [tilespmem:s2+$0xE810];
	v6 =	vadd.s32 v8, v6  }
0x38c: {  	v5 =	vadd.s32 v9, v5;
	v8 =	vld [tilespmem:s2+$0xE820]  }
0x38d: {  	v9 =	vld [tilespmem:s2+$0xEC10];
	v6 =	vadd.s32 v7, v6  }
0x38e: {  	v5 =	vadd.s32 v10, v5;
	v10 =	vld [tilespmem:s2+$0xEC20]  }
0x38f: {  	v13 =	vld [tilespmem:s2+$0xF010];
	v6 =	vadd.s32 v11, v6  }
0x390: {  	v7 =	vadd.s32 v12, v5;
	v11 =	vld [tilespmem:s2+$0xF020]  }
.Ltmp19:
0x391: {  	v5 =	vld [tilespmem:s2+$0xF410];
	v8 =	vadd.s32 v8, v6;
	(pc) =	sbr.rel @p0 .LBB2_32-.Ltmp19, $4  }
0x392: {  	v9 =	vadd.s32 v9, v7;
	v6 =	vld [tilespmem:s2+$0xF420]  }
0x393: {  	v7 =	vld [tilespmem:s2+$0xF810];
	v12 =	vadd.s32 v10, v8  }
0x394: {  	v10 =	vadd.s32 v13, v9;
	v8 =	vld [tilespmem:s2+$0xF820]  }
0x395: {  	s6 =	sadd.s32 $0x40, s6;
	v9 =	vld [tilespmem:s2+$0xFC10];
	v11 =	vadd.s32 v11, v12  }
0x396: {  	v12 =	vld [tilespmem:s2+$0xFC20];
	_ =	sdelay $0x1  }
0x397: {  	v5 =	vadd.s32 v5, v10  }
0x398: {  	v6 =	vadd.s32 v6, v11;
	v5 =	vadd.s32 v7, v5  }
0x399: {  	v6 =	vadd.s32 v8, v6;
	v5 =	vadd.s32 v9, v5  }
0x39a: {  	[tilespmem:s2+$0x14010] =	vst v5;
	v5 =	vadd.s32 v12, v6  }
0x39b: {  	[tilespmem:s2+$0x14020] =	vst v5  }
0x39c: {  	s0 =	rddreg [dreg:$0xa]  }
0x39d: {  	[spmem:s0] =	stream.linear.scatter [tilespmem:s23], [sflag:$0x2], $0x400, $0x38;
	[tilespmem:$0x1D090] =	vst v63  }
0x39e: {  	s0 =	simm.s32 $0x2  }
0x39f: {  	_ =	swait.ge [sflag:s0], $0x400  }
0x3a0: {  	[sflag:s0] =	ssyncset.done $0x0  }
0x3a1: {  	[sflag:s0] =	ssyncadd.s32 $0xFFFFFC00  }
0x3a2: {  	[bflag:$0x0] =	sbarrier.arrive $0xFFFF  }
0x3a3: {  	s14 =	simm.s32 $0xC000;
	s1 =	rddreg [dreg:$0x3]  }
0x3a4: {  	[tilespmem:s14], [sflag:$0x2] =	stream.linear.gather [spmem:s1], $0x4000, $0x38;
	[tilespmem:$0x1D090] =	vst v63  }
0x3a5: {  	_ =	swait.ge [sflag:s0], $0x4000  }
0x3a6: {  	s15 =	simm.s32 $0x10;
	[sflag:s0] =	ssyncset.done $0x0  }
0x3a7: {  	s16 =	simm.s32 $0x20;
	s1 =	sand.u32 $0x3D0, s15;
	[sflag:s0] =	ssyncadd.s32 $0xFFFFC000  }
0x3a8: {  	s5 =	sand.u32 $0x3E0, s16;
	v9 =	vld [tilespmem:s1+$0xFC00]  }
0x3a9: {  	v11 =	vld [tilespmem:s5+$0xFC00]  }
0x3aa: {  	v7 =	vld [tilespmem:s1+$0xF800]  }
0x3ab: {  	v10 =	vld [tilespmem:s5+$0xF800]  }
0x3ac: {  	v5 =	vld [tilespmem:s1+$0xF400]  }
0x3ad: {  	v12 =	vld [tilespmem:s5+$0xF400]  }
0x3ae: {  	v6 =	vld [tilespmem:s1+$0xF000]  }
0x3af: {  	v13 =	vld [tilespmem:s5+$0xF000]  }
0x3b0: {  	v8 =	vld [tilespmem:s1+$0xEC00]  }
0x3b1: {  	v14 =	vld [tilespmem:s5+$0xEC00]  }
0x3b2: {  	v16 =	vld [tilespmem:s1+$0xE800]  }
0x3b3: {  	v15 =	vld [tilespmem:s5+$0xE800]  }
0x3b4: {  	v18 =	vld [tilespmem:s1+$0xE400]  }
0x3b5: {  	v17 =	vld [tilespmem:s5+$0xE400]  }
0x3b6: {  	v20 =	vld [tilespmem:s1+$0xE000]  }
0x3b7: {  	v21 =	vld [tilespmem:s5+$0xE000]  }
0x3b8: {  	v22 =	vld [tilespmem:s1+$0xDC00]  }
0x3b9: {  	v23 =	vld [tilespmem:s5+$0xDC00]  }
0x3ba: {  	v24 =	vld [tilespmem:s1+$0xD800]  }
0x3bb: {  	v25 =	vld [tilespmem:s5+$0xD800]  }
0x3bc: {  	v26 =	vld [tilespmem:s1+$0xD400]  }
0x3bd: {  	v27 =	vld [tilespmem:s5+$0xD400]  }
0x3be: {  	v28 =	vld [tilespmem:s1+$0xD000]  }
0x3bf: {  	v29 =	vld [tilespmem:s5+$0xD000]  }
0x3c0: {  	v30 =	vld [tilespmem:s1+$0xCC00]  }
0x3c1: {  	v31 =	vld [tilespmem:s5+$0xCC00]  }
0x3c2: {  	v32 =	vld [tilespmem:s1+$0xC800]  }
0x3c3: {  	v33 =	vld [tilespmem:s5+$0xC800]  }
0x3c4: {  	s22 =	simm.s32 $0x0;
	v34 =	vld [tilespmem:s1+$0xC000]  }
0x3c5: {  	s6 =	sand.u32 $0x380, s22;
	v35 =	vld [tilespmem:s1+$0xC400]  }
0x3c6: {  	s4 =	sand.u32 $0x40, s22;
	s2 =	sor.u32 $0xF400, s6;
	v36 =	vld [tilespmem:s5+$0xC000]  }
0x3c7: {  	s9 =	sor.u32 $0xE800, s6;
	s10 =	sor.u32 s4, s2;
	v37 =	vld [tilespmem:s5+$0xC400]  }
0x3c8: {  	s12 =	sor.u32 $0xDC00, s6;
	s11 =	sor.u32 s4, s9;
	v38 =	vld [tilespmem:s10+$0x0]  }
0x3c9: {  	s13 =	sor.u32 s4, s12;
	s14 =	sor.u32 $0xD000, s6;
	v40 =	vld [tilespmem:s11+$0x0]  }
0x3ca: {  	s15 =	sor.u32 s4, s14;
	s1 =	sor.u32 $0xFC00, s6;
	v42 =	vld [tilespmem:s13+$0x0]  }
0x3cb: {  	s5 =	sor.u32 $0xF000, s6;
	v44 =	vld [tilespmem:s15+$0x0];
	s8 =	sor.u32 s4, s1  }
0x3cc: {  	s10 =	sor.u32 $0xE400, s6;
	s17 =	sor.u32 s4, s5;
	v19 =	vld [tilespmem:s8+$0x0]  }
0x3cd: {  	s11 =	sor.u32 $0xD800, s6;
	s18 =	sor.u32 s4, s10;
	v39 =	vld [tilespmem:s17+$0x0]  }
0x3ce: {  	s13 =	sor.u32 $0xCC00, s6;
	s20 =	sor.u32 s4, s11;
	v41 =	vld [tilespmem:s18+$0x0]  }
0x3cf: {  	s16 =	sor.u32 $0xC000, s6;
	s21 =	sor.u32 s4, s13;
	v43 =	vld [tilespmem:s20+$0x0]  }
0x3d0: {  	s18 =	sor.u32 s4, s16;
	s17 =	sor.u32 $0xC400, s6;
	v45 =	vld [tilespmem:s21+$0x0];
	s20 =	simm.s32 $0x30  }
0x3d1: {  	v46 =	vld [tilespmem:s18+$0x0];
	s21 =	sor.u32 s4, s17;
	s8 =	sand.u32 $0x70, s20  }
0x3d2: {  	v47 =	vld [tilespmem:s21+$0x0];
	s16 =	sor.u32 s8, s16  }
0x3d3: {  	s18 =	sor.u32 $0xC800, s6;
	s20 =	sor.u32 s8, s17;
	v48 =	vld [tilespmem:s16+$0x0]  }
0x3d4: {  	s21 =	sor.u32 s4, s18;
	v49 =	vld [tilespmem:s20+$0x0]  }
0x3d5: {  	s17 =	sor.u32 s8, s18;
	v50 =	vld [tilespmem:s21+$0x0]  }
0x3d6: {  	s13 =	sor.u32 s8, s13;
	v51 =	vld [tilespmem:s17+$0x0]  }
0x3d7: {  	s11 =	sor.u32 s8, s11;
	v52 =	vld [tilespmem:s13+$0x0]  }
0x3d8: {  	s18 =	sor.u32 $0xD400, s6;
	s10 =	sor.u32 s8, s10;
	v63 =	vld [tilespmem:s11+$0x0]  }
0x3d9: {  	s21 =	sor.u32 s4, s18;
	v34 =	vadd.s32 v34, v35;
	v61 =	vadd.s32 v36, v37;
	v56 =	vld [tilespmem:s10+$0x0]  }
0x3da: {  	s20 =	sor.u32 s8, s14;
	v54 =	vld [tilespmem:s21+$0x0];
	v32 =	vadd.s32 v32, v34;
	v33 =	vadd.s32 v33, v61  }
0x3db: {  	s15 =	sor.u32 $0xE000, s6;
	s14 =	sor.u32 s8, s18;
	v53 =	vld [tilespmem:s20+$0x0];
	v30 =	vadd.s32 v30, v32;
	v31 =	vadd.s32 v31, v33;
	v62 =	vadd.s32 v46, v47  }
0x3dc: {  	s17 =	sor.u32 s4, s15;
	v60 =	vld [tilespmem:s14+$0x0];
	s20 =	sor.u32 $0xEC00, s6;
	v28 =	vadd.s32 v28, v30;
	v29 =	vadd.s32 v29, v31;
	v36 =	vadd.s32 v50, v62  }
0x3dd: {  	s21 =	sor.u32 s4, s20;
	v26 =	vadd.s32 v26, v28;
	v46 =	vadd.s32 v48, v49;
	v48 =	vld [tilespmem:s17+$0x0];
	v50 =	vadd.s32 v45, v36  }
0x3de: {  	s16 =	sor.u32 s8, s12;
	s13 =	sor.u32 s8, s20;
	s20 =	simm.s32 $0x60;
	v58 =	vld [tilespmem:s21+$0x0];
	v27 =	vadd.s32 v27, v29;
	v24 =	vadd.s32 v24, v26;
	v55 =	vadd.s32 v44, v50  }
0x3df: {  	s21 =	sand.u32 $0x3E0, s20;
	v47 =	vld [tilespmem:s16+$0x0];
	v25 =	vadd.s32 v25, v27;
	v49 =	vadd.s32 v51, v46;
	v57 =	vadd.s32 v54, v55  }
0x3e0: {  	v30 =	vld [tilespmem:s21+$0xD400];
	v22 =	vadd.s32 v22, v24;
	v23 =	vadd.s32 v23, v25;
	v26 =	vadd.s32 v43, v57  }
0x3e1: {  	s18 =	sor.u32 s8, s15;
	s6 =	sor.u32 $0xF800, s6;
	v31 =	vld [tilespmem:s21+$0xD000];
	v52 =	vadd.s32 v52, v49;
	v20 =	vadd.s32 v20, v22;
	v24 =	vadd.s32 v42, v26  }
0x3e2: {  	s4 =	sor.u32 s4, s6;
	v51 =	vld [tilespmem:s18+$0x0];
	v21 =	vadd.s32 v21, v23;
	v28 =	vadd.s32 v53, v52;
	v22 =	vadd.s32 v48, v24  }
0x3e3: {  	s9 =	sor.u32 s8, s9;
	v18 =	vadd.s32 v18, v20;
	v17 =	vadd.s32 v17, v21;
	v24 =	vld [tilespmem:s4+$0x0];
	v22 =	vadd.s32 v41, v22  }
0x3e4: {  	v27 =	vld [tilespmem:s9+$0x0];
	v16 =	vadd.s32 v16, v18;
	v26 =	vadd.s32 v60, v28;
	v20 =	vadd.s32 v40, v22  }
0x3e5: {  	s14 =	sor.u32 s8, s5;
	v25 =	vld [tilespmem:s13+$0x0];
	v15 =	vadd.s32 v15, v17;
	v26 =	vadd.s32 v63, v26;
	v18 =	vadd.s32 v58, v20  }
0x3e6: {  	s2 =	sor.u32 s8, s2;
	v23 =	vld [tilespmem:s14+$0x0];
	v16 =	vadd.s32 v8, v16;
	v26 =	vadd.s32 v47, v26;
	v17 =	vadd.s32 v39, v18  }
0x3e7: {  	s15 =	sor.u32 s8, s6;
	v14 =	vadd.s32 v14, v15;
	v22 =	vld [tilespmem:s2+$0x0];
	v21 =	vadd.s32 v51, v26;
	v17 =	vadd.s32 v38, v17  }
0x3e8: {  	s17 =	sor.u32 s8, s1;
	v15 =	vadd.s32 v6, v16;
	v20 =	vld [tilespmem:s15+$0x0];
	v21 =	vadd.s32 v56, v21;
	v16 =	vadd.s32 v24, v17  }
0x3e9: {  	s16 =	simm.s32 $0x50;
	v15 =	vadd.s32 v5, v15;
	v18 =	vld [tilespmem:s17+$0x0];
	v17 =	vadd.s32 v27, v21;
	v24 =	vadd.s32 v19, v16  }
0x3ea: {  	v33 =	vld [tilespmem:s21+$0xCC00];
	s18 =	sand.u32 $0x3D0, s16;
	v13 =	vadd.s32 v13, v14;
	v15 =	vadd.s32 v7, v15;
	v14 =	vadd.s32 v25, v17;
	(xrf0) =	vadd.scan.msk.s32 $0xffff, v24  }
0x3eb: {  	v29 =	vld [tilespmem:s18+$0xD400];
	v12 =	vadd.s32 v12, v13;
	v13 =	vadd.s32 v23, v14;
	v14 =	vadd.s32 v9, v15  }
0x3ec: {  	v32 =	vld [tilespmem:s18+$0xCC00];
	v12 =	vadd.s32 v10, v12;
	v13 =	vadd.s32 v22, v13;
	(xrf0) =	vadd.scan.msk.s32 $0xffff, v14  }
0x3ed: {  	v8 =	vld [tilespmem:s18+$0xFC00];
	v15 =	vadd.s32 v11, v12;
	v11 =	vadd.s32 v20, v13  }
0x3ee: {  	v28 =	vld [tilespmem:s21+$0xD800];
	(xrf0) =	vadd.scan.msk.s32 $0xffff, v15;
	v13 =	vadd.s32 v18, v11  }
0x3ef: {  	v6 =	vld [tilespmem:s21+$0xFC00];
	(xrf0) =	vadd.scan.msk.s32 $0xffff, v13  }
0x3f0: {  	v5 =	vld [tilespmem:s18+$0xF800];
	v18, _, _ =	vpop (xrf0)  }
0x3f1: {  	v7 =	vld [tilespmem:s21+$0xF800];
	(v2sf) =	vpush v18, $0xF  }
0x3f2: {  	v10 =	vld [tilespmem:s21+$0xF400];
	v20, _, _ =	vpop (xrf0)  }
0x3f3: {  	v26 =	vld [tilespmem:s21+$0xDC00];
	(v2sf) =	vpush v20, $0xF  }
0x3f4: {  	v21 =	vld [tilespmem:s21+$0xE400];
	v22, _, _ =	vpop (xrf0)  }
0x3f5: {  	v27 =	vld [tilespmem:s18+$0xD800];
	(v2sf) =	vpush v22, $0xF;
	v22, _, _ =	vpop (xrf0)  }
0x3f6: {  	v16 =	vld [tilespmem:s18+$0xEC00];
	(v2sf) =	vpush v22, $0xF  }
0x3f7: {  	v17 =	vld [tilespmem:s21+$0xEC00]  }
0x3f8: {  	v19 =	vld [tilespmem:s18+$0xE800]  }
0x3f9: {  	v25 =	vld [tilespmem:s18+$0xDC00]  }
0x3fa: {  	v9 =	vld [tilespmem:s18+$0xF400]  }
0x3fb: {  	v12 =	vld [tilespmem:s18+$0xF000]  }
0x3fc: {  	s2 =	simm.s32 $0x14020;
	v23 =	vld [tilespmem:s18+$0xE000]  }
0x3fd: {  	[tilespmem:s2+$0xFFFFFFE0] =	vst v24;
	v24 =	vld [tilespmem:s18+$0xD000]  }
0x3fe: {  	v11 =	vld [tilespmem:s21+$0xF000]  }
0x3ff: {  	[tilespmem:s2+$0xFFFFFFF0] =	vst v14;
	v18 =	vld [tilespmem:s21+$0xE800]  }
0x400: {  	[tilespmem:s2+$0x0] =	vst v15;
	v20 =	vld [tilespmem:s18+$0xE400];
	s9 =	spop (v2sf)  }
0x401: {  	[tilespmem:s2+$0x10] =	vst v13;
	v22 =	vld [tilespmem:s21+$0xE000];
	[smem:$0x0] =	sst s9  }
0x402: {  	s4 =	spop (v2sf)  }
0x403: {  	v34 =	vld [tilespmem:s18+$0xC800];
	[smem:$0x1] =	sst s4  }
0x404: {  	s4 =	spop (v2sf)  }
0x405: {  	v35 =	vld [tilespmem:s21+$0xC800];
	[smem:s0] =	sst s4;
	s10 =	spop (v2sf)  }
0x406: {  	s11 =	simm.s32 $0x40;
	v59 =	vld [tilespmem:s18+$0xC000];
	[smem:$0x3] =	sst s10  }
0x407: {  	s8 =	sand.u32 $0x380, s11;
	v60 =	vld [tilespmem:s18+$0xC400]  }
0x408: {  	s6 =	sand.u32 $0x40, s11;
	s4 =	sor.u32 $0xFC00, s8;
	v61 =	vld [tilespmem:s21+$0xC000]  }
0x409: {  	s1 =	sor.u32 $0xF400, s8;
	s12 =	sor.u32 s6, s4;
	v62 =	vld [tilespmem:s21+$0xC400]  }
0x40a: {  	s5 =	sor.u32 $0xF000, s8;
	s13 =	sor.u32 s6, s1;
	v13 =	vld [tilespmem:s12+$0x0]  }
0x40b: {  	s11 =	sor.u32 $0xE400, s8;
	s14 =	sor.u32 s6, s5;
	v14 =	vld [tilespmem:s13+$0x0]  }
0x40c: {  	s16 =	sor.u32 s6, s11;
	s10 =	sor.u32 $0xE800, s8;
	v15 =	vld [tilespmem:s14+$0x0]  }
0x40d: {  	s15 =	sor.u32 s6, s10;
	s13 =	sor.u32 $0xDC00, s8;
	v41 =	vld [tilespmem:s16+$0x0]  }
0x40e: {  	s12 =	sor.u32 $0xD800, s8;
	v40 =	vld [tilespmem:s15+$0x0];
	s17 =	sor.u32 s6, s13  }
0x40f: {  	s14 =	sor.u32 $0xCC00, s8;
	s18 =	sor.u32 s6, s12;
	v42 =	vld [tilespmem:s17+$0x0]  }
0x410: {  	s15 =	sor.u32 $0xD000, s8;
	s21 =	sor.u32 s6, s14;
	v43 =	vld [tilespmem:s18+$0x0]  }
0x411: {  	s20 =	sor.u32 s6, s15;
	s17 =	sor.u32 $0xC000, s8;
	v45 =	vld [tilespmem:s21+$0x0]  }
0x412: {  	s18 =	sor.u32 $0xC400, s8;
	s21 =	simm.s32 $0x70;
	v44 =	vld [tilespmem:s20+$0x0];
	s20 =	sor.u32 s6, s17  }
0x413: {  	s9 =	sand.u32 $0x70, s21;
	v63 =	vld [tilespmem:s20+$0x0];
	s20 =	sor.u32 s6, s18  }
0x414: {  	s21 =	sor.u32 s9, s17;
	v54 =	vld [tilespmem:s20+$0x0]  }
0x415: {  	s14 =	sor.u32 s9, s14;
	v55 =	vld [tilespmem:s21+$0x0]  }
0x416: {  	s17 =	sor.u32 $0xC800, s8;
	s20 =	sor.u32 s9, s18;
	v36 =	vadd.s32 v59, v60;
	v59 =	vld [tilespmem:s14+$0x0]  }
0x417: {  	s21 =	sor.u32 s6, s17;
	v56 =	vld [tilespmem:s20+$0x0]  }
0x418: {  	v57 =	vld [tilespmem:s21+$0x0];
	s20 =	sor.u32 s9, s17  }
0x419: {  	v60 =	vadd.s32 v61, v62;
	s21 =	sor.u32 $0xD400, s8;
	s17 =	sor.u32 s9, s15;
	v34 =	vadd.s32 v34, v36;
	v58 =	vld [tilespmem:s20+$0x0]  }
0x41a: {  	v35 =	vadd.s32 v35, v60;
	v61 =	vld [tilespmem:s17+$0x0];
	s20 =	sor.u32 s9, s21;
	v32 =	vadd.s32 v32, v34  }
0x41b: {  	s18 =	sor.u32 s6, s21;
	v33 =	vadd.s32 v33, v35;
	s21 =	sor.u32 $0xE000, s8;
	v52 =	vld [tilespmem:s20+$0x0];
	v24 =	vadd.s32 v24, v32  }
0x41c: {  	v31 =	vadd.s32 v31, v33;
	s17 =	sor.u32 s9, s21;
	v24 =	vadd.s32 v29, v24;
	v62 =	vadd.s32 v63, v54;
	v63 =	vld [tilespmem:s18+$0x0]  }
0x41d: {  	s12 =	sor.u32 s9, s12;
	v30 =	vadd.s32 v30, v31;
	v60 =	vld [tilespmem:s17+$0x0];
	v24 =	vadd.s32 v27, v24  }
0x41e: {  	s16 =	sor.u32 s6, s21;
	v54 =	vld [tilespmem:s12+$0x0];
	v27 =	vadd.s32 v28, v30;
	v49 =	vadd.s32 v55, v56;
	v39 =	vadd.s32 v57, v62  }
0x41f: {  	s15 =	sor.u32 s9, s13;
	v24 =	vadd.s32 v25, v24;
	v53 =	vadd.s32 v58, v49;
	v55 =	vadd.s32 v45, v39;
	v58 =	vld [tilespmem:s16+$0x0]  }
0x420: {  	s11 =	sor.u32 s9, s11;
	s18 =	sor.u32 $0xEC00, s8;
	v57 =	vld [tilespmem:s15+$0x0];
	v25 =	vadd.s32 v26, v27;
	v56 =	vadd.s32 v59, v53;
	v35 =	vadd.s32 v44, v55  }
0x421: {  	s20 =	sor.u32 s6, s18;
	v27 =	vld [tilespmem:s11+$0x0];
	v23 =	vadd.s32 v23, v24;
	v29 =	vadd.s32 v61, v56;
	v59 =	vadd.s32 v63, v35  }
0x422: {  	s10 =	sor.u32 s9, s10;
	v62 =	vld [tilespmem:s20+$0x0];
	v25 =	vadd.s32 v22, v25;
	v26 =	vadd.s32 v52, v29;
	v61 =	vadd.s32 v43, v59  }
0x423: {  	s8 =	sor.u32 $0xF800, s8;
	s21 =	sor.u32 s9, s18;
	v22 =	vld [tilespmem:s10+$0x0];
	v25 =	vadd.s32 v21, v25;
	v24 =	vadd.s32 v54, v26;
	v26 =	vadd.s32 v42, v61  }
0x424: {  	s6 =	sor.u32 s6, s8;
	v23 =	vadd.s32 v20, v23;
	v21 =	vld [tilespmem:s21+$0x0];
	v25 =	vadd.s32 v18, v25;
	v26 =	vadd.s32 v58, v26  }
0x425: {  	s5 =	sor.u32 s9, s5;
	v20 =	vld [tilespmem:s6+$0x0];
	v63 =	vadd.s32 v19, v23;
	v24 =	vadd.s32 v57, v24;
	v26 =	vadd.s32 v41, v26  }
0x426: {  	s1 =	sor.u32 s9, s1;
	v18 =	vld [tilespmem:s5+$0x0];
	v17 =	vadd.s32 v17, v25;
	v19 =	vadd.s32 v60, v24;
	v23 =	vadd.s32 v40, v26  }
0x427: {  	s6 =	simm.s32 $0x4;
	v24 =	vadd.s32 v16, v63;
	v16 =	vld [tilespmem:s1+$0x0];
	s1 =	sor.u32 s9, s8;
	s8 =	simm.s32 $0x80;
	v19 =	vadd.s32 v27, v19;
	v23 =	vadd.s32 v62, v23  }
.LBB2_34:
0x428: {  	s5 =	sadd.s32 $0x10, s8;
	v15 =	vadd.s32 v15, v23;
	v12 =	vadd.s32 v12, v24;
	v19 =	vadd.s32 v22, v19;
	v22 =	vld [tilespmem:s1+$0x0];
	s4 =	sor.u32 s9, s4  }
0x429: {  	v11 =	vadd.s32 v11, v17;
	s1 =	sand.u32 $0x3D0, s5;
	s5 =	sadd.s32 $0x20, s8;
	v14 =	vadd.s32 v14, v15;
	v15 =	vadd.s32 v21, v19;
	v17 =	vld [tilespmem:s4+$0x0]  }
0x42a: {  	v9 =	vadd.s32 v9, v12;
	v10 =	vadd.s32 v10, v11;
	v19 =	vld [tilespmem:s1+$0xFC00];
	s5 =	sand.u32 $0x3E0, s5;
	v14 =	vadd.s32 v20, v14  }
0x42b: {  	v9 =	vadd.s32 v5, v9;
	v11 =	vld [tilespmem:s5+$0xFC00];
	v12 =	vadd.s32 v13, v14;
	v13 =	vadd.s32 v18, v15  }
0x42c: {  	s2 =	sadd.s32 $0x40, s2;
	v8 =	vadd.s32 v8, v9;
	v9 =	vadd.s32 v7, v10;
	v5 =	vld [tilespmem:s1+$0xF800];
	v10 =	vadd.s32 v16, v13;
	(xrf0) =	vadd.scan.msk.s32 $0xffff, v12  }
0x42d: {  	v6 =	vadd.s32 v6, v9;
	v7 =	vld [tilespmem:s5+$0xF800];
	[tilespmem:s2+$0xFFFFFFE0] =	vst v12;
	v10 =	vadd.s32 v22, v10;
	(xrf0) =	vadd.scan.msk.s32 $0xffff, v8  }
0x42e: {  	v9 =	vld [tilespmem:s1+$0xF400];
	[tilespmem:s2+$0xFFFFFFF0] =	vst v8;
	v12 =	vadd.s32 v17, v10;
	(xrf0) =	vadd.scan.msk.s32 $0xffff, v6  }
0x42f: {  	v10 =	vld [tilespmem:s5+$0xF400];
	[tilespmem:s2+$0x10] =	vst v12;
	(xrf0) =	vadd.scan.msk.s32 $0xffff, v12;
	v8 =	vmov v19  }
0x430: {  	v12 =	vld [tilespmem:s1+$0xF000];
	[tilespmem:s2+$0x0] =	vst v6;
	v6 =	vmov v11  }
0x431: {  	v11 =	vld [tilespmem:s5+$0xF000]  }
0x432: {  	v16 =	vld [tilespmem:s1+$0xEC00];
	v13, _, _ =	vpop (xrf0)  }
0x433: {  	v17 =	vld [tilespmem:s5+$0xEC00];
	(v2sf) =	vpush v13, $0xF;
	v13, _, _ =	vpop (xrf0)  }
0x434: {  	v19 =	vld [tilespmem:s1+$0xE800];
	(v2sf) =	vpush v13, $0xF;
	v13, _, _ =	vpop (xrf0)  }
0x435: {  	v18 =	vld [tilespmem:s5+$0xE800];
	(v2sf) =	vpush v13, $0xF;
	v13, _, _ =	vpop (xrf0)  }
0x436: {  	v20 =	vld [tilespmem:s1+$0xE400];
	(v2sf) =	vpush v13, $0xF  }
0x437: {  	v21 =	vld [tilespmem:s5+$0xE400]  }
0x438: {  	v23 =	vld [tilespmem:s1+$0xE000]  }
0x439: {  	v22 =	vld [tilespmem:s5+$0xE000]  }
0x43a: {  	v24 =	vld [tilespmem:s1+$0xDC00]  }
0x43b: {  	v25 =	vld [tilespmem:s5+$0xDC00]  }
0x43c: {  	v26 =	vld [tilespmem:s1+$0xD800]  }
0x43d: {  	v27 =	vld [tilespmem:s5+$0xD800]  }
0x43e: {  	v29 =	vld [tilespmem:s1+$0xD400]  }
0x43f: {  	v28 =	vld [tilespmem:s5+$0xD400]  }
0x440: {  	v30 =	vld [tilespmem:s1+$0xD000]  }
0x441: {  	v31 =	vld [tilespmem:s5+$0xD000]  }
0x442: {  	s0 =	sadd.s32 $0x4, s0;
	v32 =	vld [tilespmem:s1+$0xCC00];
	s4 =	spop (v2sf)  }
0x443: {  	v33 =	vld [tilespmem:s5+$0xCC00];
	[smem:s0+$0xFFFFFFFE] =	sst s4;
	s4 =	spop (v2sf)  }
0x444: {  	v34 =	vld [tilespmem:s1+$0xC800];
	[smem:s0+$0xFFFFFFFF] =	sst s4;
	s4 =	spop (v2sf)  }
0x445: {  	v35 =	vld [tilespmem:s5+$0xC800];
	[smem:s0] =	sst s4;
	s4 =	spop (v2sf)  }
0x446: {  	v36 =	vld [tilespmem:s1+$0xC000];
	[smem:s0+$0x1] =	sst s4  }
0x447: {  	s11 =	sand.u32 $0x380, s8;
	v37 =	vld [tilespmem:s1+$0xC400]  }
0x448: {  	s10 =	sand.u32 $0x40, s8;
	s4 =	sor.u32 $0xFC00, s11;
	v38 =	vld [tilespmem:s5+$0xC000]  }
0x449: {  	s1 =	sor.u32 $0xF400, s11;
	s9 =	sor.u32 s10, s4;
	v39 =	vld [tilespmem:s5+$0xC400]  }
0x44a: {  	s13 =	sor.u32 s10, s1;
	s5 =	sor.u32 $0xF000, s11;
	v13 =	vld [tilespmem:s9+$0x0]  }
0x44b: {  	s12 =	sor.u32 $0xE800, s11;
	s9 =	sor.u32 s10, s5;
	v14 =	vld [tilespmem:s13+$0x0]  }
0x44c: {  	s15 =	sor.u32 s10, s12;
	s13 =	sor.u32 $0xE400, s11;
	v15 =	vld [tilespmem:s9+$0x0]  }
0x44d: {  	s14 =	sor.u32 $0xDC00, s11;
	s9 =	sor.u32 s10, s13;
	v40 =	vld [tilespmem:s15+$0x0]  }
0x44e: {  	s16 =	sor.u32 s10, s14;
	s15 =	sor.u32 $0xD800, s11;
	v41 =	vld [tilespmem:s9+$0x0]  }
0x44f: {  	s17 =	sor.u32 $0xD000, s11;
	s9 =	sor.u32 s10, s15;
	v42 =	vld [tilespmem:s16+$0x0]  }
0x450: {  	s18 =	sor.u32 s10, s17;
	s16 =	sor.u32 $0xCC00, s11;
	v43 =	vld [tilespmem:s9+$0x0]  }
0x451: {  	s20 =	sor.u32 $0xC000, s11;
	s9 =	sor.u32 s10, s16;
	v44 =	vld [tilespmem:s18+$0x0]  }
0x452: {  	s21 =	sor.u32 $0xC400, s11;
	s18 =	sor.u32 s10, s20;
	v45 =	vld [tilespmem:s9+$0x0];
	s9 =	sadd.s32 $0x30, s8  }
0x453: {  	v46 =	vld [tilespmem:s18+$0x0];
	s18 =	sor.u32 s10, s21;
	s9 =	sand.u32 $0x70, s9  }
0x454: {  	v47 =	vld [tilespmem:s18+$0x0];
	s18 =	sor.u32 s9, s20  }
0x455: {  	s20 =	sor.u32 $0xC800, s11;
	v48 =	vld [tilespmem:s18+$0x0];
	s18 =	sor.u32 s9, s21  }
0x456: {  	s21 =	sor.u32 s10, s20;
	v49 =	vld [tilespmem:s18+$0x0]  }
0x457: {  	s18 =	sor.u32 s9, s20;
	v50 =	vld [tilespmem:s21+$0x0]  }
0x458: {  	s6 =	sadd.s32 $0x4, s6;
	s16 =	sor.u32 s9, s16;
	v51 =	vld [tilespmem:s18+$0x0]  }
0x459: {  	p0 =	slt.u32 s6, $0x3C;
	v36 =	vadd.s32 v36, v37;
	s18 =	sor.u32 $0xD400, s11;
	v37 =	vld [tilespmem:s16+$0x0];
	s16 =	sor.u32 s9, s17  }
0x45a: {  	v34 =	vadd.s32 v34, v36;
	v36 =	vadd.s32 v38, v39;
	s17 =	sor.u32 s10, s18;
	v38 =	vld [tilespmem:s16+$0x0]  }
0x45b: {  	v35 =	vadd.s32 v35, v36;
	v39 =	vadd.s32 v46, v47;
	s16 =	sor.u32 s9, s18;
	v46 =	vld [tilespmem:s17+$0x0];
	v36 =	vadd.s32 v48, v49  }
0x45c: {  	v32 =	vadd.s32 v32, v34;
	v33 =	vadd.s32 v33, v35;
	s15 =	sor.u32 s9, s15;
	v39 =	vadd.s32 v50, v39;
	v34 =	vld [tilespmem:s16+$0x0]  }
0x45d: {  	v30 =	vadd.s32 v30, v32;
	v31 =	vadd.s32 v31, v33;
	s14 =	sor.u32 s9, s14;
	s16 =	sor.u32 $0xE000, s11;
	v32 =	vadd.s32 v51, v36;
	v33 =	vld [tilespmem:s15+$0x0]  }
0x45e: {  	v29 =	vadd.s32 v29, v30;
	v35 =	vadd.s32 v45, v39;
	s15 =	sor.u32 s10, s16;
	v30 =	vadd.s32 v37, v32;
	v32 =	vld [tilespmem:s14+$0x0]  }
0x45f: {  	v28 =	vadd.s32 v28, v31;
	v35 =	vadd.s32 v44, v35;
	s14 =	sor.u32 s9, s16;
	v36 =	vld [tilespmem:s15+$0x0];
	v30 =	vadd.s32 v38, v30  }
0x460: {  	v26 =	vadd.s32 v26, v29;
	v27 =	vadd.s32 v27, v28;
	s13 =	sor.u32 s9, s13;
	s15 =	sor.u32 $0xEC00, s11;
	v31 =	vadd.s32 v46, v35;
	v28 =	vld [tilespmem:s14+$0x0]  }
0x461: {  	v24 =	vadd.s32 v24, v26;
	v25 =	vadd.s32 v25, v27;
	s14 =	sor.u32 s10, s15;
	v26 =	vadd.s32 v34, v30;
	v27 =	vld [tilespmem:s13+$0x0]  }
0x462: {  	v23 =	vadd.s32 v23, v24;
	s12 =	sor.u32 s9, s12;
	v29 =	vadd.s32 v43, v31;
	v30 =	vld [tilespmem:s14+$0x0];
	v24 =	vadd.s32 v33, v26  }
.Ltmp20:
0x463: {  	v25 =	vadd.s32 v22, v25;
	s11 =	sor.u32 $0xF800, s11;
	v26 =	vadd.s32 v42, v29;
	v24 =	vadd.s32 v32, v24;
	v22 =	vld [tilespmem:s12+$0x0];
	s12 =	sor.u32 s9, s15;
	(pc) =	sbr.rel @p0 .LBB2_34-.Ltmp20, $4  }
0x464: {  	v23 =	vadd.s32 v20, v23;
	v25 =	vadd.s32 v21, v25;
	s10 =	sor.u32 s10, s11;
	v26 =	vadd.s32 v36, v26;
	v21 =	vld [tilespmem:s12+$0x0]  }
0x465: {  	s5 =	sor.u32 s9, s5;
	v29 =	vadd.s32 v19, v23;
	v26 =	vadd.s32 v41, v26;
	v20 =	vld [tilespmem:s10+$0x0];
	v19 =	vadd.s32 v28, v24  }
0x466: {  	s1 =	sor.u32 s9, s1;
	v25 =	vadd.s32 v18, v25;
	v23 =	vadd.s32 v40, v26;
	v19 =	vadd.s32 v27, v19;
	v18 =	vld [tilespmem:s5+$0x0]  }
0x467: {  	s8 =	sadd.s32 $0x40, s8;
	v17 =	vadd.s32 v17, v25;
	v24 =	vadd.s32 v16, v29;
	v23 =	vadd.s32 v30, v23;
	v16 =	vld [tilespmem:s1+$0x0];
	s1 =	sor.u32 s9, s11  }
0x468: {  	v15 =	vadd.s32 v15, v23  }
0x469: {  	v12 =	vadd.s32 v12, v24;
	v19 =	vadd.s32 v22, v19;
	v54 =	vld [tilespmem:s1+$0x0];
	s15 =	sor.u32 s9, s4;
	v14 =	vadd.s32 v14, v15  }
0x46a: {  	v11 =	vadd.s32 v11, v17;
	v56 =	vld [tilespmem:s15+$0x0];
	v9 =	vadd.s32 v9, v12;
	v14 =	vadd.s32 v20, v14  }
0x46b: {  	v55 =	vadd.s32 v21, v19;
	v5 =	vadd.s32 v5, v9;
	v57 =	vadd.s32 v13, v14  }
0x46c: {  	v10 =	vadd.s32 v10, v11;
	v58 =	vadd.s32 v18, v55;
	v5 =	vadd.s32 v8, v5;
	(xrf0) =	vadd.scan.msk.s32 $0xffff, v57  }
0x46d: {  	v7 =	vadd.s32 v7, v10;
	v59 =	vadd.s32 v16, v58;
	(xrf0) =	vadd.scan.msk.s32 $0xffff, v5  }
0x46e: {  	v6 =	vadd.s32 v6, v7;
	v7 =	vadd.s32 v54, v59  }
0x46f: {  	v7 =	vadd.s32 v56, v7;
	(xrf0) =	vadd.scan.msk.s32 $0xffff, v6  }
0x470: {  	(xrf0) =	vadd.scan.msk.s32 $0xffff, v7;
	_ =	sdelay $0x1  }
0x471: {  	v60, _, _ =	vpop (xrf0)  }
0x472: {  	(v2sf) =	vpush v60, $0xF;
	v61, _, _ =	vpop (xrf0)  }
0x473: {  	(v2sf) =	vpush v61, $0xF  }
0x474: {  	v62, _, _ =	vpop (xrf0)  }
0x475: {  	(v2sf) =	vpush v62, $0xF;
	v63, _, _ =	vpop (xrf0)  }
0x476: {  	(v2sf) =	vpush v63, $0xF;
	_ =	sdelay $0x6  }
0x477: {  	s16 =	sadd.s32 $0x40, s2  }
0x478: {  	[tilespmem:s16+$0xFFFFFFE0] =	vst v57  }
0x479: {  	[tilespmem:s16+$0xFFFFFFF0] =	vst v5  }
0x47a: {  	[tilespmem:s16+$0x0] =	vst v6  }
0x47b: {  	s0 =	sadd.s32 $0x4, s0;
	[tilespmem:s16+$0x10] =	vst v7;
	s17 =	spop (v2sf)  }
0x47c: {  	[smem:s0+$0xFFFFFFFE] =	sst s17;
	s18 =	spop (v2sf)  }
0x47d: {  	p1 =	por $0x1, $0x1;
	[smem:s0+$0xFFFFFFFF] =	sst s18  }
.Ltmp21:
0x47e: {  	s20 =	spop (v2sf);
	(pc) =	sbr.rel @!p1 .LBB2_36-.Ltmp21, $4  }
0x47f: {  	[smem:s0] =	sst s20;
	s21 =	spop (v2sf)  }
0x480: {  	s1 =	simm.s32 $0xFFFFFFFF;
	[smem:s0+$0x1] =	sst s21;
	s0 =	simm.s32 @!p4 $0x0  }
0x481: {  	s2 =	simm.s32 $0x3F;
	s6 =	sld [smem:$0x3F];
	s0 =	simm.s32 @p4 $0x1  }
0x482: {  	s8 =	simm.s32 $0x3E;
	p0 =	por $0x0, $0x0;
	[smem:$0x7EF] =	sst s0  }
0x483: {  	p2 =	por $0x1, $0x1  }
.Ltmp22:
0x484: {  	_ = 	snop;
	(pc) =	sbr.rel @!p2 .LBB2_38-.Ltmp22, $4  }
0x485: {  	p0 =	por $0x1, $0x1;
	s10 =	simm.s32 $0x3D;
	s0 =	sadd.s32 $0x0, s6  }
0x486: {  	s9 =	simm.s32 $0xFFFFFFFF;
	s4 =	simm.s32 $0x0;
	p1 =	sge.s32 s0, s31  }
0x487: {  	s5 =	simm.s32 $0x0;
	s11 =	simm.s32 $0x3E;
	p0 =	por !p0, !p1  }
0x488: {  	s6 =	sld [smem:$0x3E];
	p1 =	por !p0, !p0;
	p0 =	por $0x1, $0x1  }
.LBB2_39:
0x489: {  	p2 =	sne.s32 s10, $0x0;
	s9 =	smov.u32 @p1 s2;
	s5 =	smov.u32 @p1 s4  }
0x48a: {  	s2 =	smov.u32 s8;
	s8 =	smov.u32 s10;
	s4 =	smov.u32 s0  }
.Ltmp23:
0x48b: {  	s10 =	sadd.s32 $0xFFFFFFFF, s10;
	(pc) =	sbr.rel @p2 .LBB2_39-.Ltmp23, $4  }
0x48c: {  	s0 =	sadd.s32 s0, s6  }
0x48d: {  	p1 =	slt.s32 s9, $0x0;
	p3 =	sge.s32 s0, s31  }
0x48e: {  	s11 =	sadd.s32 $0xFFFFFFFF, s11;
	p1 =	por !p1, !p3  }
0x48f: {  	s6 =	sld [smem:s11+$0x0];
	p1 =	por !p1, !p1  }
0x490: {  	s10 =	smov.u32 s2;
	s2 =	smov.u32 s8  }
.LBB2_41:
0x491: {  	p1 =	por !p1, !p0  }
0x492: {  	s10 =	smov.u32 @p1 s9  }
0x493: {  	s6 =	sadd.s32 s0, s6;
	s1 =	smov.u32 @p0 s10  }
0x494: {  	p3 =	sge.s32 s6, s31;
	p2 =	slt.s32 s1, $0x0  }
0x495: {  	p2 =	por !p2, !p3  }
0x496: {  	p2 =	por !p2, !p2  }
0x497: {  	s1 =	smov.u32 @p2 s2  }
0x498: {  	s14 =	sshll.u32 s1, $0x4  }
0x499: {  	v5 =	vld [tilespmem:s14+$0x14000];
	_ =	sdelay $0x4  }
0x49a: {  	(v2sf) =	vpush v5, $0xF;
	_ =	sdelay $0x3  }
0x49b: {  	(v2sf) =	vpush v5, $0xE;
	_ =	sdelay $0x3  }
0x49c: {  	(v2sf) =	vpush v5, $0xD;
	_ =	sdelay $0x4  }
0x49d: {  	s4 =	smov.u32 @p1 s5  }
0x49e: {  	s22 =	smov.u32 @p0 s4;
	(v2sf) =	vpush v5, $0xC  }
0x49f: {  	s22 =	smov.u32 @p2 s0;
	s6 =	spop (v2sf)  }
0x4a0: {  	s0 =	sadd.s32 s22, s6  }
0x4a1: {  	p0 =	slt.s32 s0, s31  }
0x4a2: {  	s2 =	simm.s32 @!p0 $0x0  }
0x4a3: {  	s16 =	sshllo.u32 s1, $0x4;
	s8 =	spop (v2sf);
	s2 =	simm.s32 @p0 $0x1  }
0x4a4: {  	(v2sf) =	vpush v5, $0xB;
	s16 =	simm.s32 @p0 $0xFFFFFFFF;
	[smem:$0x7E4] =	sst s2;
	s2 =	sadd.s32 s8, s0  }
0x4a5: {  	p0 =	slt.s32 s16, $0x0;
	p4 =	sge.s32 s2, s31  }
0x4a6: {  	p0 =	por !p4, !p0  }
0x4a7: {  	s1 =	sor.u32 $0xE, s14;
	s9 =	spop (v2sf);
	p0 =	por !p0, !p0  }
0x4a8: {  	s4 =	sadd.s32 s9, s2;
	s5 =	simm.s32 @!p0 $0x0;
	s16 =	smov.u32 @p0 s1  }
0x4a9: {  	p5 =	sge.s32 s4, s31;
	s5 =	simm.s32 @p0 $0x1;
	p0 =	slt.s32 s16, $0x0  }
0x4aa: {  	(v2sf) =	vpush v5, $0xA;
	p0 =	por !p5, !p0  }
0x4ab: {  	p0 =	por !p0, !p0  }
0x4ac: {  	s6 =	simm.s32 @!p0 $0x0  }
0x4ad: {  	s10 =	spop (v2sf);
	s1 =	sor.u32 $0xD, s14;
	s6 =	simm.s32 @p0 $0x1  }
0x4ae: {  	s16 =	smov.u32 @p0 s1;
	[smem:$0x7E6] =	sst s6;
	s6 =	sadd.s32 s10, s4  }
0x4af: {  	p0 =	slt.s32 s16, $0x0;
	p6 =	sge.s32 s6, s31  }
0x4b0: {  	(v2sf) =	vpush v5, $0x9;
	p0 =	por !p6, !p0  }
0x4b1: {  	p0 =	por !p0, !p0  }
0x4b2: {  	s8 =	simm.s32 @!p0 $0x0  }
0x4b3: {  	s11 =	spop (v2sf);
	s1 =	sor.u32 $0xC, s14;
	s8 =	simm.s32 @p0 $0x1  }
0x4b4: {  	(v2sf) =	vpush v5, $0x8;
	s16 =	smov.u32 @p0 s1;
	[smem:$0x7E7] =	sst s8;
	s8 =	sadd.s32 s11, s6  }
0x4b5: {  	p0 =	slt.s32 s16, $0x0;
	p2 =	sge.s32 s8, s31  }
0x4b6: {  	p0 =	por !p2, !p0  }
0x4b7: {  	p0 =	por !p0, !p0  }
0x4b8: {  	(v2sf) =	vpush v5, $0x7;
	s9 =	simm.s32 @!p0 $0x0  }
0x4b9: {  	s12 =	spop (v2sf);
	s1 =	sor.u32 $0xB, s14;
	s9 =	simm.s32 @p0 $0x1  }
0x4ba: {  	s16 =	smov.u32 @p0 s1;
	[smem:$0x7E8] =	sst s9;
	s9 =	sadd.s32 s12, s8  }
0x4bb: {  	(v2sf) =	vpush v5, $0x6;
	p0 =	slt.s32 s16, $0x0;
	p3 =	sge.s32 s9, s31  }
0x4bc: {  	p0 =	por !p3, !p0  }
0x4bd: {  	p0 =	por !p0, !p0  }
0x4be: {  	s10 =	simm.s32 @!p0 $0x0  }
0x4bf: {  	s13 =	spop (v2sf);
	(v2sf) =	vpush v5, $0x5;
	s1 =	sor.u32 $0xA, s14;
	s10 =	simm.s32 @p0 $0x1  }
0x4c0: {  	s16 =	smov.u32 @p0 s1;
	[smem:$0x7E9] =	sst s10;
	s10 =	sadd.s32 s13, s9  }
0x4c1: {  	p0 =	slt.s32 s16, $0x0;
	p4 =	sge.s32 s10, s31  }
0x4c2: {  	p0 =	por !p4, !p0  }
0x4c3: {  	s15 =	spop (v2sf);
	(v2sf) =	vpush v5, $0x4;
	s1 =	sor.u32 $0x9, s14;
	p0 =	por !p0, !p0  }
0x4c4: {  	s11 =	simm.s32 @!p0 $0x0;
	s16 =	smov.u32 @p0 s1;
	s1 =	sadd.s32 s15, s10  }
0x4c5: {  	s11 =	simm.s32 @p0 $0x1;
	p0 =	slt.s32 s16, $0x0;
	p5 =	sge.s32 s1, s31  }
0x4c6: {  	[smem:$0x7E5] =	sst s5;
	p0 =	por !p5, !p0  }
0x4c7: {  	s5 =	sor.u32 $0x8, s14;
	s17 =	spop (v2sf);
	(v2sf) =	vpush v5, $0x3;
	p0 =	por !p0, !p0  }
0x4c8: {  	s12 =	simm.s32 @!p0 $0x0;
	s16 =	smov.u32 @p0 s5;
	s5 =	sadd.s32 s17, s1  }
0x4c9: {  	s12 =	simm.s32 @p0 $0x1;
	p0 =	slt.s32 s16, $0x0;
	p6 =	sge.s32 s5, s31  }
0x4ca: {  	s18 =	spop (v2sf);
	p0 =	por !p6, !p0  }
0x4cb: {  	[smem:$0x7EA] =	sst s11;
	s11 =	sor.u32 $0x7, s14;
	p0 =	por !p0, !p0  }
0x4cc: {  	(v2sf) =	vpush v5, $0x2;
	s13 =	simm.s32 @!p0 $0x0;
	s16 =	smov.u32 @p0 s11;
	s11 =	sadd.s32 s18, s5  }
0x4cd: {  	s13 =	simm.s32 @p0 $0x1;
	p0 =	slt.s32 s16, $0x0;
	p2 =	sge.s32 s11, s31  }
0x4ce: {  	s20 =	spop (v2sf);
	p0 =	por !p2, !p0  }
0x4cf: {  	[smem:$0x7EB] =	sst s12;
	s12 =	sor.u32 $0x6, s14;
	p0 =	por !p0, !p0  }
0x4d0: {  	(v2sf) =	vpush v5, $0x1;
	s15 =	simm.s32 @!p0 $0x0;
	s16 =	smov.u32 @p0 s12;
	s12 =	sadd.s32 s20, s11  }
0x4d1: {  	s15 =	simm.s32 @p0 $0x1;
	p0 =	slt.s32 s16, $0x0;
	p3 =	sge.s32 s12, s31  }
0x4d2: {  	s21 =	spop (v2sf);
	(v2sf) =	vpush v5, $0x0;
	p0 =	por !p3, !p0  }
0x4d3: {  	[smem:$0x7EC] =	sst s13;
	s13 =	sor.u32 $0x5, s14;
	p0 =	por !p0, !p0  }
0x4d4: {  	s17 =	simm.s32 @!p0 $0x0;
	s16 =	smov.u32 @p0 s13;
	s13 =	sadd.s32 s21, s12  }
0x4d5: {  	s17 =	simm.s32 @p0 $0x1;
	p0 =	slt.s32 s16, $0x0;
	p4 =	sge.s32 s13, s31  }
0x4d6: {  	s18 =	spop (v2sf);
	p0 =	por !p4, !p0  }
0x4d7: {  	[smem:$0x7EE] =	sst s17;
	s17 =	sor.u32 $0x4, s14;
	p0 =	por !p0, !p0  }
0x4d8: {  	[smem:$0x7ED] =	sst s15;
	s15 =	sadd.s32 s18, s13;
	s16 =	smov.u32 @p0 s17  }
0x4d9: {  	p6 =	sge.s32 s15, s31;
	p5 =	slt.s32 s16, $0x0  }
0x4da: {  	p1 =	por !p6, !p5  }
0x4db: {  	s20 =	spop (v2sf);
	s18 =	sor.u32 $0x3, s14;
	p1 =	por !p1, !p1  }
0x4dc: {  	s17 =	sadd.s32 s20, s15;
	s16 =	smov.u32 @p1 s18  }
0x4dd: {  	p4 =	sge.s32 s17, s31;
	p3 =	slt.s32 s16, $0x0  }
0x4de: {  	p2 =	por !p4, !p3  }
0x4df: {  	s21 =	spop (v2sf);
	s20 =	sor.u32 $0x2, s14;
	p4 =	por !p2, !p2  }
0x4e0: {  	s18 =	sadd.s32 s21, s17;
	s16 =	smov.u32 @p4 s20  }
0x4e1: {  	s21 =	spop (v2sf);
	p6 =	sge.s32 s18, s31;
	p5 =	slt.s32 s16, $0x0  }
0x4e2: {  	s21 =	sadd.s32 s21, s18;
	p2 =	por !p6, !p5  }
0x4e3: {  	s20 =	sor.u32 $0x1, s14;
	p6 =	sge.s32 s21, s31;
	p5 =	por !p2, !p2  }
0x4e4: {  	s21 =	sshll.u32 s30, $0xA;
	s30 =	sld [smem:$0x7F2];
	s16 =	smov.u32 @p5 s20  }
0x4e5: {  	p3 =	slt.s32 s16, $0x0  }
0x4e6: {  	p2 =	por !p6, !p3  }
0x4e7: {  	p6 =	por !p2, !p2;
	p2 =	seq.s32 s30, $0x1  }
.Ltmp24:
0x4e8: {  	_ = 	snop;
	(pc) =	sbr.rel @p2 .LBB2_47-.Ltmp24, $4  }
0x4e9: {  	_ = 	snop  }
0x4ea: {  	s16 =	smov.u32 @p6 s14  }
0x4eb: {  	s21 =	sor.u32 s21, s16  }
0x4ec: {  	v5 =	vmov s21  }
0x4ed: {  	s14 =	simm.s32 $0x14410  }
0x4ee: {  	v6 =	vld [tilespmem:s14+$0x0]  }
0x4ef: {  	p3 =	sgt.s32 s26, $0x2  }
.Ltmp25:
0x4f0: {  	_ = 	snop;
	(pc) =	sbr.rel @!p3 .LBB2_43-.Ltmp25, $3  }
0x4f1: {  	_ =	sdelay $0x1  }
0x4f2: {  	v8 =	vshrl.u32 v6, $0xB;
	v9 =	vshrl.u32 v6, $0x1  }
0x4f3: {  	s16 =	simm.s32 $0x14430;
	p2 =	por $0x0, $0x0;
	v7 =	vld [tilespmem:s14+$0xFFFFFFF0];
	v6 =	vor.u32 $0x8000, v0;
	vm0 =	veq.s32 v8, v5;
	v9 =	vand.u32 $0x3FF, v9  }
0x4f4: {  	_ =	sdelay $0x3  }
0x4f5: {  	v10 =	vld [tilespmem:s16+$0x0];
	v8 =	vshrl.u32 v7, $0xB;
	v7 =	vshrl.u32 v7, $0x1  }
0x4f6: {  	v9 =	vor.u32 v6, v9;
	p3 =	sgt.s32 s26, $0x4;
	v7 =	vand.u32 $0x3FF, v7  }
.Ltmp26:
0x4f7: {  	vm1 =	veq.s32 v8, v5;
	v8 =	vor.u32 v6, v7;
	v7 =	vld [tilespmem:s16+$0xFFFFFFF0];
	(pc) =	sbr.rel @!p3 .LBB2_46-.Ltmp26, $3  }
0x4f8: {  	vm1 =	vmmov vm1;
	_ =	sdelay $0x1  }
0x4f9: {  	v11 =	vshrl.u32 v10, $0xB;
	v10 =	vshrl.u32 v10, $0x1  }
0x4fa: {  	s14 =	simm.s32 $0x4;
	p2 =	por $0x1, $0x1;
	[tilespmem:v9+s19+$0x0] =	vst.idx.add.s32.msk vm0, v2;
	vm0 =	veq.s32 v11, v5;
	v9 =	vand.u32 $0x3FF, v10;
	s16 =	simm.s32 $0x14450  }
.LBB2_45:
0x4fb: {  	v10 =	vld [tilespmem:s16+$0x0];
	s14 =	sadd.s32 $0x2, s14;
	v11 =	vshrl.u32 v7, $0xB;
	v12 =	vshrl.u32 v7, $0x1;
	v9 =	vor.u32 v6, v9  }
0x4fc: {  	v7 =	vld [tilespmem:s16+$0xFFFFFFF0];
	p3 =	slt.s32 s14, s26;
	vm2 =	veq.s32 v11, v5;
	v11 =	vand.u32 $0x3FF, v12  }
.Ltmp27:
0x4fd: {  	[tilespmem:v8+s19+$0x0] =	vst.idx.add.s32.msk vm1, v2;
	v8 =	vor.u32 v6, v11;
	vm1 =	vmmov vm2;
	(pc) =	sbr.rel @p3 .LBB2_45-.Ltmp27, $3  }
0x4fe: {  	_ =	sdelay $0x1  }
0x4ff: {  	v11 =	vshrl.u32 v10, $0xB;
	v10 =	vshrl.u32 v10, $0x1;
	[tilespmem:v9+s19+$0x0] =	vst.idx.add.s32.msk vm0, v2  }
0x500: {  	s16 =	sadd.s32 $0x20, s16;
	vm0 =	veq.s32 v11, v5;
	v9 =	vand.u32 $0x3FF, v10  }
.LBB2_46:
0x501: {  	v10 =	vshrl.u32 v7, $0xB  }
0x502: {  	v7 =	vshrl.u32 v7, $0x1;
	vm2 =	veq.s32 v10, v5  }
0x503: {  	v9 =	vor.u32 v6, v9;
	v7 =	vand.u32 $0x3FF, v7;
	vm2 =	vmmov vm2  }
0x504: {  	v6 =	vor.u32 v6, v7;
	_ =	sdelay $0x2  }
0x505: {  	[tilespmem:v8+s19+$0x0] =	vst.idx.add.s32.msk @p2 vm1, v2  }
0x506: {  	[tilespmem:v9+s19+$0x0] =	vst.idx.add.s32.msk vm0, v2  }
0x507: {  	[tilespmem:v6+s19+$0x0] =	vst.idx.add.s32.msk vm2, v2  }
.LBB2_47:
0x508: {  	s14 =	sld [smem:$0x7E4]  }
0x509: {  	s20 =	sld [smem:$0x7E5]  }
0x50a: {  	s16 =	sld [smem:$0x7E6]  }
0x50b: {  	p2 =	seq.s32 s14, $0x1  }
0x50c: {  	s22 =	simm.s32 @p2 $0x0;
	p2 =	seq.s32 s20, $0x1  }
0x50d: {  	s20 =	sld [smem:$0x7E7];
	s22 =	smov.u32 @p2 s0;
	p2 =	seq.s32 s16, $0x1  }
0x50e: {  	s22 =	smov.u32 @p2 s2;
	s2 =	sld [smem:$0x7E8];
	_ =	sdelay $0x1  }
0x50f: {  	p2 =	seq.s32 s20, $0x1  }
0x510: {  	s22 =	smov.u32 @p2 s4;
	p2 =	seq.s32 s2, $0x1  }
0x511: {  	s22 =	smov.u32 @p2 s6;
	s6 =	sld [smem:$0x7E9];
	_ =	sdelay $0x2  }
0x512: {  	p3 =	seq.s32 s6, $0x1  }
0x513: {  	s22 =	smov.u32 @p3 s8;
	s8 =	sld [smem:$0x7EA];
	_ =	sdelay $0x2  }
0x514: {  	p3 =	seq.s32 s8, $0x1  }
0x515: {  	s22 =	smov.u32 @p3 s9;
	s9 =	sld [smem:$0x7EB]  }
0x516: {  	s14 =	sld [smem:$0x7EC]  }
0x517: {  	s16 =	sld [smem:$0x7ED]  }
0x518: {  	s20 =	sld [smem:$0x7EE];
	p3 =	seq.s32 s9, $0x1  }
0x519: {  	s22 =	smov.u32 @p3 s10;
	p3 =	seq.s32 s14, $0x1  }
0x51a: {  	s4 =	sld [smem:$0x7F1];
	s22 =	smov.u32 @p3 s1;
	p3 =	seq.s32 s16, $0x1  }
0x51b: {  	s22 =	smov.u32 @p3 s5;
	p3 =	seq.s32 s20, $0x1  }
0x51c: {  	s22 =	smov.u32 @p3 s11  }
0x51d: {  	p2 =	seq.s32 s4, $0x1;
	s22 =	smov.u32 @p0 s12  }
0x51e: {  	v6 =	vld @!p2 [tilespmem:s7+$0x14400];
	s22 =	smov.u32 @p1 s13  }
0x51f: {  	s22 =	smov.u32 @p4 s15  }
0x520: {  	s22 =	smov.u32 @p5 s17  }
0x521: {  	v7 =	vlaneseq.u32 @!p2;
	s22 =	smov.u32 @p6 s18  }
0x522: {  	v7 =	vmul.u32 @!p2 $0x400, v7;
	s30 =	ssub.s32 s31, s22;
	s22 =	sld [smem:$0x7F0]  }
0x523: {  	v8 =	vshrl.u32 @!p2 v6, $0xB;
	v6 =	vshrl.u32 @!p2 v6, $0x1  }
0x524: {  	v7 =	vor.u32 @!p2 $0x8000, v7;
	vm0 =	veq.s32 @!p2 v8, s21;
	v6 =	vand.u32 @!p2 $0x3FF, v6  }
0x525: {  	v6 =	vor.u32 @!p2 v7, v6;
	p0 =	seq.s32 s22, $0x1  }
.Ltmp28:
0x526: {  	_ = 	snop;
	(pc) =	sbr.rel @p0 .LBB2_53-.Ltmp28, $3  }
0x527: {  	s31 =	sld [smem:$0x7EF];
	_ =	sdelay $0x1  }
0x528: {  	s0 =	simm.s32 @!p2 $0x8000;
	v7 =	vimm.s32 @!p2 $0x1  }
0x529: {  	[tilespmem:v6+s0+$0x0] =	vst.idx.add.s32.msk @!p2 vm0, v7;
	p2 =	seq.s32 s31, $0x1  }
0x52a: {  	s0 =	simm.s32 $0x18420  }
0x52b: {  	v6 =	vld [tilespmem:s0+$0x0]  }
0x52c: {  	p1 =	sgt.s32 s25, $0x2  }
.Ltmp29:
0x52d: {  	_ = 	snop;
	(pc) =	sbr.rel @!p1 .LBB2_49-.Ltmp29, $3  }
0x52e: {  	_ =	sdelay $0x1  }
0x52f: {  	v8 =	vshrl.u32 v6, $0xB;
	v9 =	vshrl.u32 v6, $0x1  }
0x530: {  	s1 =	simm.s32 $0x18440;
	p0 =	por $0x0, $0x0;
	v7 =	vld [tilespmem:s0+$0xFFFFFFF0];
	v6 =	vor.u32 $0x8000, v0;
	vm0 =	veq.s32 v8, v5;
	v9 =	vand.u32 $0x3FF, v9  }
0x531: {  	_ =	sdelay $0x3  }
0x532: {  	v10 =	vld [tilespmem:s1+$0x0];
	v8 =	vshrl.u32 v7, $0xB;
	v7 =	vshrl.u32 v7, $0x1  }
0x533: {  	v9 =	vor.u32 v6, v9;
	p1 =	sgt.s32 s25, $0x4;
	v7 =	vand.u32 $0x3FF, v7  }
.Ltmp30:
0x534: {  	vm1 =	veq.s32 v8, v5;
	v8 =	vor.u32 v6, v7;
	v7 =	vld [tilespmem:s1+$0xFFFFFFF0];
	(pc) =	sbr.rel @!p1 .LBB2_52-.Ltmp30, $3  }
0x535: {  	vm1 =	vmmov vm1;
	_ =	sdelay $0x1  }
0x536: {  	v11 =	vshrl.u32 v10, $0xB;
	v10 =	vshrl.u32 v10, $0x1  }
0x537: {  	s0 =	simm.s32 $0x4;
	p0 =	por $0x1, $0x1;
	[tilespmem:v9+s19+$0x0] =	vst.idx.add.s32.msk vm0, v2;
	vm0 =	veq.s32 v11, v5;
	v9 =	vand.u32 $0x3FF, v10;
	s1 =	simm.s32 $0x18460  }
.LBB2_51:
0x538: {  	v10 =	vld [tilespmem:s1+$0x0];
	s0 =	sadd.s32 $0x2, s0;
	v11 =	vshrl.u32 v7, $0xB;
	v12 =	vshrl.u32 v7, $0x1;
	v9 =	vor.u32 v6, v9  }
0x539: {  	v7 =	vld [tilespmem:s1+$0xFFFFFFF0];
	p1 =	slt.s32 s0, s25;
	vm2 =	veq.s32 v11, v5;
	v11 =	vand.u32 $0x3FF, v12  }
.Ltmp31:
0x53a: {  	[tilespmem:v8+s19+$0x0] =	vst.idx.add.s32.msk vm1, v2;
	v8 =	vor.u32 v6, v11;
	vm1 =	vmmov vm2;
	(pc) =	sbr.rel @p1 .LBB2_51-.Ltmp31, $3  }
0x53b: {  	_ =	sdelay $0x1  }
0x53c: {  	v11 =	vshrl.u32 v10, $0xB;
	v10 =	vshrl.u32 v10, $0x1;
	[tilespmem:v9+s19+$0x0] =	vst.idx.add.s32.msk vm0, v2  }
0x53d: {  	s1 =	sadd.s32 $0x20, s1;
	vm0 =	veq.s32 v11, v5;
	v9 =	vand.u32 $0x3FF, v10  }
.LBB2_52:
0x53e: {  	v10 =	vshrl.u32 v7, $0xB  }
0x53f: {  	v7 =	vshrl.u32 v7, $0x1;
	vm2 =	veq.s32 v10, v5  }
0x540: {  	v5 =	vor.u32 v6, v9;
	v7 =	vand.u32 $0x3FF, v7;
	vm2 =	vmmov vm2  }
0x541: {  	v6 =	vor.u32 v6, v7;
	_ =	sdelay $0x2  }
0x542: {  	[tilespmem:v8+s19+$0x0] =	vst.idx.add.s32.msk @p0 vm1, v2  }
0x543: {  	[tilespmem:v5+s19+$0x0] =	vst.idx.add.s32.msk vm0, v2  }
0x544: {  	[tilespmem:v6+s19+$0x0] =	vst.idx.add.s32.msk vm2, v2  }
.LBB2_53:
0x545: {  	v5 =	vld @p2 [tilespmem:s3+$0x18410];
	_ =	sdelay $0x2  }
0x546: {  	v6 =	vlaneseq.u32 @p2  }
0x547: {  	v6 =	vmul.u32 @p2 $0x400, v6  }
0x548: {  	v7 =	vshrl.u32 @p2 v5, $0xB;
	v5 =	vshrl.u32 @p2 v5, $0x1  }
0x549: {  	v6 =	vor.u32 @p2 $0x8000, v6;
	vm0 =	veq.s32 @p2 v7, s21;
	v5 =	vand.u32 @p2 $0x3FF, v5  }
0x54a: {  	v5 =	vor.u32 @p2 v6, v5;
	_ =	sdelay $0x3  }
0x54b: {  	s0 =	simm.s32 @p2 $0x8000;
	v6 =	vimm.s32 @p2 $0x1  }
0x54c: {  	s2 =	simm.s32 $0x0;
	[tilespmem:v5+s0+$0x0] =	vst.idx.add.s32.msk @p2 vm0, v6  }
0x54d: {  	v21 =	vld [tilespmem:s2+$0x10030]  }
0x54e: {  	v22 =	vld [tilespmem:s2+$0x10430]  }
0x54f: {  	v23 =	vld [tilespmem:s2+$0x10830]  }
0x550: {  	v24 =	vld [tilespmem:s2+$0x10C30]  }
0x551: {  	v25 =	vld [tilespmem:s2+$0x11030]  }
0x552: {  	v26 =	vld [tilespmem:s2+$0x11430]  }
0x553: {  	v27 =	vld [tilespmem:s2+$0x11830]  }
0x554: {  	v28 =	vld [tilespmem:s2+$0x11C30]  }
0x555: {  	v29 =	vld [tilespmem:s2+$0x12030]  }
0x556: {  	v30 =	vld [tilespmem:s2+$0x12430]  }
0x557: {  	v31 =	vld [tilespmem:s2+$0x12830]  }
0x558: {  	v32 =	vld [tilespmem:s2+$0x12C30]  }
0x559: {  	v33 =	vld [tilespmem:s2+$0x13030]  }
0x55a: {  	v34 =	vld [tilespmem:s2+$0x13430]  }
0x55b: {  	v35 =	vld [tilespmem:s2+$0x13830]  }
0x55c: {  	v36 =	vld [tilespmem:s2+$0x13C30]  }
0x55d: {  	v37 =	vld [tilespmem:s2+$0x10010]  }
0x55e: {  	v38 =	vld [tilespmem:s2+$0x10410]  }
0x55f: {  	v39 =	vld [tilespmem:s2+$0x10020]  }
0x560: {  	v40 =	vld [tilespmem:s2+$0x10420]  }
0x561: {  	v46 =	vld [tilespmem:s2+$0x11410]  }
0x562: {  	v47 =	vld [tilespmem:s2+$0x11420]  }
0x563: {  	v48 =	vld [tilespmem:s2+$0x11810]  }
0x564: {  	v49 =	vld [tilespmem:s2+$0x11820]  }
0x565: {  	v50 =	vld [tilespmem:s2+$0x11C10]  }
0x566: {  	v52 =	vld [tilespmem:s2+$0x11C20]  }
0x567: {  	s0 =	simm.s32 $0x0;
	v53 =	vld [tilespmem:s2+$0x12010]  }
0x568: {  	s1 =	sand.u32 $0x3C0, s0;
	v54 =	vld [tilespmem:s2+$0x12020]  }
0x569: {  	v5 =	vld [tilespmem:s1+$0x10000]  }
0x56a: {  	v6 =	vld [tilespmem:s1+$0x10400]  }
0x56b: {  	v7 =	vld [tilespmem:s1+$0x10800]  }
0x56c: {  	v8 =	vld [tilespmem:s1+$0x10C00]  }
0x56d: {  	v9 =	vld [tilespmem:s1+$0x11000]  }
0x56e: {  	v10 =	vld [tilespmem:s1+$0x11400]  }
0x56f: {  	v11 =	vld [tilespmem:s1+$0x11800]  }
0x570: {  	v12 =	vld [tilespmem:s1+$0x11C00]  }
0x571: {  	v13 =	vld [tilespmem:s1+$0x12000];
	v5 =	vadd.s32 v5, v6  }
0x572: {  	v14 =	vld [tilespmem:s1+$0x12400];
	v5 =	vadd.s32 v7, v5  }
0x573: {  	v15 =	vld [tilespmem:s1+$0x12800];
	v5 =	vadd.s32 v8, v5  }
0x574: {  	v16 =	vld [tilespmem:s1+$0x12C00];
	v5 =	vadd.s32 v9, v5  }
0x575: {  	v17 =	vld [tilespmem:s1+$0x13000];
	v5 =	vadd.s32 v10, v5  }
0x576: {  	v18 =	vld [tilespmem:s1+$0x13400];
	v5 =	vadd.s32 v11, v5  }
0x577: {  	v19 =	vld [tilespmem:s1+$0x13800];
	v5 =	vadd.s32 v12, v5  }
0x578: {  	v20 =	vld [tilespmem:s1+$0x13C00];
	v5 =	vadd.s32 v13, v5  }
0x579: {  	v6 =	vld [tilespmem:s2+$0x10810];
	v5 =	vadd.s32 v14, v5  }
0x57a: {  	v7 =	vld [tilespmem:s2+$0x10820];
	v5 =	vadd.s32 v15, v5  }
0x57b: {  	v8 =	vld [tilespmem:s2+$0x10C10];
	v5 =	vadd.s32 v16, v5  }
0x57c: {  	v51 =	vadd.s32 v21, v22;
	v9 =	vld [tilespmem:s2+$0x10C20];
	v5 =	vadd.s32 v17, v5  }
0x57d: {  	v10 =	vld [tilespmem:s2+$0x11010];
	v17 =	vadd.s32 v23, v51;
	v5 =	vadd.s32 v18, v5  }
0x57e: {  	v11 =	vld [tilespmem:s2+$0x11020];
	v17 =	vadd.s32 v24, v17;
	v5 =	vadd.s32 v19, v5  }
0x57f: {  	v55 =	vld [tilespmem:s2+$0x12410];
	v20 =	vadd.s32 v20, v5;
	v5 =	vadd.s32 v25, v17  }
0x580: {  	v58 =	vld [tilespmem:s2+$0x12420];
	v56 =	vadd.s32 v37, v38;
	v57 =	vadd.s32 v39, v40;
	v5 =	vadd.s32 v26, v5  }
0x581: {  	v59 =	vld [tilespmem:s2+$0x12810];
	v6 =	vadd.s32 v6, v56;
	v7 =	vadd.s32 v7, v57;
	v5 =	vadd.s32 v27, v5  }
0x582: {  	v60 =	vld [tilespmem:s2+$0x13020];
	v6 =	vadd.s32 v8, v6;
	v7 =	vadd.s32 v9, v7;
	v5 =	vadd.s32 v28, v5  }
0x583: {  	v8 =	vld [tilespmem:s2+$0x12820];
	v6 =	vadd.s32 v10, v6;
	v7 =	vadd.s32 v11, v7;
	v5 =	vadd.s32 v29, v5  }
0x584: {  	v9 =	vld [tilespmem:s2+$0x12C10];
	v6 =	vadd.s32 v46, v6;
	v7 =	vadd.s32 v47, v7;
	v5 =	vadd.s32 v30, v5  }
0x585: {  	v10 =	vld [tilespmem:s2+$0x12C20];
	v6 =	vadd.s32 v48, v6;
	v7 =	vadd.s32 v49, v7;
	v5 =	vadd.s32 v31, v5  }
0x586: {  	v11 =	vld [tilespmem:s2+$0x13010];
	v6 =	vadd.s32 v50, v6;
	v7 =	vadd.s32 v52, v7;
	v5 =	vadd.s32 v32, v5  }
0x587: {  	v6 =	vadd.s32 v53, v6;
	v7 =	vadd.s32 v54, v7;
	v61 =	vadd.s32 v33, v5;
	v5 =	vld [tilespmem:s2+$0x13410]  }
0x588: {  	v62 =	vadd.s32 v55, v6;
	v6 =	vld [tilespmem:s2+$0x13420];
	v7 =	vadd.s32 v58, v7;
	v13 =	vadd.s32 v34, v61  }
0x589: {  	v14 =	vadd.s32 v59, v62;
	v8 =	vadd.s32 v8, v7;
	v7 =	vld [tilespmem:s2+$0x13810];
	v13 =	vadd.s32 v35, v13  }
0x58a: {  	[tilespmem:s2+$0x14000] =	vst v20;
	v9 =	vadd.s32 v9, v14;
	v63 =	vadd.s32 v10, v8;
	v8 =	vld [tilespmem:s2+$0x13820];
	v13 =	vadd.s32 v36, v13  }
0x58b: {  	s3 =	simm.s32 $0x0;
	s4 =	simm.s32 $0x40;
	v10 =	vadd.s32 v11, v9;
	v9 =	vld [tilespmem:s2+$0x13C10];
	v11 =	vadd.s32 v60, v63;
	[tilespmem:s2+$0x14030] =	vst v13  }
.LBB2_54:
0x58c: {  	s1 =	sand.u32 $0x3C0, s4;
	v5 =	vadd.s32 v5, v10;
	v10 =	vld [tilespmem:s2+$0x13C20]  }
0x58d: {  	v12 =	vld [tilespmem:s1+$0x10000];
	v6 =	vadd.s32 v6, v11  }
0x58e: {  	v11 =	vld [tilespmem:s1+$0x10400];
	v5 =	vadd.s32 v7, v5  }
0x58f: {  	v7 =	vld [tilespmem:s1+$0x10800];
	v6 =	vadd.s32 v8, v6  }
0x590: {  	v8 =	vld [tilespmem:s1+$0x10C00];
	v5 =	vadd.s32 v9, v5  }
0x591: {  	v9 =	vld [tilespmem:s1+$0x11000];
	[tilespmem:s2+$0x14010] =	vst v5;
	v5 =	vadd.s32 v10, v6  }
0x592: {  	v6 =	vld [tilespmem:s1+$0x11400];
	[tilespmem:s2+$0x14020] =	vst v5  }
0x593: {  	v5 =	vadd.s32 v12, v11;
	v10 =	vld [tilespmem:s1+$0x11800]  }
0x594: {  	v5 =	vadd.s32 v7, v5;
	v7 =	vld [tilespmem:s1+$0x11C00]  }
0x595: {  	v5 =	vadd.s32 v8, v5;
	v8 =	vld [tilespmem:s1+$0x12000]  }
0x596: {  	v5 =	vadd.s32 v9, v5;
	v9 =	vld [tilespmem:s1+$0x12400]  }
0x597: {  	v5 =	vadd.s32 v6, v5;
	v6 =	vld [tilespmem:s1+$0x12800]  }
0x598: {  	v5 =	vadd.s32 v10, v5;
	v10 =	vld [tilespmem:s1+$0x12C00]  }
0x599: {  	v5 =	vadd.s32 v7, v5;
	v7 =	vld [tilespmem:s1+$0x13000]  }
0x59a: {  	v5 =	vadd.s32 v8, v5;
	v8 =	vld [tilespmem:s1+$0x13400]  }
0x59b: {  	v5 =	vadd.s32 v9, v5;
	v9 =	vld [tilespmem:s1+$0x13800]  }
0x59c: {  	v5 =	vadd.s32 v6, v5;
	v6 =	vld [tilespmem:s1+$0x13C00]  }
0x59d: {  	v5 =	vadd.s32 v10, v5  }
0x59e: {  	v5 =	vadd.s32 v7, v5  }
0x59f: {  	v5 =	vadd.s32 v8, v5  }
0x5a0: {  	s0 =	sadd.s32 $0x100, s0;
	v5 =	vadd.s32 v9, v5  }
0x5a1: {  	s2 =	sshra.s32 s0, $0x2;
	v5 =	vadd.s32 v6, v5  }
0x5a2: {  	s3 =	sadd.s32 $0x4, s3;
	[tilespmem:s2+$0x14000] =	vst v5;
	v5 =	vld [tilespmem:s2+$0x10030]  }
0x5a3: {  	p0 =	slt.u32 s3, $0x3C;
	v6 =	vld [tilespmem:s2+$0x10430]  }
0x5a4: {  	v7 =	vld [tilespmem:s2+$0x10830]  }
0x5a5: {  	v8 =	vld [tilespmem:s2+$0x10C30]  }
0x5a6: {  	v9 =	vld [tilespmem:s2+$0x11030]  }
0x5a7: {  	v10 =	vld [tilespmem:s2+$0x11430]  }
0x5a8: {  	v5 =	vadd.s32 v5, v6;
	v6 =	vld [tilespmem:s2+$0x11830]  }
0x5a9: {  	v5 =	vadd.s32 v7, v5;
	v7 =	vld [tilespmem:s2+$0x11C30]  }
0x5aa: {  	v5 =	vadd.s32 v8, v5;
	v8 =	vld [tilespmem:s2+$0x12030]  }
0x5ab: {  	v5 =	vadd.s32 v9, v5;
	v9 =	vld [tilespmem:s2+$0x12430]  }
0x5ac: {  	v5 =	vadd.s32 v10, v5;
	v10 =	vld [tilespmem:s2+$0x12830]  }
0x5ad: {  	v5 =	vadd.s32 v6, v5;
	v6 =	vld [tilespmem:s2+$0x12C30]  }
0x5ae: {  	v5 =	vadd.s32 v7, v5;
	v7 =	vld [tilespmem:s2+$0x13030]  }
0x5af: {  	v5 =	vadd.s32 v8, v5;
	v8 =	vld [tilespmem:s2+$0x13430]  }
0x5b0: {  	v5 =	vadd.s32 v9, v5;
	v9 =	vld [tilespmem:s2+$0x13830]  }
0x5b1: {  	v5 =	vadd.s32 v10, v5;
	v10 =	vld [tilespmem:s2+$0x13C30]  }
0x5b2: {  	v11 =	vld [tilespmem:s2+$0x10010];
	v5 =	vadd.s32 v6, v5  }
0x5b3: {  	v6 =	vld [tilespmem:s2+$0x10410];
	v5 =	vadd.s32 v7, v5  }
0x5b4: {  	v7 =	vld [tilespmem:s2+$0x10020];
	v5 =	vadd.s32 v8, v5  }
0x5b5: {  	v8 =	vld [tilespmem:s2+$0x10420];
	v5 =	vadd.s32 v9, v5  }
0x5b6: {  	v9 =	vld [tilespmem:s2+$0x10810];
	v5 =	vadd.s32 v10, v5  }
0x5b7: {  	v10 =	vld [tilespmem:s2+$0x10820];
	[tilespmem:s2+$0x14030] =	vst v5  }
0x5b8: {  	v5 =	vadd.s32 v11, v6;
	v6 =	vld [tilespmem:s2+$0x10C10]  }
0x5b9: {  	v11 =	vld [tilespmem:s2+$0x10C20]  }
0x5ba: {  	v12 =	vld [tilespmem:s2+$0x11010];
	v7 =	vadd.s32 v7, v8  }
0x5bb: {  	v5 =	vadd.s32 v9, v5;
	v8 =	vld [tilespmem:s2+$0x11020]  }
0x5bc: {  	v9 =	vld [tilespmem:s2+$0x11410];
	v7 =	vadd.s32 v10, v7  }
0x5bd: {  	v5 =	vadd.s32 v6, v5;
	v6 =	vld [tilespmem:s2+$0x11420]  }
0x5be: {  	v10 =	vld [tilespmem:s2+$0x11810];
	v7 =	vadd.s32 v11, v7  }
0x5bf: {  	v5 =	vadd.s32 v12, v5;
	v11 =	vld [tilespmem:s2+$0x11820]  }
0x5c0: {  	v12 =	vld [tilespmem:s2+$0x11C10];
	v7 =	vadd.s32 v8, v7  }
0x5c1: {  	v5 =	vadd.s32 v9, v5;
	v8 =	vld [tilespmem:s2+$0x11C20]  }
0x5c2: {  	v9 =	vld [tilespmem:s2+$0x12010];
	v6 =	vadd.s32 v6, v7  }
0x5c3: {  	v5 =	vadd.s32 v10, v5;
	v7 =	vld [tilespmem:s2+$0x12020]  }
0x5c4: {  	v10 =	vld [tilespmem:s2+$0x12410];
	v6 =	vadd.s32 v11, v6  }
0x5c5: {  	v5 =	vadd.s32 v12, v5;
	v11 =	vld [tilespmem:s2+$0x12420]  }
0x5c6: {  	v12 =	vld [tilespmem:s2+$0x12810];
	v6 =	vadd.s32 v8, v6  }
0x5c7: {  	v5 =	vadd.s32 v9, v5;
	v8 =	vld [tilespmem:s2+$0x12820]  }
0x5c8: {  	v9 =	vld [tilespmem:s2+$0x12C10];
	v6 =	vadd.s32 v7, v6  }
0x5c9: {  	v5 =	vadd.s32 v10, v5;
	v10 =	vld [tilespmem:s2+$0x12C20]  }
0x5ca: {  	v13 =	vld [tilespmem:s2+$0x13010];
	v6 =	vadd.s32 v11, v6  }
0x5cb: {  	v7 =	vadd.s32 v12, v5;
	v11 =	vld [tilespmem:s2+$0x13020]  }
.Ltmp32:
0x5cc: {  	v5 =	vld [tilespmem:s2+$0x13410];
	v8 =	vadd.s32 v8, v6;
	(pc) =	sbr.rel @p0 .LBB2_54-.Ltmp32, $4  }
0x5cd: {  	v9 =	vadd.s32 v9, v7;
	v6 =	vld [tilespmem:s2+$0x13420]  }
0x5ce: {  	v7 =	vld [tilespmem:s2+$0x13810];
	v12 =	vadd.s32 v10, v8  }
0x5cf: {  	v10 =	vadd.s32 v13, v9;
	v8 =	vld [tilespmem:s2+$0x13820]  }
0x5d0: {  	s4 =	sadd.s32 $0x40, s4;
	v9 =	vld [tilespmem:s2+$0x13C10];
	v11 =	vadd.s32 v11, v12  }
0x5d1: {  	v12 =	vld [tilespmem:s2+$0x13C20];
	_ =	sdelay $0x1  }
0x5d2: {  	v5 =	vadd.s32 v5, v10  }
0x5d3: {  	v6 =	vadd.s32 v6, v11;
	v5 =	vadd.s32 v7, v5  }
0x5d4: {  	v6 =	vadd.s32 v8, v6;
	v5 =	vadd.s32 v9, v5  }
0x5d5: {  	[tilespmem:s2+$0x14010] =	vst v5;
	v5 =	vadd.s32 v12, v6  }
0x5d6: {  	[tilespmem:s2+$0x14020] =	vst v5  }
0x5d7: {  	s0 =	rddreg [dreg:$0xb]  }
0x5d8: {  	[spmem:s0] =	stream.linear.scatter [tilespmem:s23], [sflag:$0x2], $0x400, $0x38;
	[tilespmem:$0x1D090] =	vst v63  }
0x5d9: {  	s0 =	simm.s32 $0x2  }
0x5da: {  	_ =	swait.ge [sflag:s0], $0x400  }
0x5db: {  	[sflag:s0] =	ssyncset.done $0x0  }
0x5dc: {  	[sflag:s0] =	ssyncadd.s32 $0xFFFFFC00  }
0x5dd: {  	[bflag:$0x0] =	sbarrier.arrive $0xFFFF  }
0x5de: {  	s12 =	simm.s32 $0x10000;
	s1 =	rddreg [dreg:$0x4]  }
0x5df: {  	[tilespmem:s12], [sflag:$0x2] =	stream.linear.gather [spmem:s1], $0x4000, $0x38;
	[tilespmem:$0x1D090] =	vst v63  }
0x5e0: {  	_ =	swait.ge [sflag:s0], $0x4000  }
0x5e1: {  	s13 =	simm.s32 $0x10;
	[sflag:s0] =	ssyncset.done $0x0  }
0x5e2: {  	s14 =	simm.s32 $0x20;
	s1 =	sand.u32 $0x3D0, s13;
	[sflag:s0] =	ssyncadd.s32 $0xFFFFC000  }
0x5e3: {  	s5 =	sand.u32 $0x3E0, s14;
	v9 =	vld [tilespmem:s1+$0x13C00]  }
0x5e4: {  	v11 =	vld [tilespmem:s5+$0x13C00]  }
0x5e5: {  	v7 =	vld [tilespmem:s1+$0x13800]  }
0x5e6: {  	v10 =	vld [tilespmem:s5+$0x13800]  }
0x5e7: {  	v5 =	vld [tilespmem:s1+$0x13400]  }
0x5e8: {  	v12 =	vld [tilespmem:s5+$0x13400]  }
0x5e9: {  	v6 =	vld [tilespmem:s1+$0x13000]  }
0x5ea: {  	v13 =	vld [tilespmem:s5+$0x13000]  }
0x5eb: {  	v8 =	vld [tilespmem:s1+$0x12C00]  }
0x5ec: {  	v14 =	vld [tilespmem:s5+$0x12C00]  }
0x5ed: {  	v16 =	vld [tilespmem:s1+$0x12800]  }
0x5ee: {  	v15 =	vld [tilespmem:s5+$0x12800]  }
0x5ef: {  	v18 =	vld [tilespmem:s1+$0x12400]  }
0x5f0: {  	v17 =	vld [tilespmem:s5+$0x12400]  }
0x5f1: {  	v20 =	vld [tilespmem:s1+$0x12000]  }
0x5f2: {  	v21 =	vld [tilespmem:s5+$0x12000]  }
0x5f3: {  	v22 =	vld [tilespmem:s1+$0x11C00]  }
0x5f4: {  	v23 =	vld [tilespmem:s5+$0x11C00]  }
0x5f5: {  	v24 =	vld [tilespmem:s1+$0x11800]  }
0x5f6: {  	v25 =	vld [tilespmem:s5+$0x11800]  }
0x5f7: {  	v26 =	vld [tilespmem:s1+$0x11400]  }
0x5f8: {  	v27 =	vld [tilespmem:s5+$0x11400]  }
0x5f9: {  	v28 =	vld [tilespmem:s1+$0x11000]  }
0x5fa: {  	v29 =	vld [tilespmem:s5+$0x11000]  }
0x5fb: {  	v30 =	vld [tilespmem:s1+$0x10C00]  }
0x5fc: {  	v31 =	vld [tilespmem:s5+$0x10C00]  }
0x5fd: {  	v32 =	vld [tilespmem:s1+$0x10800]  }
0x5fe: {  	v33 =	vld [tilespmem:s5+$0x10800]  }
0x5ff: {  	s3 =	simm.s32 $0x0;
	v34 =	vld [tilespmem:s1+$0x10000]  }
0x600: {  	s6 =	sand.u32 $0x380, s3;
	v35 =	vld [tilespmem:s1+$0x10400]  }
0x601: {  	s4 =	sand.u32 $0x40, s3;
	s2 =	sor.u32 $0x13400, s6;
	v36 =	vld [tilespmem:s5+$0x10000]  }
0x602: {  	s9 =	sor.u32 $0x12800, s6;
	s10 =	sor.u32 s4, s2;
	v37 =	vld [tilespmem:s5+$0x10400]  }
0x603: {  	s11 =	sor.u32 s4, s9;
	s12 =	sor.u32 $0x11C00, s6;
	v38 =	vld [tilespmem:s10+$0x0]  }
0x604: {  	s13 =	sor.u32 s4, s12;
	s1 =	sor.u32 $0x13C00, s6;
	v40 =	vld [tilespmem:s11+$0x0]  }
0x605: {  	s5 =	sor.u32 $0x13000, s6;
	v42 =	vld [tilespmem:s13+$0x0];
	s8 =	sor.u32 s4, s1  }
0x606: {  	s10 =	sor.u32 $0x12400, s6;
	s15 =	sor.u32 s4, s5;
	v19 =	vld [tilespmem:s8+$0x0]  }
0x607: {  	s11 =	sor.u32 $0x11800, s6;
	s16 =	sor.u32 s4, s10;
	v39 =	vld [tilespmem:s15+$0x0]  }
0x608: {  	s13 =	sor.u32 $0x10C00, s6;
	s17 =	sor.u32 s4, s11;
	v41 =	vld [tilespmem:s16+$0x0]  }
0x609: {  	s14 =	sor.u32 $0x11000, s6;
	s18 =	sor.u32 s4, s13;
	v43 =	vld [tilespmem:s17+$0x0]  }
0x60a: {  	s15 =	sor.u32 s4, s14;
	s16 =	sor.u32 $0x10000, s6;
	v45 =	vld [tilespmem:s18+$0x0]  }
0x60b: {  	s22 =	simm.s32 $0x30;
	s17 =	sor.u32 $0x10400, s6;
	v44 =	vld [tilespmem:s15+$0x0];
	s20 =	sor.u32 s4, s16  }
0x60c: {  	s8 =	sand.u32 $0x70, s22;
	s31 =	sor.u32 s4, s17;
	v46 =	vld [tilespmem:s20+$0x0]  }
0x60d: {  	s18 =	sor.u32 s8, s16;
	v47 =	vld [tilespmem:s31+$0x0]  }
0x60e: {  	s22 =	sor.u32 s8, s17;
	v48 =	vld [tilespmem:s18+$0x0]  }
0x60f: {  	s13 =	sor.u32 s8, s13;
	v49 =	vld [tilespmem:s22+$0x0]  }
0x610: {  	s11 =	sor.u32 s8, s11;
	s20 =	sor.u32 $0x10800, s6;
	v52 =	vld [tilespmem:s13+$0x0]  }
0x611: {  	v63 =	vld [tilespmem:s11+$0x0];
	s31 =	sor.u32 s4, s20  }
0x612: {  	s10 =	sor.u32 s8, s10;
	v50 =	vld [tilespmem:s31+$0x0]  }
0x613: {  	s17 =	sor.u32 $0x11400, s6;
	v56 =	vld [tilespmem:s10+$0x0];
	s16 =	sor.u32 s8, s20  }
0x614: {  	s20 =	sor.u32 s4, s17;
	v34 =	vadd.s32 v34, v35;
	v61 =	vadd.s32 v36, v37;
	v51 =	vld [tilespmem:s16+$0x0]  }
0x615: {  	s18 =	sor.u32 s8, s14;
	v54 =	vld [tilespmem:s20+$0x0];
	v32 =	vadd.s32 v32, v34;
	v33 =	vadd.s32 v33, v61  }
0x616: {  	s22 =	sor.u32 s8, s17;
	v53 =	vld [tilespmem:s18+$0x0];
	s31 =	sor.u32 $0x12000, s6;
	v30 =	vadd.s32 v30, v32;
	v31 =	vadd.s32 v31, v33;
	v62 =	vadd.s32 v46, v47  }
0x617: {  	v60 =	vld [tilespmem:s22+$0x0];
	s16 =	sor.u32 $0x12C00, s6;
	s14 =	sor.u32 s4, s31;
	v28 =	vadd.s32 v28, v30;
	v29 =	vadd.s32 v29, v31;
	v36 =	vadd.s32 v50, v62  }
0x618: {  	s12 =	sor.u32 s8, s12;
	s17 =	sor.u32 s4, s16;
	v46 =	vadd.s32 v48, v49;
	v48 =	vld [tilespmem:s14+$0x0];
	v26 =	vadd.s32 v26, v28;
	v50 =	vadd.s32 v45, v36  }
0x619: {  	s6 =	sor.u32 $0x13800, s6;
	s15 =	sor.u32 s8, s31;
	s31 =	simm.s32 $0x50;
	v58 =	vld [tilespmem:s17+$0x0];
	v27 =	vadd.s32 v27, v29;
	v24 =	vadd.s32 v24, v26;
	v55 =	vadd.s32 v44, v50  }
0x61a: {  	s4 =	sor.u32 s4, s6;
	s22 =	sor.u32 s8, s6;
	s6 =	sand.u32 $0x3D0, s31;
	v47 =	vld [tilespmem:s12+$0x0];
	v25 =	vadd.s32 v25, v27;
	v49 =	vadd.s32 v51, v46;
	v57 =	vadd.s32 v54, v55  }
0x61b: {  	v29 =	vld [tilespmem:s6+$0x11400];
	v22 =	vadd.s32 v22, v24;
	v23 =	vadd.s32 v23, v25;
	v26 =	vadd.s32 v43, v57  }
0x61c: {  	v32 =	vld [tilespmem:s6+$0x10C00];
	v52 =	vadd.s32 v52, v49;
	v20 =	vadd.s32 v20, v22;
	v24 =	vadd.s32 v42, v26  }
0x61d: {  	v51 =	vld [tilespmem:s15+$0x0];
	v21 =	vadd.s32 v21, v23;
	v28 =	vadd.s32 v53, v52;
	v22 =	vadd.s32 v48, v24  }
0x61e: {  	s9 =	sor.u32 s8, s9;
	v18 =	vadd.s32 v18, v20;
	v17 =	vadd.s32 v17, v21;
	v24 =	vld [tilespmem:s4+$0x0];
	v22 =	vadd.s32 v41, v22  }
0x61f: {  	s18 =	sor.u32 s8, s16;
	v27 =	vld [tilespmem:s9+$0x0];
	v16 =	vadd.s32 v16, v18;
	v26 =	vadd.s32 v60, v28;
	v20 =	vadd.s32 v40, v22  }
0x620: {  	s20 =	sor.u32 s8, s5;
	v25 =	vld [tilespmem:s18+$0x0];
	v15 =	vadd.s32 v15, v17;
	v26 =	vadd.s32 v63, v26;
	v18 =	vadd.s32 v58, v20  }
0x621: {  	s2 =	sor.u32 s8, s2;
	v23 =	vld [tilespmem:s20+$0x0];
	v16 =	vadd.s32 v8, v16;
	v26 =	vadd.s32 v47, v26;
	v17 =	vadd.s32 v39, v18  }
0x622: {  	v14 =	vadd.s32 v14, v15;
	v22 =	vld [tilespmem:s2+$0x0];
	v21 =	vadd.s32 v51, v26;
	v17 =	vadd.s32 v38, v17  }
0x623: {  	s5 =	sor.u32 s8, s1;
	s8 =	simm.s32 $0x60;
	v15 =	vadd.s32 v6, v16;
	v20 =	vld [tilespmem:s22+$0x0];
	v21 =	vadd.s32 v56, v21;
	v16 =	vadd.s32 v24, v17  }
0x624: {  	s9 =	sand.u32 $0x3E0, s8;
	v15 =	vadd.s32 v5, v15;
	v18 =	vld [tilespmem:s5+$0x0];
	v17 =	vadd.s32 v27, v21;
	v24 =	vadd.s32 v19, v16  }
0x625: {  	v30 =	vld [tilespmem:s9+$0x11400];
	v13 =	vadd.s32 v13, v14;
	v15 =	vadd.s32 v7, v15;
	v14 =	vadd.s32 v25, v17;
	(xrf0) =	vadd.scan.msk.s32 $0xffff, v24  }
0x626: {  	v31 =	vld [tilespmem:s9+$0x11000];
	v12 =	vadd.s32 v12, v13;
	v13 =	vadd.s32 v23, v14;
	v14 =	vadd.s32 v9, v15  }
0x627: {  	v33 =	vld [tilespmem:s9+$0x10C00];
	v12 =	vadd.s32 v10, v12;
	v13 =	vadd.s32 v22, v13;
	(xrf0) =	vadd.scan.msk.s32 $0xffff, v14  }
0x628: {  	v8 =	vld [tilespmem:s6+$0x13C00];
	v15 =	vadd.s32 v11, v12;
	v11 =	vadd.s32 v20, v13  }
0x629: {  	v6 =	vld [tilespmem:s9+$0x13C00];
	(xrf0) =	vadd.scan.msk.s32 $0xffff, v15;
	v13 =	vadd.s32 v18, v11  }
0x62a: {  	v28 =	vld [tilespmem:s9+$0x11800];
	(xrf0) =	vadd.scan.msk.s32 $0xffff, v13  }
0x62b: {  	v5 =	vld [tilespmem:s6+$0x13800];
	v18, _, _ =	vpop (xrf0)  }
0x62c: {  	v7 =	vld [tilespmem:s9+$0x13800];
	(v2sf) =	vpush v18, $0xF  }
0x62d: {  	v10 =	vld [tilespmem:s9+$0x13400];
	v20, _, _ =	vpop (xrf0)  }
0x62e: {  	v26 =	vld [tilespmem:s9+$0x11C00];
	(v2sf) =	vpush v20, $0xF  }
0x62f: {  	v21 =	vld [tilespmem:s9+$0x12400];
	v22, _, _ =	vpop (xrf0)  }
0x630: {  	v27 =	vld [tilespmem:s6+$0x11800];
	(v2sf) =	vpush v22, $0xF;
	v22, _, _ =	vpop (xrf0)  }
0x631: {  	v16 =	vld [tilespmem:s6+$0x12C00];
	(v2sf) =	vpush v22, $0xF  }
0x632: {  	v17 =	vld [tilespmem:s9+$0x12C00]  }
0x633: {  	v19 =	vld [tilespmem:s6+$0x12800]  }
0x634: {  	v25 =	vld [tilespmem:s6+$0x11C00]  }
0x635: {  	v9 =	vld [tilespmem:s6+$0x13400]  }
0x636: {  	v12 =	vld [tilespmem:s6+$0x13000]  }
0x637: {  	s2 =	simm.s32 $0x14020;
	v23 =	vld [tilespmem:s6+$0x12000]  }
0x638: {  	[tilespmem:s2+$0xFFFFFFE0] =	vst v24;
	v24 =	vld [tilespmem:s6+$0x11000]  }
0x639: {  	v11 =	vld [tilespmem:s9+$0x13000]  }
0x63a: {  	[tilespmem:s2+$0xFFFFFFF0] =	vst v14;
	v18 =	vld [tilespmem:s9+$0x12800]  }
0x63b: {  	[tilespmem:s2+$0x0] =	vst v15;
	v20 =	vld [tilespmem:s6+$0x12400];
	s10 =	spop (v2sf)  }
0x63c: {  	[tilespmem:s2+$0x10] =	vst v13;
	v22 =	vld [tilespmem:s9+$0x12000];
	[smem:$0x0] =	sst s10  }
0x63d: {  	s4 =	spop (v2sf)  }
0x63e: {  	v34 =	vld [tilespmem:s6+$0x10800];
	[smem:$0x1] =	sst s4  }
0x63f: {  	s4 =	spop (v2sf)  }
0x640: {  	v35 =	vld [tilespmem:s9+$0x10800];
	[smem:s0] =	sst s4;
	s11 =	spop (v2sf)  }
0x641: {  	s12 =	simm.s32 $0x40;
	v59 =	vld [tilespmem:s6+$0x10000];
	[smem:$0x3] =	sst s11  }
0x642: {  	s8 =	sand.u32 $0x380, s12;
	v60 =	vld [tilespmem:s6+$0x10400]  }
0x643: {  	s4 =	sor.u32 $0x13C00, s8;
	s6 =	sand.u32 $0x40, s12;
	v61 =	vld [tilespmem:s9+$0x10000]  }
0x644: {  	s1 =	sor.u32 $0x13400, s8;
	v62 =	vld [tilespmem:s9+$0x10400];
	s13 =	sor.u32 s6, s4  }
0x645: {  	s5 =	sor.u32 $0x13000, s8;
	s14 =	sor.u32 s6, s1;
	v13 =	vld [tilespmem:s13+$0x0]  }
0x646: {  	s10 =	sor.u32 $0x12800, s8;
	s15 =	sor.u32 s6, s5;
	v14 =	vld [tilespmem:s14+$0x0]  }
0x647: {  	s11 =	sor.u32 $0x12400, s8;
	s16 =	sor.u32 s6, s10;
	v15 =	vld [tilespmem:s15+$0x0]  }
0x648: {  	s12 =	sor.u32 $0x11800, s8;
	s17 =	sor.u32 s6, s11;
	v40 =	vld [tilespmem:s16+$0x0]  }
0x649: {  	s20 =	sor.u32 s6, s12;
	s13 =	sor.u32 $0x11C00, s8;
	v41 =	vld [tilespmem:s17+$0x0]  }
0x64a: {  	s15 =	sor.u32 $0x11000, s8;
	v43 =	vld [tilespmem:s20+$0x0];
	s18 =	sor.u32 s6, s13  }
0x64b: {  	s14 =	sor.u32 $0x10C00, s8;
	s22 =	sor.u32 s6, s15;
	v42 =	vld [tilespmem:s18+$0x0]  }
0x64c: {  	s17 =	sor.u32 $0x10000, s8;
	s31 =	sor.u32 s6, s14;
	v44 =	vld [tilespmem:s22+$0x0]  }
0x64d: {  	s20 =	sor.u32 s6, s17;
	s18 =	sor.u32 $0x10400, s8;
	v45 =	vld [tilespmem:s31+$0x0];
	s22 =	simm.s32 $0x70  }
0x64e: {  	v63 =	vld [tilespmem:s20+$0x0];
	s31 =	sor.u32 s6, s18;
	s9 =	sand.u32 $0x70, s22  }
0x64f: {  	v54 =	vld [tilespmem:s31+$0x0];
	s17 =	sor.u32 s9, s17  }
0x650: {  	s20 =	sor.u32 $0x10800, s8;
	s22 =	sor.u32 s9, s18;
	v55 =	vld [tilespmem:s17+$0x0]  }
0x651: {  	s31 =	sor.u32 s6, s20;
	v56 =	vld [tilespmem:s22+$0x0]  }
0x652: {  	s14 =	sor.u32 s9, s14;
	v57 =	vld [tilespmem:s31+$0x0]  }
0x653: {  	v36 =	vadd.s32 v59, v60;
	s17 =	sor.u32 s9, s20;
	v59 =	vld [tilespmem:s14+$0x0]  }
0x654: {  	v60 =	vadd.s32 v61, v62;
	s18 =	sor.u32 $0x11400, s8;
	v34 =	vadd.s32 v34, v36;
	s20 =	sor.u32 s9, s15;
	v58 =	vld [tilespmem:s17+$0x0]  }
0x655: {  	v35 =	vadd.s32 v35, v60;
	s31 =	sor.u32 s9, s18;
	v32 =	vadd.s32 v32, v34;
	v61 =	vld [tilespmem:s20+$0x0]  }
0x656: {  	s22 =	sor.u32 s6, s18;
	v33 =	vadd.s32 v33, v35;
	s15 =	sor.u32 $0x12000, s8;
	v52 =	vld [tilespmem:s31+$0x0];
	v24 =	vadd.s32 v24, v32  }
0x657: {  	v31 =	vadd.s32 v31, v33;
	s18 =	sor.u32 s9, s15;
	v24 =	vadd.s32 v29, v24;
	v62 =	vadd.s32 v63, v54;
	v63 =	vld [tilespmem:s22+$0x0]  }
0x658: {  	s12 =	sor.u32 s9, s12;
	v30 =	vadd.s32 v30, v31;
	v60 =	vld [tilespmem:s18+$0x0];
	v24 =	vadd.s32 v27, v24  }
0x659: {  	s17 =	sor.u32 s6, s15;
	v27 =	vadd.s32 v28, v30;
	v54 =	vld [tilespmem:s12+$0x0];
	v49 =	vadd.s32 v55, v56;
	v39 =	vadd.s32 v57, v62  }
0x65a: {  	s16 =	sor.u32 s9, s13;
	v24 =	vadd.s32 v25, v24;
	v53 =	vadd.s32 v58, v49;
	v55 =	vadd.s32 v45, v39;
	v58 =	vld [tilespmem:s17+$0x0]  }
0x65b: {  	s11 =	sor.u32 s9, s11;
	s20 =	sor.u32 $0x12C00, s8;
	v25 =	vadd.s32 v26, v27;
	v57 =	vld [tilespmem:s16+$0x0];
	v56 =	vadd.s32 v59, v53;
	v35 =	vadd.s32 v44, v55  }
0x65c: {  	s22 =	sor.u32 s6, s20;
	v27 =	vld [tilespmem:s11+$0x0];
	v23 =	vadd.s32 v23, v24;
	v29 =	vadd.s32 v61, v56;
	v59 =	vadd.s32 v63, v35  }
0x65d: {  	s10 =	sor.u32 s9, s10;
	v62 =	vld [tilespmem:s22+$0x0];
	v25 =	vadd.s32 v22, v25;
	v26 =	vadd.s32 v52, v29;
	v61 =	vadd.s32 v43, v59  }
0x65e: {  	s8 =	sor.u32 $0x13800, s8;
	s31 =	sor.u32 s9, s20;
	v22 =	vld [tilespmem:s10+$0x0];
	v25 =	vadd.s32 v21, v25;
	v24 =	vadd.s32 v54, v26;
	v26 =	vadd.s32 v42, v61  }
0x65f: {  	s6 =	sor.u32 s6, s8;
	v23 =	vadd.s32 v20, v23;
	v21 =	vld [tilespmem:s31+$0x0];
	v25 =	vadd.s32 v18, v25;
	v26 =	vadd.s32 v58, v26  }
0x660: {  	s5 =	sor.u32 s9, s5;
	v20 =	vld [tilespmem:s6+$0x0];
	v17 =	vadd.s32 v17, v25;
	v24 =	vadd.s32 v57, v24;
	v26 =	vadd.s32 v41, v26  }
0x661: {  	s1 =	sor.u32 s9, s1;
	v18 =	vld [tilespmem:s5+$0x0];
	v63 =	vadd.s32 v19, v23;
	v19 =	vadd.s32 v60, v24;
	v23 =	vadd.s32 v40, v26  }
0x662: {  	s6 =	simm.s32 $0x4;
	v24 =	vadd.s32 v16, v63;
	v16 =	vld [tilespmem:s1+$0x0];
	s1 =	sor.u32 s9, s8;
	s8 =	simm.s32 $0x80;
	v19 =	vadd.s32 v27, v19;
	v23 =	vadd.s32 v62, v23  }
.LBB2_56:
0x663: {  	s5 =	sadd.s32 $0x10, s8;
	v15 =	vadd.s32 v15, v23;
	v12 =	vadd.s32 v12, v24;
	v19 =	vadd.s32 v22, v19;
	v22 =	vld [tilespmem:s1+$0x0];
	s4 =	sor.u32 s9, s4  }
0x664: {  	v11 =	vadd.s32 v11, v17;
	s1 =	sand.u32 $0x3D0, s5;
	s5 =	sadd.s32 $0x20, s8;
	v14 =	vadd.s32 v14, v15;
	v15 =	vadd.s32 v21, v19;
	v17 =	vld [tilespmem:s4+$0x0]  }
0x665: {  	v9 =	vadd.s32 v9, v12;
	v10 =	vadd.s32 v10, v11;
	v19 =	vld [tilespmem:s1+$0x13C00];
	s5 =	sand.u32 $0x3E0, s5;
	v14 =	vadd.s32 v20, v14  }
0x666: {  	v9 =	vadd.s32 v5, v9;
	v11 =	vld [tilespmem:s5+$0x13C00];
	v12 =	vadd.s32 v13, v14;
	v13 =	vadd.s32 v18, v15  }
0x667: {  	s2 =	sadd.s32 $0x40, s2;
	v8 =	vadd.s32 v8, v9;
	v9 =	vadd.s32 v7, v10;
	v5 =	vld [tilespmem:s1+$0x13800];
	v10 =	vadd.s32 v16, v13;
	(xrf0) =	vadd.scan.msk.s32 $0xffff, v12  }
0x668: {  	v6 =	vadd.s32 v6, v9;
	v7 =	vld [tilespmem:s5+$0x13800];
	[tilespmem:s2+$0xFFFFFFE0] =	vst v12;
	v10 =	vadd.s32 v22, v10;
	(xrf0) =	vadd.scan.msk.s32 $0xffff, v8  }
0x669: {  	v9 =	vld [tilespmem:s1+$0x13400];
	[tilespmem:s2+$0xFFFFFFF0] =	vst v8;
	v12 =	vadd.s32 v17, v10;
	(xrf0) =	vadd.scan.msk.s32 $0xffff, v6  }
0x66a: {  	v10 =	vld [tilespmem:s5+$0x13400];
	[tilespmem:s2+$0x10] =	vst v12;
	(xrf0) =	vadd.scan.msk.s32 $0xffff, v12;
	v8 =	vmov v19  }
0x66b: {  	v12 =	vld [tilespmem:s1+$0x13000];
	[tilespmem:s2+$0x0] =	vst v6;
	v6 =	vmov v11  }
0x66c: {  	v11 =	vld [tilespmem:s5+$0x13000]  }
0x66d: {  	v16 =	vld [tilespmem:s1+$0x12C00];
	v13, _, _ =	vpop (xrf0)  }
0x66e: {  	v17 =	vld [tilespmem:s5+$0x12C00];
	(v2sf) =	vpush v13, $0xF;
	v13, _, _ =	vpop (xrf0)  }
0x66f: {  	v19 =	vld [tilespmem:s1+$0x12800];
	(v2sf) =	vpush v13, $0xF;
	v13, _, _ =	vpop (xrf0)  }
0x670: {  	v18 =	vld [tilespmem:s5+$0x12800];
	(v2sf) =	vpush v13, $0xF;
	v13, _, _ =	vpop (xrf0)  }
0x671: {  	v20 =	vld [tilespmem:s1+$0x12400];
	(v2sf) =	vpush v13, $0xF  }
0x672: {  	v21 =	vld [tilespmem:s5+$0x12400]  }
0x673: {  	v23 =	vld [tilespmem:s1+$0x12000]  }
0x674: {  	v22 =	vld [tilespmem:s5+$0x12000]  }
0x675: {  	v24 =	vld [tilespmem:s1+$0x11C00]  }
0x676: {  	v25 =	vld [tilespmem:s5+$0x11C00]  }
0x677: {  	v26 =	vld [tilespmem:s1+$0x11800]  }
0x678: {  	v27 =	vld [tilespmem:s5+$0x11800]  }
0x679: {  	v29 =	vld [tilespmem:s1+$0x11400]  }
0x67a: {  	v28 =	vld [tilespmem:s5+$0x11400]  }
0x67b: {  	v30 =	vld [tilespmem:s1+$0x11000]  }
0x67c: {  	v31 =	vld [tilespmem:s5+$0x11000]  }
0x67d: {  	s0 =	sadd.s32 $0x4, s0;
	v32 =	vld [tilespmem:s1+$0x10C00];
	s4 =	spop (v2sf)  }
0x67e: {  	v33 =	vld [tilespmem:s5+$0x10C00];
	[smem:s0+$0xFFFFFFFE] =	sst s4;
	s4 =	spop (v2sf)  }
0x67f: {  	v34 =	vld [tilespmem:s1+$0x10800];
	[smem:s0+$0xFFFFFFFF] =	sst s4;
	s4 =	spop (v2sf)  }
0x680: {  	v35 =	vld [tilespmem:s5+$0x10800];
	[smem:s0] =	sst s4;
	s4 =	spop (v2sf)  }
0x681: {  	v36 =	vld [tilespmem:s1+$0x10000];
	[smem:s0+$0x1] =	sst s4  }
0x682: {  	s11 =	sand.u32 $0x380, s8;
	v37 =	vld [tilespmem:s1+$0x10400]  }
0x683: {  	s10 =	sand.u32 $0x40, s8;
	s4 =	sor.u32 $0x13C00, s11;
	v38 =	vld [tilespmem:s5+$0x10000]  }
0x684: {  	s1 =	sor.u32 $0x13400, s11;
	s9 =	sor.u32 s10, s4;
	v39 =	vld [tilespmem:s5+$0x10400]  }
0x685: {  	s13 =	sor.u32 s10, s1;
	s5 =	sor.u32 $0x13000, s11;
	v13 =	vld [tilespmem:s9+$0x0]  }
0x686: {  	s12 =	sor.u32 $0x12800, s11;
	s9 =	sor.u32 s10, s5;
	v14 =	vld [tilespmem:s13+$0x0]  }
0x687: {  	s15 =	sor.u32 s10, s12;
	s13 =	sor.u32 $0x12400, s11;
	v15 =	vld [tilespmem:s9+$0x0]  }
0x688: {  	s14 =	sor.u32 $0x11C00, s11;
	s9 =	sor.u32 s10, s13;
	v40 =	vld [tilespmem:s15+$0x0]  }
0x689: {  	s16 =	sor.u32 s10, s14;
	s15 =	sor.u32 $0x11800, s11;
	v41 =	vld [tilespmem:s9+$0x0]  }
0x68a: {  	s17 =	sor.u32 $0x11000, s11;
	s9 =	sor.u32 s10, s15;
	v42 =	vld [tilespmem:s16+$0x0]  }
0x68b: {  	s18 =	sor.u32 s10, s17;
	s16 =	sor.u32 $0x10C00, s11;
	v43 =	vld [tilespmem:s9+$0x0]  }
0x68c: {  	s20 =	sor.u32 $0x10000, s11;
	s9 =	sor.u32 s10, s16;
	v44 =	vld [tilespmem:s18+$0x0]  }
0x68d: {  	s22 =	sor.u32 $0x10400, s11;
	s18 =	sor.u32 s10, s20;
	v45 =	vld [tilespmem:s9+$0x0];
	s9 =	sadd.s32 $0x30, s8  }
0x68e: {  	v46 =	vld [tilespmem:s18+$0x0];
	s18 =	sor.u32 s10, s22;
	s9 =	sand.u32 $0x70, s9  }
0x68f: {  	v47 =	vld [tilespmem:s18+$0x0];
	s18 =	sor.u32 s9, s20  }
0x690: {  	s20 =	sor.u32 $0x10800, s11;
	v48 =	vld [tilespmem:s18+$0x0];
	s18 =	sor.u32 s9, s22  }
0x691: {  	s22 =	sor.u32 s10, s20;
	v49 =	vld [tilespmem:s18+$0x0]  }
0x692: {  	s18 =	sor.u32 s9, s20;
	v50 =	vld [tilespmem:s22+$0x0]  }
0x693: {  	s6 =	sadd.s32 $0x4, s6;
	s16 =	sor.u32 s9, s16;
	v51 =	vld [tilespmem:s18+$0x0]  }
0x694: {  	p0 =	slt.u32 s6, $0x3C;
	v36 =	vadd.s32 v36, v37;
	s18 =	sor.u32 $0x11400, s11;
	v37 =	vld [tilespmem:s16+$0x0];
	s16 =	sor.u32 s9, s17  }
0x695: {  	v34 =	vadd.s32 v34, v36;
	v36 =	vadd.s32 v38, v39;
	s17 =	sor.u32 s10, s18;
	v38 =	vld [tilespmem:s16+$0x0]  }
0x696: {  	v35 =	vadd.s32 v35, v36;
	v39 =	vadd.s32 v46, v47;
	s16 =	sor.u32 s9, s18;
	v46 =	vld [tilespmem:s17+$0x0];
	v36 =	vadd.s32 v48, v49  }
0x697: {  	v32 =	vadd.s32 v32, v34;
	v33 =	vadd.s32 v33, v35;
	s15 =	sor.u32 s9, s15;
	v39 =	vadd.s32 v50, v39;
	v34 =	vld [tilespmem:s16+$0x0]  }
0x698: {  	v30 =	vadd.s32 v30, v32;
	v31 =	vadd.s32 v31, v33;
	s14 =	sor.u32 s9, s14;
	s16 =	sor.u32 $0x12000, s11;
	v32 =	vadd.s32 v51, v36;
	v33 =	vld [tilespmem:s15+$0x0]  }
0x699: {  	v29 =	vadd.s32 v29, v30;
	v35 =	vadd.s32 v45, v39;
	s15 =	sor.u32 s10, s16;
	v30 =	vadd.s32 v37, v32;
	v32 =	vld [tilespmem:s14+$0x0]  }
0x69a: {  	v28 =	vadd.s32 v28, v31;
	v35 =	vadd.s32 v44, v35;
	s14 =	sor.u32 s9, s16;
	v36 =	vld [tilespmem:s15+$0x0];
	v30 =	vadd.s32 v38, v30  }
0x69b: {  	v26 =	vadd.s32 v26, v29;
	v27 =	vadd.s32 v27, v28;
	s13 =	sor.u32 s9, s13;
	s15 =	sor.u32 $0x12C00, s11;
	v31 =	vadd.s32 v46, v35;
	v28 =	vld [tilespmem:s14+$0x0]  }
0x69c: {  	v24 =	vadd.s32 v24, v26;
	v25 =	vadd.s32 v25, v27;
	s14 =	sor.u32 s10, s15;
	v26 =	vadd.s32 v34, v30;
	v27 =	vld [tilespmem:s13+$0x0]  }
0x69d: {  	v23 =	vadd.s32 v23, v24;
	s12 =	sor.u32 s9, s12;
	v29 =	vadd.s32 v43, v31;
	v30 =	vld [tilespmem:s14+$0x0];
	v24 =	vadd.s32 v33, v26  }
.Ltmp33:
0x69e: {  	v25 =	vadd.s32 v22, v25;
	s11 =	sor.u32 $0x13800, s11;
	v26 =	vadd.s32 v42, v29;
	v24 =	vadd.s32 v32, v24;
	v22 =	vld [tilespmem:s12+$0x0];
	s12 =	sor.u32 s9, s15;
	(pc) =	sbr.rel @p0 .LBB2_56-.Ltmp33, $4  }
0x69f: {  	v23 =	vadd.s32 v20, v23;
	v25 =	vadd.s32 v21, v25;
	s10 =	sor.u32 s10, s11;
	v26 =	vadd.s32 v36, v26;
	v21 =	vld [tilespmem:s12+$0x0]  }
0x6a0: {  	s5 =	sor.u32 s9, s5;
	v29 =	vadd.s32 v19, v23;
	v26 =	vadd.s32 v41, v26;
	v20 =	vld [tilespmem:s10+$0x0];
	v19 =	vadd.s32 v28, v24  }
0x6a1: {  	s1 =	sor.u32 s9, s1;
	v25 =	vadd.s32 v18, v25;
	v23 =	vadd.s32 v40, v26;
	v19 =	vadd.s32 v27, v19;
	v18 =	vld [tilespmem:s5+$0x0]  }
0x6a2: {  	s8 =	sadd.s32 $0x40, s8;
	v17 =	vadd.s32 v17, v25;
	v24 =	vadd.s32 v16, v29;
	v23 =	vadd.s32 v30, v23;
	v16 =	vld [tilespmem:s1+$0x0];
	s1 =	sor.u32 s9, s11  }
0x6a3: {  	v15 =	vadd.s32 v15, v23  }
0x6a4: {  	v12 =	vadd.s32 v12, v24;
	v54 =	vld [tilespmem:s1+$0x0];
	s16 =	sor.u32 s9, s4;
	v14 =	vadd.s32 v14, v15  }
0x6a5: {  	v19 =	vadd.s32 v22, v19;
	v11 =	vadd.s32 v11, v17;
	v56 =	vld [tilespmem:s16+$0x0];
	v14 =	vadd.s32 v20, v14  }
0x6a6: {  	v55 =	vadd.s32 v21, v19;
	v9 =	vadd.s32 v9, v12;
	v57 =	vadd.s32 v13, v14  }
0x6a7: {  	v10 =	vadd.s32 v10, v11;
	v5 =	vadd.s32 v5, v9;
	v58 =	vadd.s32 v18, v55;
	(xrf0) =	vadd.scan.msk.s32 $0xffff, v57  }
0x6a8: {  	v7 =	vadd.s32 v7, v10;
	v5 =	vadd.s32 v8, v5;
	v59 =	vadd.s32 v16, v58  }
0x6a9: {  	v6 =	vadd.s32 v6, v7;
	v7 =	vadd.s32 v54, v59;
	(xrf0) =	vadd.scan.msk.s32 $0xffff, v5  }
0x6aa: {  	v7 =	vadd.s32 v56, v7;
	(xrf0) =	vadd.scan.msk.s32 $0xffff, v6  }
0x6ab: {  	(xrf0) =	vadd.scan.msk.s32 $0xffff, v7;
	_ =	sdelay $0x1  }
0x6ac: {  	v60, _, _ =	vpop (xrf0)  }
0x6ad: {  	(v2sf) =	vpush v60, $0xF  }
0x6ae: {  	v61, _, _ =	vpop (xrf0)  }
0x6af: {  	(v2sf) =	vpush v61, $0xF;
	v62, _, _ =	vpop (xrf0)  }
0x6b0: {  	(v2sf) =	vpush v62, $0xF;
	v63, _, _ =	vpop (xrf0)  }
0x6b1: {  	(v2sf) =	vpush v63, $0xF;
	_ =	sdelay $0x6  }
0x6b2: {  	s17 =	sadd.s32 $0x40, s2  }
0x6b3: {  	[tilespmem:s17+$0xFFFFFFE0] =	vst v57  }
0x6b4: {  	[tilespmem:s17+$0xFFFFFFF0] =	vst v5  }
0x6b5: {  	[tilespmem:s17+$0x0] =	vst v6  }
0x6b6: {  	s0 =	sadd.s32 $0x4, s0;
	[tilespmem:s17+$0x10] =	vst v7;
	s18 =	spop (v2sf)  }
0x6b7: {  	p1 =	por $0x1, $0x1;
	[smem:s0+$0xFFFFFFFE] =	sst s18  }
.Ltmp34:
0x6b8: {  	s20 =	spop (v2sf);
	(pc) =	sbr.rel @!p1 .LBB2_58-.Ltmp34, $4  }
0x6b9: {  	[smem:s0+$0xFFFFFFFF] =	sst s20;
	s22 =	spop (v2sf)  }
0x6ba: {  	[smem:s0] =	sst s22;
	s31 =	spop (v2sf)  }
0x6bb: {  	s2 =	simm.s32 $0x3F;
	s8 =	simm.s32 $0x3E;
	[smem:s0+$0x1] =	sst s31  }
0x6bc: {  	p0 =	por $0x0, $0x0;
	s0 =	simm.s32 $0xFFFFFFFF;
	s6 =	sld [smem:$0x3F]  }
0x6bd: {  	p2 =	por $0x1, $0x1  }
.Ltmp35:
0x6be: {  	_ = 	snop;
	(pc) =	sbr.rel @!p2 .LBB2_60-.Ltmp35, $4  }
0x6bf: {  	p0 =	por $0x1, $0x1;
	s10 =	simm.s32 $0x3D;
	s1 =	sadd.s32 $0x0, s6  }
0x6c0: {  	s9 =	simm.s32 $0xFFFFFFFF;
	s4 =	simm.s32 $0x0;
	p1 =	sge.s32 s1, s30  }
0x6c1: {  	s5 =	simm.s32 $0x0;
	s11 =	simm.s32 $0x3E;
	p0 =	por !p0, !p1  }
0x6c2: {  	s6 =	sld [smem:$0x3E];
	p1 =	por !p0, !p0;
	p0 =	por $0x1, $0x1  }
.LBB2_61:
0x6c3: {  	p2 =	sne.s32 s10, $0x0;
	s9 =	smov.u32 @p1 s2;
	s5 =	smov.u32 @p1 s4  }
0x6c4: {  	s2 =	smov.u32 s8;
	s8 =	smov.u32 s10;
	s4 =	smov.u32 s1  }
.Ltmp36:
0x6c5: {  	s10 =	sadd.s32 $0xFFFFFFFF, s10;
	(pc) =	sbr.rel @p2 .LBB2_61-.Ltmp36, $4  }
0x6c6: {  	s1 =	sadd.s32 s1, s6  }
0x6c7: {  	p1 =	slt.s32 s9, $0x0;
	p3 =	sge.s32 s1, s30  }
0x6c8: {  	s11 =	sadd.s32 $0xFFFFFFFF, s11;
	p1 =	por !p1, !p3  }
0x6c9: {  	s6 =	sld [smem:s11+$0x0];
	p1 =	por !p1, !p1  }
0x6ca: {  	s10 =	smov.u32 s2;
	s2 =	smov.u32 s8  }
.LBB2_63:
0x6cb: {  	p1 =	por !p1, !p0  }
0x6cc: {  	s10 =	smov.u32 @p1 s9  }
0x6cd: {  	s6 =	sadd.s32 s1, s6;
	s0 =	smov.u32 @p0 s10  }
0x6ce: {  	p3 =	sge.s32 s6, s30;
	p2 =	slt.s32 s0, $0x0  }
0x6cf: {  	p2 =	por !p2, !p3  }
0x6d0: {  	p2 =	por !p2, !p2  }
0x6d1: {  	s0 =	smov.u32 @p2 s2  }
0x6d2: {  	s13 =	sshll.u32 s0, $0x4  }
0x6d3: {  	v5 =	vld [tilespmem:s13+$0x14000];
	_ =	sdelay $0x4  }
0x6d4: {  	(v2sf) =	vpush v5, $0xF;
	_ =	sdelay $0x1  }
0x6d5: {  	(v2sf) =	vpush v5, $0xE;
	_ =	sdelay $0x3  }
0x6d6: {  	(v2sf) =	vpush v5, $0xD;
	_ =	sdelay $0x2  }
0x6d7: {  	(v2sf) =	vpush v5, $0xC;
	_ =	sdelay $0x3  }
0x6d8: {  	s4 =	smov.u32 @p1 s5;
	(v2sf) =	vpush v5, $0xB  }
0x6d9: {  	s3 =	smov.u32 @p0 s4  }
0x6da: {  	s3 =	smov.u32 @p2 s1;
	s12 =	spop (v2sf)  }
0x6db: {  	s4 =	sadd.s32 s3, s12  }
0x6dc: {  	s16 =	sshllo.u32 s0, $0x4;
	(v2sf) =	vpush v5, $0xA;
	s14 =	spop (v2sf);
	p5 =	slt.s32 s4, s30  }
0x6dd: {  	s6 =	sadd.s32 s14, s4;
	s16 =	simm.s32 @p5 $0xFFFFFFFF  }
0x6de: {  	p3 =	sge.s32 s6, s30;
	p2 =	slt.s32 s16, $0x0  }
0x6df: {  	p0 =	por !p3, !p2  }
0x6e0: {  	s0 =	sor.u32 $0xE, s13;
	(v2sf) =	vpush v5, $0x9;
	s15 =	spop (v2sf);
	p0 =	por !p0, !p0  }
0x6e1: {  	s8 =	sadd.s32 s15, s6;
	s2 =	simm.s32 @!p0 $0x0;
	s16 =	smov.u32 @p0 s0  }
0x6e2: {  	p4 =	sge.s32 s8, s30;
	s2 =	simm.s32 @p0 $0x1;
	p0 =	slt.s32 s16, $0x0  }
0x6e3: {  	s17 =	spop (v2sf);
	p0 =	por !p4, !p0  }
0x6e4: {  	(v2sf) =	vpush v5, $0x8;
	s9 =	sadd.s32 s17, s8;
	s0 =	sor.u32 $0xD, s13;
	p0 =	por !p0, !p0  }
0x6e5: {  	[smem:$0x7DA] =	sst s2;
	s2 =	simm.s32 @!p0 $0x0;
	s16 =	smov.u32 @p0 s0  }
0x6e6: {  	p6 =	sge.s32 s9, s30;
	s2 =	simm.s32 @p0 $0x1;
	p0 =	slt.s32 s16, $0x0  }
0x6e7: {  	s18 =	spop (v2sf);
	p0 =	por !p6, !p0  }
0x6e8: {  	(v2sf) =	vpush v5, $0x7;
	s10 =	sadd.s32 s18, s9;
	s0 =	sor.u32 $0xC, s13;
	p0 =	por !p0, !p0  }
0x6e9: {  	[smem:$0x7DB] =	sst s2;
	s2 =	simm.s32 @!p0 $0x0;
	s16 =	smov.u32 @p0 s0  }
0x6ea: {  	p2 =	sge.s32 s10, s30;
	s2 =	simm.s32 @p0 $0x1;
	p0 =	slt.s32 s16, $0x0  }
0x6eb: {  	s20 =	spop (v2sf);
	p0 =	por !p2, !p0  }
0x6ec: {  	s0 =	sor.u32 $0xB, s13;
	s11 =	sadd.s32 s20, s10;
	p0 =	por !p0, !p0  }
0x6ed: {  	(v2sf) =	vpush v5, $0x6;
	[smem:$0x7DC] =	sst s2;
	s2 =	simm.s32 @!p0 $0x0;
	s16 =	smov.u32 @p0 s0  }
0x6ee: {  	p3 =	sge.s32 s11, s30;
	s2 =	simm.s32 @p0 $0x1;
	p0 =	slt.s32 s16, $0x0  }
0x6ef: {  	s22 =	spop (v2sf);
	p0 =	por !p3, !p0  }
0x6f0: {  	(v2sf) =	vpush v5, $0x5;
	s12 =	sadd.s32 s22, s11;
	s0 =	sor.u32 $0xA, s13;
	p0 =	por !p0, !p0  }
0x6f1: {  	[smem:$0x7DD] =	sst s2;
	s2 =	simm.s32 @!p0 $0x0;
	s16 =	smov.u32 @p0 s0  }
0x6f2: {  	p4 =	sge.s32 s12, s30;
	s2 =	simm.s32 @p0 $0x1;
	p0 =	slt.s32 s16, $0x0  }
0x6f3: {  	s31 =	spop (v2sf);
	p0 =	por !p4, !p0  }
0x6f4: {  	(v2sf) =	vpush v5, $0x4;
	s22 =	sadd.s32 s31, s12;
	s0 =	sor.u32 $0x9, s13;
	p0 =	por !p0, !p0  }
0x6f5: {  	[smem:$0x7DE] =	sst s2;
	s2 =	simm.s32 @!p0 $0x0;
	s16 =	smov.u32 @p0 s0  }
0x6f6: {  	p6 =	sge.s32 s22, s30;
	s2 =	simm.s32 @p0 $0x1;
	p0 =	slt.s32 s16, $0x0  }
0x6f7: {  	s5 =	spop (v2sf);
	p0 =	por !p6, !p0  }
0x6f8: {  	(v2sf) =	vpush v5, $0x3;
	s0 =	sor.u32 $0x8, s13;
	[smem:$0x7DF] =	sst s2;
	p0 =	por !p0, !p0  }
0x6f9: {  	s2 =	simm.s32 @!p0 $0x0;
	s16 =	smov.u32 @p0 s0;
	s0 =	sadd.s32 s5, s22  }
0x6fa: {  	s2 =	simm.s32 @p0 $0x1;
	p0 =	slt.s32 s16, $0x0;
	p2 =	sge.s32 s0, s30  }
0x6fb: {  	p0 =	por !p2, !p0  }
0x6fc: {  	s1 =	sor.u32 $0x7, s13;
	s14 =	spop (v2sf);
	p0 =	por !p0, !p0  }
0x6fd: {  	(v2sf) =	vpush v5, $0x2;
	s5 =	simm.s32 @!p0 $0x0;
	s16 =	smov.u32 @p0 s1;
	s1 =	sadd.s32 s14, s0  }
0x6fe: {  	s5 =	simm.s32 @p0 $0x1;
	p0 =	slt.s32 s16, $0x0;
	p3 =	sge.s32 s1, s30  }
0x6ff: {  	s15 =	spop (v2sf);
	p0 =	por !p3, !p0  }
0x700: {  	[smem:$0x7E0] =	sst s2;
	s2 =	sor.u32 $0x6, s13;
	p0 =	por !p0, !p0  }
0x701: {  	(v2sf) =	vpush v5, $0x1;
	s14 =	simm.s32 @!p0 $0x0;
	s16 =	smov.u32 @p0 s2;
	s2 =	sadd.s32 s15, s1  }
0x702: {  	s14 =	simm.s32 @p0 $0x1;
	p0 =	slt.s32 s16, $0x0;
	p4 =	sge.s32 s2, s30  }
0x703: {  	s17 =	spop (v2sf);
	p0 =	por !p4, !p0  }
0x704: {  	[smem:$0x7E1] =	sst s5;
	s5 =	sor.u32 $0x5, s13;
	p0 =	por !p0, !p0  }
0x705: {  	(v2sf) =	vpush v5, $0x0;
	s15 =	simm.s32 @!p0 $0x0;
	s16 =	smov.u32 @p0 s5;
	s5 =	sadd.s32 s17, s2  }
0x706: {  	s15 =	simm.s32 @p0 $0x1;
	p0 =	slt.s32 s16, $0x0;
	p6 =	sge.s32 s5, s30  }
0x707: {  	s18 =	spop (v2sf);
	p0 =	por !p6, !p0  }
0x708: {  	[smem:$0x7E3] =	sst s15;
	s15 =	sor.u32 $0x4, s13;
	p6 =	por !p0, !p0  }
0x709: {  	[smem:$0x7E2] =	sst s14;
	s14 =	sadd.s32 s18, s5;
	s16 =	smov.u32 @p6 s15  }
0x70a: {  	p2 =	sge.s32 s14, s30;
	p1 =	slt.s32 s16, $0x0  }
0x70b: {  	p0 =	por !p2, !p1  }
0x70c: {  	s17 =	sor.u32 $0x3, s13;
	s20 =	spop (v2sf);
	p2 =	por !p0, !p0  }
0x70d: {  	s15 =	sadd.s32 s20, s14;
	s16 =	smov.u32 @p2 s17  }
0x70e: {  	p4 =	sge.s32 s15, s30;
	p3 =	slt.s32 s16, $0x0  }
0x70f: {  	p0 =	por !p4, !p3  }
0x710: {  	s18 =	sor.u32 $0x2, s13;
	s31 =	spop (v2sf);
	p1 =	por !p0, !p0  }
0x711: {  	s17 =	sadd.s32 s31, s15;
	s16 =	smov.u32 @p1 s18  }
0x712: {  	p4 =	sge.s32 s17, s30;
	p3 =	slt.s32 s16, $0x0  }
0x713: {  	p0 =	por !p4, !p3  }
0x714: {  	s20 =	spop (v2sf);
	s18 =	sor.u32 $0x1, s13;
	p0 =	por !p0, !p0  }
0x715: {  	s31 =	sld [smem:$0x7F2];
	s20 =	sadd.s32 s20, s17;
	s16 =	smov.u32 @p0 s18  }
0x716: {  	p4 =	sge.s32 s20, s30;
	p3 =	slt.s32 s16, $0x0  }
0x717: {  	p3 =	por !p4, !p3  }
0x718: {  	p4 =	seq.s32 s31, $0x1;
	p3 =	por !p3, !p3  }
.Ltmp37:
0x719: {  	s16 =	smov.u32 @p3 s13;
	(pc) =	sbr.rel @p4 .LBB2_64-.Ltmp37, $4  }
0x71a: {  	s21 =	sshll.u32 s21, $0xB;
	s16 =	sshll.u32 s16, $0x1  }
0x71b: {  	s20 =	sor.u32 s21, s16  }
0x71c: {  	s18 =	sor.u32 $0x1, s20  }
0x71d: {  	v6 =	vmov s20;
	v5 =	vmov s18  }
0x71e: {  	s13 =	simm.s32 @!p5 $0x0  }
0x71f: {  	s13 =	simm.s32 @p5 $0x1;
	p5 =	sgt.s32 s26, $0x2  }
.Ltmp38:
0x720: {  	s31 =	simm.s32 $0x14410;
	[smem:$0x7D9] =	sst s13;
	(pc) =	sbr.rel @!p5 .LBB2_76-.Ltmp38, $2  }
0x721: {  	v9 =	vld [tilespmem:s31+$0x0];
	_ =	sdelay $0x2  }
0x722: {  	v7 =	vimm.s32 $0x0;
	p4 =	por $0x0, $0x0;
	v8 =	vld [tilespmem:s31+$0xFFFFFFF0]  }
0x723: {  	_ = 	snop  }
0x724: {  	p5 =	sgt.s32 s26, $0x4  }
.Ltmp39:
0x725: {  	_ = 	snop;
	(pc) =	sbr.rel @!p5 .LBB2_78-.Ltmp39, $4  }
0x726: {  	_ = 	snop  }
0x727: {  	s13 =	simm.s32 $0x14430;
	vm0 =	veq.s32 v8, v6;
	vm1 =	veq.s32 v8, v5  }
0x728: {  	vm15 =	veq.s32 v9, v6;
	v10 =	vld [tilespmem:s13+$0x0];
	v11 =	vsel vm0, $0x1, v1;
	v13 =	vsel vm1, $0x1, v1  }
0x729: {  	s16 =	simm.s32 $0x4;
	p4 =	por $0x1, $0x1;
	v8 =	vld [tilespmem:s13+$0xFFFFFFF0];
	v12 =	vadd.s32 v11, v7;
	v11 =	vadd.s32 v13, v7;
	v13 =	vsel vm15, $0x1, v1  }
.LBB2_79:
0x72a: {  	s16 =	sadd.s32 $0x2, s16  }
0x72b: {  	v12 =	vadd.s32 v13, v12;
	vm0 =	veq.s32 v9, v5;
	p5 =	slt.s32 s16, s26  }
.Ltmp40:
0x72c: {  	v9 =	vsel vm0, $0x1, v1;
	(pc) =	sbr.rel @p5 .LBB2_79-.Ltmp40, $4  }
0x72d: {  	v11 =	vadd.s32 v9, v11  }
0x72e: {  	s13 =	sadd.s32 $0x20, s13;
	vm0 =	veq.s32 v8, v6;
	vm1 =	veq.s32 v8, v5  }
0x72f: {  	v8 =	vld [tilespmem:s13+$0xFFFFFFF0];
	v13 =	vsel vm0, $0x1, v1;
	v14 =	vsel vm1, $0x1, v1;
	vm0 =	veq.s32 v10, v6;
	v9 =	vmovc v10  }
0x730: {  	v10 =	vld [tilespmem:s13+$0x0];
	v12 =	vadd.s32 v13, v12;
	v11 =	vadd.s32 v14, v11;
	v13 =	vsel vm0, $0x1, v1  }
0x731: {  	_ =	sdelay $0x3  }
0x732: {  	v14 =	vmov v9;
	v9 =	vmov v10  }
.LBB2_81:
0x733: {  	vm0 =	veq.s32 @p4 v14, v5  }
0x734: {  	v10 =	vadd.s32 @p4 v13, v12;
	vm13 =	veq.s32 v8, v6;
	vm1 =	veq.s32 v8, v5  }
.Ltmp41:
0x735: {  	vm14 =	veq.s32 v9, v6;
	vm15 =	veq.s32 v9, v5;
	v12 =	vsel @p4 vm0, $0x1, v1;
	(pc) =	sbr.rel .LBB2_65-.Ltmp41, $4  }
0x736: {  	s13 =	sld [smem:$0x7D9];
	v8 =	vsel vm13, $0x1, v1;
	v10 =	vpsel p4, v10, v7;
	v11 =	vadd.s32 @p4 v12, v11  }
0x737: {  	v63 =	vsel vm1, $0x1, v1;
	v8 =	vadd.s32 v8, v10;
	v7 =	vpsel p4, v11, v7  }
0x738: {  	v10 =	vsel vm15, $0x1, v1;
	v9 =	vadd.s32 v63, v7;
	v7 =	vsel vm14, $0x1, v1  }
0x739: {  	p5 =	seq.s32 s13, $0x1;
	v7 =	vadd.s32 v7, v8;
	v8 =	vadd.s32 v10, v9  }
.LBB2_64:
0x73a: {  	v7 =	vimm.s32 $0x0;
	v8 =	vimm.s32 $0x0  }
.LBB2_65:
0x73b: {  	s13 =	sld [smem:$0x7DA]  }
0x73c: {  	s31 =	sld [smem:$0x7DB];
	_ =	sdelay $0x1  }
0x73d: {  	s3 =	simm.s32 @p5 $0x0;
	p4 =	seq.s32 s13, $0x1  }
0x73e: {  	s3 =	smov.u32 @p4 s4;
	p4 =	seq.s32 s31, $0x1  }
0x73f: {  	s3 =	smov.u32 @p4 s6;
	s6 =	sld [smem:$0x7DC];
	_ =	sdelay $0x2  }
0x740: {  	p4 =	seq.s32 s6, $0x1  }
0x741: {  	s3 =	smov.u32 @p4 s8;
	s8 =	sld [smem:$0x7DD];
	_ =	sdelay $0x2  }
0x742: {  	p4 =	seq.s32 s8, $0x1  }
0x743: {  	s3 =	smov.u32 @p4 s9;
	s9 =	sld [smem:$0x7DE];
	_ =	sdelay $0x2  }
0x744: {  	p4 =	seq.s32 s9, $0x1  }
0x745: {  	s3 =	smov.u32 @p4 s10;
	s10 =	sld [smem:$0x7DF];
	_ =	sdelay $0x2  }
0x746: {  	p4 =	seq.s32 s10, $0x1  }
0x747: {  	s3 =	smov.u32 @p4 s11;
	s11 =	sld [smem:$0x7E0]  }
0x748: {  	s13 =	sld [smem:$0x7E1]  }
0x749: {  	s16 =	sld [smem:$0x7F1]  }
0x74a: {  	p4 =	seq.s32 s11, $0x1  }
0x74b: {  	s3 =	smov.u32 @p4 s12;
	p4 =	seq.s32 s13, $0x1  }
0x74c: {  	s3 =	smov.u32 @p4 s22;
	p4 =	seq.s32 s16, $0x1  }
0x74d: {  	v9 =	vld @!p4 [tilespmem:s7+$0x14400];
	_ =	sdelay $0x4  }
0x74e: {  	v10 =	vimm.s32 @!p4 $0x0;
	vm0 =	veq.s32 @!p4 v9, s18;
	vm1 =	veq.s32 @!p4 v9, s20  }
0x74f: {  	v9 =	vsel @!p4 vm0, $0x1, v10;
	v10 =	vsel @!p4 vm1, $0x1, v10  }
0x750: {  	v10 =	vadd.s32 @!p4 v10, v7  }
0x751: {  	v9 =	vadd.s32 @!p4 v9, v8;
	v7 =	vpsel p4, v7, v10  }
0x752: {  	v8 =	vpsel p4, v8, v9;
	(xrf0) =	vadd.scan.msk.s32 $0xffff, v7  }
0x753: {  	(xrf0) =	vadd.scan.msk.s32 $0xffff, v8;
	_ =	sdelay $0x4  }
0x754: {  	v7, _, _ =	vpop (xrf0)  }
0x755: {  	(v2sf) =	vpush v7, $0xF;
	v8, _, _ =	vpop (xrf0)  }
0x756: {  	(v2sf) =	vpush v8, $0xF;
	_ =	sdelay $0x1  }
0x757: {  	s21 =	sld [smem:$0x7E2]  }
0x758: {  	s22 =	sld [smem:$0x7E3];
	_ =	sdelay $0x1  }
0x759: {  	p5 =	seq.s32 s21, $0x1  }
0x75a: {  	s3 =	smov.u32 @p5 s0;
	p5 =	seq.s32 s22, $0x1  }
0x75b: {  	s3 =	smov.u32 @p5 s1  }
0x75c: {  	s31 =	sld [smem:$0x7F0];
	s3 =	smov.u32 @p6 s2  }
0x75d: {  	s3 =	smov.u32 @p2 s5  }
0x75e: {  	s3 =	smov.u32 @p1 s14  }
0x75f: {  	s3 =	smov.u32 @p0 s15;
	p0 =	seq.s32 s31, $0x1  }
.Ltmp42:
0x760: {  	_ = 	snop;
	(pc) =	sbr.rel @p0 .LBB2_66-.Ltmp42, $4  }
0x761: {  	_ = 	snop  }
0x762: {  	s3 =	smov.u32 @p3 s17;
	s26 =	spop (v2sf)  }
0x763: {  	s7 =	ssub.s32 s30, s3;
	[dreg:$0x13] =	wrdreg s26;
	s30 =	spop (v2sf)  }
0x764: {  	[dreg:$0x12] =	wrdreg s30  }
0x765: {  	p1 =	sgt.s32 s25, $0x2  }
.Ltmp43:
0x766: {  	s0 =	simm.s32 $0x18420;
	(pc) =	sbr.rel @!p1 .LBB2_83-.Ltmp43, $2  }
0x767: {  	v11 =	vld [tilespmem:s0+$0x0];
	_ =	sdelay $0x2  }
0x768: {  	v9 =	vimm.s32 $0x0;
	p0 =	por $0x0, $0x0;
	v10 =	vld [tilespmem:s0+$0xFFFFFFF0]  }
0x769: {  	_ = 	snop  }
0x76a: {  	p1 =	sgt.s32 s25, $0x4  }
.Ltmp44:
0x76b: {  	_ = 	snop;
	(pc) =	sbr.rel @!p1 .LBB2_85-.Ltmp44, $4  }
0x76c: {  	_ = 	snop  }
0x76d: {  	s0 =	simm.s32 $0x18440;
	vm0 =	veq.s32 v10, v6;
	vm1 =	veq.s32 v10, v5  }
0x76e: {  	vm15 =	veq.s32 v11, v6;
	v12 =	vld [tilespmem:s0+$0x0];
	v13 =	vsel vm0, $0x1, v1;
	v15 =	vsel vm1, $0x1, v1  }
0x76f: {  	s1 =	simm.s32 $0x4;
	p0 =	por $0x1, $0x1;
	v10 =	vld [tilespmem:s0+$0xFFFFFFF0];
	v14 =	vadd.s32 v13, v9;
	v13 =	vadd.s32 v15, v9;
	v15 =	vsel vm15, $0x1, v1  }
.LBB2_86:
0x770: {  	s1 =	sadd.s32 $0x2, s1  }
0x771: {  	v14 =	vadd.s32 v15, v14;
	vm0 =	veq.s32 v11, v5;
	p1 =	slt.s32 s1, s25  }
.Ltmp45:
0x772: {  	v11 =	vsel vm0, $0x1, v1;
	(pc) =	sbr.rel @p1 .LBB2_86-.Ltmp45, $4  }
0x773: {  	v13 =	vadd.s32 v11, v13  }
0x774: {  	s0 =	sadd.s32 $0x20, s0;
	vm0 =	veq.s32 v10, v6;
	vm1 =	veq.s32 v10, v5  }
0x775: {  	v10 =	vld [tilespmem:s0+$0xFFFFFFF0];
	v15 =	vsel vm0, $0x1, v1;
	v16 =	vsel vm1, $0x1, v1;
	vm0 =	veq.s32 v12, v6;
	v11 =	vmovc v12  }
0x776: {  	v12 =	vld [tilespmem:s0+$0x0];
	v14 =	vadd.s32 v15, v14;
	v13 =	vadd.s32 v16, v13;
	v15 =	vsel vm0, $0x1, v1  }
0x777: {  	_ =	sdelay $0x3  }
0x778: {  	v16 =	vmov v11;
	v11 =	vmov v12  }
.LBB2_88:
0x779: {  	vm0 =	veq.s32 @p0 v16, v5  }
0x77a: {  	v12 =	vadd.s32 @p0 v15, v14;
	vm13 =	veq.s32 v10, v6;
	vm1 =	veq.s32 v10, v5  }
.Ltmp46:
0x77b: {  	vm14 =	veq.s32 v11, v6;
	vm15 =	veq.s32 v11, v5;
	v14 =	vsel @p0 vm0, $0x1, v1;
	(pc) =	sbr.rel .LBB2_67-.Ltmp46, $4  }
0x77c: {  	v10 =	vsel vm13, $0x1, v1;
	v63 =	vsel vm1, $0x1, v1;
	v13 =	vadd.s32 @p0 v14, v13  }
0x77d: {  	v6 =	vpsel p0, v12, v9;
	v5 =	vsel vm14, $0x1, v1;
	v9 =	vpsel p0, v13, v9  }
0x77e: {  	v6 =	vadd.s32 v10, v6;
	v10 =	vsel vm15, $0x1, v1;
	v9 =	vadd.s32 v63, v9  }
0x77f: {  	v5 =	vadd.s32 v5, v6;
	v6 =	vadd.s32 v10, v9  }
.LBB2_66:
0x780: {  	v5 =	vimm.s32 $0x0;
	v6 =	vimm.s32 $0x0  }
.LBB2_67:
0x781: {  	p0 =	slt.s32 s29, $0x1  }
0x782: {  	s0 =	sshll.u32 @!p0 s25, $0x6  }
0x783: {  	s0 =	sshra.s32 @!p0 s0, $0x2  }
0x784: {  	v9 =	vld @!p0 [tilespmem:s0+$0x18410];
	_ =	sdelay $0x4  }
0x785: {  	v10 =	vimm.s32 @!p0 $0x0;
	vm0 =	veq.s32 @!p0 v9, s18;
	vm1 =	veq.s32 @!p0 v9, s20  }
0x786: {  	v9 =	vsel @!p0 vm0, $0x1, v10;
	v10 =	vsel @!p0 vm1, $0x1, v10  }
0x787: {  	v10 =	vadd.s32 @!p0 v10, v5  }
0x788: {  	v9 =	vadd.s32 @!p0 v9, v6;
	v5 =	vpsel p0, v5, v10  }
0x789: {  	v6 =	vpsel p0, v6, v9;
	(xrf0) =	vadd.scan.msk.s32 $0xffff, v5  }
0x78a: {  	(xrf0) =	vadd.scan.msk.s32 $0xffff, v6;
	_ =	sdelay $0x4  }
0x78b: {  	v5, _, _ =	vpop (xrf0)  }
0x78c: {  	(v2sf) =	vpush v5, $0xF;
	v6, _, _ =	vpop (xrf0)  }
0x78d: {  	(v2sf) =	vpush v6, $0xF;
	_ =	sdelay $0x5  }
0x78e: {  	v6 =	vbroadcast v6, $0xF  }
0x78f: {  	v8 =	vbroadcast v8, $0xF;
	vm12 =	vcmask $0xF0C  }
0x790: {  	vm13 =	vcmask $0x3F0C;
	v5 =	vbroadcast v5, $0xF;
	v6 =	vnsel vm12, $0x0, v6  }
0x791: {  	v7 =	vbroadcast v7, $0xF;
	vm14 =	vcmask $0x3F08;
	v6 =	vsel vm13, v6, v8  }
0x792: {  	vm15 =	vcmask $0x3F04;
	v5 =	vsel vm14, v6, v5  }
0x793: {  	[dreg:$0x14] =	wrdreg s18;
	v5 =	vsel vm15, v5, v7  }
0x794: {  	s18 =	rddreg [dreg:$0xc];
	[tilespmem:$0x14000] =	vst v5  }
0x795: {  	[spmem:s18] =	stream.linear.scatter [tilespmem:s23], [sflag:$0x2], $0x10, $0x38;
	[tilespmem:$0x1D090] =	vst v63  }
0x796: {  	[dreg:$0x15] =	wrdreg s20;
	s16 =	spop (v2sf)  }
0x797: {  	[dreg:$0x16] =	wrdreg s16;
	s17 =	spop (v2sf)  }
0x798: {  	[dreg:$0x17] =	wrdreg s17  }
0x799: {  	_ =	swait.ge [sflag:s24], $0x10  }
0x79a: {  	[sflag:s24] =	ssyncset.done $0x0  }
0x79b: {  	[sflag:s24] =	ssyncadd.s32 $0xFFFFFFF0  }
0x79c: {  	[bflag:$0x0] =	sbarrier.arrive $0xFFFF  }
0x79d: {  	s20 =	rddreg [dreg:$0x5]  }
0x79e: {  	[tilespmem:s19], [sflag:$0x2] =	stream.linear.gather [spmem:s20], $0x100, $0x38;
	[tilespmem:$0x1D090] =	vst v63  }
0x79f: {  	_ =	swait.ge [sflag:s24], $0x100  }
0x7a0: {  	[sflag:s24] =	ssyncset.done $0x0  }
0x7a1: {  	[sflag:s24] =	ssyncadd.s32 $0xFFFFFF00  }
0x7a2: {  	v5 =	vld [tilespmem:$0x8000];
	_ =	sdelay $0x1  }
0x7a3: {  	v6 =	vld [tilespmem:$0x8010];
	_ =	sdelay $0x1  }
0x7a4: {  	v7 =	vld [tilespmem:$0x8020]  }
0x7a5: {  	(v2sf) =	vpush v5, $0x2  }
0x7a6: {  	v61 =	vld [tilespmem:$0x8030];
	(v2sf) =	vpush v5, $0x3  }
0x7a7: {  	(v2sf) =	vpush v6, $0x2  }
0x7a8: {  	v62 =	vld [tilespmem:$0x8040];
	(v2sf) =	vpush v6, $0x3  }
0x7a9: {  	(v2sf) =	vpush v7, $0x2  }
0x7aa: {  	v63 =	vld [tilespmem:$0x8050];
	(v2sf) =	vpush v7, $0x3  }
0x7ab: {  	(v2sf) =	vpush v61, $0x2  }
0x7ac: {  	v11 =	vld [tilespmem:$0x8060];
	(v2sf) =	vpush v61, $0x3  }
0x7ad: {  	(v2sf) =	vpush v62, $0x2  }
0x7ae: {  	v12 =	vld [tilespmem:$0x8070];
	(v2sf) =	vpush v62, $0x3  }
0x7af: {  	(v2sf) =	vpush v63, $0x2  }
0x7b0: {  	v13 =	vld [tilespmem:$0x8080];
	(v2sf) =	vpush v63, $0x3  }
0x7b1: {  	(v2sf) =	vpush v11, $0x2  }
0x7b2: {  	v14 =	vld [tilespmem:$0x8090];
	(v2sf) =	vpush v11, $0x3  }
0x7b3: {  	(v2sf) =	vpush v12, $0x2  }
0x7b4: {  	v15 =	vld [tilespmem:$0x80A0];
	s21 =	spop (v2sf);
	(v2sf) =	vpush v12, $0x3  }
0x7b5: {  	s22 =	spop (v2sf);
	(v2sf) =	vpush v13, $0x2  }
0x7b6: {  	v16 =	vld [tilespmem:$0x80B0];
	s0 =	sadd.s32 s22, s21;
	s26 =	spop (v2sf);
	(v2sf) =	vpush v13, $0x3  }
0x7b7: {  	s0 =	sadd.s32 s26, s0;
	s1 =	spop (v2sf);
	(v2sf) =	vpush v14, $0x2  }
0x7b8: {  	v17 =	vld [tilespmem:$0x80C0];
	s0 =	sadd.s32 s1, s0;
	s23 =	spop (v2sf);
	(v2sf) =	vpush v14, $0x3  }
0x7b9: {  	s0 =	sadd.s32 s23, s0;
	s24 =	spop (v2sf);
	(v2sf) =	vpush v15, $0x2  }
0x7ba: {  	v18 =	vld [tilespmem:$0x80D0];
	s0 =	sadd.s32 s24, s0;
	s25 =	spop (v2sf);
	(v2sf) =	vpush v15, $0x3  }
0x7bb: {  	s0 =	sadd.s32 s25, s0;
	s29 =	spop (v2sf);
	(v2sf) =	vpush v16, $0x2  }
0x7bc: {  	v19 =	vld [tilespmem:$0x80E0];
	[dreg:$0x1c] =	wrdreg s29;
	s0 =	sadd.s32 s29, s0;
	s29 =	spop (v2sf);
	(v2sf) =	vpush v16, $0x3  }
0x7bd: {  	s0 =	sadd.s32 s29, s0;
	s30 =	spop (v2sf);
	(v2sf) =	vpush v17, $0x2  }
0x7be: {  	v20 =	vld [tilespmem:$0x80F0];
	s0 =	sadd.s32 s30, s0;
	s31 =	spop (v2sf);
	(v2sf) =	vpush v17, $0x3  }
0x7bf: {  	s0 =	sadd.s32 s31, s0;
	s13 =	spop (v2sf);
	(v2sf) =	vpush v18, $0x2  }
0x7c0: {  	s0 =	sadd.s32 s13, s0;
	s15 =	spop (v2sf);
	(v2sf) =	vpush v18, $0x3  }
0x7c1: {  	s0 =	sadd.s32 s15, s0;
	s16 =	spop (v2sf);
	(v2sf) =	vpush v19, $0x2  }
0x7c2: {  	s0 =	sadd.s32 s16, s0;
	s12 =	spop (v2sf);
	(v2sf) =	vpush v19, $0x3  }
0x7c3: {  	s0 =	sadd.s32 s12, s0;
	s18 =	spop (v2sf);
	(v2sf) =	vpush v20, $0x2  }
0x7c4: {  	s0 =	sadd.s32 s18, s0;
	s20 =	spop (v2sf);
	(v2sf) =	vpush v20, $0x3  }
0x7c5: {  	[dreg:$0x1e] =	wrdreg s23;
	s0 =	sadd.s32 s20, s0;
	s23 =	spop (v2sf)  }
0x7c6: {  	[dreg:$0x1a] =	wrdreg s24;
	(v2sf) =	vpush v5, $0x0;
	s0 =	sadd.s32 s23, s0;
	s24 =	spop (v2sf)  }
0x7c7: {  	(v2sf) =	vpush v5, $0x1;
	s0 =	sadd.s32 s24, s0;
	s11 =	spop (v2sf)  }
0x7c8: {  	s0 =	sadd.s32 s11, s0;
	s17 =	spop (v2sf)  }
0x7c9: {  	s0 =	sadd.s32 s17, s0;
	s14 =	spop (v2sf)  }
0x7ca: {  	(v2sf) =	vpush v6, $0x0;
	s0 =	sadd.s32 s14, s0;
	s6 =	spop (v2sf)  }
0x7cb: {  	(v2sf) =	vpush v6, $0x1;
	s0 =	sadd.s32 s6, s0;
	s3 =	spop (v2sf)  }
0x7cc: {  	(v2sf) =	vpush v7, $0x0;
	s0 =	sadd.s32 s3, s0;
	s9 =	spop (v2sf)  }
0x7cd: {  	(v2sf) =	vpush v7, $0x1;
	s0 =	sadd.s32 s9, s0;
	s4 =	spop (v2sf)  }
0x7ce: {  	s0 =	sadd.s32 s4, s0;
	s2 =	spop (v2sf)  }
0x7cf: {  	s0 =	sadd.s32 s2, s0;
	s10 =	spop (v2sf)  }
0x7d0: {  	(v2sf) =	vpush v61, $0x0;
	s0 =	sadd.s32 s10, s0;
	s8 =	spop (v2sf)  }
0x7d1: {  	s0 =	sadd.s32 s8, s0;
	s5 =	spop (v2sf)  }
0x7d2: {  	[dreg:$0x19] =	wrdreg s1;
	(v2sf) =	vpush v61, $0x1;
	s0 =	sadd.s32 s5, s0;
	s1 =	spop (v2sf)  }
0x7d3: {  	[dreg:$0x18] =	wrdreg s21;
	(v2sf) =	vpush v62, $0x0;
	s0 =	sadd.s32 s1, s0;
	s21 =	spop (v2sf)  }
0x7d4: {  	[dreg:$0x1b] =	wrdreg s25;
	(v2sf) =	vpush v62, $0x1;
	s0 =	sadd.s32 s21, s0  }
0x7d5: {  	s25 =	rddreg [dreg:$0x18];
	(v2sf) =	vpush v63, $0x0;
	s21 =	spop (v2sf);
	p0 =	sgt.s32 s7, s0  }
0x7d6: {  	[dreg:$0x1d] =	wrdreg s7;
	(v2sf) =	vpush v63, $0x1;
	s7 =	spop (v2sf);
	s25 =	smov.u32 @p0 s21  }
0x7d7: {  	(v2sf) =	vpush v11, $0x0;
	s22 =	smov.u32 @p0 s7;
	[dreg:$0x18] =	wrdreg s25  }
0x7d8: {  	(v2sf) =	vpush v11, $0x1;
	[dreg:$0x1f] =	wrdreg s22  }
0x7d9: {  	(v2sf) =	vpush v12, $0x0;
	s21 =	spop (v2sf);
	s22 =	rddreg [dreg:$0x19]  }
0x7da: {  	(v2sf) =	vpush v12, $0x1;
	s7 =	spop (v2sf);
	s25 =	smov.u32 s26;
	s26 =	rddreg [dreg:$0x1a]  }
0x7db: {  	(v2sf) =	vpush v13, $0x0;
	s25 =	smov.u32 @p0 s21;
	s21 =	spop (v2sf);
	s22 =	smov.u32 @p0 s7  }
0x7dc: {  	(v2sf) =	vpush v13, $0x1;
	[dreg:$0x19] =	wrdreg s22;
	s7 =	spop (v2sf)  }
0x7dd: {  	(v2sf) =	vpush v14, $0x0;
	s22 =	rddreg [dreg:$0x1e];
	s26 =	smov.u32 @p0 s7  }
0x7de: {  	(v2sf) =	vpush v14, $0x1;
	[dreg:$0x1a] =	wrdreg s26  }
0x7df: {  	(v2sf) =	vpush v15, $0x0;
	s22 =	smov.u32 @p0 s21;
	s21 =	spop (v2sf);
	s26 =	rddreg [dreg:$0x1b]  }
0x7e0: {  	(v2sf) =	vpush v15, $0x1;
	s26 =	smov.u32 @p0 s21  }
0x7e1: {  	(v2sf) =	vpush v16, $0x0;
	s7 =	spop (v2sf);
	[dreg:$0x1b] =	wrdreg s26  }
0x7e2: {  	(v2sf) =	vpush v16, $0x1;
	s21 =	spop (v2sf);
	s26 =	rddreg [dreg:$0x1c]  }
0x7e3: {  	(v2sf) =	vpush v17, $0x0;
	s26 =	smov.u32 @p0 s7;
	s7 =	spop (v2sf)  }
0x7e4: {  	s29 =	smov.u32 @p0 s21;
	(v2sf) =	vpush v17, $0x1;
	s21 =	spop (v2sf)  }
0x7e5: {  	s30 =	smov.u32 @p0 s7;
	(v2sf) =	vpush v18, $0x0;
	s7 =	spop (v2sf)  }
0x7e6: {  	s31 =	smov.u32 @p0 s21;
	(v2sf) =	vpush v18, $0x1;
	s21 =	spop (v2sf)  }
0x7e7: {  	s13 =	smov.u32 @p0 s7;
	(v2sf) =	vpush v19, $0x0;
	s7 =	spop (v2sf)  }
0x7e8: {  	s15 =	smov.u32 @p0 s21;
	(v2sf) =	vpush v19, $0x1;
	s21 =	spop (v2sf)  }
0x7e9: {  	s16 =	smov.u32 @p0 s7;
	s7 =	spop (v2sf)  }
0x7ea: {  	(v2sf) =	vpush v20, $0x0;
	s12 =	smov.u32 @p0 s21;
	s21 =	spop (v2sf)  }
0x7eb: {  	s18 =	smov.u32 @p0 s7;
	s7 =	spop (v2sf)  }
0x7ec: {  	s20 =	smov.u32 @p0 s21;
	s21 =	spop (v2sf)  }
0x7ed: {  	s23 =	smov.u32 @p0 s7;
	s7 =	spop (v2sf)  }
0x7ee: {  	s24 =	smov.u32 @p0 s21;
	s21 =	spop (v2sf)  }
0x7ef: {  	s11 =	smov.u32 @p0 s7;
	s7 =	spop (v2sf)  }
0x7f0: {  	s17 =	smov.u32 @p0 s21;
	s21 =	spop (v2sf)  }
0x7f1: {  	s14 =	smov.u32 @p0 s7;
	s7 =	spop (v2sf)  }
0x7f2: {  	s6 =	smov.u32 @p0 s21;
	s21 =	spop (v2sf)  }
0x7f3: {  	s3 =	smov.u32 @p0 s7;
	s7 =	spop (v2sf)  }
0x7f4: {  	s9 =	smov.u32 @p0 s21;
	s21 =	spop (v2sf)  }
0x7f5: {  	s4 =	smov.u32 @p0 s7;
	s7 =	spop (v2sf)  }
0x7f6: {  	s0 =	simm.s32 @!p0 $0x0;
	s2 =	smov.u32 @p0 s21;
	s21 =	spop (v2sf)  }
0x7f7: {  	[dreg:$0x1c] =	wrdreg s26;
	s10 =	smov.u32 @p0 s7;
	s7 =	spop (v2sf)  }
0x7f8: {  	s26 =	rddreg [dreg:$0x1f];
	s5 =	smov.u32 @p0 s7;
	s7 =	stileid.u32  }
0x7f9: {  	s8 =	smov.u32 @p0 s21;
	s21 =	spop (v2sf);
	p1 =	seq.s32 s7, $0x0  }
0x7fa: {  	s1 =	smov.u32 @p0 s21;
	s21 =	rddreg [dreg:$0xd];
	s26 =	simm.s32 @p1 $0x0  }
0x7fb: {  	p2 =	seq.s32 s21, $0x0;
	s0 =	sadd.s32 s26, s0;
	s26 =	rddreg [dreg:$0x18]  }
0x7fc: {  	s26 =	simm.s32 @p2 $0x0  }
0x7fd: {  	p1 =	sgt.u32 s21, $0x2;
	s0 =	sadd.s32 s26, s0;
	s26 =	smov.u32 s25  }
0x7fe: {  	s26 =	simm.s32 @!p1 $0x0  }
0x7ff: {  	p2 =	sgt.u32 s7, $0x1;
	s0 =	sadd.s32 s26, s0;
	s26 =	rddreg [dreg:$0x19]  }
0x800: {  	s25 =	smov.u32 s22;
	p1 =	sgt.u32 s21, $0x4;
	s26 =	simm.s32 @!p2 $0x0  }
0x801: {  	s22 =	rddreg [dreg:$0x1c];
	s25 =	simm.s32 @!p1 $0x0;
	s0 =	sadd.s32 s26, s0  }
0x802: {  	p2 =	sgt.u32 s7, $0x2;
	s0 =	sadd.s32 s25, s0;
	s25 =	rddreg [dreg:$0x1a]  }
0x803: {  	p1 =	sgt.u32 s21, $0x6;
	s25 =	simm.s32 @!p2 $0x0;
	p2 =	sgt.u32 s7, $0x3  }
0x804: {  	s0 =	sadd.s32 s25, s0;
	s25 =	rddreg [dreg:$0x1b];
	s22 =	simm.s32 @!p2 $0x0  }
0x805: {  	p2 =	sgt.u32 s7, $0x4;
	s25 =	simm.s32 @!p1 $0x0;
	p1 =	sgt.u32 s21, $0x8  }
0x806: {  	s30 =	simm.s32 @!p2 $0x0;
	p2 =	sgt.u32 s7, $0x5;
	s0 =	sadd.s32 s25, s0  }
0x807: {  	s29 =	simm.s32 @!p1 $0x0;
	p1 =	sgt.u32 s21, $0xA;
	s0 =	sadd.s32 s22, s0  }
0x808: {  	s13 =	simm.s32 @!p2 $0x0;
	p2 =	sgt.u32 s7, $0x6;
	s0 =	sadd.s32 s29, s0  }
0x809: {  	s31 =	simm.s32 @!p1 $0x0;
	p1 =	sgt.u32 s21, $0xC;
	s0 =	sadd.s32 s30, s0  }
0x80a: {  	s16 =	simm.s32 @!p2 $0x0;
	p2 =	sgt.u32 s7, $0x7;
	s0 =	sadd.s32 s31, s0  }
0x80b: {  	s15 =	simm.s32 @!p1 $0x0;
	p1 =	sgt.u32 s21, $0xE;
	s0 =	sadd.s32 s13, s0  }
0x80c: {  	s18 =	simm.s32 @!p2 $0x0;
	p2 =	sgt.u32 s7, $0x8;
	s0 =	sadd.s32 s15, s0  }
0x80d: {  	s12 =	simm.s32 @!p1 $0x0;
	p1 =	sgt.u32 s21, $0x10;
	s0 =	sadd.s32 s16, s0  }
0x80e: {  	s23 =	simm.s32 @!p2 $0x0;
	p2 =	sgt.u32 s7, $0x9;
	s0 =	sadd.s32 s12, s0  }
0x80f: {  	s30 =	rddreg [dreg:$0x1d];
	s20 =	simm.s32 @!p1 $0x0;
	s0 =	sadd.s32 s18, s0  }
0x810: {  	p1 =	sgt.u32 s21, $0x12;
	s11 =	simm.s32 @!p2 $0x0;
	s0 =	sadd.s32 s20, s0  }
0x811: {  	p2 =	sgt.u32 s7, $0xA;
	s24 =	simm.s32 @!p1 $0x0;
	s0 =	sadd.s32 s23, s0  }
0x812: {  	s31 =	rddreg [dreg:$0x7];
	p1 =	sgt.u32 s21, $0x14;
	s0 =	sadd.s32 s24, s0  }
0x813: {  	s14 =	simm.s32 @!p2 $0x0;
	s17 =	simm.s32 @!p1 $0x0;
	s0 =	sadd.s32 s11, s0  }
0x814: {  	p2 =	sgt.u32 s7, $0xB;
	p1 =	sgt.u32 s21, $0x16;
	s0 =	sadd.s32 s17, s0  }
0x815: {  	s3 =	simm.s32 @!p2 $0x0;
	s6 =	simm.s32 @!p1 $0x0;
	s0 =	sadd.s32 s14, s0  }
0x816: {  	p2 =	sgt.u32 s7, $0xC;
	p1 =	sgt.u32 s21, $0x18;
	s0 =	sadd.s32 s6, s0  }
0x817: {  	s4 =	simm.s32 @!p2 $0x0;
	s9 =	simm.s32 @!p1 $0x0;
	s0 =	sadd.s32 s3, s0  }
0x818: {  	p2 =	sgt.u32 s7, $0xD;
	p1 =	sgt.u32 s21, $0x1A;
	s0 =	sadd.s32 s9, s0  }
0x819: {  	s10 =	simm.s32 @!p2 $0x0;
	s2 =	simm.s32 @!p1 $0x0;
	s0 =	sadd.s32 s4, s0  }
0x81a: {  	p2 =	seq.s32 s7, $0xF;
	p1 =	sgt.u32 s21, $0x1C;
	s0 =	sadd.s32 s2, s0  }
0x81b: {  	s5 =	simm.s32 @!p2 $0x0;
	s8 =	simm.s32 @!p1 $0x0;
	s0 =	sadd.s32 s10, s0  }
0x81c: {  	p1 =	seq.s32 s21, $0x1F;
	s2 =	rddreg [dreg:$0x12];
	s0 =	sadd.s32 s8, s0  }
0x81d: {  	s1 =	simm.s32 @!p1 $0x0;
	s0 =	sadd.s32 s5, s0;
	s5 =	rddreg [dreg:$0x17]  }
0x81e: {  	s0 =	sadd.s32 s1, s0;
	s1 =	rddreg [dreg:$0x13]  }
0x81f: {  	s2 =	smov.u32 @p0 s1;
	s0 =	ssub.s32 s30, s0;
	s1 =	rddreg [dreg:$0x16]  }
0x820: {  	p1 =	seq.s32 s31, $0x0;
	s5 =	smov.u32 @p0 s1;
	p2 =	sgt.s32 s0, $0x0  }
0x821: {  	s5 =	smov.u32 @p1 s2;
	s0 =	simm.s32 @!p2 $0x0  }
0x822: {  	p1 =	sgt.s32 s5, s0  }
.Ltmp47:
0x823: {  	_ = 	snop;
	(pc) =	sbr.rel @p1 .LBB2_71-.Ltmp47, $4  }
0x824: {  	s7 =	rddreg [dreg:$0x11]  }
0x825: {  	s4 =	rddreg [dreg:$0x14]  }
0x826: {  	s1 =	rddreg [dreg:$0x15]  }
0x827: {  	s11 =	simm.s32 $0x0;
	s6 =	stileid.u32;
	s4 =	smov.u32 @p0 s1  }
0x828: {  	s1 =	rddreg [dreg:$0x10]  }
0x829: {  	v9 =	vld [tilespmem:s1+$0x30]  }
0x82a: {  	v12 =	vld [tilespmem:s1+$0xFFFFFFD0]  }
0x82b: {  	v11 =	vld [tilespmem:s1+$0xFFFFFFE0]  }
0x82c: {  	v10 =	vld [tilespmem:s1+$0xFFFFFFF0]  }
0x82d: {  	v5 =	vmov s4;
	v8 =	vld [tilespmem:s1+$0x0]  }
0x82e: {  	v7 =	vld [tilespmem:s1+$0x10];
	vm0 =	vlt.s32 v9, v5  }
0x82f: {  	v6 =	vld [tilespmem:s1+$0x20];
	vm1 =	vlt.s32 v12, v5;
	v13 =	vsel vm0, $0x0, v9  }
0x830: {  	s2 =	simm.s32 $0x0;
	s3 =	sadd.s32 $0x80, s1;
	v9 =	vld [tilespmem:s1+$0xFFFFFFC0];
	v12 =	vsel vm1, $0x0, v12;
	vm0 =	vlt.s32 v11, v5;
	[tilespmem:s1+$0x30] =	vst v13  }
.LBB2_69:
0x831: {  	v13 =	vld [tilespmem:s3+$0x30];
	s2 =	sadd.s32 $0x8, s2;
	[tilespmem:s1+$0xFFFFFFD0] =	vst v12;
	v11 =	vsel vm0, $0x0, v11;
	vm0 =	vlt.s32 v10, v5  }
0x832: {  	v12 =	vld [tilespmem:s3+$0xFFFFFFD0];
	p0 =	slt.u32 s2, $0x3F8;
	[tilespmem:s1+$0xFFFFFFE0] =	vst v11;
	v10 =	vsel vm0, $0x0, v10;
	vm0 =	vlt.s32 v8, v5  }
0x833: {  	v11 =	vld [tilespmem:s3+$0xFFFFFFE0];
	[tilespmem:s1+$0xFFFFFFF0] =	vst v10;
	v8 =	vsel vm0, $0x0, v8;
	vm0 =	vlt.s32 v7, v5  }
.Ltmp48:
0x834: {  	v10 =	vld [tilespmem:s3+$0xFFFFFFF0];
	[tilespmem:s1+$0x0] =	vst v8;
	v7 =	vsel vm0, $0x0, v7;
	vm0 =	vlt.s32 v6, v5;
	(pc) =	sbr.rel @p0 .LBB2_69-.Ltmp48, $4  }
0x835: {  	v8 =	vld [tilespmem:s3+$0x0];
	vm1 =	vlt.s32 v9, v5;
	[tilespmem:s1+$0x10] =	vst v7;
	v6 =	vsel vm0, $0x0, v6  }
0x836: {  	v7 =	vld [tilespmem:s3+$0x10];
	vm0 =	vlt.s32 v13, v5;
	v9 =	vsel vm1, $0x0, v9;
	[tilespmem:s1+$0x20] =	vst v6  }
0x837: {  	vm1 =	vlt.s32 v12, v5;
	v6 =	vld [tilespmem:s3+$0x20];
	v13 =	vsel vm0, $0x0, v13;
	[tilespmem:s1+$0xFFFFFFC0] =	vst v9;
	s1 =	smov.u32 s3  }
0x838: {  	s3 =	sadd.s32 $0x80, s3;
	v9 =	vld [tilespmem:s1+$0xFFFFFFC0];
	v12 =	vsel vm1, $0x0, v12;
	vm0 =	vlt.s32 v11, v5;
	[tilespmem:s1+$0x30] =	vst v13  }
0x839: {  	[tilespmem:s1+$0xFFFFFFD0] =	vst v12;
	v11 =	vsel vm0, $0x0, v11;
	vm12 =	vlt.s32 v10, v5  }
0x83a: {  	[tilespmem:s1+$0xFFFFFFE0] =	vst v11;
	v10 =	vsel vm12, $0x0, v10;
	vm13 =	vlt.s32 v8, v5  }
0x83b: {  	[tilespmem:s1+$0xFFFFFFF0] =	vst v10;
	v8 =	vsel vm13, $0x0, v8;
	vm14 =	vlt.s32 v7, v5  }
0x83c: {  	[tilespmem:s1+$0x0] =	vst v8;
	v7 =	vsel vm14, $0x0, v7;
	vm15 =	vlt.s32 v6, v5  }
0x83d: {  	vm1 =	vlt.s32 v9, v5;
	[tilespmem:s1+$0x10] =	vst v7;
	v5 =	vsel vm15, $0x0, v6  }
0x83e: {  	v6 =	vsel vm1, $0x0, v9;
	[tilespmem:s1+$0x20] =	vst v5  }
0x83f: {  	[tilespmem:s1+$0xFFFFFFC0] =	vst v6  }
.LBB2_71:
0x840: {  	p0 =	slt.s32 s5, s0;
	s2 =	smov.u32 s0  }
0x841: {  	s2 =	smov.u32 @p0 s5;
	p0 =	slt.s32 s5, $0x1  }
0x842: {  	p1 =	sne.s32 @!p0 s2, $0x0  }
0x843: {  	p0 =	por p0, p1  }
.Ltmp49:
0x844: {  	_ = 	snop;
	(pc) =	sbr.rel @p0 .LBB2_89-.Ltmp49, $1  }
0x845: {  	_ =	sdelay $0x3  }
0x846: {  	s0 =	rddreg [dreg:$0x10]  }
0x847: {  	v9 =	vld [tilespmem:s0+$0x30]  }
0x848: {  	v12 =	vld [tilespmem:s0+$0xFFFFFFD0]  }
0x849: {  	v11 =	vld [tilespmem:s0+$0xFFFFFFE0]  }
0x84a: {  	v10 =	vld [tilespmem:s0+$0xFFFFFFF0]  }
0x84b: {  	v5 =	vmov s4;
	v8 =	vld [tilespmem:s0+$0x0]  }
0x84c: {  	v7 =	vld [tilespmem:s0+$0x10];
	vm0 =	vgt.s32 v9, v5  }
0x84d: {  	s1 =	simm.s32 $0x0;
	v6 =	vld [tilespmem:s0+$0x20];
	vm1 =	vgt.s32 v12, v5;
	v13 =	vnsel vm0, $0x0, v9  }
0x84e: {  	s23 =	simm.s32 $0x14000;
	s24 =	simm.s32 $0x2;
	s2 =	sadd.s32 $0x80, s0;
	v9 =	vld [tilespmem:s0+$0xFFFFFFC0];
	v12 =	vnsel vm1, $0x0, v12;
	vm0 =	vgt.s32 v11, v5;
	[tilespmem:s0+$0x30] =	vst v13  }
.LBB2_73:
0x84f: {  	v13 =	vld [tilespmem:s2+$0x30];
	s1 =	sadd.s32 $0x8, s1;
	[tilespmem:s0+$0xFFFFFFD0] =	vst v12;
	v11 =	vnsel vm0, $0x0, v11;
	vm0 =	vgt.s32 v10, v5  }
0x850: {  	v12 =	vld [tilespmem:s2+$0xFFFFFFD0];
	p0 =	slt.u32 s1, $0x3F8;
	[tilespmem:s0+$0xFFFFFFE0] =	vst v11;
	v10 =	vnsel vm0, $0x0, v10;
	vm0 =	vgt.s32 v8, v5  }
0x851: {  	v11 =	vld [tilespmem:s2+$0xFFFFFFE0];
	[tilespmem:s0+$0xFFFFFFF0] =	vst v10;
	v8 =	vnsel vm0, $0x0, v8;
	vm0 =	vgt.s32 v7, v5  }
.Ltmp50:
0x852: {  	v10 =	vld [tilespmem:s2+$0xFFFFFFF0];
	[tilespmem:s0+$0x0] =	vst v8;
	v7 =	vnsel vm0, $0x0, v7;
	vm0 =	vgt.s32 v6, v5;
	(pc) =	sbr.rel @p0 .LBB2_73-.Ltmp50, $4  }
0x853: {  	v8 =	vld [tilespmem:s2+$0x0];
	vm1 =	vgt.s32 v9, v5;
	[tilespmem:s0+$0x10] =	vst v7;
	v6 =	vnsel vm0, $0x0, v6  }
0x854: {  	v7 =	vld [tilespmem:s2+$0x10];
	vm0 =	vgt.s32 v13, v5;
	v9 =	vnsel vm1, $0x0, v9;
	[tilespmem:s0+$0x20] =	vst v6  }
0x855: {  	vm1 =	vgt.s32 v12, v5;
	v6 =	vld [tilespmem:s2+$0x20];
	v13 =	vnsel vm0, $0x0, v13;
	[tilespmem:s0+$0xFFFFFFC0] =	vst v9;
	s0 =	smov.u32 s2  }
0x856: {  	s2 =	sadd.s32 $0x80, s2;
	v9 =	vld [tilespmem:s0+$0xFFFFFFC0];
	v12 =	vnsel vm1, $0x0, v12;
	vm0 =	vgt.s32 v11, v5;
	[tilespmem:s0+$0x30] =	vst v13  }
0x857: {  	[tilespmem:s0+$0xFFFFFFD0] =	vst v12;
	v11 =	vnsel vm0, $0x0, v11;
	vm12 =	vgt.s32 v10, v5  }
0x858: {  	[tilespmem:s0+$0xFFFFFFE0] =	vst v11;
	v10 =	vnsel vm12, $0x0, v10;
	vm13 =	vgt.s32 v8, v5  }
.Ltmp51:
0x859: {  	[tilespmem:s0+$0xFFFFFFF0] =	vst v10;
	v8 =	vnsel vm13, $0x0, v8;
	vm14 =	vgt.s32 v7, v5;
	(pc) =	sbr.rel .LBB2_93-.Ltmp51, $4  }
0x85a: {  	[tilespmem:s0+$0x0] =	vst v8;
	v7 =	vnsel vm14, $0x0, v7;
	vm15 =	vgt.s32 v6, v5  }
0x85b: {  	vm1 =	vgt.s32 v9, v5;
	[tilespmem:s0+$0x10] =	vst v7;
	v5 =	vnsel vm15, $0x0, v6  }
0x85c: {  	v6 =	vnsel vm1, $0x0, v9;
	[tilespmem:s0+$0x20] =	vst v5  }
0x85d: {  	[tilespmem:s0+$0xFFFFFFC0] =	vst v6  }
.LBB2_89:
0x85e: {  	p0 =	sle.s32 s5, s0  }
0x85f: {  	p1 =	slt.s32 @!p0 s2, $0x1  }
0x860: {  	p0 =	por p0, p1  }
.Ltmp52:
0x861: {  	_ = 	snop;
	(pc) =	sbr.rel @p0 .LBB2_93-.Ltmp52, $2  }
0x862: {  	_ =	sdelay $0x2  }
0x863: {  	s23 =	simm.s32 $0x14000;
	s24 =	simm.s32 $0x2  }
0x864: {  	s0 =	simm.s32 $0x0  }
0x865: {  	s1 =	sand.u32 $0x3F80, s0  }
0x866: {  	s3 =	sand.u32 $0x70, s0;
	s1 =	sadd.s32 s1, s28  }
0x867: {  	s1 =	sadd.s32 s3, s1  }
0x868: {  	v7 =	vld [tilespmem:s1+$0x0];
	_ =	sdelay $0x3  }
0x869: {  	v5 =	vmov s4  }
0x86a: {  	vm0 =	veq.s32 v7, v5  }
0x86b: {  	v6 =	vsel vm0, $0x1, v1  }
0x86c: {  	(xrf0) =	vadd.scan.msk.s32 $0xffff, v6;
	_ =	sdelay $0x4  }
0x86d: {  	v6 =	vsel vm0, $0xFFFFFFFF, v1  }
0x86e: {  	v8 =	vadd.s32 s0, v6;
	v9, _, _ =	vpop (xrf0)  }
0x86f: {  	v6 =	vmov s2;
	v8 =	vadd.s32 v9, v8;
	(v2sf) =	vpush v9, $0xF  }
0x870: {  	vm1 =	vlt.s32 v8, v6  }
0x871: {  	vm2 =	vgt.s32 v7, v5;
	s2 =	simm.s32 $0x10;
	vm0 =	vmand vm0, vm1  }
0x872: {  	s3 =	simm.s32 $0x20;
	s4 =	sand.u32 $0x3F80, s2;
	vm0 =	vmor vm2, vm0  }
.LBB2_91:
0x873: {  	p0 =	sne.s32 s3, $0x3FF0;
	s2 =	sand.u32 $0x70, s2;
	s4 =	sadd.s32 s4, s28;
	v7 =	vnsel vm0, $0x0, v7  }
0x874: {  	[tilespmem:s1+$0x0] =	vst v7;
	s1 =	sadd.s32 s2, s4;
	s2 =	smov.u32 s3  }
0x875: {  	v7 =	vld [tilespmem:s1+$0x0];
	_ =	sdelay $0x4  }
0x876: {  	vm0 =	veq.s32 v7, v5;
	vm1 =	vgt.s32 v7, v5  }
0x877: {  	v8 =	vsel vm0, $0xFFFFFFFF, v1;
	v9 =	vsel vm0, $0x1, v1  }
0x878: {  	(xrf0) =	vadd.scan.msk.s32 $0xffff, v9;
	_ =	sdelay $0x1  }
0x879: {  	s4 =	spop (v2sf)  }
0x87a: {  	s0 =	sadd.s32 s0, s4  }
0x87b: {  	v8 =	vadd.s32 s0, v8;
	_ =	sdelay $0x1  }
.Ltmp53:
0x87c: {  	v9, _, _ =	vpop (xrf0);
	(pc) =	sbr.rel @p0 .LBB2_91-.Ltmp53, $4  }
0x87d: {  	v8 =	vadd.s32 v9, v8;
	(v2sf) =	vpush v9, $0xF  }
0x87e: {  	vm2 =	vlt.s32 v8, v6  }
0x87f: {  	vm0 =	vmand vm0, vm2  }
0x880: {  	s3 =	sadd.s32 $0x10, s3;
	s4 =	sand.u32 $0x3F80, s2;
	vm0 =	vmor vm1, vm0  }
0x881: {  	s2 =	sand.u32 $0x70, s2;
	s3 =	sadd.s32 s4, s28;
	v7 =	vnsel vm0, $0x0, v7  }
0x882: {  	s2 =	sadd.s32 s2, s3;
	[tilespmem:s1+$0x0] =	vst v7  }
0x883: {  	v7 =	vld [tilespmem:s2+$0x0];
	_ =	sdelay $0x4  }
0x884: {  	vm15 =	veq.s32 v7, v5  }
0x885: {  	v8 =	vsel vm15, $0x1, v1  }
0x886: {  	(xrf0) =	vadd.scan.msk.s32 $0xffff, v8;
	_ =	sdelay $0x5  }
0x887: {  	v8, _, _ =	vpop (xrf0)  }
0x888: {  	(v2sf) =	vpush v8, $0xF;
	_ =	sdelay $0x6  }
0x889: {  	s30 =	spop (v2sf)  }
0x88a: {  	v9 =	vsel vm15, $0xFFFFFFFF, v1;
	s0 =	sadd.s32 s0, s30  }
0x88b: {  	v9 =	vadd.s32 s0, v9  }
0x88c: {  	v8 =	vadd.s32 v8, v9  }
.Ltmp54:
0x88d: {  	vm1 =	vlt.s32 v8, v6;
	(pc) =	sbr.rel .LBB2_93-.Ltmp54, $4  }
0x88e: {  	vm2 =	vgt.s32 v7, v5;
	vm0 =	vmand vm15, vm1  }
0x88f: {  	vm0 =	vmor vm2, vm0  }
0x890: {  	v5 =	vnsel vm0, $0x0, v7  }
0x891: {  	[tilespmem:s2+$0x0] =	vst v5;
	s31 =	spop (v2sf)  }
.LBB2_10:
.Ltmp55:
0x892: {  	(pc) =	sbr.rel .LBB2_15-.Ltmp55, $2  }
0x893: {  	_ =	sdelay $0x2  }
0x894: {  	s8 =	simm.s32 $0xFFFFFFFF;
	s4 =	simm.s32 $0x0;
	s2 =	simm.s32 $0x0  }
.LBB2_36:
.Ltmp56:
0x895: {  	(pc) =	sbr.rel .LBB2_41-.Ltmp56, $2  }
0x896: {  	_ =	sdelay $0x2  }
0x897: {  	s9 =	simm.s32 $0xFFFFFFFF;
	s5 =	simm.s32 $0x0;
	s0 =	simm.s32 $0x0  }
.LBB2_58:
.Ltmp57:
0x898: {  	(pc) =	sbr.rel .LBB2_63-.Ltmp57, $2  }
0x899: {  	_ =	sdelay $0x2  }
0x89a: {  	s9 =	simm.s32 $0xFFFFFFFF;
	s5 =	simm.s32 $0x0;
	s1 =	simm.s32 $0x0  }
.LBB2_12:
.Ltmp58:
0x89b: {  	(pc) =	sbr.rel .LBB2_15-.Ltmp58, $3  }
0x89c: {  	_ =	sdelay $0x1  }
0x89d: {  	s9 =	simm.s32 $0x3F;
	s8 =	simm.s32 $0xFFFFFFFF  }
0x89e: {  	s3 =	simm.s32 $0x0;
	s4 =	simm.s32 $0x0;
	s1 =	simm.s32 $0x3E  }
.LBB2_38:
.Ltmp59:
0x89f: {  	(pc) =	sbr.rel .LBB2_41-.Ltmp59, $3  }
0x8a0: {  	_ =	sdelay $0x1  }
0x8a1: {  	s10 =	simm.s32 $0x3F;
	s9 =	simm.s32 $0xFFFFFFFF  }
0x8a2: {  	s4 =	simm.s32 $0x0;
	s5 =	simm.s32 $0x0;
	s2 =	simm.s32 $0x3E  }
.LBB2_60:
.Ltmp60:
0x8a3: {  	(pc) =	sbr.rel .LBB2_63-.Ltmp60, $3  }
0x8a4: {  	_ =	sdelay $0x1  }
0x8a5: {  	s10 =	simm.s32 $0x3F;
	s9 =	simm.s32 $0xFFFFFFFF  }
0x8a6: {  	s4 =	simm.s32 $0x0;
	s5 =	simm.s32 $0x0;
	s2 =	simm.s32 $0x3E  }
.LBB2_21:
.Ltmp61:
0x8a7: {  	(pc) =	sbr.rel .LBB2_24-.Ltmp61, $2  }
0x8a8: {  	_ =	sdelay $0x2  }
0x8a9: {  	_ = 	snop  }
.LBB2_27:
.Ltmp62:
0x8aa: {  	(pc) =	sbr.rel .LBB2_30-.Ltmp62, $2  }
0x8ab: {  	_ =	sdelay $0x2  }
0x8ac: {  	_ = 	snop  }
.LBB2_43:
.Ltmp63:
0x8ad: {  	(pc) =	sbr.rel .LBB2_46-.Ltmp63, $2  }
0x8ae: {  	_ =	sdelay $0x2  }
0x8af: {  	_ = 	snop  }
.LBB2_49:
.Ltmp64:
0x8b0: {  	(pc) =	sbr.rel .LBB2_52-.Ltmp64, $2  }
0x8b1: {  	_ =	sdelay $0x2  }
0x8b2: {  	_ = 	snop  }
.LBB2_76:
.Ltmp65:
0x8b3: {  	(pc) =	sbr.rel .LBB2_81-.Ltmp65, $2  }
0x8b4: {  	_ =	sdelay $0x2  }
0x8b5: {  	_ = 	snop  }
.LBB2_83:
.Ltmp66:
0x8b6: {  	(pc) =	sbr.rel .LBB2_88-.Ltmp66, $2  }
0x8b7: {  	_ =	sdelay $0x2  }
0x8b8: {  	_ = 	snop  }
.LBB2_78:
.Ltmp67:
0x8b9: {  	(pc) =	sbr.rel .LBB2_81-.Ltmp67, $2  }
0x8ba: {  	_ =	sdelay $0x2  }
0x8bb: {  	v14 =	vmov v9;
	v9 =	vmov v10  }
.LBB2_85:
.Ltmp68:
0x8bc: {  	(pc) =	sbr.rel .LBB2_88-.Ltmp68, $2  }
0x8bd: {  	_ =	sdelay $0x2  }
0x8be: {  	v16 =	vmov v11;
	v11 =	vmov v12  }
.LBB2_94:
0x8bf: {  	_ =	sfence.sel $0x180000  }
0x8c0: {  	[bflag:$0x0] =	sbarrier.arrive $0xFFFF  }
0x8c1: {  	_ =	strace $0x90000047  }
0x8c2: {  	[bflag:$0x2] =	sbarrier.arrive $0xFFFF  }
0x8c3: {  	p0 =	sne.s32 s6, $0x0;
	s0 =	rddreg [dreg:$0x6]  }
0x8c4: {  	s0 =	sadd.s32 @!p0 $0x100000, s0  }
0x8c5: {  	[sflag:s0] =	ssyncadd.tile.s32 @!p0 $0x1;
	_ =	shalt  }
.Lfunc_end2:
_tile_overlayer_lowered:
.L_overlay_start_2:
0x8c6: {  	(tag) =	ssettag $0x2  }
0x8c7: {  	s0 =	rddreg [dreg:$0x0];
	s2 =	stileid.u32  }
0x8c8: {  	s1 =	rddreg [dreg:$0x1];
	p0 =	sne.s32 s2, $0x0  }
0x8c9: {  	s3 =	rddreg [dreg:$0x2];
	[bflag:$0x3] =	sbarrier.arrive $0xFFFF;
	s2 =	simm.s32 @!p0 $0x1C02  }
0x8ca: {  	[timem:s3], [sflag:s2] =	dma.local @!p0 [hbm:s0], s1  }
0x8cb: {  	s0 =	simm.s32 @!p0 $0x2  }
0x8cc: {  	_ =	swait.ge @!p0 [sflag:s0], s1  }
0x8cd: {  	s1 =	ssub.s32 @!p0 $0x0, s1;
	[sflag:s0] =	ssyncset.done @!p0 $0x0  }
0x8ce: {  	[sflag:s0] =	ssyncadd.s32 @!p0 s1  }
0x8cf: {  	[bflag:$0x3] =	sbarrier.arrive $0xFFFF  }
0x8d0: {  	_ =	shalt  }

</sc_bundles>
